<compile_context>
chip_gen: v7x
topology: tpu7x:2x2x1
jax: 0.10.2.dev20260603
libtpu: 0.0.44.dev20260713+nightly
codegen_flags: <defaults>
</compile_context>

<pallas_src>
import functools

import numpy as np
import jax
import jax.numpy as jnp
from jax import lax
from jax.experimental import pallas as pl
from jax.experimental.pallas import tpu as pltpu
from jax.experimental.pallas import tpu_sc as plsc

EMB = 16
CHUNK = 250
G = 8
NTILES = 32
NSUB = 16
BN = 1024


def _pads(n_nodes, n_edges):
    npad = ((n_nodes + 1 + BN - 1) // BN) * BN
    kpt = ((-(-n_edges // (NTILES * CHUNK)) + G - 1) // G) * G
    return npad, kpt


def _sc_mesh():
    return plsc.VectorSubcoreMesh(core_axis_name="c", subcore_axis_name="s",
                                  num_cores=2, num_subcores=NSUB)


def _sc_edge_pass(ea_pad, dst_rows, zeros_hbm, npad, kpt):
    rps = npad // NSUB

    @functools.partial(
        pl.kernel,
        out_type=(
            jax.ShapeDtypeStruct((2, npad, EMB), jnp.float32),
            jax.ShapeDtypeStruct((2, npad, EMB), jnp.float32),
        ),
        mesh=_sc_mesh(),
        compiler_params=pltpu.CompilerParams(use_tc_tiling_on_sc=False),
        scratch_types=[
            pltpu.VMEM((kpt, CHUNK), jnp.int32),
            pltpu.VMEM((G, CHUNK, EMB), jnp.float32),
            pltpu.VMEM((CHUNK, EMB), jnp.float32),
            pltpu.VMEM_SHARED((npad, EMB), jnp.float32),
            pltpu.VMEM_SHARED((npad, EMB), jnp.float32),
            pltpu.SemaphoreType.DMA((G,)),
            pltpu.SemaphoreType.DMA,
        ],
    )
    def k(ea_hbm, dsti_hbm, zo_hbm, out_ea, out_deg,
          dst_v, rows_v, ones_v, acc_sh, deg_sh, gsem, lsem):
        c = lax.axis_index("c")
        s = lax.axis_index("s")
        w = c * np.int32(NSUB) + s

        def _ob(i, carry):
            ones_v[i, :] = jnp.ones((EMB,), jnp.float32)
            return carry
        lax.fori_loop(np.int32(0), np.int32(CHUNK), _ob, np.int32(0))

        base = s * np.int32(rps)
        pltpu.sync_copy(zo_hbm, acc_sh.at[pl.ds(base, rps)])
        pltpu.sync_copy(zo_hbm, deg_sh.at[pl.ds(base, rps)])
        pltpu.async_copy(dsti_hbm.at[pl.ds(w * np.int32(kpt), kpt)], dst_v,
                         lsem).wait()
        plsc.subcore_barrier()

        ebase = w * np.int32(kpt * CHUNK)

        def _gb(g, carry):
            cb = g * np.int32(G)
            handles = []
            for i in range(G):
                handles.append(pltpu.async_copy(
                    ea_hbm.at[pl.ds(ebase + (cb + np.int32(i))
                                    * np.int32(CHUNK), CHUNK)],
                    rows_v.at[i], gsem.at[i]))
            for i in range(G):
                handles[i].wait()
                pltpu.sync_copy(rows_v.at[i],
                                acc_sh.at[dst_v.at[cb + np.int32(i)]],
                                add=True)
                pltpu.sync_copy(ones_v,
                                deg_sh.at[dst_v.at[cb + np.int32(i)]],
                                add=True)
            return carry
        lax.fori_loop(np.int32(0), np.int32(kpt // G), _gb, np.int32(0))

        plsc.subcore_barrier()
        pltpu.sync_copy(acc_sh.at[pl.ds(base, rps)],
                        out_ea.at[c].at[pl.ds(base, rps)])
        pltpu.sync_copy(deg_sh.at[pl.ds(base, rps)],
                        out_deg.at[c].at[pl.ds(base, rps)])

    with jax.enable_x64(False):
        return k(ea_pad, dst_rows, zeros_hbm)


def _sc_spmm(m_pad, src_rows, dst_rows, zeros_hbm, npad, kpt):
    rps = npad // NSUB

    @functools.partial(
        pl.kernel,
        out_type=jax.ShapeDtypeStruct((2, npad, EMB), jnp.float32),
        mesh=_sc_mesh(),
        compiler_params=pltpu.CompilerParams(use_tc_tiling_on_sc=False),
        scratch_types=[
            pltpu.VMEM((kpt, CHUNK), jnp.int32),
            pltpu.VMEM((kpt, CHUNK), jnp.int32),
            pltpu.VMEM((G, CHUNK, EMB), jnp.float32),
            pltpu.VMEM_SHARED((npad, EMB), jnp.float32),
            pltpu.SemaphoreType.DMA((G,)),
            pltpu.SemaphoreType.DMA,
        ],
    )
    def k(m_hbm, srci_hbm, dsti_hbm, zo_hbm, out,
          src_v, dst_v, rows_v, acc_sh, gsem, lsem):
        c = lax.axis_index("c")
        s = lax.axis_index("s")
        w = c * np.int32(NSUB) + s

        base = s * np.int32(rps)
        pltpu.sync_copy(zo_hbm, acc_sh.at[pl.ds(base, rps)])
        pltpu.async_copy(srci_hbm.at[pl.ds(w * np.int32(kpt), kpt)], src_v,
                         lsem).wait()
        pltpu.async_copy(dsti_hbm.at[pl.ds(w * np.int32(kpt), kpt)], dst_v,
                         lsem).wait()
        plsc.subcore_barrier()

        def _gb(g, carry):
            cb = g * np.int32(G)
            handles = []
            for i in range(G):
                handles.append(pltpu.async_copy(
                    m_hbm.at[src_v.at[cb + np.int32(i)]], rows_v.at[i],
                    gsem.at[i]))
            for i in range(G):
                handles[i].wait()
                pltpu.sync_copy(rows_v.at[i],
                                acc_sh.at[dst_v.at[cb + np.int32(i)]],
                                add=True)
            return carry
        lax.fori_loop(np.int32(0), np.int32(kpt // G), _gb, np.int32(0))

        plsc.subcore_barrier()
        pltpu.sync_copy(acc_sh.at[pl.ds(base, rps)],
                        out.at[c].at[pl.ds(base, rps)])

    with jax.enable_x64(False):
        return k(m_pad, src_rows, dst_rows, zeros_hbm)


def _recur(mu, w1_ref, b1_ref, w2_ref, b2_ref):
    m = jax.nn.relu(jnp.dot(mu, w1_ref[...],
                            preferred_element_type=jnp.float32) + b1_ref[...])
    return jax.nn.relu(jnp.dot(m, w2_ref[...],
                               preferred_element_type=jnp.float32) + b2_ref[...])


def _tc_combine0(acc_ea, acc_deg, xp, mean, std, W_node, b_node,
                 W_edge, b_edge, W_r1, b_r1, W_r2, b_r2, npad):
    df = xp.shape[1]

    def body(ea_ref, dg_ref, x_ref, mn_ref, sd_ref, wn_ref, bn_ref,
             we_ref, be_ref, w1_ref, b1_ref, w2_ref, b2_ref,
             hn_ref, agg_ref, m_ref):
        xb = (x_ref[...] - mn_ref[...]) / sd_ref[...]
        h_node = jnp.dot(xb, wn_ref[...],
                         preferred_element_type=jnp.float32) + bn_ref[...]
        ea = ea_ref[0] + ea_ref[1]
        deg = (dg_ref[0] + dg_ref[1])[:, 0:1]
        agg_e = jnp.dot(ea, we_ref[...],
                        preferred_element_type=jnp.float32) + deg * be_ref[...]
        m0 = _recur(jnp.zeros((1, EMB), jnp.float32), w1_ref, b1_ref,
                    w2_ref, b2_ref)
        mu1 = jax.nn.relu(h_node + agg_e + deg * m0)
        hn_ref[...] = h_node
        agg_ref[...] = agg_e
        m_ref[...] = _recur(mu1, w1_ref, b1_ref, w2_ref, b2_ref)

    w16 = pl.BlockSpec((EMB, EMB), lambda i: (0, 0))
    b16 = pl.BlockSpec((1, EMB), lambda i: (0, 0))
    return pl.pallas_call(
        body,
        grid=(npad // BN,),
        in_specs=[
            pl.BlockSpec((2, BN, EMB), lambda i: (0, i, 0)),
            pl.BlockSpec((2, BN, EMB), lambda i: (0, i, 0)),
            pl.BlockSpec((BN, df), lambda i: (i, 0)),
            pl.BlockSpec((1, df), lambda i: (0, 0)),
            pl.BlockSpec((1, df), lambda i: (0, 0)),
            pl.BlockSpec((df, EMB), lambda i: (0, 0)),
            b16, w16, b16, w16, b16, w16, b16,
        ],
        out_specs=[pl.BlockSpec((BN, EMB), lambda i: (i, 0))] * 3,
        out_shape=[jax.ShapeDtypeStruct((npad, EMB), jnp.float32)] * 3,
    )(acc_ea, acc_deg, xp, mean.reshape(1, df), std.reshape(1, df),
      W_node, b_node.reshape(1, EMB), W_edge, b_edge.reshape(1, EMB),
      W_r1, b_r1.reshape(1, EMB), W_r2, b_r2.reshape(1, EMB))


def _tc_step(p, h_node, agg_e, W_r1, b_r1, W_r2, b_r2, npad):

    def body(p_ref, hn_ref, ag_ref, w1_ref, b1_ref, w2_ref, b2_ref, m_ref):
        mu = jax.nn.relu(hn_ref[...] + p_ref[0] + p_ref[1] + ag_ref[...])
        m_ref[...] = _recur(mu, w1_ref, b1_ref, w2_ref, b2_ref)

    w16 = pl.BlockSpec((EMB, EMB), lambda i: (0, 0))
    b16 = pl.BlockSpec((1, EMB), lambda i: (0, 0))
    return pl.pallas_call(
        body,
        grid=(npad // BN,),
        in_specs=[
            pl.BlockSpec((2, BN, EMB), lambda i: (0, i, 0)),
            pl.BlockSpec((BN, EMB), lambda i: (i, 0)),
            pl.BlockSpec((BN, EMB), lambda i: (i, 0)),
            w16, b16, w16, b16,
        ],
        out_specs=pl.BlockSpec((BN, EMB), lambda i: (i, 0)),
        out_shape=jax.ShapeDtypeStruct((npad, EMB), jnp.float32),
    )(p, h_node, agg_e, W_r1, b_r1.reshape(1, EMB), W_r2,
      b_r2.reshape(1, EMB))


def _tc_classify(p, h_node, agg_e, W_c1, b_c1, W_c2, b_c2, Wl, bl, npad):
    nc = Wl.shape[1]

    def body(p_ref, hn_ref, ag_ref, w1_ref, b1_ref, w2_ref, b2_ref,
             wl_ref, bl_ref, o_ref):
        mu = jax.nn.relu(hn_ref[...] + p_ref[0] + p_ref[1] + ag_ref[...])
        h = jax.nn.relu(jnp.dot(mu, w1_ref[...],
                                preferred_element_type=jnp.float32)
                        + b1_ref[...])
        h = jax.nn.relu(jnp.dot(h, w2_ref[...],
                                preferred_element_type=jnp.float32)
                        + b2_ref[...])
        lg = jnp.dot(h, wl_ref[...],
                     preferred_element_type=jnp.float32) + bl_ref[...]
        lg = lg - jnp.max(lg, axis=-1, keepdims=True)
        o_ref[...] = lg - jnp.log(jnp.sum(jnp.exp(lg), axis=-1,
                                          keepdims=True))

    w16 = pl.BlockSpec((EMB, EMB), lambda i: (0, 0))
    b16 = pl.BlockSpec((1, EMB), lambda i: (0, 0))
    return pl.pallas_call(
        body,
        grid=(npad // BN,),
        in_specs=[
            pl.BlockSpec((2, BN, EMB), lambda i: (0, i, 0)),
            pl.BlockSpec((BN, EMB), lambda i: (i, 0)),
            pl.BlockSpec((BN, EMB), lambda i: (i, 0)),
            w16, b16, w16, b16,
            pl.BlockSpec((EMB, nc), lambda i: (0, 0)),
            pl.BlockSpec((1, nc), lambda i: (0, 0)),
        ],
        out_specs=pl.BlockSpec((BN, nc), lambda i: (i, 0)),
        out_shape=jax.ShapeDtypeStruct((npad, nc), jnp.float32),
    )(p, h_node, agg_e, W_c1, b_c1.reshape(1, EMB), W_c2,
      b_c2.reshape(1, EMB), Wl, bl.reshape(1, nc))


def kernel(x, edge_index, edge_attr, mean, std,
           W_node, b_node, W_edge, b_edge,
           W_r1, b_r1, W_r2, b_r2,
           W_c1, b_c1, W_c2, b_c2,
           W_log, b_log):
    with jax.enable_x64(False):
        n, df = x.shape
        e = edge_attr.shape[0]
        npad, kpt = _pads(n, e)
        epad = NTILES * kpt * CHUNK

        f32 = jnp.float32
        src = edge_index[0].astype(jnp.int32)
        dst = edge_index[1].astype(jnp.int32)
        pad_e = epad - e
        if pad_e:
            src = jnp.concatenate([src, jnp.zeros((pad_e,), jnp.int32)])
            dst = jnp.concatenate([dst, jnp.full((pad_e,), npad - 1,
                                                 jnp.int32)])
        src_rows = src.reshape(NTILES * kpt, CHUNK)
        dst_rows = dst.reshape(NTILES * kpt, CHUNK)
        ea_pad = edge_attr if edge_attr.dtype == f32 else edge_attr.astype(f32)
        if pad_e:
            ea_pad = jnp.concatenate([ea_pad, jnp.zeros((pad_e, EMB), f32)])
        zeros_hbm = jnp.zeros((npad // NSUB, EMB), f32)
        xp = jnp.pad(x.astype(f32), ((0, npad - n), (0, 0)))

        acc_ea, acc_deg = _sc_edge_pass(ea_pad, dst_rows, zeros_hbm,
                                        npad, kpt)
        h_node, agg_e, m = _tc_combine0(
            acc_ea, acc_deg, xp, mean.astype(f32), std.astype(f32),
            W_node.astype(f32), b_node.astype(f32), W_edge.astype(f32),
            b_edge.astype(f32), W_r1.astype(f32), b_r1.astype(f32),
            W_r2.astype(f32), b_r2.astype(f32), npad)
        for _ in range(2):
            p = _sc_spmm(m, src_rows, dst_rows, zeros_hbm, npad, kpt)
            m = _tc_step(p, h_node, agg_e, W_r1.astype(f32),
                         b_r1.astype(f32),
                         W_r2.astype(f32), b_r2.astype(f32), npad)
        p = _sc_spmm(m, src_rows, dst_rows, zeros_hbm, npad, kpt)
        out32 = _tc_classify(p, h_node, agg_e, W_c1.astype(f32),
                             b_c1.astype(f32), W_c2.astype(f32),
                             b_c2.astype(f32), W_log.astype(f32),
                             b_log.astype(f32), npad)
    return out32[:n].astype(jnp.float64)

# --- scband reference (transcript-rebuilt; emitter-appended) ---
"""Pipeline reference for scband-model-51402168598651 (READ-ONLY COPY).

The authoritative reference and input builder live on the scoring server;
editing this copy changes nothing except your own understanding.
"""

import jax, jax.numpy as jnp
import numpy as np
jax.config.update('jax_enable_x64', True)

N = 10000
E = 320000
DF = 128
DE = 16
EMB = 16
CLS = 16
NC = 40
STEPS = 4


def setup_inputs(seed: int = 0) -> dict:
    key = jax.random.key(seed)
    ks = jax.random.split(key, 20)
    s = 0.1
    x = jax.random.normal(ks[0], (N, DF), dtype=jnp.float32)
    edge_index = jax.random.randint(ks[1], (2, E), 0, N, dtype=jnp.int64)
    edge_attr = jax.random.normal(ks[2], (E, DE), dtype=jnp.float32)
    mean = jnp.zeros((DF,), dtype=jnp.float32)
    std = jnp.ones((DF,), dtype=jnp.float32)
    W_node = jax.random.normal(ks[3], (DF, EMB), dtype=jnp.float32) * s
    b_node = jnp.zeros((EMB,), dtype=jnp.float32)
    W_edge = jax.random.normal(ks[4], (DE, EMB), dtype=jnp.float32) * s
    b_edge = jnp.zeros((EMB,), dtype=jnp.float32)
    W_r1 = jax.random.normal(ks[5], (EMB, EMB), dtype=jnp.float32) * s
    b_r1 = jnp.zeros((EMB,), dtype=jnp.float32)
    W_r2 = jax.random.normal(ks[6], (EMB, EMB), dtype=jnp.float32) * s
    b_r2 = jnp.zeros((EMB,), dtype=jnp.float32)
    W_c1 = jax.random.normal(ks[7], (EMB, CLS), dtype=jnp.float32) * s
    b_c1 = jnp.zeros((CLS,), dtype=jnp.float32)
    W_c2 = jax.random.normal(ks[8], (CLS, CLS), dtype=jnp.float32) * s
    b_c2 = jnp.zeros((CLS,), dtype=jnp.float32)
    W_log = (jax.random.normal(ks[9], (CLS, NC), dtype=jnp.float32) * s).astype(jnp.float64)
    b_log = jnp.zeros((NC,), dtype=jnp.float64)
    return {
        'x': x, 'edge_index': edge_index, 'edge_attr': edge_attr,
        'mean': mean, 'std': std,
        'W_node': W_node, 'b_node': b_node, 'W_edge': W_edge, 'b_edge': b_edge,
        'W_r1': W_r1, 'b_r1': b_r1, 'W_r2': W_r2, 'b_r2': b_r2,
        'W_c1': W_c1, 'b_c1': b_c1, 'W_c2': W_c2, 'b_c2': b_c2,
        'W_log': W_log, 'b_log': b_log,
    }


def reference(x, edge_index, edge_attr, mean, std,
              W_node, b_node, W_edge, b_edge,
              W_r1, b_r1, W_r2, b_r2,
              W_c1, b_c1, W_c2, b_c2,
              W_log, b_log):
    n_nodes = x.shape[0]
    # buffer normalization (in-place in torch)
    xn = (x - mean) / std
    src = edge_index[0]
    dst = edge_index[1]
    # MeanFieldInference (structure2vec-style) embedding
    h_node = xn @ W_node + b_node            # [N, EMB]
    h_edge = edge_attr @ W_edge + b_edge     # [E, EMB]
    mu = jnp.zeros((n_nodes, W_node.shape[1]), dtype=jnp.float32)
    for _ in range(STEPS):
        # recursive dnn applied to current embeddings
        m = jax.nn.relu(mu @ W_r1 + b_r1)
        m = jax.nn.relu(m @ W_r2 + b_r2)
        msg = m[src] + h_edge                # gather at source nodes
        agg = jax.ops.segment_sum(msg, dst, num_segments=n_nodes)  # scatter-add to dst
        mu = jax.nn.relu(h_node + agg)
    # classifier dnn
    h = jax.nn.relu(mu @ W_c1 + b_c1)
    h = jax.nn.relu(h @ W_c2 + b_c2)
    h = h.astype(jnp.float64)
    logits = h @ W_log + b_log
    return jax.nn.log_softmax(logits, axis=-1)

if __name__ == "__main__":
    import jax
    _d = setup_inputs()
    print(jax.jit(kernel)(*tuple(_d.values())))

</pallas_src>

<mosaic_0001>
#map = affine_map<(d0, d1) -> (0, 0)>
#map1 = affine_map<(d0, d1) -> (0, 0, 0)>
module attributes {stable_mosaic.version = 14 : i64} {
  func.func @k(%arg0: i32, %arg1: i32, %arg2: memref<320000x16xf32, #tpu.memory_space<hbm>>, %arg3: memref<1280x250xi32, #tpu.memory_space<hbm>>, %arg4: memref<640x16xf32, #tpu.memory_space<hbm>>, %arg5: memref<2x10240x16xf32, #tpu.memory_space<hbm>>, %arg6: memref<2x10240x16xf32, #tpu.memory_space<hbm>>, %arg7: memref<40x250xi32, #tpu.memory_space<vmem>>, %arg8: memref<8x250x16xf32, #tpu.memory_space<vmem>>, %arg9: memref<250x16xf32, #tpu.memory_space<vmem>>, %arg10: memref<10240x16xf32, #tpu.memory_space<vmem_shared>>, %arg11: memref<10240x16xf32, #tpu.memory_space<vmem_shared>>, %arg12: memref<8x!tpu.dma_semaphore, #tpu.memory_space<semaphore_mem>>, %arg13: memref<!tpu.dma_semaphore, #tpu.memory_space<semaphore_mem>>) attributes {dimension_semantics = [#tpu.dimension_semantics<core_parallel>, #tpu.dimension_semantics<subcore_parallel>], iteration_bounds = array<i64: 2, 16>, scalar_prefetch = 0 : i64, scratch_operands = 7 : i64, tpu.core_type = #tpu.core_type<sc_vector_subcore>, window_params = [{transform_indices = #map}, {transform_indices = #map}, {transform_indices = #map}, {transform_indices = #map1}, {transform_indices = #map1}]} {
    %mul3A = arith.constant 16 : i32
    %mul3A_0 = arith.muli %arg0, %mul3A : i32
    %add3A = arith.addi %mul3A_0, %arg1 : i32
    %scan3A = arith.constant 0 : i32
    %scan3A_1 = arith.constant 0 : i32
    %scan3A_2 = arith.constant 250 : i32
    %scan3A_3 = arith.addi %scan3A_1, %scan3A_2 : i32
    %scan3A_4 = arith.constant 1 : i32
    scf.for %scan3A_25 = %scan3A_1 to %scan3A_3 step %scan3A_4  : i32 {
      %broadcast_in_dim3A = arith.constant 1.000000e+00 : f32
      %broadcast_in_dim3A_26 = vector.broadcast %broadcast_in_dim3A : f32 to vector<16xf32>
      %swap3A = arith.index_cast %scan3A_25 : i32 to index
      %swap3A_27 = arith.constant 0 : index
      %swap3A_28 = tpu.vector_load %arg9[%swap3A, %swap3A_27] {strides = array<i32>} : memref<250x16xf32, #tpu.memory_space<vmem>>, vector<1x16xf32>,
      %swap3A_29 = vector.shape_cast %swap3A_28 : vector<1x16xf32> to vector<16xf32>
      %swap3A_30 = vector.shape_cast %broadcast_in_dim3A_26 : vector<16xf32> to vector<1x16xf32>
      tpu.vector_store %arg9[%swap3A, %swap3A_27], %swap3A_30 {strides = array<i32>} : memref<250x16xf32, #tpu.memory_space<vmem>>, vector<1x16xf32>,
    }
    %scan3A_5 = arith.constant 250 : i32
    %mul3A_6 = arith.constant 640 : i32
    %mul3A_7 = arith.muli %arg1, %mul3A_6 : i32
    "tpu.region"() ({
      %run_scoped3A = tpu.sem_alloc : memref<!tpu.dma_semaphore, #tpu.memory_space<semaphore_mem>>
      %dma_start3A_25 = arith.constant 0 : i32
      %dma_start3A_26 = tpu.memref_slice %arg10[%mul3A_7, %dma_start3A_25] : memref<10240x16xf32, #tpu.memory_space<vmem_shared>> -> memref<640x16xf32, #tpu.memory_space<vmem_shared>>
      tpu.enqueue_dma source(%arg4 : memref<640x16xf32, #tpu.memory_space<hbm>>) target(%dma_start3A_26 : memref<640x16xf32, #tpu.memory_space<vmem_shared>>) target_semaphore(%run_scoped3A : memref<!tpu.dma_semaphore, #tpu.memory_space<semaphore_mem>>)
      %dma_wait3A_27 = arith.constant 0 : i32
      %dma_wait3A_28 = tpu.memref_slice %arg10[%mul3A_7, %dma_wait3A_27] : memref<10240x16xf32, #tpu.memory_space<vmem_shared>> -> memref<640x16xf32, #tpu.memory_space<vmem_shared>>
      tpu.wait_dma2 semaphore(%run_scoped3A : memref<!tpu.dma_semaphore, #tpu.memory_space<semaphore_mem>>) src(%arg4 : memref<640x16xf32, #tpu.memory_space<hbm>>) dst(%dma_wait3A_28 : memref<640x16xf32, #tpu.memory_space<vmem_shared>>)
      tpu.yield
    }) : () -> ()
    "tpu.region"() ({
      %run_scoped3A = tpu.sem_alloc : memref<!tpu.dma_semaphore, #tpu.memory_space<semaphore_mem>>
      %dma_start3A_25 = arith.constant 0 : i32
      %dma_start3A_26 = tpu.memref_slice %arg11[%mul3A_7, %dma_start3A_25] : memref<10240x16xf32, #tpu.memory_space<vmem_shared>> -> memref<640x16xf32, #tpu.memory_space<vmem_shared>>
      tpu.enqueue_dma source(%arg4 : memref<640x16xf32, #tpu.memory_space<hbm>>) target(%dma_start3A_26 : memref<640x16xf32, #tpu.memory_space<vmem_shared>>) target_semaphore(%run_scoped3A : memref<!tpu.dma_semaphore, #tpu.memory_space<semaphore_mem>>)
      %dma_wait3A_27 = arith.constant 0 : i32
      %dma_wait3A_28 = tpu.memref_slice %arg11[%mul3A_7, %dma_wait3A_27] : memref<10240x16xf32, #tpu.memory_space<vmem_shared>> -> memref<640x16xf32, #tpu.memory_space<vmem_shared>>
      tpu.wait_dma2 semaphore(%run_scoped3A : memref<!tpu.dma_semaphore, #tpu.memory_space<semaphore_mem>>) src(%arg4 : memref<640x16xf32, #tpu.memory_space<hbm>>) dst(%dma_wait3A_28 : memref<640x16xf32, #tpu.memory_space<vmem_shared>>)
      tpu.yield
    }) : () -> ()
    %mul3A_8 = arith.constant 40 : i32
    %mul3A_9 = arith.muli %add3A, %mul3A_8 : i32
    %dma_start3A = arith.constant 0 : i32
    %dma_start3A_10 = tpu.memref_slice %arg3[%mul3A_9, %dma_start3A] : memref<1280x250xi32, #tpu.memory_space<hbm>> -> memref<40x250xi32, #tpu.memory_space<hbm>>
    %dma_start3A_11 = arith.constant 0 : i32
    %dma_start3A_12 = tpu.memref_slice %arg3[%mul3A_9, %dma_start3A_11] : memref<1280x250xi32, #tpu.memory_space<hbm>> -> memref<40x250xi32, #tpu.memory_space<hbm>>
    tpu.enqueue_dma source(%dma_start3A_12 : memref<40x250xi32, #tpu.memory_space<hbm>>) target(%arg7 : memref<40x250xi32, #tpu.memory_space<vmem>>) target_semaphore(%arg13 : memref<!tpu.dma_semaphore, #tpu.memory_space<semaphore_mem>>)
    %dma_wait3A = arith.constant 0 : i32
    %dma_wait3A_13 = tpu.memref_slice %arg3[%mul3A_9, %dma_wait3A] : memref<1280x250xi32, #tpu.memory_space<hbm>> -> memref<40x250xi32, #tpu.memory_space<hbm>>
    %dma_wait3A_14 = arith.constant 0 : i32
    %dma_wait3A_15 = tpu.memref_slice %arg3[%mul3A_9, %dma_wait3A_14] : memref<1280x250xi32, #tpu.memory_space<hbm>> -> memref<40x250xi32, #tpu.memory_space<hbm>>
    tpu.wait_dma2 semaphore(%arg13 : memref<!tpu.dma_semaphore, #tpu.memory_space<semaphore_mem>>) src(%dma_wait3A_15 : memref<40x250xi32, #tpu.memory_space<hbm>>) dst(%arg7 : memref<40x250xi32, #tpu.memory_space<vmem>>)
    %barrier3A = arith.constant 0 : index
    tpu.barrier barrier_id(%barrier3A)
    %mul3A_16 = arith.constant 10000 : i32
    %mul3A_17 = arith.muli %add3A, %mul3A_16 : i32
    %scan3A_18 = arith.constant 0 : i32
    %scan3A_19 = arith.constant 0 : i32
    %scan3A_20 = arith.constant 5 : i32
    %scan3A_21 = arith.addi %scan3A_19, %scan3A_20 : i32
    %scan3A_22 = arith.constant 1 : i32
    scf.for %scan3A_25 = %scan3A_19 to %scan3A_21 step %scan3A_22  : i32 {
      %mul3A_26 = arith.constant 8 : i32
      %mul3A_27 = arith.muli %scan3A_25, %mul3A_26 : i32
      %add3A_28 = arith.constant 0 : i32
      %add3A_29 = arith.addi %mul3A_27, %add3A_28 : i32
      %mul3A_30 = arith.constant 250 : i32
      %mul3A_31 = arith.muli %add3A_29, %mul3A_30 : i32
      %add3A_32 = arith.addi %mul3A_17, %mul3A_31 : i32
      %dma_start3A_33 = arith.constant 0 : i32
      %dma_start3A_34 = arith.constant 0 : i32
      %dma_start3A_35 = arith.constant 0 : i32
      %dma_start3A_36 = arith.constant 0 : i32
      %dma_start3A_37 = tpu.memref_slice %arg8[%dma_start3A_33, %dma_start3A_35, %dma_start3A_36] : memref<8x250x16xf32, #tpu.memory_space<vmem>> -> memref<1x250x16xf32, #tpu.memory_space<vmem>>
      %dma_start3A_38 = tpu.memref_squeeze %dma_start3A_37 : memref<1x250x16xf32, #tpu.memory_space<vmem>> -> memref<250x16xf32, #tpu.memory_space<vmem>>
      %dma_start3A_39 = arith.constant 0 : i32
      %dma_start3A_40 = tpu.memref_slice %arg2[%add3A_32, %dma_start3A_39] : memref<320000x16xf32, #tpu.memory_space<hbm>> -> memref<250x16xf32, #tpu.memory_space<hbm>>
      %dma_start3A_41 = tpu.memref_slice %arg12[%dma_start3A_34] : memref<8x!tpu.dma_semaphore, #tpu.memory_space<semaphore_mem>> -> memref<1x!tpu.dma_semaphore, #tpu.memory_space<semaphore_mem>>
      %dma_start3A_42 = tpu.memref_squeeze %dma_start3A_41 : memref<1x!tpu.dma_semaphore, #tpu.memory_space<semaphore_mem>> -> memref<!tpu.dma_semaphore, #tpu.memory_space<semaphore_mem>>
      %dma_start3A_43 = arith.constant 0 : i32
      %dma_start3A_44 = arith.constant 0 : i32
      %dma_start3A_45 = tpu.memref_slice %arg8[%dma_start3A_33, %dma_start3A_43, %dma_start3A_44] : memref<8x250x16xf32, #tpu.memory_space<vmem>> -> memref<1x250x16xf32, #tpu.memory_space<vmem>>
      %dma_start3A_46 = tpu.memref_squeeze %dma_start3A_45 : memref<1x250x16xf32, #tpu.memory_space<vmem>> -> memref<250x16xf32, #tpu.memory_space<vmem>>
      %dma_start3A_47 = arith.constant 0 : i32
      %dma_start3A_48 = tpu.memref_slice %arg2[%add3A_32, %dma_start3A_47] : memref<320000x16xf32, #tpu.memory_space<hbm>> -> memref<250x16xf32, #tpu.memory_space<hbm>>
      tpu.enqueue_dma source(%dma_start3A_48 : memref<250x16xf32, #tpu.memory_space<hbm>>) target(%dma_start3A_46 : memref<250x16xf32, #tpu.memory_space<vmem>>) target_semaphore(%dma_start3A_42 : memref<!tpu.dma_semaphore, #tpu.memory_space<semaphore_mem>>)
      %add3A_49 = arith.constant 1 : i32
      %add3A_50 = arith.addi %mul3A_27, %add3A_49 : i32
      %mul3A_51 = arith.constant 250 : i32
      %mul3A_52 = arith.muli %add3A_50, %mul3A_51 : i32
      %add3A_53 = arith.addi %mul3A_17, %mul3A_52 : i32
      %dma_start3A_54 = arith.constant 1 : i32
      %dma_start3A_55 = arith.constant 1 : i32
      %dma_start3A_56 = arith.constant 0 : i32
      %dma_start3A_57 = arith.constant 0 : i32
      %dma_start3A_58 = tpu.memref_slice %arg8[%dma_start3A_54, %dma_start3A_56, %dma_start3A_57] : memref<8x250x16xf32, #tpu.memory_space<vmem>> -> memref<1x250x16xf32, #tpu.memory_space<vmem>>
      %dma_start3A_59 = tpu.memref_squeeze %dma_start3A_58 : memref<1x250x16xf32, #tpu.memory_space<vmem>> -> memref<250x16xf32, #tpu.memory_space<vmem>>
      %dma_start3A_60 = arith.constant 0 : i32
      %dma_start3A_61 = tpu.memref_slice %arg2[%add3A_53, %dma_start3A_60] : memref<320000x16xf32, #tpu.memory_space<hbm>> -> memref<250x16xf32, #tpu.memory_space<hbm>>
      %dma_start3A_62 = tpu.memref_slice %arg12[%dma_start3A_55] : memref<8x!tpu.dma_semaphore, #tpu.memory_space<semaphore_mem>> -> memref<1x!tpu.dma_semaphore, #tpu.memory_space<semaphore_mem>>
      %dma_start3A_63 = tpu.memref_squeeze %dma_start3A_62 : memref<1x!tpu.dma_semaphore, #tpu.memory_space<semaphore_mem>> -> memref<!tpu.dma_semaphore, #tpu.memory_space<semaphore_mem>>
      %dma_start3A_64 = arith.constant 0 : i32
      %dma_start3A_65 = arith.constant 0 : i32
      %dma_start3A_66 = tpu.memref_slice %arg8[%dma_start3A_54, %dma_start3A_64, %dma_start3A_65] : memref<8x250x16xf32, #tpu.memory_space<vmem>> -> memref<1x250x16xf32, #tpu.memory_space<vmem>>
      %dma_start3A_67 = tpu.memref_squeeze %dma_start3A_66 : memref<1x250x16xf32, #tpu.memory_space<vmem>> -> memref<250x16xf32, #tpu.memory_space<vmem>>
      %dma_start3A_68 = arith.constant 0 : i32
      %dma_start3A_69 = tpu.memref_slice %arg2[%add3A_53, %dma_start3A_68] : memref<320000x16xf32, #tpu.memory_space<hbm>> -> memref<250x16xf32, #tpu.memory_space<hbm>>
      tpu.enqueue_dma source(%dma_start3A_69 : memref<250x16xf32, #tpu.memory_space<hbm>>) target(%dma_start3A_67 : memref<250x16xf32, #tpu.memory_space<vmem>>) target_semaphore(%dma_start3A_63 : memref<!tpu.dma_semaphore, #tpu.memory_space<semaphore_mem>>)
      %add3A_70 = arith.constant 2 : i32
      %add3A_71 = arith.addi %mul3A_27, %add3A_70 : i32
      %mul3A_72 = arith.constant 250 : i32
      %mul3A_73 = arith.muli %add3A_71, %mul3A_72 : i32
      %add3A_74 = arith.addi %mul3A_17, %mul3A_73 : i32
      %dma_start3A_75 = arith.constant 2 : i32
      %dma_start3A_76 = arith.constant 2 : i32
      %dma_start3A_77 = arith.constant 0 : i32
      %dma_start3A_78 = arith.constant 0 : i32
      %dma_start3A_79 = tpu.memref_slice %arg8[%dma_start3A_75, %dma_start3A_77, %dma_start3A_78] : memref<8x250x16xf32, #tpu.memory_space<vmem>> -> memref<1x250x16xf32, #tpu.memory_space<vmem>>
      %dma_start3A_80 = tpu.memref_squeeze %dma_start3A_79 : memref<1x250x16xf32, #tpu.memory_space<vmem>> -> memref<250x16xf32, #tpu.memory_space<vmem>>
      %dma_start3A_81 = arith.constant 0 : i32
      %dma_start3A_82 = tpu.memref_slice %arg2[%add3A_74, %dma_start3A_81] : memref<320000x16xf32, #tpu.memory_space<hbm>> -> memref<250x16xf32, #tpu.memory_space<hbm>>
      %dma_start3A_83 = tpu.memref_slice %arg12[%dma_start3A_76] : memref<8x!tpu.dma_semaphore, #tpu.memory_space<semaphore_mem>> -> memref<1x!tpu.dma_semaphore, #tpu.memory_space<semaphore_mem>>
      %dma_start3A_84 = tpu.memref_squeeze %dma_start3A_83 : memref<1x!tpu.dma_semaphore, #tpu.memory_space<semaphore_mem>> -> memref<!tpu.dma_semaphore, #tpu.memory_space<semaphore_mem>>
      %dma_start3A_85 = arith.constant 0 : i32
      %dma_start3A_86 = arith.constant 0 : i32
      %dma_start3A_87 = tpu.memref_slice %arg8[%dma_start3A_75, %dma_start3A_85, %dma_start3A_86] : memref<8x250x16xf32, #tpu.memory_space<vmem>> -> memref<1x250x16xf32, #tpu.memory_space<vmem>>
      %dma_start3A_88 = tpu.memref_squeeze %dma_start3A_87 : memref<1x250x16xf32, #tpu.memory_space<vmem>> -> memref<250x16xf32, #tpu.memory_space<vmem>>
      %dma_start3A_89 = arith.constant 0 : i32
      %dma_start3A_90 = tpu.memref_slice %arg2[%add3A_74, %dma_start3A_89] : memref<320000x16xf32, #tpu.memory_space<hbm>> -> memref<250x16xf32, #tpu.memory_space<hbm>>
      tpu.enqueue_dma source(%dma_start3A_90 : memref<250x16xf32, #tpu.memory_space<hbm>>) target(%dma_start3A_88 : memref<250x16xf32, #tpu.memory_space<vmem>>) target_semaphore(%dma_start3A_84 : memref<!tpu.dma_semaphore, #tpu.memory_space<semaphore_mem>>)
      %add3A_91 = arith.constant 3 : i32
      %add3A_92 = arith.addi %mul3A_27, %add3A_91 : i32
      %mul3A_93 = arith.constant 250 : i32
      %mul3A_94 = arith.muli %add3A_92, %mul3A_93 : i32
      %add3A_95 = arith.addi %mul3A_17, %mul3A_94 : i32
      %dma_start3A_96 = arith.constant 3 : i32
      %dma_start3A_97 = arith.constant 3 : i32
      %dma_start3A_98 = arith.constant 0 : i32
      %dma_start3A_99 = arith.constant 0 : i32
      %dma_start3A_100 = tpu.memref_slice %arg8[%dma_start3A_96, %dma_start3A_98, %dma_start3A_99] : memref<8x250x16xf32, #tpu.memory_space<vmem>> -> memref<1x250x16xf32, #tpu.memory_space<vmem>>
      %dma_start3A_101 = tpu.memref_squeeze %dma_start3A_100 : memref<1x250x16xf32, #tpu.memory_space<vmem>> -> memref<250x16xf32, #tpu.memory_space<vmem>>
      %dma_start3A_102 = arith.constant 0 : i32
      %dma_start3A_103 = tpu.memref_slice %arg2[%add3A_95, %dma_start3A_102] : memref<320000x16xf32, #tpu.memory_space<hbm>> -> memref<250x16xf32, #tpu.memory_space<hbm>>
      %dma_start3A_104 = tpu.memref_slice %arg12[%dma_start3A_97] : memref<8x!tpu.dma_semaphore, #tpu.memory_space<semaphore_mem>> -> memref<1x!tpu.dma_semaphore, #tpu.memory_space<semaphore_mem>>
      %dma_start3A_105 = tpu.memref_squeeze %dma_start3A_104 : memref<1x!tpu.dma_semaphore, #tpu.memory_space<semaphore_mem>> -> memref<!tpu.dma_semaphore, #tpu.memory_space<semaphore_mem>>
      %dma_start3A_106 = arith.constant 0 : i32
      %dma_start3A_107 = arith.constant 0 : i32
      %dma_start3A_108 = tpu.memref_slice %arg8[%dma_start3A_96, %dma_start3A_106, %dma_start3A_107] : memref<8x250x16xf32, #tpu.memory_space<vmem>> -> memref<1x250x16xf32, #tpu.memory_space<vmem>>
      %dma_start3A_109 = tpu.memref_squeeze %dma_start3A_108 : memref<1x250x16xf32, #tpu.memory_space<vmem>> -> memref<250x16xf32, #tpu.memory_space<vmem>>
      %dma_start3A_110 = arith.constant 0 : i32
      %dma_start3A_111 = tpu.memref_slice %arg2[%add3A_95, %dma_start3A_110] : memref<320000x16xf32, #tpu.memory_space<hbm>> -> memref<250x16xf32, #tpu.memory_space<hbm>>
      tpu.enqueue_dma source(%dma_start3A_111 : memref<250x16xf32, #tpu.memory_space<hbm>>) target(%dma_start3A_109 : memref<250x16xf32, #tpu.memory_space<vmem>>) target_semaphore(%dma_start3A_105 : memref<!tpu.dma_semaphore, #tpu.memory_space<semaphore_mem>>)
      %add3A_112 = arith.constant 4 : i32
      %add3A_113 = arith.addi %mul3A_27, %add3A_112 : i32
      %mul3A_114 = arith.constant 250 : i32
      %mul3A_115 = arith.muli %add3A_113, %mul3A_114 : i32
      %add3A_116 = arith.addi %mul3A_17, %mul3A_115 : i32
      %dma_start3A_117 = arith.constant 4 : i32
      %dma_start3A_118 = arith.constant 4 : i32
      %dma_start3A_119 = arith.constant 0 : i32
      %dma_start3A_120 = arith.constant 0 : i32
      %dma_start3A_121 = tpu.memref_slice %arg8[%dma_start3A_117, %dma_start3A_119, %dma_start3A_120] : memref<8x250x16xf32, #tpu.memory_space<vmem>> -> memref<1x250x16xf32, #tpu.memory_space<vmem>>
      %dma_start3A_122 = tpu.memref_squeeze %dma_start3A_121 : memref<1x250x16xf32, #tpu.memory_space<vmem>> -> memref<250x16xf32, #tpu.memory_space<vmem>>
      %dma_start3A_123 = arith.constant 0 : i32
      %dma_start3A_124 = tpu.memref_slice %arg2[%add3A_116, %dma_start3A_123] : memref<320000x16xf32, #tpu.memory_space<hbm>> -> memref<250x16xf32, #tpu.memory_space<hbm>>
      %dma_start3A_125 = tpu.memref_slice %arg12[%dma_start3A_118] : memref<8x!tpu.dma_semaphore, #tpu.memory_space<semaphore_mem>> -> memref<1x!tpu.dma_semaphore, #tpu.memory_space<semaphore_mem>>
      %dma_start3A_126 = tpu.memref_squeeze %dma_start3A_125 : memref<1x!tpu.dma_semaphore, #tpu.memory_space<semaphore_mem>> -> memref<!tpu.dma_semaphore, #tpu.memory_space<semaphore_mem>>
      %dma_start3A_127 = arith.constant 0 : i32
      %dma_start3A_128 = arith.constant 0 : i32
      %dma_start3A_129 = tpu.memref_slice %arg8[%dma_start3A_117, %dma_start3A_127, %dma_start3A_128] : memref<8x250x16xf32, #tpu.memory_space<vmem>> -> memref<1x250x16xf32, #tpu.memory_space<vmem>>
      %dma_start3A_130 = tpu.memref_squeeze %dma_start3A_129 : memref<1x250x16xf32, #tpu.memory_space<vmem>> -> memref<250x16xf32, #tpu.memory_space<vmem>>
      %dma_start3A_131 = arith.constant 0 : i32
      %dma_start3A_132 = tpu.memref_slice %arg2[%add3A_116, %dma_start3A_131] : memref<320000x16xf32, #tpu.memory_space<hbm>> -> memref<250x16xf32, #tpu.memory_space<hbm>>
      tpu.enqueue_dma source(%dma_start3A_132 : memref<250x16xf32, #tpu.memory_space<hbm>>) target(%dma_start3A_130 : memref<250x16xf32, #tpu.memory_space<vmem>>) target_semaphore(%dma_start3A_126 : memref<!tpu.dma_semaphore, #tpu.memory_space<semaphore_mem>>)
      %add3A_133 = arith.constant 5 : i32
      %add3A_134 = arith.addi %mul3A_27, %add3A_133 : i32
      %mul3A_135 = arith.constant 250 : i32
      %mul3A_136 = arith.muli %add3A_134, %mul3A_135 : i32
      %add3A_137 = arith.addi %mul3A_17, %mul3A_136 : i32
      %dma_start3A_138 = arith.constant 5 : i32
      %dma_start3A_139 = arith.constant 5 : i32
      %dma_start3A_140 = arith.constant 0 : i32
      %dma_start3A_141 = arith.constant 0 : i32
      %dma_start3A_142 = tpu.memref_slice %arg8[%dma_start3A_138, %dma_start3A_140, %dma_start3A_141] : memref<8x250x16xf32, #tpu.memory_space<vmem>> -> memref<1x250x16xf32, #tpu.memory_space<vmem>>
      %dma_start3A_143 = tpu.memref_squeeze %dma_start3A_142 : memref<1x250x16xf32, #tpu.memory_space<vmem>> -> memref<250x16xf32, #tpu.memory_space<vmem>>
      %dma_start3A_144 = arith.constant 0 : i32
      %dma_start3A_145 = tpu.memref_slice %arg2[%add3A_137, %dma_start3A_144] : memref<320000x16xf32, #tpu.memory_space<hbm>> -> memref<250x16xf32, #tpu.memory_space<hbm>>
      %dma_start3A_146 = tpu.memref_slice %arg12[%dma_start3A_139] : memref<8x!tpu.dma_semaphore, #tpu.memory_space<semaphore_mem>> -> memref<1x!tpu.dma_semaphore, #tpu.memory_space<semaphore_mem>>
      %dma_start3A_147 = tpu.memref_squeeze %dma_start3A_146 : memref<1x!tpu.dma_semaphore, #tpu.memory_space<semaphore_mem>> -> memref<!tpu.dma_semaphore, #tpu.memory_space<semaphore_mem>>
      %dma_start3A_148 = arith.constant 0 : i32
      %dma_start3A_149 = arith.constant 0 : i32
      %dma_start3A_150 = tpu.memref_slice %arg8[%dma_start3A_138, %dma_start3A_148, %dma_start3A_149] : memref<8x250x16xf32, #tpu.memory_space<vmem>> -> memref<1x250x16xf32, #tpu.memory_space<vmem>>
      %dma_start3A_151 = tpu.memref_squeeze %dma_start3A_150 : memref<1x250x16xf32, #tpu.memory_space<vmem>> -> memref<250x16xf32, #tpu.memory_space<vmem>>
      %dma_start3A_152 = arith.constant 0 : i32
      %dma_start3A_153 = tpu.memref_slice %arg2[%add3A_137, %dma_start3A_152] : memref<320000x16xf32, #tpu.memory_space<hbm>> -> memref<250x16xf32, #tpu.memory_space<hbm>>
      tpu.enqueue_dma source(%dma_start3A_153 : memref<250x16xf32, #tpu.memory_space<hbm>>) target(%dma_start3A_151 : memref<250x16xf32, #tpu.memory_space<vmem>>) target_semaphore(%dma_start3A_147 : memref<!tpu.dma_semaphore, #tpu.memory_space<semaphore_mem>>)
      %add3A_154 = arith.constant 6 : i32
      %add3A_155 = arith.addi %mul3A_27, %add3A_154 : i32
      %mul3A_156 = arith.constant 250 : i32
      %mul3A_157 = arith.muli %add3A_155, %mul3A_156 : i32
      %add3A_158 = arith.addi %mul3A_17, %mul3A_157 : i32
      %dma_start3A_159 = arith.constant 6 : i32
      %dma_start3A_160 = arith.constant 6 : i32
      %dma_start3A_161 = arith.constant 0 : i32
      %dma_start3A_162 = arith.constant 0 : i32
      %dma_start3A_163 = tpu.memref_slice %arg8[%dma_start3A_159, %dma_start3A_161, %dma_start3A_162] : memref<8x250x16xf32, #tpu.memory_space<vmem>> -> memref<1x250x16xf32, #tpu.memory_space<vmem>>
      %dma_start3A_164 = tpu.memref_squeeze %dma_start3A_163 : memref<1x250x16xf32, #tpu.memory_space<vmem>> -> memref<250x16xf32, #tpu.memory_space<vmem>>
      %dma_start3A_165 = arith.constant 0 : i32
      %dma_start3A_166 = tpu.memref_slice %arg2[%add3A_158, %dma_start3A_165] : memref<320000x16xf32, #tpu.memory_space<hbm>> -> memref<250x16xf32, #tpu.memory_space<hbm>>
      %dma_start3A_167 = tpu.memref_slice %arg12[%dma_start3A_160] : memref<8x!tpu.dma_semaphore, #tpu.memory_space<semaphore_mem>> -> memref<1x!tpu.dma_semaphore, #tpu.memory_space<semaphore_mem>>
      %dma_start3A_168 = tpu.memref_squeeze %dma_start3A_167 : memref<1x!tpu.dma_semaphore, #tpu.memory_space<semaphore_mem>> -> memref<!tpu.dma_semaphore, #tpu.memory_space<semaphore_mem>>
      %dma_start3A_169 = arith.constant 0 : i32
      %dma_start3A_170 = arith.constant 0 : i32
      %dma_start3A_171 = tpu.memref_slice %arg8[%dma_start3A_159, %dma_start3A_169, %dma_start3A_170] : memref<8x250x16xf32, #tpu.memory_space<vmem>> -> memref<1x250x16xf32, #tpu.memory_space<vmem>>
      %dma_start3A_172 = tpu.memref_squeeze %dma_start3A_171 : memref<1x250x16xf32, #tpu.memory_space<vmem>> -> memref<250x16xf32, #tpu.memory_space<vmem>>
      %dma_start3A_173 = arith.constant 0 : i32
      %dma_start3A_174 = tpu.memref_slice %arg2[%add3A_158, %dma_start3A_173] : memref<320000x16xf32, #tpu.memory_space<hbm>> -> memref<250x16xf32, #tpu.memory_space<hbm>>
      tpu.enqueue_dma source(%dma_start3A_174 : memref<250x16xf32, #tpu.memory_space<hbm>>) target(%dma_start3A_172 : memref<250x16xf32, #tpu.memory_space<vmem>>) target_semaphore(%dma_start3A_168 : memref<!tpu.dma_semaphore, #tpu.memory_space<semaphore_mem>>)
      %add3A_175 = arith.constant 7 : i32
      %add3A_176 = arith.addi %mul3A_27, %add3A_175 : i32
      %mul3A_177 = arith.constant 250 : i32
      %mul3A_178 = arith.muli %add3A_176, %mul3A_177 : i32
      %add3A_179 = arith.addi %mul3A_17, %mul3A_178 : i32
      %dma_start3A_180 = arith.constant 7 : i32
      %dma_start3A_181 = arith.constant 7 : i32
      %dma_start3A_182 = arith.constant 0 : i32
      %dma_start3A_183 = arith.constant 0 : i32
      %dma_start3A_184 = tpu.memref_slice %arg8[%dma_start3A_180, %dma_start3A_182, %dma_start3A_183] : memref<8x250x16xf32, #tpu.memory_space<vmem>> -> memref<1x250x16xf32, #tpu.memory_space<vmem>>
      %dma_start3A_185 = tpu.memref_squeeze %dma_start3A_184 : memref<1x250x16xf32, #tpu.memory_space<vmem>> -> memref<250x16xf32, #tpu.memory_space<vmem>>
      %dma_start3A_186 = arith.constant 0 : i32
      %dma_start3A_187 = tpu.memref_slice %arg2[%add3A_179, %dma_start3A_186] : memref<320000x16xf32, #tpu.memory_space<hbm>> -> memref<250x16xf32, #tpu.memory_space<hbm>>
      %dma_start3A_188 = tpu.memref_slice %arg12[%dma_start3A_181] : memref<8x!tpu.dma_semaphore, #tpu.memory_space<semaphore_mem>> -> memref<1x!tpu.dma_semaphore, #tpu.memory_space<semaphore_mem>>
      %dma_start3A_189 = tpu.memref_squeeze %dma_start3A_188 : memref<1x!tpu.dma_semaphore, #tpu.memory_space<semaphore_mem>> -> memref<!tpu.dma_semaphore, #tpu.memory_space<semaphore_mem>>
      %dma_start3A_190 = arith.constant 0 : i32
      %dma_start3A_191 = arith.constant 0 : i32
      %dma_start3A_192 = tpu.memref_slice %arg8[%dma_start3A_180, %dma_start3A_190, %dma_start3A_191] : memref<8x250x16xf32, #tpu.memory_space<vmem>> -> memref<1x250x16xf32, #tpu.memory_space<vmem>>
      %dma_start3A_193 = tpu.memref_squeeze %dma_start3A_192 : memref<1x250x16xf32, #tpu.memory_space<vmem>> -> memref<250x16xf32, #tpu.memory_space<vmem>>
      %dma_start3A_194 = arith.constant 0 : i32
      %dma_start3A_195 = tpu.memref_slice %arg2[%add3A_179, %dma_start3A_194] : memref<320000x16xf32, #tpu.memory_space<hbm>> -> memref<250x16xf32, #tpu.memory_space<hbm>>
      tpu.enqueue_dma source(%dma_start3A_195 : memref<250x16xf32, #tpu.memory_space<hbm>>) target(%dma_start3A_193 : memref<250x16xf32, #tpu.memory_space<vmem>>) target_semaphore(%dma_start3A_189 : memref<!tpu.dma_semaphore, #tpu.memory_space<semaphore_mem>>)
      %dma_wait3A_196 = arith.constant 0 : i32
      %dma_wait3A_197 = arith.constant 0 : i32
      %dma_wait3A_198 = arith.constant 0 : i32
      %dma_wait3A_199 = arith.constant 0 : i32
      %dma_wait3A_200 = tpu.memref_slice %arg8[%dma_wait3A_196, %dma_wait3A_198, %dma_wait3A_199] : memref<8x250x16xf32, #tpu.memory_space<vmem>> -> memref<1x250x16xf32, #tpu.memory_space<vmem>>
      %dma_wait3A_201 = tpu.memref_squeeze %dma_wait3A_200 : memref<1x250x16xf32, #tpu.memory_space<vmem>> -> memref<250x16xf32, #tpu.memory_space<vmem>>
      %dma_wait3A_202 = arith.constant 0 : i32
      %dma_wait3A_203 = tpu.memref_slice %arg2[%add3A_32, %dma_wait3A_202] : memref<320000x16xf32, #tpu.memory_space<hbm>> -> memref<250x16xf32, #tpu.memory_space<hbm>>
      %dma_wait3A_204 = tpu.memref_slice %arg12[%dma_wait3A_197] : memref<8x!tpu.dma_semaphore, #tpu.memory_space<semaphore_mem>> -> memref<1x!tpu.dma_semaphore, #tpu.memory_space<semaphore_mem>>
      %dma_wait3A_205 = tpu.memref_squeeze %dma_wait3A_204 : memref<1x!tpu.dma_semaphore, #tpu.memory_space<semaphore_mem>> -> memref<!tpu.dma_semaphore, #tpu.memory_space<semaphore_mem>>
      %dma_wait3A_206 = arith.constant 0 : i32
      %dma_wait3A_207 = arith.constant 0 : i32
      %dma_wait3A_208 = tpu.memref_slice %arg8[%dma_wait3A_196, %dma_wait3A_206, %dma_wait3A_207] : memref<8x250x16xf32, #tpu.memory_space<vmem>> -> memref<1x250x16xf32, #tpu.memory_space<vmem>>
      %dma_wait3A_209 = tpu.memref_squeeze %dma_wait3A_208 : memref<1x250x16xf32, #tpu.memory_space<vmem>> -> memref<250x16xf32, #tpu.memory_space<vmem>>
      %dma_wait3A_210 = arith.constant 0 : i32
      %dma_wait3A_211 = tpu.memref_slice %arg2[%add3A_32, %dma_wait3A_210] : memref<320000x16xf32, #tpu.memory_space<hbm>> -> memref<250x16xf32, #tpu.memory_space<hbm>>
      tpu.wait_dma2 semaphore(%dma_wait3A_205 : memref<!tpu.dma_semaphore, #tpu.memory_space<semaphore_mem>>) src(%dma_wait3A_211 : memref<250x16xf32, #tpu.memory_space<hbm>>) dst(%dma_wait3A_209 : memref<250x16xf32, #tpu.memory_space<vmem>>)
      %add3A_212 = arith.constant 0 : i32
      %add3A_213 = arith.addi %mul3A_27, %add3A_212 : i32
      %run_scoped3A = arith.constant 0 : i32
      "tpu.region"() ({
        %run_scoped3A_363 = tpu.sem_alloc : memref<!tpu.dma_semaphore, #tpu.memory_space<semaphore_mem>>
        %dma_start3A_364 = arith.constant 0 : i32
        %dma_start3A_365 = arith.constant 0 : i32
        %dma_start3A_366 = tpu.memref_slice %arg8[%run_scoped3A, %dma_start3A_364, %dma_start3A_365] : memref<8x250x16xf32, #tpu.memory_space<vmem>> -> memref<1x250x16xf32, #tpu.memory_space<vmem>>
        %dma_start3A_367 = tpu.memref_squeeze %dma_start3A_366 : memref<1x250x16xf32, #tpu.memory_space<vmem>> -> memref<250x16xf32, #tpu.memory_space<vmem>>
        %dma_start3A_368 = arith.constant 0 : i32
        %dma_start3A_369 = tpu.memref_slice %arg7[%add3A_213, %dma_start3A_368] : memref<40x250xi32, #tpu.memory_space<vmem>> -> memref<1x250xi32, #tpu.memory_space<vmem>>
        %dma_start3A_370 = tpu.memref_squeeze %dma_start3A_369 : memref<1x250xi32, #tpu.memory_space<vmem>> -> memref<250xi32, #tpu.memory_space<vmem>>
        %dma_start3A_371 = arith.constant 0 : i32
        %dma_start3A_372 = arith.constant 0 : i32
        %dma_start3A_373 = tpu.memref_slice %arg10[%dma_start3A_371, %dma_start3A_372] : memref<10240x16xf32, #tpu.memory_space<vmem_shared>> -> memref<10240x16xf32, #tpu.memory_space<vmem_shared>>
        tpu.enqueue_indirect_dma source(%dma_start3A_367 : memref<250x16xf32, #tpu.memory_space<vmem>>) target(%dma_start3A_373 : memref<10240x16xf32, #tpu.memory_space<vmem_shared>>) offsets(%dma_start3A_370 : memref<250xi32, #tpu.memory_space<vmem>>) semaphore(%run_scoped3A_363 : memref<!tpu.dma_semaphore, #tpu.memory_space<semaphore_mem>>) {add = true}
        %dma_wait3A_374 = arith.constant 0 : i32
        %dma_wait3A_375 = arith.constant 0 : i32
        %dma_wait3A_376 = tpu.memref_slice %arg8[%run_scoped3A, %dma_wait3A_374, %dma_wait3A_375] : memref<8x250x16xf32, #tpu.memory_space<vmem>> -> memref<1x250x16xf32, #tpu.memory_space<vmem>>
        %dma_wait3A_377 = tpu.memref_squeeze %dma_wait3A_376 : memref<1x250x16xf32, #tpu.memory_space<vmem>> -> memref<250x16xf32, #tpu.memory_space<vmem>>
        %dma_wait3A_378 = arith.constant 0 : i32
        %dma_wait3A_379 = tpu.memref_slice %arg7[%add3A_213, %dma_wait3A_378] : memref<40x250xi32, #tpu.memory_space<vmem>> -> memref<1x250xi32, #tpu.memory_space<vmem>>
        %dma_wait3A_380 = tpu.memref_squeeze %dma_wait3A_379 : memref<1x250xi32, #tpu.memory_space<vmem>> -> memref<250xi32, #tpu.memory_space<vmem>>
        %dma_wait3A_381 = arith.constant 0 : i32
        %dma_wait3A_382 = arith.constant 0 : i32
        %dma_wait3A_383 = tpu.memref_slice %arg10[%dma_wait3A_381, %dma_wait3A_382] : memref<10240x16xf32, #tpu.memory_space<vmem_shared>> -> memref<10240x16xf32, #tpu.memory_space<vmem_shared>>
        tpu.wait_indirect_dma semaphore(%run_scoped3A_363 : memref<!tpu.dma_semaphore, #tpu.memory_space<semaphore_mem>>) src(%dma_wait3A_377 : memref<250x16xf32, #tpu.memory_space<vmem>>) dst(%dma_wait3A_383 : memref<10240x16xf32, #tpu.memory_space<vmem_shared>>)
        tpu.yield
      }) : () -> ()
      %add3A_214 = arith.constant 0 : i32
      %add3A_215 = arith.addi %mul3A_27, %add3A_214 : i32
      "tpu.region"() ({
        %run_scoped3A_363 = tpu.sem_alloc : memref<!tpu.dma_semaphore, #tpu.memory_space<semaphore_mem>>
        %dma_start3A_364 = arith.constant 0 : i32
        %dma_start3A_365 = tpu.memref_slice %arg7[%add3A_215, %dma_start3A_364] : memref<40x250xi32, #tpu.memory_space<vmem>> -> memref<1x250xi32, #tpu.memory_space<vmem>>
        %dma_start3A_366 = tpu.memref_squeeze %dma_start3A_365 : memref<1x250xi32, #tpu.memory_space<vmem>> -> memref<250xi32, #tpu.memory_space<vmem>>
        %dma_start3A_367 = arith.constant 0 : i32
        %dma_start3A_368 = arith.constant 0 : i32
        %dma_start3A_369 = tpu.memref_slice %arg11[%dma_start3A_367, %dma_start3A_368] : memref<10240x16xf32, #tpu.memory_space<vmem_shared>> -> memref<10240x16xf32, #tpu.memory_space<vmem_shared>>
        tpu.enqueue_indirect_dma source(%arg9 : memref<250x16xf32, #tpu.memory_space<vmem>>) target(%dma_start3A_369 : memref<10240x16xf32, #tpu.memory_space<vmem_shared>>) offsets(%dma_start3A_366 : memref<250xi32, #tpu.memory_space<vmem>>) semaphore(%run_scoped3A_363 : memref<!tpu.dma_semaphore, #tpu.memory_space<semaphore_mem>>) {add = true}
        %dma_wait3A_370 = arith.constant 0 : i32
        %dma_wait3A_371 = tpu.memref_slice %arg7[%add3A_215, %dma_wait3A_370] : memref<40x250xi32, #tpu.memory_space<vmem>> -> memref<1x250xi32, #tpu.memory_space<vmem>>
        %dma_wait3A_372 = tpu.memref_squeeze %dma_wait3A_371 : memref<1x250xi32, #tpu.memory_space<vmem>> -> memref<250xi32, #tpu.memory_space<vmem>>
        %dma_wait3A_373 = arith.constant 0 : i32
        %dma_wait3A_374 = arith.constant 0 : i32
        %dma_wait3A_375 = tpu.memref_slice %arg11[%dma_wait3A_373, %dma_wait3A_374] : memref<10240x16xf32, #tpu.memory_space<vmem_shared>> -> memref<10240x16xf32, #tpu.memory_space<vmem_shared>>
        tpu.wait_indirect_dma semaphore(%run_scoped3A_363 : memref<!tpu.dma_semaphore, #tpu.memory_space<semaphore_mem>>) src(%arg9 : memref<250x16xf32, #tpu.memory_space<vmem>>) dst(%dma_wait3A_375 : memref<10240x16xf32, #tpu.memory_space<vmem_shared>>)
        tpu.yield
      }) : () -> ()
      %dma_wait3A_216 = arith.constant 1 : i32
      %dma_wait3A_217 = arith.constant 1 : i32
      %dma_wait3A_218 = arith.constant 0 : i32
      %dma_wait3A_219 = arith.constant 0 : i32
      %dma_wait3A_220 = tpu.memref_slice %arg8[%dma_wait3A_216, %dma_wait3A_218, %dma_wait3A_219] : memref<8x250x16xf32, #tpu.memory_space<vmem>> -> memref<1x250x16xf32, #tpu.memory_space<vmem>>
      %dma_wait3A_221 = tpu.memref_squeeze %dma_wait3A_220 : memref<1x250x16xf32, #tpu.memory_space<vmem>> -> memref<250x16xf32, #tpu.memory_space<vmem>>
      %dma_wait3A_222 = arith.constant 0 : i32
      %dma_wait3A_223 = tpu.memref_slice %arg2[%add3A_53, %dma_wait3A_222] : memref<320000x16xf32, #tpu.memory_space<hbm>> -> memref<250x16xf32, #tpu.memory_space<hbm>>
      %dma_wait3A_224 = tpu.memref_slice %arg12[%dma_wait3A_217] : memref<8x!tpu.dma_semaphore, #tpu.memory_space<semaphore_mem>> -> memref<1x!tpu.dma_semaphore, #tpu.memory_space<semaphore_mem>>
      %dma_wait3A_225 = tpu.memref_squeeze %dma_wait3A_224 : memref<1x!tpu.dma_semaphore, #tpu.memory_space<semaphore_mem>> -> memref<!tpu.dma_semaphore, #tpu.memory_space<semaphore_mem>>
      %dma_wait3A_226 = arith.constant 0 : i32
      %dma_wait3A_227 = arith.constant 0 : i32
      %dma_wait3A_228 = tpu.memref_slice %arg8[%dma_wait3A_216, %dma_wait3A_226, %dma_wait3A_227] : memref<8x250x16xf32, #tpu.memory_space<vmem>> -> memref<1x250x16xf32, #tpu.memory_space<vmem>>
      %dma_wait3A_229 = tpu.memref_squeeze %dma_wait3A_228 : memref<1x250x16xf32, #tpu.memory_space<vmem>> -> memref<250x16xf32, #tpu.memory_space<vmem>>
      %dma_wait3A_230 = arith.constant 0 : i32
      %dma_wait3A_231 = tpu.memref_slice %arg2[%add3A_53, %dma_wait3A_230] : memref<320000x16xf32, #tpu.memory_space<hbm>> -> memref<250x16xf32, #tpu.memory_space<hbm>>
      tpu.wait_dma2 semaphore(%dma_wait3A_225 : memref<!tpu.dma_semaphore, #tpu.memory_space<semaphore_mem>>) src(%dma_wait3A_231 : memref<250x16xf32, #tpu.memory_space<hbm>>) dst(%dma_wait3A_229 : memref<250x16xf32, #tpu.memory_space<vmem>>)
      %add3A_232 = arith.constant 1 : i32
      %add3A_233 = arith.addi %mul3A_27, %add3A_232 : i32
      %run_scoped3A_234 = arith.constant 1 : i32
      "tpu.region"() ({
        %run_scoped3A_363 = tpu.sem_alloc : memref<!tpu.dma_semaphore, #tpu.memory_space<semaphore_mem>>
        %dma_start3A_364 = arith.constant 0 : i32
        %dma_start3A_365 = arith.constant 0 : i32
        %dma_start3A_366 = tpu.memref_slice %arg8[%run_scoped3A_234, %dma_start3A_364, %dma_start3A_365] : memref<8x250x16xf32, #tpu.memory_space<vmem>> -> memref<1x250x16xf32, #tpu.memory_space<vmem>>
        %dma_start3A_367 = tpu.memref_squeeze %dma_start3A_366 : memref<1x250x16xf32, #tpu.memory_space<vmem>> -> memref<250x16xf32, #tpu.memory_space<vmem>>
        %dma_start3A_368 = arith.constant 0 : i32
        %dma_start3A_369 = tpu.memref_slice %arg7[%add3A_233, %dma_start3A_368] : memref<40x250xi32, #tpu.memory_space<vmem>> -> memref<1x250xi32, #tpu.memory_space<vmem>>
        %dma_start3A_370 = tpu.memref_squeeze %dma_start3A_369 : memref<1x250xi32, #tpu.memory_space<vmem>> -> memref<250xi32, #tpu.memory_space<vmem>>
        %dma_start3A_371 = arith.constant 0 : i32
        %dma_start3A_372 = arith.constant 0 : i32
        %dma_start3A_373 = tpu.memref_slice %arg10[%dma_start3A_371, %dma_start3A_372] : memref<10240x16xf32, #tpu.memory_space<vmem_shared>> -> memref<10240x16xf32, #tpu.memory_space<vmem_shared>>
        tpu.enqueue_indirect_dma source(%dma_start3A_367 : memref<250x16xf32, #tpu.memory_space<vmem>>) target(%dma_start3A_373 : memref<10240x16xf32, #tpu.memory_space<vmem_shared>>) offsets(%dma_start3A_370 : memref<250xi32, #tpu.memory_space<vmem>>) semaphore(%run_scoped3A_363 : memref<!tpu.dma_semaphore, #tpu.memory_space<semaphore_mem>>) {add = true}
        %dma_wait3A_374 = arith.constant 0 : i32
        %dma_wait3A_375 = arith.constant 0 : i32
        %dma_wait3A_376 = tpu.memref_slice %arg8[%run_scoped3A_234, %dma_wait3A_374, %dma_wait3A_375] : memref<8x250x16xf32, #tpu.memory_space<vmem>> -> memref<1x250x16xf32, #tpu.memory_space<vmem>>
        %dma_wait3A_377 = tpu.memref_squeeze %dma_wait3A_376 : memref<1x250x16xf32, #tpu.memory_space<vmem>> -> memref<250x16xf32, #tpu.memory_space<vmem>>
        %dma_wait3A_378 = arith.constant 0 : i32
        %dma_wait3A_379 = tpu.memref_slice %arg7[%add3A_233, %dma_wait3A_378] : memref<40x250xi32, #tpu.memory_space<vmem>> -> memref<1x250xi32, #tpu.memory_space<vmem>>
        %dma_wait3A_380 = tpu.memref_squeeze %dma_wait3A_379 : memref<1x250xi32, #tpu.memory_space<vmem>> -> memref<250xi32, #tpu.memory_space<vmem>>
        %dma_wait3A_381 = arith.constant 0 : i32
        %dma_wait3A_382 = arith.constant 0 : i32
        %dma_wait3A_383 = tpu.memref_slice %arg10[%dma_wait3A_381, %dma_wait3A_382] : memref<10240x16xf32, #tpu.memory_space<vmem_shared>> -> memref<10240x16xf32, #tpu.memory_space<vmem_shared>>
        tpu.wait_indirect_dma semaphore(%run_scoped3A_363 : memref<!tpu.dma_semaphore, #tpu.memory_space<semaphore_mem>>) src(%dma_wait3A_377 : memref<250x16xf32, #tpu.memory_space<vmem>>) dst(%dma_wait3A_383 : memref<10240x16xf32, #tpu.memory_space<vmem_shared>>)
        tpu.yield
      }) : () -> ()
      %add3A_235 = arith.constant 1 : i32
      %add3A_236 = arith.addi %mul3A_27, %add3A_235 : i32
      "tpu.region"() ({
        %run_scoped3A_363 = tpu.sem_alloc : memref<!tpu.dma_semaphore, #tpu.memory_space<semaphore_mem>>
        %dma_start3A_364 = arith.constant 0 : i32
        %dma_start3A_365 = tpu.memref_slice %arg7[%add3A_236, %dma_start3A_364] : memref<40x250xi32, #tpu.memory_space<vmem>> -> memref<1x250xi32, #tpu.memory_space<vmem>>
        %dma_start3A_366 = tpu.memref_squeeze %dma_start3A_365 : memref<1x250xi32, #tpu.memory_space<vmem>> -> memref<250xi32, #tpu.memory_space<vmem>>
        %dma_start3A_367 = arith.constant 0 : i32
        %dma_start3A_368 = arith.constant 0 : i32
        %dma_start3A_369 = tpu.memref_slice %arg11[%dma_start3A_367, %dma_start3A_368] : memref<10240x16xf32, #tpu.memory_space<vmem_shared>> -> memref<10240x16xf32, #tpu.memory_space<vmem_shared>>
        tpu.enqueue_indirect_dma source(%arg9 : memref<250x16xf32, #tpu.memory_space<vmem>>) target(%dma_start3A_369 : memref<10240x16xf32, #tpu.memory_space<vmem_shared>>) offsets(%dma_start3A_366 : memref<250xi32, #tpu.memory_space<vmem>>) semaphore(%run_scoped3A_363 : memref<!tpu.dma_semaphore, #tpu.memory_space<semaphore_mem>>) {add = true}
        %dma_wait3A_370 = arith.constant 0 : i32
        %dma_wait3A_371 = tpu.memref_slice %arg7[%add3A_236, %dma_wait3A_370] : memref<40x250xi32, #tpu.memory_space<vmem>> -> memref<1x250xi32, #tpu.memory_space<vmem>>
        %dma_wait3A_372 = tpu.memref_squeeze %dma_wait3A_371 : memref<1x250xi32, #tpu.memory_space<vmem>> -> memref<250xi32, #tpu.memory_space<vmem>>
        %dma_wait3A_373 = arith.constant 0 : i32
        %dma_wait3A_374 = arith.constant 0 : i32
        %dma_wait3A_375 = tpu.memref_slice %arg11[%dma_wait3A_373, %dma_wait3A_374] : memref<10240x16xf32, #tpu.memory_space<vmem_shared>> -> memref<10240x16xf32, #tpu.memory_space<vmem_shared>>
        tpu.wait_indirect_dma semaphore(%run_scoped3A_363 : memref<!tpu.dma_semaphore, #tpu.memory_space<semaphore_mem>>) src(%arg9 : memref<250x16xf32, #tpu.memory_space<vmem>>) dst(%dma_wait3A_375 : memref<10240x16xf32, #tpu.memory_space<vmem_shared>>)
        tpu.yield
      }) : () -> ()
      %dma_wait3A_237 = arith.constant 2 : i32
      %dma_wait3A_238 = arith.constant 2 : i32
      %dma_wait3A_239 = arith.constant 0 : i32
      %dma_wait3A_240 = arith.constant 0 : i32
      %dma_wait3A_241 = tpu.memref_slice %arg8[%dma_wait3A_237, %dma_wait3A_239, %dma_wait3A_240] : memref<8x250x16xf32, #tpu.memory_space<vmem>> -> memref<1x250x16xf32, #tpu.memory_space<vmem>>
      %dma_wait3A_242 = tpu.memref_squeeze %dma_wait3A_241 : memref<1x250x16xf32, #tpu.memory_space<vmem>> -> memref<250x16xf32, #tpu.memory_space<vmem>>
      %dma_wait3A_243 = arith.constant 0 : i32
      %dma_wait3A_244 = tpu.memref_slice %arg2[%add3A_74, %dma_wait3A_243] : memref<320000x16xf32, #tpu.memory_space<hbm>> -> memref<250x16xf32, #tpu.memory_space<hbm>>
      %dma_wait3A_245 = tpu.memref_slice %arg12[%dma_wait3A_238] : memref<8x!tpu.dma_semaphore, #tpu.memory_space<semaphore_mem>> -> memref<1x!tpu.dma_semaphore, #tpu.memory_space<semaphore_mem>>
      %dma_wait3A_246 = tpu.memref_squeeze %dma_wait3A_245 : memref<1x!tpu.dma_semaphore, #tpu.memory_space<semaphore_mem>> -> memref<!tpu.dma_semaphore, #tpu.memory_space<semaphore_mem>>
      %dma_wait3A_247 = arith.constant 0 : i32
      %dma_wait3A_248 = arith.constant 0 : i32
      %dma_wait3A_249 = tpu.memref_slice %arg8[%dma_wait3A_237, %dma_wait3A_247, %dma_wait3A_248] : memref<8x250x16xf32, #tpu.memory_space<vmem>> -> memref<1x250x16xf32, #tpu.memory_space<vmem>>
      %dma_wait3A_250 = tpu.memref_squeeze %dma_wait3A_249 : memref<1x250x16xf32, #tpu.memory_space<vmem>> -> memref<250x16xf32, #tpu.memory_space<vmem>>
      %dma_wait3A_251 = arith.constant 0 : i32
      %dma_wait3A_252 = tpu.memref_slice %arg2[%add3A_74, %dma_wait3A_251] : memref<320000x16xf32, #tpu.memory_space<hbm>> -> memref<250x16xf32, #tpu.memory_space<hbm>>
      tpu.wait_dma2 semaphore(%dma_wait3A_246 : memref<!tpu.dma_semaphore, #tpu.memory_space<semaphore_mem>>) src(%dma_wait3A_252 : memref<250x16xf32, #tpu.memory_space<hbm>>) dst(%dma_wait3A_250 : memref<250x16xf32, #tpu.memory_space<vmem>>)
      %add3A_253 = arith.constant 2 : i32
      %add3A_254 = arith.addi %mul3A_27, %add3A_253 : i32
      %run_scoped3A_255 = arith.constant 2 : i32
      "tpu.region"() ({
        %run_scoped3A_363 = tpu.sem_alloc : memref<!tpu.dma_semaphore, #tpu.memory_space<semaphore_mem>>
        %dma_start3A_364 = arith.constant 0 : i32
        %dma_start3A_365 = arith.constant 0 : i32
        %dma_start3A_366 = tpu.memref_slice %arg8[%run_scoped3A_255, %dma_start3A_364, %dma_start3A_365] : memref<8x250x16xf32, #tpu.memory_space<vmem>> -> memref<1x250x16xf32, #tpu.memory_space<vmem>>
        %dma_start3A_367 = tpu.memref_squeeze %dma_start3A_366 : memref<1x250x16xf32, #tpu.memory_space<vmem>> -> memref<250x16xf32, #tpu.memory_space<vmem>>
        %dma_start3A_368 = arith.constant 0 : i32
        %dma_start3A_369 = tpu.memref_slice %arg7[%add3A_254, %dma_start3A_368] : memref<40x250xi32, #tpu.memory_space<vmem>> -> memref<1x250xi32, #tpu.memory_space<vmem>>
        %dma_start3A_370 = tpu.memref_squeeze %dma_start3A_369 : memref<1x250xi32, #tpu.memory_space<vmem>> -> memref<250xi32, #tpu.memory_space<vmem>>
        %dma_start3A_371 = arith.constant 0 : i32
        %dma_start3A_372 = arith.constant 0 : i32
        %dma_start3A_373 = tpu.memref_slice %arg10[%dma_start3A_371, %dma_start3A_372] : memref<10240x16xf32, #tpu.memory_space<vmem_shared>> -> memref<10240x16xf32, #tpu.memory_space<vmem_shared>>
        tpu.enqueue_indirect_dma source(%dma_start3A_367 : memref<250x16xf32, #tpu.memory_space<vmem>>) target(%dma_start3A_373 : memref<10240x16xf32, #tpu.memory_space<vmem_shared>>) offsets(%dma_start3A_370 : memref<250xi32, #tpu.memory_space<vmem>>) semaphore(%run_scoped3A_363 : memref<!tpu.dma_semaphore, #tpu.memory_space<semaphore_mem>>) {add = true}
        %dma_wait3A_374 = arith.constant 0 : i32
        %dma_wait3A_375 = arith.constant 0 : i32
        %dma_wait3A_376 = tpu.memref_slice %arg8[%run_scoped3A_255, %dma_wait3A_374, %dma_wait3A_375] : memref<8x250x16xf32, #tpu.memory_space<vmem>> -> memref<1x250x16xf32, #tpu.memory_space<vmem>>
        %dma_wait3A_377 = tpu.memref_squeeze %dma_wait3A_376 : memref<1x250x16xf32, #tpu.memory_space<vmem>> -> memref<250x16xf32, #tpu.memory_space<vmem>>
        %dma_wait3A_378 = arith.constant 0 : i32
        %dma_wait3A_379 = tpu.memref_slice %arg7[%add3A_254, %dma_wait3A_378] : memref<40x250xi32, #tpu.memory_space<vmem>> -> memref<1x250xi32, #tpu.memory_space<vmem>>
        %dma_wait3A_380 = tpu.memref_squeeze %dma_wait3A_379 : memref<1x250xi32, #tpu.memory_space<vmem>> -> memref<250xi32, #tpu.memory_space<vmem>>
        %dma_wait3A_381 = arith.constant 0 : i32
        %dma_wait3A_382 = arith.constant 0 : i32
        %dma_wait3A_383 = tpu.memref_slice %arg10[%dma_wait3A_381, %dma_wait3A_382] : memref<10240x16xf32, #tpu.memory_space<vmem_shared>> -> memref<10240x16xf32, #tpu.memory_space<vmem_shared>>
        tpu.wait_indirect_dma semaphore(%run_scoped3A_363 : memref<!tpu.dma_semaphore, #tpu.memory_space<semaphore_mem>>) src(%dma_wait3A_377 : memref<250x16xf32, #tpu.memory_space<vmem>>) dst(%dma_wait3A_383 : memref<10240x16xf32, #tpu.memory_space<vmem_shared>>)
        tpu.yield
      }) : () -> ()
      %add3A_256 = arith.constant 2 : i32
      %add3A_257 = arith.addi %mul3A_27, %add3A_256 : i32
      "tpu.region"() ({
        %run_scoped3A_363 = tpu.sem_alloc : memref<!tpu.dma_semaphore, #tpu.memory_space<semaphore_mem>>
        %dma_start3A_364 = arith.constant 0 : i32
        %dma_start3A_365 = tpu.memref_slice %arg7[%add3A_257, %dma_start3A_364] : memref<40x250xi32, #tpu.memory_space<vmem>> -> memref<1x250xi32, #tpu.memory_space<vmem>>
        %dma_start3A_366 = tpu.memref_squeeze %dma_start3A_365 : memref<1x250xi32, #tpu.memory_space<vmem>> -> memref<250xi32, #tpu.memory_space<vmem>>
        %dma_start3A_367 = arith.constant 0 : i32
        %dma_start3A_368 = arith.constant 0 : i32
        %dma_start3A_369 = tpu.memref_slice %arg11[%dma_start3A_367, %dma_start3A_368] : memref<10240x16xf32, #tpu.memory_space<vmem_shared>> -> memref<10240x16xf32, #tpu.memory_space<vmem_shared>>
        tpu.enqueue_indirect_dma source(%arg9 : memref<250x16xf32, #tpu.memory_space<vmem>>) target(%dma_start3A_369 : memref<10240x16xf32, #tpu.memory_space<vmem_shared>>) offsets(%dma_start3A_366 : memref<250xi32, #tpu.memory_space<vmem>>) semaphore(%run_scoped3A_363 : memref<!tpu.dma_semaphore, #tpu.memory_space<semaphore_mem>>) {add = true}
        %dma_wait3A_370 = arith.constant 0 : i32
        %dma_wait3A_371 = tpu.memref_slice %arg7[%add3A_257, %dma_wait3A_370] : memref<40x250xi32, #tpu.memory_space<vmem>> -> memref<1x250xi32, #tpu.memory_space<vmem>>
        %dma_wait3A_372 = tpu.memref_squeeze %dma_wait3A_371 : memref<1x250xi32, #tpu.memory_space<vmem>> -> memref<250xi32, #tpu.memory_space<vmem>>
        %dma_wait3A_373 = arith.constant 0 : i32
        %dma_wait3A_374 = arith.constant 0 : i32
        %dma_wait3A_375 = tpu.memref_slice %arg11[%dma_wait3A_373, %dma_wait3A_374] : memref<10240x16xf32, #tpu.memory_space<vmem_shared>> -> memref<10240x16xf32, #tpu.memory_space<vmem_shared>>
        tpu.wait_indirect_dma semaphore(%run_scoped3A_363 : memref<!tpu.dma_semaphore, #tpu.memory_space<semaphore_mem>>) src(%arg9 : memref<250x16xf32, #tpu.memory_space<vmem>>) dst(%dma_wait3A_375 : memref<10240x16xf32, #tpu.memory_space<vmem_shared>>)
        tpu.yield
      }) : () -> ()
      %dma_wait3A_258 = arith.constant 3 : i32
      %dma_wait3A_259 = arith.constant 3 : i32
      %dma_wait3A_260 = arith.constant 0 : i32
      %dma_wait3A_261 = arith.constant 0 : i32
      %dma_wait3A_262 = tpu.memref_slice %arg8[%dma_wait3A_258, %dma_wait3A_260, %dma_wait3A_261] : memref<8x250x16xf32, #tpu.memory_space<vmem>> -> memref<1x250x16xf32, #tpu.memory_space<vmem>>
      %dma_wait3A_263 = tpu.memref_squeeze %dma_wait3A_262 : memref<1x250x16xf32, #tpu.memory_space<vmem>> -> memref<250x16xf32, #tpu.memory_space<vmem>>
      %dma_wait3A_264 = arith.constant 0 : i32
      %dma_wait3A_265 = tpu.memref_slice %arg2[%add3A_95, %dma_wait3A_264] : memref<320000x16xf32, #tpu.memory_space<hbm>> -> memref<250x16xf32, #tpu.memory_space<hbm>>
      %dma_wait3A_266 = tpu.memref_slice %arg12[%dma_wait3A_259] : memref<8x!tpu.dma_semaphore, #tpu.memory_space<semaphore_mem>> -> memref<1x!tpu.dma_semaphore, #tpu.memory_space<semaphore_mem>>
      %dma_wait3A_267 = tpu.memref_squeeze %dma_wait3A_266 : memref<1x!tpu.dma_semaphore, #tpu.memory_space<semaphore_mem>> -> memref<!tpu.dma_semaphore, #tpu.memory_space<semaphore_mem>>
      %dma_wait3A_268 = arith.constant 0 : i32
      %dma_wait3A_269 = arith.constant 0 : i32
      %dma_wait3A_270 = tpu.memref_slice %arg8[%dma_wait3A_258, %dma_wait3A_268, %dma_wait3A_269] : memref<8x250x16xf32, #tpu.memory_space<vmem>> -> memref<1x250x16xf32, #tpu.memory_space<vmem>>
      %dma_wait3A_271 = tpu.memref_squeeze %dma_wait3A_270 : memref<1x250x16xf32, #tpu.memory_space<vmem>> -> memref<250x16xf32, #tpu.memory_space<vmem>>
      %dma_wait3A_272 = arith.constant 0 : i32
      %dma_wait3A_273 = tpu.memref_slice %arg2[%add3A_95, %dma_wait3A_272] : memref<320000x16xf32, #tpu.memory_space<hbm>> -> memref<250x16xf32, #tpu.memory_space<hbm>>
      tpu.wait_dma2 semaphore(%dma_wait3A_267 : memref<!tpu.dma_semaphore, #tpu.memory_space<semaphore_mem>>) src(%dma_wait3A_273 : memref<250x16xf32, #tpu.memory_space<hbm>>) dst(%dma_wait3A_271 : memref<250x16xf32, #tpu.memory_space<vmem>>)
      %add3A_274 = arith.constant 3 : i32
      %add3A_275 = arith.addi %mul3A_27, %add3A_274 : i32
      %run_scoped3A_276 = arith.constant 3 : i32
      "tpu.region"() ({
        %run_scoped3A_363 = tpu.sem_alloc : memref<!tpu.dma_semaphore, #tpu.memory_space<semaphore_mem>>
        %dma_start3A_364 = arith.constant 0 : i32
        %dma_start3A_365 = arith.constant 0 : i32
        %dma_start3A_366 = tpu.memref_slice %arg8[%run_scoped3A_276, %dma_start3A_364, %dma_start3A_365] : memref<8x250x16xf32, #tpu.memory_space<vmem>> -> memref<1x250x16xf32, #tpu.memory_space<vmem>>
        %dma_start3A_367 = tpu.memref_squeeze %dma_start3A_366 : memref<1x250x16xf32, #tpu.memory_space<vmem>> -> memref<250x16xf32, #tpu.memory_space<vmem>>
        %dma_start3A_368 = arith.constant 0 : i32
        %dma_start3A_369 = tpu.memref_slice %arg7[%add3A_275, %dma_start3A_368] : memref<40x250xi32, #tpu.memory_space<vmem>> -> memref<1x250xi32, #tpu.memory_space<vmem>>
        %dma_start3A_370 = tpu.memref_squeeze %dma_start3A_369 : memref<1x250xi32, #tpu.memory_space<vmem>> -> memref<250xi32, #tpu.memory_space<vmem>>
        %dma_start3A_371 = arith.constant 0 : i32
        %dma_start3A_372 = arith.constant 0 : i32
        %dma_start3A_373 = tpu.memref_slice %arg10[%dma_start3A_371, %dma_start3A_372] : memref<10240x16xf32, #tpu.memory_space<vmem_shared>> -> memref<10240x16xf32, #tpu.memory_space<vmem_shared>>
        tpu.enqueue_indirect_dma source(%dma_start3A_367 : memref<250x16xf32, #tpu.memory_space<vmem>>) target(%dma_start3A_373 : memref<10240x16xf32, #tpu.memory_space<vmem_shared>>) offsets(%dma_start3A_370 : memref<250xi32, #tpu.memory_space<vmem>>) semaphore(%run_scoped3A_363 : memref<!tpu.dma_semaphore, #tpu.memory_space<semaphore_mem>>) {add = true}
        %dma_wait3A_374 = arith.constant 0 : i32
        %dma_wait3A_375 = arith.constant 0 : i32
        %dma_wait3A_376 = tpu.memref_slice %arg8[%run_scoped3A_276, %dma_wait3A_374, %dma_wait3A_375] : memref<8x250x16xf32, #tpu.memory_space<vmem>> -> memref<1x250x16xf32, #tpu.memory_space<vmem>>
        %dma_wait3A_377 = tpu.memref_squeeze %dma_wait3A_376 : memref<1x250x16xf32, #tpu.memory_space<vmem>> -> memref<250x16xf32, #tpu.memory_space<vmem>>
        %dma_wait3A_378 = arith.constant 0 : i32
        %dma_wait3A_379 = tpu.memref_slice %arg7[%add3A_275, %dma_wait3A_378] : memref<40x250xi32, #tpu.memory_space<vmem>> -> memref<1x250xi32, #tpu.memory_space<vmem>>
        %dma_wait3A_380 = tpu.memref_squeeze %dma_wait3A_379 : memref<1x250xi32, #tpu.memory_space<vmem>> -> memref<250xi32, #tpu.memory_space<vmem>>
        %dma_wait3A_381 = arith.constant 0 : i32
        %dma_wait3A_382 = arith.constant 0 : i32
        %dma_wait3A_383 = tpu.memref_slice %arg10[%dma_wait3A_381, %dma_wait3A_382] : memref<10240x16xf32, #tpu.memory_space<vmem_shared>> -> memref<10240x16xf32, #tpu.memory_space<vmem_shared>>
        tpu.wait_indirect_dma semaphore(%run_scoped3A_363 : memref<!tpu.dma_semaphore, #tpu.memory_space<semaphore_mem>>) src(%dma_wait3A_377 : memref<250x16xf32, #tpu.memory_space<vmem>>) dst(%dma_wait3A_383 : memref<10240x16xf32, #tpu.memory_space<vmem_shared>>)
        tpu.yield
      }) : () -> ()
      %add3A_277 = arith.constant 3 : i32
      %add3A_278 = arith.addi %mul3A_27, %add3A_277 : i32
      "tpu.region"() ({
        %run_scoped3A_363 = tpu.sem_alloc : memref<!tpu.dma_semaphore, #tpu.memory_space<semaphore_mem>>
        %dma_start3A_364 = arith.constant 0 : i32
        %dma_start3A_365 = tpu.memref_slice %arg7[%add3A_278, %dma_start3A_364] : memref<40x250xi32, #tpu.memory_space<vmem>> -> memref<1x250xi32, #tpu.memory_space<vmem>>
        %dma_start3A_366 = tpu.memref_squeeze %dma_start3A_365 : memref<1x250xi32, #tpu.memory_space<vmem>> -> memref<250xi32, #tpu.memory_space<vmem>>
        %dma_start3A_367 = arith.constant 0 : i32
        %dma_start3A_368 = arith.constant 0 : i32
        %dma_start3A_369 = tpu.memref_slice %arg11[%dma_start3A_367, %dma_start3A_368] : memref<10240x16xf32, #tpu.memory_space<vmem_shared>> -> memref<10240x16xf32, #tpu.memory_space<vmem_shared>>
        tpu.enqueue_indirect_dma source(%arg9 : memref<250x16xf32, #tpu.memory_space<vmem>>) target(%dma_start3A_369 : memref<10240x16xf32, #tpu.memory_space<vmem_shared>>) offsets(%dma_start3A_366 : memref<250xi32, #tpu.memory_space<vmem>>) semaphore(%run_scoped3A_363 : memref<!tpu.dma_semaphore, #tpu.memory_space<semaphore_mem>>) {add = true}
        %dma_wait3A_370 = arith.constant 0 : i32
        %dma_wait3A_371 = tpu.memref_slice %arg7[%add3A_278, %dma_wait3A_370] : memref<40x250xi32, #tpu.memory_space<vmem>> -> memref<1x250xi32, #tpu.memory_space<vmem>>
        %dma_wait3A_372 = tpu.memref_squeeze %dma_wait3A_371 : memref<1x250xi32, #tpu.memory_space<vmem>> -> memref<250xi32, #tpu.memory_space<vmem>>
        %dma_wait3A_373 = arith.constant 0 : i32
        %dma_wait3A_374 = arith.constant 0 : i32
        %dma_wait3A_375 = tpu.memref_slice %arg11[%dma_wait3A_373, %dma_wait3A_374] : memref<10240x16xf32, #tpu.memory_space<vmem_shared>> -> memref<10240x16xf32, #tpu.memory_space<vmem_shared>>
        tpu.wait_indirect_dma semaphore(%run_scoped3A_363 : memref<!tpu.dma_semaphore, #tpu.memory_space<semaphore_mem>>) src(%arg9 : memref<250x16xf32, #tpu.memory_space<vmem>>) dst(%dma_wait3A_375 : memref<10240x16xf32, #tpu.memory_space<vmem_shared>>)
        tpu.yield
      }) : () -> ()
      %dma_wait3A_279 = arith.constant 4 : i32
      %dma_wait3A_280 = arith.constant 4 : i32
      %dma_wait3A_281 = arith.constant 0 : i32
      %dma_wait3A_282 = arith.constant 0 : i32
      %dma_wait3A_283 = tpu.memref_slice %arg8[%dma_wait3A_279, %dma_wait3A_281, %dma_wait3A_282] : memref<8x250x16xf32, #tpu.memory_space<vmem>> -> memref<1x250x16xf32, #tpu.memory_space<vmem>>
      %dma_wait3A_284 = tpu.memref_squeeze %dma_wait3A_283 : memref<1x250x16xf32, #tpu.memory_space<vmem>> -> memref<250x16xf32, #tpu.memory_space<vmem>>
      %dma_wait3A_285 = arith.constant 0 : i32
      %dma_wait3A_286 = tpu.memref_slice %arg2[%add3A_116, %dma_wait3A_285] : memref<320000x16xf32, #tpu.memory_space<hbm>> -> memref<250x16xf32, #tpu.memory_space<hbm>>
      %dma_wait3A_287 = tpu.memref_slice %arg12[%dma_wait3A_280] : memref<8x!tpu.dma_semaphore, #tpu.memory_space<semaphore_mem>> -> memref<1x!tpu.dma_semaphore, #tpu.memory_space<semaphore_mem>>
      %dma_wait3A_288 = tpu.memref_squeeze %dma_wait3A_287 : memref<1x!tpu.dma_semaphore, #tpu.memory_space<semaphore_mem>> -> memref<!tpu.dma_semaphore, #tpu.memory_space<semaphore_mem>>
      %dma_wait3A_289 = arith.constant 0 : i32
      %dma_wait3A_290 = arith.constant 0 : i32
      %dma_wait3A_291 = tpu.memref_slice %arg8[%dma_wait3A_279, %dma_wait3A_289, %dma_wait3A_290] : memref<8x250x16xf32, #tpu.memory_space<vmem>> -> memref<1x250x16xf32, #tpu.memory_space<vmem>>
      %dma_wait3A_292 = tpu.memref_squeeze %dma_wait3A_291 : memref<1x250x16xf32, #tpu.memory_space<vmem>> -> memref<250x16xf32, #tpu.memory_space<vmem>>
      %dma_wait3A_293 = arith.constant 0 : i32
      %dma_wait3A_294 = tpu.memref_slice %arg2[%add3A_116, %dma_wait3A_293] : memref<320000x16xf32, #tpu.memory_space<hbm>> -> memref<250x16xf32, #tpu.memory_space<hbm>>
      tpu.wait_dma2 semaphore(%dma_wait3A_288 : memref<!tpu.dma_semaphore, #tpu.memory_space<semaphore_mem>>) src(%dma_wait3A_294 : memref<250x16xf32, #tpu.memory_space<hbm>>) dst(%dma_wait3A_292 : memref<250x16xf32, #tpu.memory_space<vmem>>)
      %add3A_295 = arith.constant 4 : i32
      %add3A_296 = arith.addi %mul3A_27, %add3A_295 : i32
      %run_scoped3A_297 = arith.constant 4 : i32
      "tpu.region"() ({
        %run_scoped3A_363 = tpu.sem_alloc : memref<!tpu.dma_semaphore, #tpu.memory_space<semaphore_mem>>
        %dma_start3A_364 = arith.constant 0 : i32
        %dma_start3A_365 = arith.constant 0 : i32
        %dma_start3A_366 = tpu.memref_slice %arg8[%run_scoped3A_297, %dma_start3A_364, %dma_start3A_365] : memref<8x250x16xf32, #tpu.memory_space<vmem>> -> memref<1x250x16xf32, #tpu.memory_space<vmem>>
        %dma_start3A_367 = tpu.memref_squeeze %dma_start3A_366 : memref<1x250x16xf32, #tpu.memory_space<vmem>> -> memref<250x16xf32, #tpu.memory_space<vmem>>
        %dma_start3A_368 = arith.constant 0 : i32
        %dma_start3A_369 = tpu.memref_slice %arg7[%add3A_296, %dma_start3A_368] : memref<40x250xi32, #tpu.memory_space<vmem>> -> memref<1x250xi32, #tpu.memory_space<vmem>>
        %dma_start3A_370 = tpu.memref_squeeze %dma_start3A_369 : memref<1x250xi32, #tpu.memory_space<vmem>> -> memref<250xi32, #tpu.memory_space<vmem>>
        %dma_start3A_371 = arith.constant 0 : i32
        %dma_start3A_372 = arith.constant 0 : i32
        %dma_start3A_373 = tpu.memref_slice %arg10[%dma_start3A_371, %dma_start3A_372] : memref<10240x16xf32, #tpu.memory_space<vmem_shared>> -> memref<10240x16xf32, #tpu.memory_space<vmem_shared>>
        tpu.enqueue_indirect_dma source(%dma_start3A_367 : memref<250x16xf32, #tpu.memory_space<vmem>>) target(%dma_start3A_373 : memref<10240x16xf32, #tpu.memory_space<vmem_shared>>) offsets(%dma_start3A_370 : memref<250xi32, #tpu.memory_space<vmem>>) semaphore(%run_scoped3A_363 : memref<!tpu.dma_semaphore, #tpu.memory_space<semaphore_mem>>) {add = true}
        %dma_wait3A_374 = arith.constant 0 : i32
        %dma_wait3A_375 = arith.constant 0 : i32
        %dma_wait3A_376 = tpu.memref_slice %arg8[%run_scoped3A_297, %dma_wait3A_374, %dma_wait3A_375] : memref<8x250x16xf32, #tpu.memory_space<vmem>> -> memref<1x250x16xf32, #tpu.memory_space<vmem>>
        %dma_wait3A_377 = tpu.memref_squeeze %dma_wait3A_376 : memref<1x250x16xf32, #tpu.memory_space<vmem>> -> memref<250x16xf32, #tpu.memory_space<vmem>>
        %dma_wait3A_378 = arith.constant 0 : i32
        %dma_wait3A_379 = tpu.memref_slice %arg7[%add3A_296, %dma_wait3A_378] : memref<40x250xi32, #tpu.memory_space<vmem>> -> memref<1x250xi32, #tpu.memory_space<vmem>>
        %dma_wait3A_380 = tpu.memref_squeeze %dma_wait3A_379 : memref<1x250xi32, #tpu.memory_space<vmem>> -> memref<250xi32, #tpu.memory_space<vmem>>
        %dma_wait3A_381 = arith.constant 0 : i32
        %dma_wait3A_382 = arith.constant 0 : i32
        %dma_wait3A_383 = tpu.memref_slice %arg10[%dma_wait3A_381, %dma_wait3A_382] : memref<10240x16xf32, #tpu.memory_space<vmem_shared>> -> memref<10240x16xf32, #tpu.memory_space<vmem_shared>>
        tpu.wait_indirect_dma semaphore(%run_scoped3A_363 : memref<!tpu.dma_semaphore, #tpu.memory_space<semaphore_mem>>) src(%dma_wait3A_377 : memref<250x16xf32, #tpu.memory_space<vmem>>) dst(%dma_wait3A_383 : memref<10240x16xf32, #tpu.memory_space<vmem_shared>>)
        tpu.yield
      }) : () -> ()
      %add3A_298 = arith.constant 4 : i32
      %add3A_299 = arith.addi %mul3A_27, %add3A_298 : i32
      "tpu.region"() ({
        %run_scoped3A_363 = tpu.sem_alloc : memref<!tpu.dma_semaphore, #tpu.memory_space<semaphore_mem>>
        %dma_start3A_364 = arith.constant 0 : i32
        %dma_start3A_365 = tpu.memref_slice %arg7[%add3A_299, %dma_start3A_364] : memref<40x250xi32, #tpu.memory_space<vmem>> -> memref<1x250xi32, #tpu.memory_space<vmem>>
        %dma_start3A_366 = tpu.memref_squeeze %dma_start3A_365 : memref<1x250xi32, #tpu.memory_space<vmem>> -> memref<250xi32, #tpu.memory_space<vmem>>
        %dma_start3A_367 = arith.constant 0 : i32
        %dma_start3A_368 = arith.constant 0 : i32
        %dma_start3A_369 = tpu.memref_slice %arg11[%dma_start3A_367, %dma_start3A_368] : memref<10240x16xf32, #tpu.memory_space<vmem_shared>> -> memref<10240x16xf32, #tpu.memory_space<vmem_shared>>
        tpu.enqueue_indirect_dma source(%arg9 : memref<250x16xf32, #tpu.memory_space<vmem>>) target(%dma_start3A_369 : memref<10240x16xf32, #tpu.memory_space<vmem_shared>>) offsets(%dma_start3A_366 : memref<250xi32, #tpu.memory_space<vmem>>) semaphore(%run_scoped3A_363 : memref<!tpu.dma_semaphore, #tpu.memory_space<semaphore_mem>>) {add = true}
        %dma_wait3A_370 = arith.constant 0 : i32
        %dma_wait3A_371 = tpu.memref_slice %arg7[%add3A_299, %dma_wait3A_370] : memref<40x250xi32, #tpu.memory_space<vmem>> -> memref<1x250xi32, #tpu.memory_space<vmem>>
        %dma_wait3A_372 = tpu.memref_squeeze %dma_wait3A_371 : memref<1x250xi32, #tpu.memory_space<vmem>> -> memref<250xi32, #tpu.memory_space<vmem>>
        %dma_wait3A_373 = arith.constant 0 : i32
        %dma_wait3A_374 = arith.constant 0 : i32
        %dma_wait3A_375 = tpu.memref_slice %arg11[%dma_wait3A_373, %dma_wait3A_374] : memref<10240x16xf32, #tpu.memory_space<vmem_shared>> -> memref<10240x16xf32, #tpu.memory_space<vmem_shared>>
        tpu.wait_indirect_dma semaphore(%run_scoped3A_363 : memref<!tpu.dma_semaphore, #tpu.memory_space<semaphore_mem>>) src(%arg9 : memref<250x16xf32, #tpu.memory_space<vmem>>) dst(%dma_wait3A_375 : memref<10240x16xf32, #tpu.memory_space<vmem_shared>>)
        tpu.yield
      }) : () -> ()
      %dma_wait3A_300 = arith.constant 5 : i32
      %dma_wait3A_301 = arith.constant 5 : i32
      %dma_wait3A_302 = arith.constant 0 : i32
      %dma_wait3A_303 = arith.constant 0 : i32
      %dma_wait3A_304 = tpu.memref_slice %arg8[%dma_wait3A_300, %dma_wait3A_302, %dma_wait3A_303] : memref<8x250x16xf32, #tpu.memory_space<vmem>> -> memref<1x250x16xf32, #tpu.memory_space<vmem>>
      %dma_wait3A_305 = tpu.memref_squeeze %dma_wait3A_304 : memref<1x250x16xf32, #tpu.memory_space<vmem>> -> memref<250x16xf32, #tpu.memory_space<vmem>>
      %dma_wait3A_306 = arith.constant 0 : i32
      %dma_wait3A_307 = tpu.memref_slice %arg2[%add3A_137, %dma_wait3A_306] : memref<320000x16xf32, #tpu.memory_space<hbm>> -> memref<250x16xf32, #tpu.memory_space<hbm>>
      %dma_wait3A_308 = tpu.memref_slice %arg12[%dma_wait3A_301] : memref<8x!tpu.dma_semaphore, #tpu.memory_space<semaphore_mem>> -> memref<1x!tpu.dma_semaphore, #tpu.memory_space<semaphore_mem>>
      %dma_wait3A_309 = tpu.memref_squeeze %dma_wait3A_308 : memref<1x!tpu.dma_semaphore, #tpu.memory_space<semaphore_mem>> -> memref<!tpu.dma_semaphore, #tpu.memory_space<semaphore_mem>>
      %dma_wait3A_310 = arith.constant 0 : i32
      %dma_wait3A_311 = arith.constant 0 : i32
      %dma_wait3A_312 = tpu.memref_slice %arg8[%dma_wait3A_300, %dma_wait3A_310, %dma_wait3A_311] : memref<8x250x16xf32, #tpu.memory_space<vmem>> -> memref<1x250x16xf32, #tpu.memory_space<vmem>>
      %dma_wait3A_313 = tpu.memref_squeeze %dma_wait3A_312 : memref<1x250x16xf32, #tpu.memory_space<vmem>> -> memref<250x16xf32, #tpu.memory_space<vmem>>
      %dma_wait3A_314 = arith.constant 0 : i32
      %dma_wait3A_315 = tpu.memref_slice %arg2[%add3A_137, %dma_wait3A_314] : memref<320000x16xf32, #tpu.memory_space<hbm>> -> memref<250x16xf32, #tpu.memory_space<hbm>>
      tpu.wait_dma2 semaphore(%dma_wait3A_309 : memref<!tpu.dma_semaphore, #tpu.memory_space<semaphore_mem>>) src(%dma_wait3A_315 : memref<250x16xf32, #tpu.memory_space<hbm>>) dst(%dma_wait3A_313 : memref<250x16xf32, #tpu.memory_space<vmem>>)
      %add3A_316 = arith.constant 5 : i32
      %add3A_317 = arith.addi %mul3A_27, %add3A_316 : i32
      %run_scoped3A_318 = arith.constant 5 : i32
      "tpu.region"() ({
        %run_scoped3A_363 = tpu.sem_alloc : memref<!tpu.dma_semaphore, #tpu.memory_space<semaphore_mem>>
        %dma_start3A_364 = arith.constant 0 : i32
        %dma_start3A_365 = arith.constant 0 : i32
        %dma_start3A_366 = tpu.memref_slice %arg8[%run_scoped3A_318, %dma_start3A_364, %dma_start3A_365] : memref<8x250x16xf32, #tpu.memory_space<vmem>> -> memref<1x250x16xf32, #tpu.memory_space<vmem>>
        %dma_start3A_367 = tpu.memref_squeeze %dma_start3A_366 : memref<1x250x16xf32, #tpu.memory_space<vmem>> -> memref<250x16xf32, #tpu.memory_space<vmem>>
        %dma_start3A_368 = arith.constant 0 : i32
        %dma_start3A_369 = tpu.memref_slice %arg7[%add3A_317, %dma_start3A_368] : memref<40x250xi32, #tpu.memory_space<vmem>> -> memref<1x250xi32, #tpu.memory_space<vmem>>
        %dma_start3A_370 = tpu.memref_squeeze %dma_start3A_369 : memref<1x250xi32, #tpu.memory_space<vmem>> -> memref<250xi32, #tpu.memory_space<vmem>>
        %dma_start3A_371 = arith.constant 0 : i32
        %dma_start3A_372 = arith.constant 0 : i32
        %dma_start3A_373 = tpu.memref_slice %arg10[%dma_start3A_371, %dma_start3A_372] : memref<10240x16xf32, #tpu.memory_space<vmem_shared>> -> memref<10240x16xf32, #tpu.memory_space<vmem_shared>>
        tpu.enqueue_indirect_dma source(%dma_start3A_367 : memref<250x16xf32, #tpu.memory_space<vmem>>) target(%dma_start3A_373 : memref<10240x16xf32, #tpu.memory_space<vmem_shared>>) offsets(%dma_start3A_370 : memref<250xi32, #tpu.memory_space<vmem>>) semaphore(%run_scoped3A_363 : memref<!tpu.dma_semaphore, #tpu.memory_space<semaphore_mem>>) {add = true}
        %dma_wait3A_374 = arith.constant 0 : i32
        %dma_wait3A_375 = arith.constant 0 : i32
        %dma_wait3A_376 = tpu.memref_slice %arg8[%run_scoped3A_318, %dma_wait3A_374, %dma_wait3A_375] : memref<8x250x16xf32, #tpu.memory_space<vmem>> -> memref<1x250x16xf32, #tpu.memory_space<vmem>>
        %dma_wait3A_377 = tpu.memref_squeeze %dma_wait3A_376 : memref<1x250x16xf32, #tpu.memory_space<vmem>> -> memref<250x16xf32, #tpu.memory_space<vmem>>
        %dma_wait3A_378 = arith.constant 0 : i32
        %dma_wait3A_379 = tpu.memref_slice %arg7[%add3A_317, %dma_wait3A_378] : memref<40x250xi32, #tpu.memory_space<vmem>> -> memref<1x250xi32, #tpu.memory_space<vmem>>
        %dma_wait3A_380 = tpu.memref_squeeze %dma_wait3A_379 : memref<1x250xi32, #tpu.memory_space<vmem>> -> memref<250xi32, #tpu.memory_space<vmem>>
        %dma_wait3A_381 = arith.constant 0 : i32
        %dma_wait3A_382 = arith.constant 0 : i32
        %dma_wait3A_383 = tpu.memref_slice %arg10[%dma_wait3A_381, %dma_wait3A_382] : memref<10240x16xf32, #tpu.memory_space<vmem_shared>> -> memref<10240x16xf32, #tpu.memory_space<vmem_shared>>
        tpu.wait_indirect_dma semaphore(%run_scoped3A_363 : memref<!tpu.dma_semaphore, #tpu.memory_space<semaphore_mem>>) src(%dma_wait3A_377 : memref<250x16xf32, #tpu.memory_space<vmem>>) dst(%dma_wait3A_383 : memref<10240x16xf32, #tpu.memory_space<vmem_shared>>)
        tpu.yield
      }) : () -> ()
      %add3A_319 = arith.constant 5 : i32
      %add3A_320 = arith.addi %mul3A_27, %add3A_319 : i32
      "tpu.region"() ({
        %run_scoped3A_363 = tpu.sem_alloc : memref<!tpu.dma_semaphore, #tpu.memory_space<semaphore_mem>>
        %dma_start3A_364 = arith.constant 0 : i32
        %dma_start3A_365 = tpu.memref_slice %arg7[%add3A_320, %dma_start3A_364] : memref<40x250xi32, #tpu.memory_space<vmem>> -> memref<1x250xi32, #tpu.memory_space<vmem>>
        %dma_start3A_366 = tpu.memref_squeeze %dma_start3A_365 : memref<1x250xi32, #tpu.memory_space<vmem>> -> memref<250xi32, #tpu.memory_space<vmem>>
        %dma_start3A_367 = arith.constant 0 : i32
        %dma_start3A_368 = arith.constant 0 : i32
        %dma_start3A_369 = tpu.memref_slice %arg11[%dma_start3A_367, %dma_start3A_368] : memref<10240x16xf32, #tpu.memory_space<vmem_shared>> -> memref<10240x16xf32, #tpu.memory_space<vmem_shared>>
        tpu.enqueue_indirect_dma source(%arg9 : memref<250x16xf32, #tpu.memory_space<vmem>>) target(%dma_start3A_369 : memref<10240x16xf32, #tpu.memory_space<vmem_shared>>) offsets(%dma_start3A_366 : memref<250xi32, #tpu.memory_space<vmem>>) semaphore(%run_scoped3A_363 : memref<!tpu.dma_semaphore, #tpu.memory_space<semaphore_mem>>) {add = true}
        %dma_wait3A_370 = arith.constant 0 : i32
        %dma_wait3A_371 = tpu.memref_slice %arg7[%add3A_320, %dma_wait3A_370] : memref<40x250xi32, #tpu.memory_space<vmem>> -> memref<1x250xi32, #tpu.memory_space<vmem>>
        %dma_wait3A_372 = tpu.memref_squeeze %dma_wait3A_371 : memref<1x250xi32, #tpu.memory_space<vmem>> -> memref<250xi32, #tpu.memory_space<vmem>>
        %dma_wait3A_373 = arith.constant 0 : i32
        %dma_wait3A_374 = arith.constant 0 : i32
        %dma_wait3A_375 = tpu.memref_slice %arg11[%dma_wait3A_373, %dma_wait3A_374] : memref<10240x16xf32, #tpu.memory_space<vmem_shared>> -> memref<10240x16xf32, #tpu.memory_space<vmem_shared>>
        tpu.wait_indirect_dma semaphore(%run_scoped3A_363 : memref<!tpu.dma_semaphore, #tpu.memory_space<semaphore_mem>>) src(%arg9 : memref<250x16xf32, #tpu.memory_space<vmem>>) dst(%dma_wait3A_375 : memref<10240x16xf32, #tpu.memory_space<vmem_shared>>)
        tpu.yield
      }) : () -> ()
      %dma_wait3A_321 = arith.constant 6 : i32
      %dma_wait3A_322 = arith.constant 6 : i32
      %dma_wait3A_323 = arith.constant 0 : i32
      %dma_wait3A_324 = arith.constant 0 : i32
      %dma_wait3A_325 = tpu.memref_slice %arg8[%dma_wait3A_321, %dma_wait3A_323, %dma_wait3A_324] : memref<8x250x16xf32, #tpu.memory_space<vmem>> -> memref<1x250x16xf32, #tpu.memory_space<vmem>>
      %dma_wait3A_326 = tpu.memref_squeeze %dma_wait3A_325 : memref<1x250x16xf32, #tpu.memory_space<vmem>> -> memref<250x16xf32, #tpu.memory_space<vmem>>
      %dma_wait3A_327 = arith.constant 0 : i32
      %dma_wait3A_328 = tpu.memref_slice %arg2[%add3A_158, %dma_wait3A_327] : memref<320000x16xf32, #tpu.memory_space<hbm>> -> memref<250x16xf32, #tpu.memory_space<hbm>>
      %dma_wait3A_329 = tpu.memref_slice %arg12[%dma_wait3A_322] : memref<8x!tpu.dma_semaphore, #tpu.memory_space<semaphore_mem>> -> memref<1x!tpu.dma_semaphore, #tpu.memory_space<semaphore_mem>>
      %dma_wait3A_330 = tpu.memref_squeeze %dma_wait3A_329 : memref<1x!tpu.dma_semaphore, #tpu.memory_space<semaphore_mem>> -> memref<!tpu.dma_semaphore, #tpu.memory_space<semaphore_mem>>
      %dma_wait3A_331 = arith.constant 0 : i32
      %dma_wait3A_332 = arith.constant 0 : i32
      %dma_wait3A_333 = tpu.memref_slice %arg8[%dma_wait3A_321, %dma_wait3A_331, %dma_wait3A_332] : memref<8x250x16xf32, #tpu.memory_space<vmem>> -> memref<1x250x16xf32, #tpu.memory_space<vmem>>
      %dma_wait3A_334 = tpu.memref_squeeze %dma_wait3A_333 : memref<1x250x16xf32, #tpu.memory_space<vmem>> -> memref<250x16xf32, #tpu.memory_space<vmem>>
      %dma_wait3A_335 = arith.constant 0 : i32
      %dma_wait3A_336 = tpu.memref_slice %arg2[%add3A_158, %dma_wait3A_335] : memref<320000x16xf32, #tpu.memory_space<hbm>> -> memref<250x16xf32, #tpu.memory_space<hbm>>
      tpu.wait_dma2 semaphore(%dma_wait3A_330 : memref<!tpu.dma_semaphore, #tpu.memory_space<semaphore_mem>>) src(%dma_wait3A_336 : memref<250x16xf32, #tpu.memory_space<hbm>>) dst(%dma_wait3A_334 : memref<250x16xf32, #tpu.memory_space<vmem>>)
      %add3A_337 = arith.constant 6 : i32
      %add3A_338 = arith.addi %mul3A_27, %add3A_337 : i32
      %run_scoped3A_339 = arith.constant 6 : i32
      "tpu.region"() ({
        %run_scoped3A_363 = tpu.sem_alloc : memref<!tpu.dma_semaphore, #tpu.memory_space<semaphore_mem>>
        %dma_start3A_364 = arith.constant 0 : i32
        %dma_start3A_365 = arith.constant 0 : i32
        %dma_start3A_366 = tpu.memref_slice %arg8[%run_scoped3A_339, %dma_start3A_364, %dma_start3A_365] : memref<8x250x16xf32, #tpu.memory_space<vmem>> -> memref<1x250x16xf32, #tpu.memory_space<vmem>>
        %dma_start3A_367 = tpu.memref_squeeze %dma_start3A_366 : memref<1x250x16xf32, #tpu.memory_space<vmem>> -> memref<250x16xf32, #tpu.memory_space<vmem>>
        %dma_start3A_368 = arith.constant 0 : i32
        %dma_start3A_369 = tpu.memref_slice %arg7[%add3A_338, %dma_start3A_368] : memref<40x250xi32, #tpu.memory_space<vmem>> -> memref<1x250xi32, #tpu.memory_space<vmem>>
        %dma_start3A_370 = tpu.memref_squeeze %dma_start3A_369 : memref<1x250xi32, #tpu.memory_space<vmem>> -> memref<250xi32, #tpu.memory_space<vmem>>
        %dma_start3A_371 = arith.constant 0 : i32
        %dma_start3A_372 = arith.constant 0 : i32
        %dma_start3A_373 = tpu.memref_slice %arg10[%dma_start3A_371, %dma_start3A_372] : memref<10240x16xf32, #tpu.memory_space<vmem_shared>> -> memref<10240x16xf32, #tpu.memory_space<vmem_shared>>
        tpu.enqueue_indirect_dma source(%dma_start3A_367 : memref<250x16xf32, #tpu.memory_space<vmem>>) target(%dma_start3A_373 : memref<10240x16xf32, #tpu.memory_space<vmem_shared>>) offsets(%dma_start3A_370 : memref<250xi32, #tpu.memory_space<vmem>>) semaphore(%run_scoped3A_363 : memref<!tpu.dma_semaphore, #tpu.memory_space<semaphore_mem>>) {add = true}
        %dma_wait3A_374 = arith.constant 0 : i32
        %dma_wait3A_375 = arith.constant 0 : i32
        %dma_wait3A_376 = tpu.memref_slice %arg8[%run_scoped3A_339, %dma_wait3A_374, %dma_wait3A_375] : memref<8x250x16xf32, #tpu.memory_space<vmem>> -> memref<1x250x16xf32, #tpu.memory_space<vmem>>
        %dma_wait3A_377 = tpu.memref_squeeze %dma_wait3A_376 : memref<1x250x16xf32, #tpu.memory_space<vmem>> -> memref<250x16xf32, #tpu.memory_space<vmem>>
        %dma_wait3A_378 = arith.constant 0 : i32
        %dma_wait3A_379 = tpu.memref_slice %arg7[%add3A_338, %dma_wait3A_378] : memref<40x250xi32, #tpu.memory_space<vmem>> -> memref<1x250xi32, #tpu.memory_space<vmem>>
        %dma_wait3A_380 = tpu.memref_squeeze %dma_wait3A_379 : memref<1x250xi32, #tpu.memory_space<vmem>> -> memref<250xi32, #tpu.memory_space<vmem>>
        %dma_wait3A_381 = arith.constant 0 : i32
        %dma_wait3A_382 = arith.constant 0 : i32
        %dma_wait3A_383 = tpu.memref_slice %arg10[%dma_wait3A_381, %dma_wait3A_382] : memref<10240x16xf32, #tpu.memory_space<vmem_shared>> -> memref<10240x16xf32, #tpu.memory_space<vmem_shared>>
        tpu.wait_indirect_dma semaphore(%run_scoped3A_363 : memref<!tpu.dma_semaphore, #tpu.memory_space<semaphore_mem>>) src(%dma_wait3A_377 : memref<250x16xf32, #tpu.memory_space<vmem>>) dst(%dma_wait3A_383 : memref<10240x16xf32, #tpu.memory_space<vmem_shared>>)
        tpu.yield
      }) : () -> ()
      %add3A_340 = arith.constant 6 : i32
      %add3A_341 = arith.addi %mul3A_27, %add3A_340 : i32
      "tpu.region"() ({
        %run_scoped3A_363 = tpu.sem_alloc : memref<!tpu.dma_semaphore, #tpu.memory_space<semaphore_mem>>
        %dma_start3A_364 = arith.constant 0 : i32
        %dma_start3A_365 = tpu.memref_slice %arg7[%add3A_341, %dma_start3A_364] : memref<40x250xi32, #tpu.memory_space<vmem>> -> memref<1x250xi32, #tpu.memory_space<vmem>>
        %dma_start3A_366 = tpu.memref_squeeze %dma_start3A_365 : memref<1x250xi32, #tpu.memory_space<vmem>> -> memref<250xi32, #tpu.memory_space<vmem>>
        %dma_start3A_367 = arith.constant 0 : i32
        %dma_start3A_368 = arith.constant 0 : i32
        %dma_start3A_369 = tpu.memref_slice %arg11[%dma_start3A_367, %dma_start3A_368] : memref<10240x16xf32, #tpu.memory_space<vmem_shared>> -> memref<10240x16xf32, #tpu.memory_space<vmem_shared>>
        tpu.enqueue_indirect_dma source(%arg9 : memref<250x16xf32, #tpu.memory_space<vmem>>) target(%dma_start3A_369 : memref<10240x16xf32, #tpu.memory_space<vmem_shared>>) offsets(%dma_start3A_366 : memref<250xi32, #tpu.memory_space<vmem>>) semaphore(%run_scoped3A_363 : memref<!tpu.dma_semaphore, #tpu.memory_space<semaphore_mem>>) {add = true}
        %dma_wait3A_370 = arith.constant 0 : i32
        %dma_wait3A_371 = tpu.memref_slice %arg7[%add3A_341, %dma_wait3A_370] : memref<40x250xi32, #tpu.memory_space<vmem>> -> memref<1x250xi32, #tpu.memory_space<vmem>>
        %dma_wait3A_372 = tpu.memref_squeeze %dma_wait3A_371 : memref<1x250xi32, #tpu.memory_space<vmem>> -> memref<250xi32, #tpu.memory_space<vmem>>
        %dma_wait3A_373 = arith.constant 0 : i32
        %dma_wait3A_374 = arith.constant 0 : i32
        %dma_wait3A_375 = tpu.memref_slice %arg11[%dma_wait3A_373, %dma_wait3A_374] : memref<10240x16xf32, #tpu.memory_space<vmem_shared>> -> memref<10240x16xf32, #tpu.memory_space<vmem_shared>>
        tpu.wait_indirect_dma semaphore(%run_scoped3A_363 : memref<!tpu.dma_semaphore, #tpu.memory_space<semaphore_mem>>) src(%arg9 : memref<250x16xf32, #tpu.memory_space<vmem>>) dst(%dma_wait3A_375 : memref<10240x16xf32, #tpu.memory_space<vmem_shared>>)
        tpu.yield
      }) : () -> ()
      %dma_wait3A_342 = arith.constant 7 : i32
      %dma_wait3A_343 = arith.constant 7 : i32
      %dma_wait3A_344 = arith.constant 0 : i32
      %dma_wait3A_345 = arith.constant 0 : i32
      %dma_wait3A_346 = tpu.memref_slice %arg8[%dma_wait3A_342, %dma_wait3A_344, %dma_wait3A_345] : memref<8x250x16xf32, #tpu.memory_space<vmem>> -> memref<1x250x16xf32, #tpu.memory_space<vmem>>
      %dma_wait3A_347 = tpu.memref_squeeze %dma_wait3A_346 : memref<1x250x16xf32, #tpu.memory_space<vmem>> -> memref<250x16xf32, #tpu.memory_space<vmem>>
      %dma_wait3A_348 = arith.constant 0 : i32
      %dma_wait3A_349 = tpu.memref_slice %arg2[%add3A_179, %dma_wait3A_348] : memref<320000x16xf32, #tpu.memory_space<hbm>> -> memref<250x16xf32, #tpu.memory_space<hbm>>
      %dma_wait3A_350 = tpu.memref_slice %arg12[%dma_wait3A_343] : memref<8x!tpu.dma_semaphore, #tpu.memory_space<semaphore_mem>> -> memref<1x!tpu.dma_semaphore, #tpu.memory_space<semaphore_mem>>
      %dma_wait3A_351 = tpu.memref_squeeze %dma_wait3A_350 : memref<1x!tpu.dma_semaphore, #tpu.memory_space<semaphore_mem>> -> memref<!tpu.dma_semaphore, #tpu.memory_space<semaphore_mem>>
      %dma_wait3A_352 = arith.constant 0 : i32
      %dma_wait3A_353 = arith.constant 0 : i32
      %dma_wait3A_354 = tpu.memref_slice %arg8[%dma_wait3A_342, %dma_wait3A_352, %dma_wait3A_353] : memref<8x250x16xf32, #tpu.memory_space<vmem>> -> memref<1x250x16xf32, #tpu.memory_space<vmem>>
      %dma_wait3A_355 = tpu.memref_squeeze %dma_wait3A_354 : memref<1x250x16xf32, #tpu.memory_space<vmem>> -> memref<250x16xf32, #tpu.memory_space<vmem>>
      %dma_wait3A_356 = arith.constant 0 : i32
      %dma_wait3A_357 = tpu.memref_slice %arg2[%add3A_179, %dma_wait3A_356] : memref<320000x16xf32, #tpu.memory_space<hbm>> -> memref<250x16xf32, #tpu.memory_space<hbm>>
      tpu.wait_dma2 semaphore(%dma_wait3A_351 : memref<!tpu.dma_semaphore, #tpu.memory_space<semaphore_mem>>) src(%dma_wait3A_357 : memref<250x16xf32, #tpu.memory_space<hbm>>) dst(%dma_wait3A_355 : memref<250x16xf32, #tpu.memory_space<vmem>>)
      %add3A_358 = arith.constant 7 : i32
      %add3A_359 = arith.addi %mul3A_27, %add3A_358 : i32
      %run_scoped3A_360 = arith.constant 7 : i32
      "tpu.region"() ({
        %run_scoped3A_363 = tpu.sem_alloc : memref<!tpu.dma_semaphore, #tpu.memory_space<semaphore_mem>>
        %dma_start3A_364 = arith.constant 0 : i32
        %dma_start3A_365 = arith.constant 0 : i32
        %dma_start3A_366 = tpu.memref_slice %arg8[%run_scoped3A_360, %dma_start3A_364, %dma_start3A_365] : memref<8x250x16xf32, #tpu.memory_space<vmem>> -> memref<1x250x16xf32, #tpu.memory_space<vmem>>
        %dma_start3A_367 = tpu.memref_squeeze %dma_start3A_366 : memref<1x250x16xf32, #tpu.memory_space<vmem>> -> memref<250x16xf32, #tpu.memory_space<vmem>>
        %dma_start3A_368 = arith.constant 0 : i32
        %dma_start3A_369 = tpu.memref_slice %arg7[%add3A_359, %dma_start3A_368] : memref<40x250xi32, #tpu.memory_space<vmem>> -> memref<1x250xi32, #tpu.memory_space<vmem>>
        %dma_start3A_370 = tpu.memref_squeeze %dma_start3A_369 : memref<1x250xi32, #tpu.memory_space<vmem>> -> memref<250xi32, #tpu.memory_space<vmem>>
        %dma_start3A_371 = arith.constant 0 : i32
        %dma_start3A_372 = arith.constant 0 : i32
        %dma_start3A_373 = tpu.memref_slice %arg10[%dma_start3A_371, %dma_start3A_372] : memref<10240x16xf32, #tpu.memory_space<vmem_shared>> -> memref<10240x16xf32, #tpu.memory_space<vmem_shared>>
        tpu.enqueue_indirect_dma source(%dma_start3A_367 : memref<250x16xf32, #tpu.memory_space<vmem>>) target(%dma_start3A_373 : memref<10240x16xf32, #tpu.memory_space<vmem_shared>>) offsets(%dma_start3A_370 : memref<250xi32, #tpu.memory_space<vmem>>) semaphore(%run_scoped3A_363 : memref<!tpu.dma_semaphore, #tpu.memory_space<semaphore_mem>>) {add = true}
        %dma_wait3A_374 = arith.constant 0 : i32
        %dma_wait3A_375 = arith.constant 0 : i32
        %dma_wait3A_376 = tpu.memref_slice %arg8[%run_scoped3A_360, %dma_wait3A_374, %dma_wait3A_375] : memref<8x250x16xf32, #tpu.memory_space<vmem>> -> memref<1x250x16xf32, #tpu.memory_space<vmem>>
        %dma_wait3A_377 = tpu.memref_squeeze %dma_wait3A_376 : memref<1x250x16xf32, #tpu.memory_space<vmem>> -> memref<250x16xf32, #tpu.memory_space<vmem>>
        %dma_wait3A_378 = arith.constant 0 : i32
        %dma_wait3A_379 = tpu.memref_slice %arg7[%add3A_359, %dma_wait3A_378] : memref<40x250xi32, #tpu.memory_space<vmem>> -> memref<1x250xi32, #tpu.memory_space<vmem>>
        %dma_wait3A_380 = tpu.memref_squeeze %dma_wait3A_379 : memref<1x250xi32, #tpu.memory_space<vmem>> -> memref<250xi32, #tpu.memory_space<vmem>>
        %dma_wait3A_381 = arith.constant 0 : i32
        %dma_wait3A_382 = arith.constant 0 : i32
        %dma_wait3A_383 = tpu.memref_slice %arg10[%dma_wait3A_381, %dma_wait3A_382] : memref<10240x16xf32, #tpu.memory_space<vmem_shared>> -> memref<10240x16xf32, #tpu.memory_space<vmem_shared>>
        tpu.wait_indirect_dma semaphore(%run_scoped3A_363 : memref<!tpu.dma_semaphore, #tpu.memory_space<semaphore_mem>>) src(%dma_wait3A_377 : memref<250x16xf32, #tpu.memory_space<vmem>>) dst(%dma_wait3A_383 : memref<10240x16xf32, #tpu.memory_space<vmem_shared>>)
        tpu.yield
      }) : () -> ()
      %add3A_361 = arith.constant 7 : i32
      %add3A_362 = arith.addi %mul3A_27, %add3A_361 : i32
      "tpu.region"() ({
        %run_scoped3A_363 = tpu.sem_alloc : memref<!tpu.dma_semaphore, #tpu.memory_space<semaphore_mem>>
        %dma_start3A_364 = arith.constant 0 : i32
        %dma_start3A_365 = tpu.memref_slice %arg7[%add3A_362, %dma_start3A_364] : memref<40x250xi32, #tpu.memory_space<vmem>> -> memref<1x250xi32, #tpu.memory_space<vmem>>
        %dma_start3A_366 = tpu.memref_squeeze %dma_start3A_365 : memref<1x250xi32, #tpu.memory_space<vmem>> -> memref<250xi32, #tpu.memory_space<vmem>>
        %dma_start3A_367 = arith.constant 0 : i32
        %dma_start3A_368 = arith.constant 0 : i32
        %dma_start3A_369 = tpu.memref_slice %arg11[%dma_start3A_367, %dma_start3A_368] : memref<10240x16xf32, #tpu.memory_space<vmem_shared>> -> memref<10240x16xf32, #tpu.memory_space<vmem_shared>>
        tpu.enqueue_indirect_dma source(%arg9 : memref<250x16xf32, #tpu.memory_space<vmem>>) target(%dma_start3A_369 : memref<10240x16xf32, #tpu.memory_space<vmem_shared>>) offsets(%dma_start3A_366 : memref<250xi32, #tpu.memory_space<vmem>>) semaphore(%run_scoped3A_363 : memref<!tpu.dma_semaphore, #tpu.memory_space<semaphore_mem>>) {add = true}
        %dma_wait3A_370 = arith.constant 0 : i32
        %dma_wait3A_371 = tpu.memref_slice %arg7[%add3A_362, %dma_wait3A_370] : memref<40x250xi32, #tpu.memory_space<vmem>> -> memref<1x250xi32, #tpu.memory_space<vmem>>
        %dma_wait3A_372 = tpu.memref_squeeze %dma_wait3A_371 : memref<1x250xi32, #tpu.memory_space<vmem>> -> memref<250xi32, #tpu.memory_space<vmem>>
        %dma_wait3A_373 = arith.constant 0 : i32
        %dma_wait3A_374 = arith.constant 0 : i32
        %dma_wait3A_375 = tpu.memref_slice %arg11[%dma_wait3A_373, %dma_wait3A_374] : memref<10240x16xf32, #tpu.memory_space<vmem_shared>> -> memref<10240x16xf32, #tpu.memory_space<vmem_shared>>
        tpu.wait_indirect_dma semaphore(%run_scoped3A_363 : memref<!tpu.dma_semaphore, #tpu.memory_space<semaphore_mem>>) src(%arg9 : memref<250x16xf32, #tpu.memory_space<vmem>>) dst(%dma_wait3A_375 : memref<10240x16xf32, #tpu.memory_space<vmem_shared>>)
        tpu.yield
      }) : () -> ()
    }
    %scan3A_23 = arith.constant 5 : i32
    %barrier3A_24 = arith.constant 0 : index
    tpu.barrier barrier_id(%barrier3A_24)
    "tpu.region"() ({
      %run_scoped3A = tpu.sem_alloc : memref<!tpu.dma_semaphore, #tpu.memory_space<semaphore_mem>>
      %dma_start3A_25 = arith.constant 0 : i32
      %dma_start3A_26 = arith.constant 0 : i32
      %dma_start3A_27 = tpu.memref_slice %arg5[%arg0, %dma_start3A_25, %dma_start3A_26] : memref<2x10240x16xf32, #tpu.memory_space<hbm>> -> memref<1x10240x16xf32, #tpu.memory_space<hbm>>
      %dma_start3A_28 = tpu.memref_squeeze %dma_start3A_27 : memref<1x10240x16xf32, #tpu.memory_space<hbm>> -> memref<10240x16xf32, #tpu.memory_space<hbm>>
      %dma_start3A_29 = arith.constant 0 : i32
      %dma_start3A_30 = tpu.memref_slice %dma_start3A_28[%mul3A_7, %dma_start3A_29] : memref<10240x16xf32, #tpu.memory_space<hbm>> -> memref<640x16xf32, #tpu.memory_space<hbm>>
      %dma_start3A_31 = arith.constant 0 : i32
      %dma_start3A_32 = tpu.memref_slice %arg10[%mul3A_7, %dma_start3A_31] : memref<10240x16xf32, #tpu.memory_space<vmem_shared>> -> memref<640x16xf32, #tpu.memory_space<vmem_shared>>
      tpu.enqueue_dma source(%dma_start3A_32 : memref<640x16xf32, #tpu.memory_space<vmem_shared>>) target(%dma_start3A_30 : memref<640x16xf32, #tpu.memory_space<hbm>>) target_semaphore(%run_scoped3A : memref<!tpu.dma_semaphore, #tpu.memory_space<semaphore_mem>>)
      %dma_wait3A_33 = arith.constant 0 : i32
      %dma_wait3A_34 = arith.constant 0 : i32
      %dma_wait3A_35 = tpu.memref_slice %arg5[%arg0, %dma_wait3A_33, %dma_wait3A_34] : memref<2x10240x16xf32, #tpu.memory_space<hbm>> -> memref<1x10240x16xf32, #tpu.memory_space<hbm>>
      %dma_wait3A_36 = tpu.memref_squeeze %dma_wait3A_35 : memref<1x10240x16xf32, #tpu.memory_space<hbm>> -> memref<10240x16xf32, #tpu.memory_space<hbm>>
      %dma_wait3A_37 = arith.constant 0 : i32
      %dma_wait3A_38 = tpu.memref_slice %dma_wait3A_36[%mul3A_7, %dma_wait3A_37] : memref<10240x16xf32, #tpu.memory_space<hbm>> -> memref<640x16xf32, #tpu.memory_space<hbm>>
      %dma_wait3A_39 = arith.constant 0 : i32
      %dma_wait3A_40 = tpu.memref_slice %arg10[%mul3A_7, %dma_wait3A_39] : memref<10240x16xf32, #tpu.memory_space<vmem_shared>> -> memref<640x16xf32, #tpu.memory_space<vmem_shared>>
      tpu.wait_dma2 semaphore(%run_scoped3A : memref<!tpu.dma_semaphore, #tpu.memory_space<semaphore_mem>>) src(%dma_wait3A_40 : memref<640x16xf32, #tpu.memory_space<vmem_shared>>) dst(%dma_wait3A_38 : memref<640x16xf32, #tpu.memory_space<hbm>>)
      tpu.yield
    }) : () -> ()
    "tpu.region"() ({
      %run_scoped3A = tpu.sem_alloc : memref<!tpu.dma_semaphore, #tpu.memory_space<semaphore_mem>>
      %dma_start3A_25 = arith.constant 0 : i32
      %dma_start3A_26 = arith.constant 0 : i32
      %dma_start3A_27 = tpu.memref_slice %arg6[%arg0, %dma_start3A_25, %dma_start3A_26] : memref<2x10240x16xf32, #tpu.memory_space<hbm>> -> memref<1x10240x16xf32, #tpu.memory_space<hbm>>
      %dma_start3A_28 = tpu.memref_squeeze %dma_start3A_27 : memref<1x10240x16xf32, #tpu.memory_space<hbm>> -> memref<10240x16xf32, #tpu.memory_space<hbm>>
      %dma_start3A_29 = arith.constant 0 : i32
      %dma_start3A_30 = tpu.memref_slice %dma_start3A_28[%mul3A_7, %dma_start3A_29] : memref<10240x16xf32, #tpu.memory_space<hbm>> -> memref<640x16xf32, #tpu.memory_space<hbm>>
      %dma_start3A_31 = arith.constant 0 : i32
      %dma_start3A_32 = tpu.memref_slice %arg11[%mul3A_7, %dma_start3A_31] : memref<10240x16xf32, #tpu.memory_space<vmem_shared>> -> memref<640x16xf32, #tpu.memory_space<vmem_shared>>
      tpu.enqueue_dma source(%dma_start3A_32 : memref<640x16xf32, #tpu.memory_space<vmem_shared>>) target(%dma_start3A_30 : memref<640x16xf32, #tpu.memory_space<hbm>>) target_semaphore(%run_scoped3A : memref<!tpu.dma_semaphore, #tpu.memory_space<semaphore_mem>>)
      %dma_wait3A_33 = arith.constant 0 : i32
      %dma_wait3A_34 = arith.constant 0 : i32
      %dma_wait3A_35 = tpu.memref_slice %arg6[%arg0, %dma_wait3A_33, %dma_wait3A_34] : memref<2x10240x16xf32, #tpu.memory_space<hbm>> -> memref<1x10240x16xf32, #tpu.memory_space<hbm>>
      %dma_wait3A_36 = tpu.memref_squeeze %dma_wait3A_35 : memref<1x10240x16xf32, #tpu.memory_space<hbm>> -> memref<10240x16xf32, #tpu.memory_space<hbm>>
      %dma_wait3A_37 = arith.constant 0 : i32
      %dma_wait3A_38 = tpu.memref_slice %dma_wait3A_36[%mul3A_7, %dma_wait3A_37] : memref<10240x16xf32, #tpu.memory_space<hbm>> -> memref<640x16xf32, #tpu.memory_space<hbm>>
      %dma_wait3A_39 = arith.constant 0 : i32
      %dma_wait3A_40 = tpu.memref_slice %arg11[%mul3A_7, %dma_wait3A_39] : memref<10240x16xf32, #tpu.memory_space<vmem_shared>> -> memref<640x16xf32, #tpu.memory_space<vmem_shared>>
      tpu.wait_dma2 semaphore(%run_scoped3A : memref<!tpu.dma_semaphore, #tpu.memory_space<semaphore_mem>>) src(%dma_wait3A_40 : memref<640x16xf32, #tpu.memory_space<vmem_shared>>) dst(%dma_wait3A_38 : memref<640x16xf32, #tpu.memory_space<hbm>>)
      tpu.yield
    }) : () -> ()
    return
  }
}

#map = affine_map<(d0, d1) -> (0, 0)>
#map1 = affine_map<(d0, d1) -> (0, 0, 0)>
module attributes {stable_mosaic.version = 14 : i64} {
  func.func @k(%arg0: i32, %arg1: i32, %arg2: memref<10240x16xf32, #tpu.memory_space<hbm>>, %arg3: memref<1280x250xi32, #tpu.memory_space<hbm>>, %arg4: memref<1280x250xi32, #tpu.memory_space<hbm>>, %arg5: memref<640x16xf32, #tpu.memory_space<hbm>>, %arg6: memref<2x10240x16xf32, #tpu.memory_space<hbm>>, %arg7: memref<40x250xi32, #tpu.memory_space<vmem>>, %arg8: memref<40x250xi32, #tpu.memory_space<vmem>>, %arg9: memref<8x250x16xf32, #tpu.memory_space<vmem>>, %arg10: memref<10240x16xf32, #tpu.memory_space<vmem_shared>>, %arg11: memref<8x!tpu.dma_semaphore, #tpu.memory_space<semaphore_mem>>, %arg12: memref<!tpu.dma_semaphore, #tpu.memory_space<semaphore_mem>>) attributes {dimension_semantics = [#tpu.dimension_semantics<core_parallel>, #tpu.dimension_semantics<subcore_parallel>], iteration_bounds = array<i64: 2, 16>, scalar_prefetch = 0 : i64, scratch_operands = 6 : i64, tpu.core_type = #tpu.core_type<sc_vector_subcore>, window_params = [{transform_indices = #map}, {transform_indices = #map}, {transform_indices = #map}, {transform_indices = #map}, {transform_indices = #map1}]} {
    %mul3A = arith.constant 16 : i32
    %mul3A_0 = arith.muli %arg0, %mul3A : i32
    %add3A = arith.addi %mul3A_0, %arg1 : i32
    %mul3A_1 = arith.constant 640 : i32
    %mul3A_2 = arith.muli %arg1, %mul3A_1 : i32
    "tpu.region"() ({
      %run_scoped3A = tpu.sem_alloc : memref<!tpu.dma_semaphore, #tpu.memory_space<semaphore_mem>>
      %dma_start3A_27 = arith.constant 0 : i32
      %dma_start3A_28 = tpu.memref_slice %arg10[%mul3A_2, %dma_start3A_27] : memref<10240x16xf32, #tpu.memory_space<vmem_shared>> -> memref<640x16xf32, #tpu.memory_space<vmem_shared>>
      tpu.enqueue_dma source(%arg5 : memref<640x16xf32, #tpu.memory_space<hbm>>) target(%dma_start3A_28 : memref<640x16xf32, #tpu.memory_space<vmem_shared>>) target_semaphore(%run_scoped3A : memref<!tpu.dma_semaphore, #tpu.memory_space<semaphore_mem>>)
      %dma_wait3A_29 = arith.constant 0 : i32
      %dma_wait3A_30 = tpu.memref_slice %arg10[%mul3A_2, %dma_wait3A_29] : memref<10240x16xf32, #tpu.memory_space<vmem_shared>> -> memref<640x16xf32, #tpu.memory_space<vmem_shared>>
      tpu.wait_dma2 semaphore(%run_scoped3A : memref<!tpu.dma_semaphore, #tpu.memory_space<semaphore_mem>>) src(%arg5 : memref<640x16xf32, #tpu.memory_space<hbm>>) dst(%dma_wait3A_30 : memref<640x16xf32, #tpu.memory_space<vmem_shared>>)
      tpu.yield
    }) : () -> ()
    %mul3A_3 = arith.constant 40 : i32
    %mul3A_4 = arith.muli %add3A, %mul3A_3 : i32
    %dma_start3A = arith.constant 0 : i32
    %dma_start3A_5 = tpu.memref_slice %arg3[%mul3A_4, %dma_start3A] : memref<1280x250xi32, #tpu.memory_space<hbm>> -> memref<40x250xi32, #tpu.memory_space<hbm>>
    %dma_start3A_6 = arith.constant 0 : i32
    %dma_start3A_7 = tpu.memref_slice %arg3[%mul3A_4, %dma_start3A_6] : memref<1280x250xi32, #tpu.memory_space<hbm>> -> memref<40x250xi32, #tpu.memory_space<hbm>>
    tpu.enqueue_dma source(%dma_start3A_7 : memref<40x250xi32, #tpu.memory_space<hbm>>) target(%arg7 : memref<40x250xi32, #tpu.memory_space<vmem>>) target_semaphore(%arg12 : memref<!tpu.dma_semaphore, #tpu.memory_space<semaphore_mem>>)
    %dma_wait3A = arith.constant 0 : i32
    %dma_wait3A_8 = tpu.memref_slice %arg3[%mul3A_4, %dma_wait3A] : memref<1280x250xi32, #tpu.memory_space<hbm>> -> memref<40x250xi32, #tpu.memory_space<hbm>>
    %dma_wait3A_9 = arith.constant 0 : i32
    %dma_wait3A_10 = tpu.memref_slice %arg3[%mul3A_4, %dma_wait3A_9] : memref<1280x250xi32, #tpu.memory_space<hbm>> -> memref<40x250xi32, #tpu.memory_space<hbm>>
    tpu.wait_dma2 semaphore(%arg12 : memref<!tpu.dma_semaphore, #tpu.memory_space<semaphore_mem>>) src(%dma_wait3A_10 : memref<40x250xi32, #tpu.memory_space<hbm>>) dst(%arg7 : memref<40x250xi32, #tpu.memory_space<vmem>>)
    %mul3A_11 = arith.constant 40 : i32
    %mul3A_12 = arith.muli %add3A, %mul3A_11 : i32
    %dma_start3A_13 = arith.constant 0 : i32
    %dma_start3A_14 = tpu.memref_slice %arg4[%mul3A_12, %dma_start3A_13] : memref<1280x250xi32, #tpu.memory_space<hbm>> -> memref<40x250xi32, #tpu.memory_space<hbm>>
    %dma_start3A_15 = arith.constant 0 : i32
    %dma_start3A_16 = tpu.memref_slice %arg4[%mul3A_12, %dma_start3A_15] : memref<1280x250xi32, #tpu.memory_space<hbm>> -> memref<40x250xi32, #tpu.memory_space<hbm>>
    tpu.enqueue_dma source(%dma_start3A_16 : memref<40x250xi32, #tpu.memory_space<hbm>>) target(%arg8 : memref<40x250xi32, #tpu.memory_space<vmem>>) target_semaphore(%arg12 : memref<!tpu.dma_semaphore, #tpu.memory_space<semaphore_mem>>)
    %dma_wait3A_17 = arith.constant 0 : i32
    %dma_wait3A_18 = tpu.memref_slice %arg4[%mul3A_12, %dma_wait3A_17] : memref<1280x250xi32, #tpu.memory_space<hbm>> -> memref<40x250xi32, #tpu.memory_space<hbm>>
    %dma_wait3A_19 = arith.constant 0 : i32
    %dma_wait3A_20 = tpu.memref_slice %arg4[%mul3A_12, %dma_wait3A_19] : memref<1280x250xi32, #tpu.memory_space<hbm>> -> memref<40x250xi32, #tpu.memory_space<hbm>>
    tpu.wait_dma2 semaphore(%arg12 : memref<!tpu.dma_semaphore, #tpu.memory_space<semaphore_mem>>) src(%dma_wait3A_20 : memref<40x250xi32, #tpu.memory_space<hbm>>) dst(%arg8 : memref<40x250xi32, #tpu.memory_space<vmem>>)
    %barrier3A = arith.constant 0 : index
    tpu.barrier barrier_id(%barrier3A)
    %scan3A = arith.constant 0 : i32
    %scan3A_21 = arith.constant 0 : i32
    %scan3A_22 = arith.constant 5 : i32
    %scan3A_23 = arith.addi %scan3A_21, %scan3A_22 : i32
    %scan3A_24 = arith.constant 1 : i32
    scf.for %scan3A_27 = %scan3A_21 to %scan3A_23 step %scan3A_24  : i32 {
      %mul3A_28 = arith.constant 8 : i32
      %mul3A_29 = arith.muli %scan3A_27, %mul3A_28 : i32
      %add3A_30 = arith.constant 0 : i32
      %add3A_31 = arith.addi %mul3A_29, %add3A_30 : i32
      %dma_start3A_32 = arith.constant 0 : i32
      %dma_start3A_33 = arith.constant 0 : i32
      %dma_start3A_34 = arith.constant 0 : i32
      %dma_start3A_35 = arith.constant 0 : i32
      %dma_start3A_36 = tpu.memref_slice %arg9[%dma_start3A_32, %dma_start3A_34, %dma_start3A_35] : memref<8x250x16xf32, #tpu.memory_space<vmem>> -> memref<1x250x16xf32, #tpu.memory_space<vmem>>
      %dma_start3A_37 = tpu.memref_squeeze %dma_start3A_36 : memref<1x250x16xf32, #tpu.memory_space<vmem>> -> memref<250x16xf32, #tpu.memory_space<vmem>>
      %dma_start3A_38 = arith.constant 0 : i32
      %dma_start3A_39 = tpu.memref_slice %arg7[%add3A_31, %dma_start3A_38] : memref<40x250xi32, #tpu.memory_space<vmem>> -> memref<1x250xi32, #tpu.memory_space<vmem>>
      %dma_start3A_40 = tpu.memref_squeeze %dma_start3A_39 : memref<1x250xi32, #tpu.memory_space<vmem>> -> memref<250xi32, #tpu.memory_space<vmem>>
      %dma_start3A_41 = arith.constant 0 : i32
      %dma_start3A_42 = arith.constant 0 : i32
      %dma_start3A_43 = tpu.memref_slice %arg2[%dma_start3A_41, %dma_start3A_42] : memref<10240x16xf32, #tpu.memory_space<hbm>> -> memref<10240x16xf32, #tpu.memory_space<hbm>>
      %dma_start3A_44 = tpu.memref_slice %arg11[%dma_start3A_33] : memref<8x!tpu.dma_semaphore, #tpu.memory_space<semaphore_mem>> -> memref<1x!tpu.dma_semaphore, #tpu.memory_space<semaphore_mem>>
      %dma_start3A_45 = tpu.memref_squeeze %dma_start3A_44 : memref<1x!tpu.dma_semaphore, #tpu.memory_space<semaphore_mem>> -> memref<!tpu.dma_semaphore, #tpu.memory_space<semaphore_mem>>
      tpu.enqueue_indirect_dma source(%dma_start3A_43 : memref<10240x16xf32, #tpu.memory_space<hbm>>) target(%dma_start3A_37 : memref<250x16xf32, #tpu.memory_space<vmem>>) offsets(%dma_start3A_40 : memref<250xi32, #tpu.memory_space<vmem>>) semaphore(%dma_start3A_45 : memref<!tpu.dma_semaphore, #tpu.memory_space<semaphore_mem>>)
      %add3A_46 = arith.constant 1 : i32
      %add3A_47 = arith.addi %mul3A_29, %add3A_46 : i32
      %dma_start3A_48 = arith.constant 1 : i32
      %dma_start3A_49 = arith.constant 1 : i32
      %dma_start3A_50 = arith.constant 0 : i32
      %dma_start3A_51 = arith.constant 0 : i32
      %dma_start3A_52 = tpu.memref_slice %arg9[%dma_start3A_48, %dma_start3A_50, %dma_start3A_51] : memref<8x250x16xf32, #tpu.memory_space<vmem>> -> memref<1x250x16xf32, #tpu.memory_space<vmem>>
      %dma_start3A_53 = tpu.memref_squeeze %dma_start3A_52 : memref<1x250x16xf32, #tpu.memory_space<vmem>> -> memref<250x16xf32, #tpu.memory_space<vmem>>
      %dma_start3A_54 = arith.constant 0 : i32
      %dma_start3A_55 = tpu.memref_slice %arg7[%add3A_47, %dma_start3A_54] : memref<40x250xi32, #tpu.memory_space<vmem>> -> memref<1x250xi32, #tpu.memory_space<vmem>>
      %dma_start3A_56 = tpu.memref_squeeze %dma_start3A_55 : memref<1x250xi32, #tpu.memory_space<vmem>> -> memref<250xi32, #tpu.memory_space<vmem>>
      %dma_start3A_57 = arith.constant 0 : i32
      %dma_start3A_58 = arith.constant 0 : i32
      %dma_start3A_59 = tpu.memref_slice %arg2[%dma_start3A_57, %dma_start3A_58] : memref<10240x16xf32, #tpu.memory_space<hbm>> -> memref<10240x16xf32, #tpu.memory_space<hbm>>
      %dma_start3A_60 = tpu.memref_slice %arg11[%dma_start3A_49] : memref<8x!tpu.dma_semaphore, #tpu.memory_space<semaphore_mem>> -> memref<1x!tpu.dma_semaphore, #tpu.memory_space<semaphore_mem>>
      %dma_start3A_61 = tpu.memref_squeeze %dma_start3A_60 : memref<1x!tpu.dma_semaphore, #tpu.memory_space<semaphore_mem>> -> memref<!tpu.dma_semaphore, #tpu.memory_space<semaphore_mem>>
      tpu.enqueue_indirect_dma source(%dma_start3A_59 : memref<10240x16xf32, #tpu.memory_space<hbm>>) target(%dma_start3A_53 : memref<250x16xf32, #tpu.memory_space<vmem>>) offsets(%dma_start3A_56 : memref<250xi32, #tpu.memory_space<vmem>>) semaphore(%dma_start3A_61 : memref<!tpu.dma_semaphore, #tpu.memory_space<semaphore_mem>>)
      %add3A_62 = arith.constant 2 : i32
      %add3A_63 = arith.addi %mul3A_29, %add3A_62 : i32
      %dma_start3A_64 = arith.constant 2 : i32
      %dma_start3A_65 = arith.constant 2 : i32
      %dma_start3A_66 = arith.constant 0 : i32
      %dma_start3A_67 = arith.constant 0 : i32
      %dma_start3A_68 = tpu.memref_slice %arg9[%dma_start3A_64, %dma_start3A_66, %dma_start3A_67] : memref<8x250x16xf32, #tpu.memory_space<vmem>> -> memref<1x250x16xf32, #tpu.memory_space<vmem>>
      %dma_start3A_69 = tpu.memref_squeeze %dma_start3A_68 : memref<1x250x16xf32, #tpu.memory_space<vmem>> -> memref<250x16xf32, #tpu.memory_space<vmem>>
      %dma_start3A_70 = arith.constant 0 : i32
      %dma_start3A_71 = tpu.memref_slice %arg7[%add3A_63, %dma_start3A_70] : memref<40x250xi32, #tpu.memory_space<vmem>> -> memref<1x250xi32, #tpu.memory_space<vmem>>
      %dma_start3A_72 = tpu.memref_squeeze %dma_start3A_71 : memref<1x250xi32, #tpu.memory_space<vmem>> -> memref<250xi32, #tpu.memory_space<vmem>>
      %dma_start3A_73 = arith.constant 0 : i32
      %dma_start3A_74 = arith.constant 0 : i32
      %dma_start3A_75 = tpu.memref_slice %arg2[%dma_start3A_73, %dma_start3A_74] : memref<10240x16xf32, #tpu.memory_space<hbm>> -> memref<10240x16xf32, #tpu.memory_space<hbm>>
      %dma_start3A_76 = tpu.memref_slice %arg11[%dma_start3A_65] : memref<8x!tpu.dma_semaphore, #tpu.memory_space<semaphore_mem>> -> memref<1x!tpu.dma_semaphore, #tpu.memory_space<semaphore_mem>>
      %dma_start3A_77 = tpu.memref_squeeze %dma_start3A_76 : memref<1x!tpu.dma_semaphore, #tpu.memory_space<semaphore_mem>> -> memref<!tpu.dma_semaphore, #tpu.memory_space<semaphore_mem>>
      tpu.enqueue_indirect_dma source(%dma_start3A_75 : memref<10240x16xf32, #tpu.memory_space<hbm>>) target(%dma_start3A_69 : memref<250x16xf32, #tpu.memory_space<vmem>>) offsets(%dma_start3A_72 : memref<250xi32, #tpu.memory_space<vmem>>) semaphore(%dma_start3A_77 : memref<!tpu.dma_semaphore, #tpu.memory_space<semaphore_mem>>)
      %add3A_78 = arith.constant 3 : i32
      %add3A_79 = arith.addi %mul3A_29, %add3A_78 : i32
      %dma_start3A_80 = arith.constant 3 : i32
      %dma_start3A_81 = arith.constant 3 : i32
      %dma_start3A_82 = arith.constant 0 : i32
      %dma_start3A_83 = arith.constant 0 : i32
      %dma_start3A_84 = tpu.memref_slice %arg9[%dma_start3A_80, %dma_start3A_82, %dma_start3A_83] : memref<8x250x16xf32, #tpu.memory_space<vmem>> -> memref<1x250x16xf32, #tpu.memory_space<vmem>>
      %dma_start3A_85 = tpu.memref_squeeze %dma_start3A_84 : memref<1x250x16xf32, #tpu.memory_space<vmem>> -> memref<250x16xf32, #tpu.memory_space<vmem>>
      %dma_start3A_86 = arith.constant 0 : i32
      %dma_start3A_87 = tpu.memref_slice %arg7[%add3A_79, %dma_start3A_86] : memref<40x250xi32, #tpu.memory_space<vmem>> -> memref<1x250xi32, #tpu.memory_space<vmem>>
      %dma_start3A_88 = tpu.memref_squeeze %dma_start3A_87 : memref<1x250xi32, #tpu.memory_space<vmem>> -> memref<250xi32, #tpu.memory_space<vmem>>
      %dma_start3A_89 = arith.constant 0 : i32
      %dma_start3A_90 = arith.constant 0 : i32
      %dma_start3A_91 = tpu.memref_slice %arg2[%dma_start3A_89, %dma_start3A_90] : memref<10240x16xf32, #tpu.memory_space<hbm>> -> memref<10240x16xf32, #tpu.memory_space<hbm>>
      %dma_start3A_92 = tpu.memref_slice %arg11[%dma_start3A_81] : memref<8x!tpu.dma_semaphore, #tpu.memory_space<semaphore_mem>> -> memref<1x!tpu.dma_semaphore, #tpu.memory_space<semaphore_mem>>
      %dma_start3A_93 = tpu.memref_squeeze %dma_start3A_92 : memref<1x!tpu.dma_semaphore, #tpu.memory_space<semaphore_mem>> -> memref<!tpu.dma_semaphore, #tpu.memory_space<semaphore_mem>>
      tpu.enqueue_indirect_dma source(%dma_start3A_91 : memref<10240x16xf32, #tpu.memory_space<hbm>>) target(%dma_start3A_85 : memref<250x16xf32, #tpu.memory_space<vmem>>) offsets(%dma_start3A_88 : memref<250xi32, #tpu.memory_space<vmem>>) semaphore(%dma_start3A_93 : memref<!tpu.dma_semaphore, #tpu.memory_space<semaphore_mem>>)
      %add3A_94 = arith.constant 4 : i32
      %add3A_95 = arith.addi %mul3A_29, %add3A_94 : i32
      %dma_start3A_96 = arith.constant 4 : i32
      %dma_start3A_97 = arith.constant 4 : i32
      %dma_start3A_98 = arith.constant 0 : i32
      %dma_start3A_99 = arith.constant 0 : i32
      %dma_start3A_100 = tpu.memref_slice %arg9[%dma_start3A_96, %dma_start3A_98, %dma_start3A_99] : memref<8x250x16xf32, #tpu.memory_space<vmem>> -> memref<1x250x16xf32, #tpu.memory_space<vmem>>
      %dma_start3A_101 = tpu.memref_squeeze %dma_start3A_100 : memref<1x250x16xf32, #tpu.memory_space<vmem>> -> memref<250x16xf32, #tpu.memory_space<vmem>>
      %dma_start3A_102 = arith.constant 0 : i32
      %dma_start3A_103 = tpu.memref_slice %arg7[%add3A_95, %dma_start3A_102] : memref<40x250xi32, #tpu.memory_space<vmem>> -> memref<1x250xi32, #tpu.memory_space<vmem>>
      %dma_start3A_104 = tpu.memref_squeeze %dma_start3A_103 : memref<1x250xi32, #tpu.memory_space<vmem>> -> memref<250xi32, #tpu.memory_space<vmem>>
      %dma_start3A_105 = arith.constant 0 : i32
      %dma_start3A_106 = arith.constant 0 : i32
      %dma_start3A_107 = tpu.memref_slice %arg2[%dma_start3A_105, %dma_start3A_106] : memref<10240x16xf32, #tpu.memory_space<hbm>> -> memref<10240x16xf32, #tpu.memory_space<hbm>>
      %dma_start3A_108 = tpu.memref_slice %arg11[%dma_start3A_97] : memref<8x!tpu.dma_semaphore, #tpu.memory_space<semaphore_mem>> -> memref<1x!tpu.dma_semaphore, #tpu.memory_space<semaphore_mem>>
      %dma_start3A_109 = tpu.memref_squeeze %dma_start3A_108 : memref<1x!tpu.dma_semaphore, #tpu.memory_space<semaphore_mem>> -> memref<!tpu.dma_semaphore, #tpu.memory_space<semaphore_mem>>
      tpu.enqueue_indirect_dma source(%dma_start3A_107 : memref<10240x16xf32, #tpu.memory_space<hbm>>) target(%dma_start3A_101 : memref<250x16xf32, #tpu.memory_space<vmem>>) offsets(%dma_start3A_104 : memref<250xi32, #tpu.memory_space<vmem>>) semaphore(%dma_start3A_109 : memref<!tpu.dma_semaphore, #tpu.memory_space<semaphore_mem>>)
      %add3A_110 = arith.constant 5 : i32
      %add3A_111 = arith.addi %mul3A_29, %add3A_110 : i32
      %dma_start3A_112 = arith.constant 5 : i32
      %dma_start3A_113 = arith.constant 5 : i32
      %dma_start3A_114 = arith.constant 0 : i32
      %dma_start3A_115 = arith.constant 0 : i32
      %dma_start3A_116 = tpu.memref_slice %arg9[%dma_start3A_112, %dma_start3A_114, %dma_start3A_115] : memref<8x250x16xf32, #tpu.memory_space<vmem>> -> memref<1x250x16xf32, #tpu.memory_space<vmem>>
      %dma_start3A_117 = tpu.memref_squeeze %dma_start3A_116 : memref<1x250x16xf32, #tpu.memory_space<vmem>> -> memref<250x16xf32, #tpu.memory_space<vmem>>
      %dma_start3A_118 = arith.constant 0 : i32
      %dma_start3A_119 = tpu.memref_slice %arg7[%add3A_111, %dma_start3A_118] : memref<40x250xi32, #tpu.memory_space<vmem>> -> memref<1x250xi32, #tpu.memory_space<vmem>>
      %dma_start3A_120 = tpu.memref_squeeze %dma_start3A_119 : memref<1x250xi32, #tpu.memory_space<vmem>> -> memref<250xi32, #tpu.memory_space<vmem>>
      %dma_start3A_121 = arith.constant 0 : i32
      %dma_start3A_122 = arith.constant 0 : i32
      %dma_start3A_123 = tpu.memref_slice %arg2[%dma_start3A_121, %dma_start3A_122] : memref<10240x16xf32, #tpu.memory_space<hbm>> -> memref<10240x16xf32, #tpu.memory_space<hbm>>
      %dma_start3A_124 = tpu.memref_slice %arg11[%dma_start3A_113] : memref<8x!tpu.dma_semaphore, #tpu.memory_space<semaphore_mem>> -> memref<1x!tpu.dma_semaphore, #tpu.memory_space<semaphore_mem>>
      %dma_start3A_125 = tpu.memref_squeeze %dma_start3A_124 : memref<1x!tpu.dma_semaphore, #tpu.memory_space<semaphore_mem>> -> memref<!tpu.dma_semaphore, #tpu.memory_space<semaphore_mem>>
      tpu.enqueue_indirect_dma source(%dma_start3A_123 : memref<10240x16xf32, #tpu.memory_space<hbm>>) target(%dma_start3A_117 : memref<250x16xf32, #tpu.memory_space<vmem>>) offsets(%dma_start3A_120 : memref<250xi32, #tpu.memory_space<vmem>>) semaphore(%dma_start3A_125 : memref<!tpu.dma_semaphore, #tpu.memory_space<semaphore_mem>>)
      %add3A_126 = arith.constant 6 : i32
      %add3A_127 = arith.addi %mul3A_29, %add3A_126 : i32
      %dma_start3A_128 = arith.constant 6 : i32
      %dma_start3A_129 = arith.constant 6 : i32
      %dma_start3A_130 = arith.constant 0 : i32
      %dma_start3A_131 = arith.constant 0 : i32
      %dma_start3A_132 = tpu.memref_slice %arg9[%dma_start3A_128, %dma_start3A_130, %dma_start3A_131] : memref<8x250x16xf32, #tpu.memory_space<vmem>> -> memref<1x250x16xf32, #tpu.memory_space<vmem>>
      %dma_start3A_133 = tpu.memref_squeeze %dma_start3A_132 : memref<1x250x16xf32, #tpu.memory_space<vmem>> -> memref<250x16xf32, #tpu.memory_space<vmem>>
      %dma_start3A_134 = arith.constant 0 : i32
      %dma_start3A_135 = tpu.memref_slice %arg7[%add3A_127, %dma_start3A_134] : memref<40x250xi32, #tpu.memory_space<vmem>> -> memref<1x250xi32, #tpu.memory_space<vmem>>
      %dma_start3A_136 = tpu.memref_squeeze %dma_start3A_135 : memref<1x250xi32, #tpu.memory_space<vmem>> -> memref<250xi32, #tpu.memory_space<vmem>>
      %dma_start3A_137 = arith.constant 0 : i32
      %dma_start3A_138 = arith.constant 0 : i32
      %dma_start3A_139 = tpu.memref_slice %arg2[%dma_start3A_137, %dma_start3A_138] : memref<10240x16xf32, #tpu.memory_space<hbm>> -> memref<10240x16xf32, #tpu.memory_space<hbm>>
      %dma_start3A_140 = tpu.memref_slice %arg11[%dma_start3A_129] : memref<8x!tpu.dma_semaphore, #tpu.memory_space<semaphore_mem>> -> memref<1x!tpu.dma_semaphore, #tpu.memory_space<semaphore_mem>>
      %dma_start3A_141 = tpu.memref_squeeze %dma_start3A_140 : memref<1x!tpu.dma_semaphore, #tpu.memory_space<semaphore_mem>> -> memref<!tpu.dma_semaphore, #tpu.memory_space<semaphore_mem>>
      tpu.enqueue_indirect_dma source(%dma_start3A_139 : memref<10240x16xf32, #tpu.memory_space<hbm>>) target(%dma_start3A_133 : memref<250x16xf32, #tpu.memory_space<vmem>>) offsets(%dma_start3A_136 : memref<250xi32, #tpu.memory_space<vmem>>) semaphore(%dma_start3A_141 : memref<!tpu.dma_semaphore, #tpu.memory_space<semaphore_mem>>)
      %add3A_142 = arith.constant 7 : i32
      %add3A_143 = arith.addi %mul3A_29, %add3A_142 : i32
      %dma_start3A_144 = arith.constant 7 : i32
      %dma_start3A_145 = arith.constant 7 : i32
      %dma_start3A_146 = arith.constant 0 : i32
      %dma_start3A_147 = arith.constant 0 : i32
      %dma_start3A_148 = tpu.memref_slice %arg9[%dma_start3A_144, %dma_start3A_146, %dma_start3A_147] : memref<8x250x16xf32, #tpu.memory_space<vmem>> -> memref<1x250x16xf32, #tpu.memory_space<vmem>>
      %dma_start3A_149 = tpu.memref_squeeze %dma_start3A_148 : memref<1x250x16xf32, #tpu.memory_space<vmem>> -> memref<250x16xf32, #tpu.memory_space<vmem>>
      %dma_start3A_150 = arith.constant 0 : i32
      %dma_start3A_151 = tpu.memref_slice %arg7[%add3A_143, %dma_start3A_150] : memref<40x250xi32, #tpu.memory_space<vmem>> -> memref<1x250xi32, #tpu.memory_space<vmem>>
      %dma_start3A_152 = tpu.memref_squeeze %dma_start3A_151 : memref<1x250xi32, #tpu.memory_space<vmem>> -> memref<250xi32, #tpu.memory_space<vmem>>
      %dma_start3A_153 = arith.constant 0 : i32
      %dma_start3A_154 = arith.constant 0 : i32
      %dma_start3A_155 = tpu.memref_slice %arg2[%dma_start3A_153, %dma_start3A_154] : memref<10240x16xf32, #tpu.memory_space<hbm>> -> memref<10240x16xf32, #tpu.memory_space<hbm>>
      %dma_start3A_156 = tpu.memref_slice %arg11[%dma_start3A_145] : memref<8x!tpu.dma_semaphore, #tpu.memory_space<semaphore_mem>> -> memref<1x!tpu.dma_semaphore, #tpu.memory_space<semaphore_mem>>
      %dma_start3A_157 = tpu.memref_squeeze %dma_start3A_156 : memref<1x!tpu.dma_semaphore, #tpu.memory_space<semaphore_mem>> -> memref<!tpu.dma_semaphore, #tpu.memory_space<semaphore_mem>>
      tpu.enqueue_indirect_dma source(%dma_start3A_155 : memref<10240x16xf32, #tpu.memory_space<hbm>>) target(%dma_start3A_149 : memref<250x16xf32, #tpu.memory_space<vmem>>) offsets(%dma_start3A_152 : memref<250xi32, #tpu.memory_space<vmem>>) semaphore(%dma_start3A_157 : memref<!tpu.dma_semaphore, #tpu.memory_space<semaphore_mem>>)
      %dma_wait3A_158 = arith.constant 0 : i32
      %dma_wait3A_159 = arith.constant 0 : i32
      %dma_wait3A_160 = arith.constant 0 : i32
      %dma_wait3A_161 = arith.constant 0 : i32
      %dma_wait3A_162 = tpu.memref_slice %arg9[%dma_wait3A_158, %dma_wait3A_160, %dma_wait3A_161] : memref<8x250x16xf32, #tpu.memory_space<vmem>> -> memref<1x250x16xf32, #tpu.memory_space<vmem>>
      %dma_wait3A_163 = tpu.memref_squeeze %dma_wait3A_162 : memref<1x250x16xf32, #tpu.memory_space<vmem>> -> memref<250x16xf32, #tpu.memory_space<vmem>>
      %dma_wait3A_164 = arith.constant 0 : i32
      %dma_wait3A_165 = tpu.memref_slice %arg7[%add3A_31, %dma_wait3A_164] : memref<40x250xi32, #tpu.memory_space<vmem>> -> memref<1x250xi32, #tpu.memory_space<vmem>>
      %dma_wait3A_166 = tpu.memref_squeeze %dma_wait3A_165 : memref<1x250xi32, #tpu.memory_space<vmem>> -> memref<250xi32, #tpu.memory_space<vmem>>
      %dma_wait3A_167 = arith.constant 0 : i32
      %dma_wait3A_168 = arith.constant 0 : i32
      %dma_wait3A_169 = tpu.memref_slice %arg2[%dma_wait3A_167, %dma_wait3A_168] : memref<10240x16xf32, #tpu.memory_space<hbm>> -> memref<10240x16xf32, #tpu.memory_space<hbm>>
      %dma_wait3A_170 = tpu.memref_slice %arg11[%dma_wait3A_159] : memref<8x!tpu.dma_semaphore, #tpu.memory_space<semaphore_mem>> -> memref<1x!tpu.dma_semaphore, #tpu.memory_space<semaphore_mem>>
      %dma_wait3A_171 = tpu.memref_squeeze %dma_wait3A_170 : memref<1x!tpu.dma_semaphore, #tpu.memory_space<semaphore_mem>> -> memref<!tpu.dma_semaphore, #tpu.memory_space<semaphore_mem>>
      tpu.wait_indirect_dma semaphore(%dma_wait3A_171 : memref<!tpu.dma_semaphore, #tpu.memory_space<semaphore_mem>>) src(%dma_wait3A_169 : memref<10240x16xf32, #tpu.memory_space<hbm>>) dst(%dma_wait3A_163 : memref<250x16xf32, #tpu.memory_space<vmem>>)
      %add3A_172 = arith.constant 0 : i32
      %add3A_173 = arith.addi %mul3A_29, %add3A_172 : i32
      %run_scoped3A = arith.constant 0 : i32
      "tpu.region"() ({
        %run_scoped3A_293 = tpu.sem_alloc : memref<!tpu.dma_semaphore, #tpu.memory_space<semaphore_mem>>
        %dma_start3A_294 = arith.constant 0 : i32
        %dma_start3A_295 = arith.constant 0 : i32
        %dma_start3A_296 = tpu.memref_slice %arg9[%run_scoped3A, %dma_start3A_294, %dma_start3A_295] : memref<8x250x16xf32, #tpu.memory_space<vmem>> -> memref<1x250x16xf32, #tpu.memory_space<vmem>>
        %dma_start3A_297 = tpu.memref_squeeze %dma_start3A_296 : memref<1x250x16xf32, #tpu.memory_space<vmem>> -> memref<250x16xf32, #tpu.memory_space<vmem>>
        %dma_start3A_298 = arith.constant 0 : i32
        %dma_start3A_299 = tpu.memref_slice %arg8[%add3A_173, %dma_start3A_298] : memref<40x250xi32, #tpu.memory_space<vmem>> -> memref<1x250xi32, #tpu.memory_space<vmem>>
        %dma_start3A_300 = tpu.memref_squeeze %dma_start3A_299 : memref<1x250xi32, #tpu.memory_space<vmem>> -> memref<250xi32, #tpu.memory_space<vmem>>
        %dma_start3A_301 = arith.constant 0 : i32
        %dma_start3A_302 = arith.constant 0 : i32
        %dma_start3A_303 = tpu.memref_slice %arg10[%dma_start3A_301, %dma_start3A_302] : memref<10240x16xf32, #tpu.memory_space<vmem_shared>> -> memref<10240x16xf32, #tpu.memory_space<vmem_shared>>
        tpu.enqueue_indirect_dma source(%dma_start3A_297 : memref<250x16xf32, #tpu.memory_space<vmem>>) target(%dma_start3A_303 : memref<10240x16xf32, #tpu.memory_space<vmem_shared>>) offsets(%dma_start3A_300 : memref<250xi32, #tpu.memory_space<vmem>>) semaphore(%run_scoped3A_293 : memref<!tpu.dma_semaphore, #tpu.memory_space<semaphore_mem>>) {add = true}
        %dma_wait3A_304 = arith.constant 0 : i32
        %dma_wait3A_305 = arith.constant 0 : i32
        %dma_wait3A_306 = tpu.memref_slice %arg9[%run_scoped3A, %dma_wait3A_304, %dma_wait3A_305] : memref<8x250x16xf32, #tpu.memory_space<vmem>> -> memref<1x250x16xf32, #tpu.memory_space<vmem>>
        %dma_wait3A_307 = tpu.memref_squeeze %dma_wait3A_306 : memref<1x250x16xf32, #tpu.memory_space<vmem>> -> memref<250x16xf32, #tpu.memory_space<vmem>>
        %dma_wait3A_308 = arith.constant 0 : i32
        %dma_wait3A_309 = tpu.memref_slice %arg8[%add3A_173, %dma_wait3A_308] : memref<40x250xi32, #tpu.memory_space<vmem>> -> memref<1x250xi32, #tpu.memory_space<vmem>>
        %dma_wait3A_310 = tpu.memref_squeeze %dma_wait3A_309 : memref<1x250xi32, #tpu.memory_space<vmem>> -> memref<250xi32, #tpu.memory_space<vmem>>
        %dma_wait3A_311 = arith.constant 0 : i32
        %dma_wait3A_312 = arith.constant 0 : i32
        %dma_wait3A_313 = tpu.memref_slice %arg10[%dma_wait3A_311, %dma_wait3A_312] : memref<10240x16xf32, #tpu.memory_space<vmem_shared>> -> memref<10240x16xf32, #tpu.memory_space<vmem_shared>>
        tpu.wait_indirect_dma semaphore(%run_scoped3A_293 : memref<!tpu.dma_semaphore, #tpu.memory_space<semaphore_mem>>) src(%dma_wait3A_307 : memref<250x16xf32, #tpu.memory_space<vmem>>) dst(%dma_wait3A_313 : memref<10240x16xf32, #tpu.memory_space<vmem_shared>>)
        tpu.yield
      }) : () -> ()
      %dma_wait3A_174 = arith.constant 1 : i32
      %dma_wait3A_175 = arith.constant 1 : i32
      %dma_wait3A_176 = arith.constant 0 : i32
      %dma_wait3A_177 = arith.constant 0 : i32
      %dma_wait3A_178 = tpu.memref_slice %arg9[%dma_wait3A_174, %dma_wait3A_176, %dma_wait3A_177] : memref<8x250x16xf32, #tpu.memory_space<vmem>> -> memref<1x250x16xf32, #tpu.memory_space<vmem>>
      %dma_wait3A_179 = tpu.memref_squeeze %dma_wait3A_178 : memref<1x250x16xf32, #tpu.memory_space<vmem>> -> memref<250x16xf32, #tpu.memory_space<vmem>>
      %dma_wait3A_180 = arith.constant 0 : i32
      %dma_wait3A_181 = tpu.memref_slice %arg7[%add3A_47, %dma_wait3A_180] : memref<40x250xi32, #tpu.memory_space<vmem>> -> memref<1x250xi32, #tpu.memory_space<vmem>>
      %dma_wait3A_182 = tpu.memref_squeeze %dma_wait3A_181 : memref<1x250xi32, #tpu.memory_space<vmem>> -> memref<250xi32, #tpu.memory_space<vmem>>
      %dma_wait3A_183 = arith.constant 0 : i32
      %dma_wait3A_184 = arith.constant 0 : i32
      %dma_wait3A_185 = tpu.memref_slice %arg2[%dma_wait3A_183, %dma_wait3A_184] : memref<10240x16xf32, #tpu.memory_space<hbm>> -> memref<10240x16xf32, #tpu.memory_space<hbm>>
      %dma_wait3A_186 = tpu.memref_slice %arg11[%dma_wait3A_175] : memref<8x!tpu.dma_semaphore, #tpu.memory_space<semaphore_mem>> -> memref<1x!tpu.dma_semaphore, #tpu.memory_space<semaphore_mem>>
      %dma_wait3A_187 = tpu.memref_squeeze %dma_wait3A_186 : memref<1x!tpu.dma_semaphore, #tpu.memory_space<semaphore_mem>> -> memref<!tpu.dma_semaphore, #tpu.memory_space<semaphore_mem>>
      tpu.wait_indirect_dma semaphore(%dma_wait3A_187 : memref<!tpu.dma_semaphore, #tpu.memory_space<semaphore_mem>>) src(%dma_wait3A_185 : memref<10240x16xf32, #tpu.memory_space<hbm>>) dst(%dma_wait3A_179 : memref<250x16xf32, #tpu.memory_space<vmem>>)
      %add3A_188 = arith.constant 1 : i32
      %add3A_189 = arith.addi %mul3A_29, %add3A_188 : i32
      %run_scoped3A_190 = arith.constant 1 : i32
      "tpu.region"() ({
        %run_scoped3A_293 = tpu.sem_alloc : memref<!tpu.dma_semaphore, #tpu.memory_space<semaphore_mem>>
        %dma_start3A_294 = arith.constant 0 : i32
        %dma_start3A_295 = arith.constant 0 : i32
        %dma_start3A_296 = tpu.memref_slice %arg9[%run_scoped3A_190, %dma_start3A_294, %dma_start3A_295] : memref<8x250x16xf32, #tpu.memory_space<vmem>> -> memref<1x250x16xf32, #tpu.memory_space<vmem>>
        %dma_start3A_297 = tpu.memref_squeeze %dma_start3A_296 : memref<1x250x16xf32, #tpu.memory_space<vmem>> -> memref<250x16xf32, #tpu.memory_space<vmem>>
        %dma_start3A_298 = arith.constant 0 : i32
        %dma_start3A_299 = tpu.memref_slice %arg8[%add3A_189, %dma_start3A_298] : memref<40x250xi32, #tpu.memory_space<vmem>> -> memref<1x250xi32, #tpu.memory_space<vmem>>
        %dma_start3A_300 = tpu.memref_squeeze %dma_start3A_299 : memref<1x250xi32, #tpu.memory_space<vmem>> -> memref<250xi32, #tpu.memory_space<vmem>>
        %dma_start3A_301 = arith.constant 0 : i32
        %dma_start3A_302 = arith.constant 0 : i32
        %dma_start3A_303 = tpu.memref_slice %arg10[%dma_start3A_301, %dma_start3A_302] : memref<10240x16xf32, #tpu.memory_space<vmem_shared>> -> memref<10240x16xf32, #tpu.memory_space<vmem_shared>>
        tpu.enqueue_indirect_dma source(%dma_start3A_297 : memref<250x16xf32, #tpu.memory_space<vmem>>) target(%dma_start3A_303 : memref<10240x16xf32, #tpu.memory_space<vmem_shared>>) offsets(%dma_start3A_300 : memref<250xi32, #tpu.memory_space<vmem>>) semaphore(%run_scoped3A_293 : memref<!tpu.dma_semaphore, #tpu.memory_space<semaphore_mem>>) {add = true}
        %dma_wait3A_304 = arith.constant 0 : i32
        %dma_wait3A_305 = arith.constant 0 : i32
        %dma_wait3A_306 = tpu.memref_slice %arg9[%run_scoped3A_190, %dma_wait3A_304, %dma_wait3A_305] : memref<8x250x16xf32, #tpu.memory_space<vmem>> -> memref<1x250x16xf32, #tpu.memory_space<vmem>>
        %dma_wait3A_307 = tpu.memref_squeeze %dma_wait3A_306 : memref<1x250x16xf32, #tpu.memory_space<vmem>> -> memref<250x16xf32, #tpu.memory_space<vmem>>
        %dma_wait3A_308 = arith.constant 0 : i32
        %dma_wait3A_309 = tpu.memref_slice %arg8[%add3A_189, %dma_wait3A_308] : memref<40x250xi32, #tpu.memory_space<vmem>> -> memref<1x250xi32, #tpu.memory_space<vmem>>
        %dma_wait3A_310 = tpu.memref_squeeze %dma_wait3A_309 : memref<1x250xi32, #tpu.memory_space<vmem>> -> memref<250xi32, #tpu.memory_space<vmem>>
        %dma_wait3A_311 = arith.constant 0 : i32
        %dma_wait3A_312 = arith.constant 0 : i32
        %dma_wait3A_313 = tpu.memref_slice %arg10[%dma_wait3A_311, %dma_wait3A_312] : memref<10240x16xf32, #tpu.memory_space<vmem_shared>> -> memref<10240x16xf32, #tpu.memory_space<vmem_shared>>
        tpu.wait_indirect_dma semaphore(%run_scoped3A_293 : memref<!tpu.dma_semaphore, #tpu.memory_space<semaphore_mem>>) src(%dma_wait3A_307 : memref<250x16xf32, #tpu.memory_space<vmem>>) dst(%dma_wait3A_313 : memref<10240x16xf32, #tpu.memory_space<vmem_shared>>)
        tpu.yield
      }) : () -> ()
      %dma_wait3A_191 = arith.constant 2 : i32
      %dma_wait3A_192 = arith.constant 2 : i32
      %dma_wait3A_193 = arith.constant 0 : i32
      %dma_wait3A_194 = arith.constant 0 : i32
      %dma_wait3A_195 = tpu.memref_slice %arg9[%dma_wait3A_191, %dma_wait3A_193, %dma_wait3A_194] : memref<8x250x16xf32, #tpu.memory_space<vmem>> -> memref<1x250x16xf32, #tpu.memory_space<vmem>>
      %dma_wait3A_196 = tpu.memref_squeeze %dma_wait3A_195 : memref<1x250x16xf32, #tpu.memory_space<vmem>> -> memref<250x16xf32, #tpu.memory_space<vmem>>
      %dma_wait3A_197 = arith.constant 0 : i32
      %dma_wait3A_198 = tpu.memref_slice %arg7[%add3A_63, %dma_wait3A_197] : memref<40x250xi32, #tpu.memory_space<vmem>> -> memref<1x250xi32, #tpu.memory_space<vmem>>
      %dma_wait3A_199 = tpu.memref_squeeze %dma_wait3A_198 : memref<1x250xi32, #tpu.memory_space<vmem>> -> memref<250xi32, #tpu.memory_space<vmem>>
      %dma_wait3A_200 = arith.constant 0 : i32
      %dma_wait3A_201 = arith.constant 0 : i32
      %dma_wait3A_202 = tpu.memref_slice %arg2[%dma_wait3A_200, %dma_wait3A_201] : memref<10240x16xf32, #tpu.memory_space<hbm>> -> memref<10240x16xf32, #tpu.memory_space<hbm>>
      %dma_wait3A_203 = tpu.memref_slice %arg11[%dma_wait3A_192] : memref<8x!tpu.dma_semaphore, #tpu.memory_space<semaphore_mem>> -> memref<1x!tpu.dma_semaphore, #tpu.memory_space<semaphore_mem>>
      %dma_wait3A_204 = tpu.memref_squeeze %dma_wait3A_203 : memref<1x!tpu.dma_semaphore, #tpu.memory_space<semaphore_mem>> -> memref<!tpu.dma_semaphore, #tpu.memory_space<semaphore_mem>>
      tpu.wait_indirect_dma semaphore(%dma_wait3A_204 : memref<!tpu.dma_semaphore, #tpu.memory_space<semaphore_mem>>) src(%dma_wait3A_202 : memref<10240x16xf32, #tpu.memory_space<hbm>>) dst(%dma_wait3A_196 : memref<250x16xf32, #tpu.memory_space<vmem>>)
      %add3A_205 = arith.constant 2 : i32
      %add3A_206 = arith.addi %mul3A_29, %add3A_205 : i32
      %run_scoped3A_207 = arith.constant 2 : i32
      "tpu.region"() ({
        %run_scoped3A_293 = tpu.sem_alloc : memref<!tpu.dma_semaphore, #tpu.memory_space<semaphore_mem>>
        %dma_start3A_294 = arith.constant 0 : i32
        %dma_start3A_295 = arith.constant 0 : i32
        %dma_start3A_296 = tpu.memref_slice %arg9[%run_scoped3A_207, %dma_start3A_294, %dma_start3A_295] : memref<8x250x16xf32, #tpu.memory_space<vmem>> -> memref<1x250x16xf32, #tpu.memory_space<vmem>>
        %dma_start3A_297 = tpu.memref_squeeze %dma_start3A_296 : memref<1x250x16xf32, #tpu.memory_space<vmem>> -> memref<250x16xf32, #tpu.memory_space<vmem>>
        %dma_start3A_298 = arith.constant 0 : i32
        %dma_start3A_299 = tpu.memref_slice %arg8[%add3A_206, %dma_start3A_298] : memref<40x250xi32, #tpu.memory_space<vmem>> -> memref<1x250xi32, #tpu.memory_space<vmem>>
        %dma_start3A_300 = tpu.memref_squeeze %dma_start3A_299 : memref<1x250xi32, #tpu.memory_space<vmem>> -> memref<250xi32, #tpu.memory_space<vmem>>
        %dma_start3A_301 = arith.constant 0 : i32
        %dma_start3A_302 = arith.constant 0 : i32
        %dma_start3A_303 = tpu.memref_slice %arg10[%dma_start3A_301, %dma_start3A_302] : memref<10240x16xf32, #tpu.memory_space<vmem_shared>> -> memref<10240x16xf32, #tpu.memory_space<vmem_shared>>
        tpu.enqueue_indirect_dma source(%dma_start3A_297 : memref<250x16xf32, #tpu.memory_space<vmem>>) target(%dma_start3A_303 : memref<10240x16xf32, #tpu.memory_space<vmem_shared>>) offsets(%dma_start3A_300 : memref<250xi32, #tpu.memory_space<vmem>>) semaphore(%run_scoped3A_293 : memref<!tpu.dma_semaphore, #tpu.memory_space<semaphore_mem>>) {add = true}
        %dma_wait3A_304 = arith.constant 0 : i32
        %dma_wait3A_305 = arith.constant 0 : i32
        %dma_wait3A_306 = tpu.memref_slice %arg9[%run_scoped3A_207, %dma_wait3A_304, %dma_wait3A_305] : memref<8x250x16xf32, #tpu.memory_space<vmem>> -> memref<1x250x16xf32, #tpu.memory_space<vmem>>
        %dma_wait3A_307 = tpu.memref_squeeze %dma_wait3A_306 : memref<1x250x16xf32, #tpu.memory_space<vmem>> -> memref<250x16xf32, #tpu.memory_space<vmem>>
        %dma_wait3A_308 = arith.constant 0 : i32
        %dma_wait3A_309 = tpu.memref_slice %arg8[%add3A_206, %dma_wait3A_308] : memref<40x250xi32, #tpu.memory_space<vmem>> -> memref<1x250xi32, #tpu.memory_space<vmem>>
        %dma_wait3A_310 = tpu.memref_squeeze %dma_wait3A_309 : memref<1x250xi32, #tpu.memory_space<vmem>> -> memref<250xi32, #tpu.memory_space<vmem>>
        %dma_wait3A_311 = arith.constant 0 : i32
        %dma_wait3A_312 = arith.constant 0 : i32
        %dma_wait3A_313 = tpu.memref_slice %arg10[%dma_wait3A_311, %dma_wait3A_312] : memref<10240x16xf32, #tpu.memory_space<vmem_shared>> -> memref<10240x16xf32, #tpu.memory_space<vmem_shared>>
        tpu.wait_indirect_dma semaphore(%run_scoped3A_293 : memref<!tpu.dma_semaphore, #tpu.memory_space<semaphore_mem>>) src(%dma_wait3A_307 : memref<250x16xf32, #tpu.memory_space<vmem>>) dst(%dma_wait3A_313 : memref<10240x16xf32, #tpu.memory_space<vmem_shared>>)
        tpu.yield
      }) : () -> ()
      %dma_wait3A_208 = arith.constant 3 : i32
      %dma_wait3A_209 = arith.constant 3 : i32
      %dma_wait3A_210 = arith.constant 0 : i32
      %dma_wait3A_211 = arith.constant 0 : i32
      %dma_wait3A_212 = tpu.memref_slice %arg9[%dma_wait3A_208, %dma_wait3A_210, %dma_wait3A_211] : memref<8x250x16xf32, #tpu.memory_space<vmem>> -> memref<1x250x16xf32, #tpu.memory_space<vmem>>
      %dma_wait3A_213 = tpu.memref_squeeze %dma_wait3A_212 : memref<1x250x16xf32, #tpu.memory_space<vmem>> -> memref<250x16xf32, #tpu.memory_space<vmem>>
      %dma_wait3A_214 = arith.constant 0 : i32
      %dma_wait3A_215 = tpu.memref_slice %arg7[%add3A_79, %dma_wait3A_214] : memref<40x250xi32, #tpu.memory_space<vmem>> -> memref<1x250xi32, #tpu.memory_space<vmem>>
      %dma_wait3A_216 = tpu.memref_squeeze %dma_wait3A_215 : memref<1x250xi32, #tpu.memory_space<vmem>> -> memref<250xi32, #tpu.memory_space<vmem>>
      %dma_wait3A_217 = arith.constant 0 : i32
      %dma_wait3A_218 = arith.constant 0 : i32
      %dma_wait3A_219 = tpu.memref_slice %arg2[%dma_wait3A_217, %dma_wait3A_218] : memref<10240x16xf32, #tpu.memory_space<hbm>> -> memref<10240x16xf32, #tpu.memory_space<hbm>>
      %dma_wait3A_220 = tpu.memref_slice %arg11[%dma_wait3A_209] : memref<8x!tpu.dma_semaphore, #tpu.memory_space<semaphore_mem>> -> memref<1x!tpu.dma_semaphore, #tpu.memory_space<semaphore_mem>>
      %dma_wait3A_221 = tpu.memref_squeeze %dma_wait3A_220 : memref<1x!tpu.dma_semaphore, #tpu.memory_space<semaphore_mem>> -> memref<!tpu.dma_semaphore, #tpu.memory_space<semaphore_mem>>
      tpu.wait_indirect_dma semaphore(%dma_wait3A_221 : memref<!tpu.dma_semaphore, #tpu.memory_space<semaphore_mem>>) src(%dma_wait3A_219 : memref<10240x16xf32, #tpu.memory_space<hbm>>) dst(%dma_wait3A_213 : memref<250x16xf32, #tpu.memory_space<vmem>>)
      %add3A_222 = arith.constant 3 : i32
      %add3A_223 = arith.addi %mul3A_29, %add3A_222 : i32
      %run_scoped3A_224 = arith.constant 3 : i32
      "tpu.region"() ({
        %run_scoped3A_293 = tpu.sem_alloc : memref<!tpu.dma_semaphore, #tpu.memory_space<semaphore_mem>>
        %dma_start3A_294 = arith.constant 0 : i32
        %dma_start3A_295 = arith.constant 0 : i32
        %dma_start3A_296 = tpu.memref_slice %arg9[%run_scoped3A_224, %dma_start3A_294, %dma_start3A_295] : memref<8x250x16xf32, #tpu.memory_space<vmem>> -> memref<1x250x16xf32, #tpu.memory_space<vmem>>
        %dma_start3A_297 = tpu.memref_squeeze %dma_start3A_296 : memref<1x250x16xf32, #tpu.memory_space<vmem>> -> memref<250x16xf32, #tpu.memory_space<vmem>>
        %dma_start3A_298 = arith.constant 0 : i32
        %dma_start3A_299 = tpu.memref_slice %arg8[%add3A_223, %dma_start3A_298] : memref<40x250xi32, #tpu.memory_space<vmem>> -> memref<1x250xi32, #tpu.memory_space<vmem>>
        %dma_start3A_300 = tpu.memref_squeeze %dma_start3A_299 : memref<1x250xi32, #tpu.memory_space<vmem>> -> memref<250xi32, #tpu.memory_space<vmem>>
        %dma_start3A_301 = arith.constant 0 : i32
        %dma_start3A_302 = arith.constant 0 : i32
        %dma_start3A_303 = tpu.memref_slice %arg10[%dma_start3A_301, %dma_start3A_302] : memref<10240x16xf32, #tpu.memory_space<vmem_shared>> -> memref<10240x16xf32, #tpu.memory_space<vmem_shared>>
        tpu.enqueue_indirect_dma source(%dma_start3A_297 : memref<250x16xf32, #tpu.memory_space<vmem>>) target(%dma_start3A_303 : memref<10240x16xf32, #tpu.memory_space<vmem_shared>>) offsets(%dma_start3A_300 : memref<250xi32, #tpu.memory_space<vmem>>) semaphore(%run_scoped3A_293 : memref<!tpu.dma_semaphore, #tpu.memory_space<semaphore_mem>>) {add = true}
        %dma_wait3A_304 = arith.constant 0 : i32
        %dma_wait3A_305 = arith.constant 0 : i32
        %dma_wait3A_306 = tpu.memref_slice %arg9[%run_scoped3A_224, %dma_wait3A_304, %dma_wait3A_305] : memref<8x250x16xf32, #tpu.memory_space<vmem>> -> memref<1x250x16xf32, #tpu.memory_space<vmem>>
        %dma_wait3A_307 = tpu.memref_squeeze %dma_wait3A_306 : memref<1x250x16xf32, #tpu.memory_space<vmem>> -> memref<250x16xf32, #tpu.memory_space<vmem>>
        %dma_wait3A_308 = arith.constant 0 : i32
        %dma_wait3A_309 = tpu.memref_slice %arg8[%add3A_223, %dma_wait3A_308] : memref<40x250xi32, #tpu.memory_space<vmem>> -> memref<1x250xi32, #tpu.memory_space<vmem>>
        %dma_wait3A_310 = tpu.memref_squeeze %dma_wait3A_309 : memref<1x250xi32, #tpu.memory_space<vmem>> -> memref<250xi32, #tpu.memory_space<vmem>>
        %dma_wait3A_311 = arith.constant 0 : i32
        %dma_wait3A_312 = arith.constant 0 : i32
        %dma_wait3A_313 = tpu.memref_slice %arg10[%dma_wait3A_311, %dma_wait3A_312] : memref<10240x16xf32, #tpu.memory_space<vmem_shared>> -> memref<10240x16xf32, #tpu.memory_space<vmem_shared>>
        tpu.wait_indirect_dma semaphore(%run_scoped3A_293 : memref<!tpu.dma_semaphore, #tpu.memory_space<semaphore_mem>>) src(%dma_wait3A_307 : memref<250x16xf32, #tpu.memory_space<vmem>>) dst(%dma_wait3A_313 : memref<10240x16xf32, #tpu.memory_space<vmem_shared>>)
        tpu.yield
      }) : () -> ()
      %dma_wait3A_225 = arith.constant 4 : i32
      %dma_wait3A_226 = arith.constant 4 : i32
      %dma_wait3A_227 = arith.constant 0 : i32
      %dma_wait3A_228 = arith.constant 0 : i32
      %dma_wait3A_229 = tpu.memref_slice %arg9[%dma_wait3A_225, %dma_wait3A_227, %dma_wait3A_228] : memref<8x250x16xf32, #tpu.memory_space<vmem>> -> memref<1x250x16xf32, #tpu.memory_space<vmem>>
      %dma_wait3A_230 = tpu.memref_squeeze %dma_wait3A_229 : memref<1x250x16xf32, #tpu.memory_space<vmem>> -> memref<250x16xf32, #tpu.memory_space<vmem>>
      %dma_wait3A_231 = arith.constant 0 : i32
      %dma_wait3A_232 = tpu.memref_slice %arg7[%add3A_95, %dma_wait3A_231] : memref<40x250xi32, #tpu.memory_space<vmem>> -> memref<1x250xi32, #tpu.memory_space<vmem>>
      %dma_wait3A_233 = tpu.memref_squeeze %dma_wait3A_232 : memref<1x250xi32, #tpu.memory_space<vmem>> -> memref<250xi32, #tpu.memory_space<vmem>>
      %dma_wait3A_234 = arith.constant 0 : i32
      %dma_wait3A_235 = arith.constant 0 : i32
      %dma_wait3A_236 = tpu.memref_slice %arg2[%dma_wait3A_234, %dma_wait3A_235] : memref<10240x16xf32, #tpu.memory_space<hbm>> -> memref<10240x16xf32, #tpu.memory_space<hbm>>
      %dma_wait3A_237 = tpu.memref_slice %arg11[%dma_wait3A_226] : memref<8x!tpu.dma_semaphore, #tpu.memory_space<semaphore_mem>> -> memref<1x!tpu.dma_semaphore, #tpu.memory_space<semaphore_mem>>
      %dma_wait3A_238 = tpu.memref_squeeze %dma_wait3A_237 : memref<1x!tpu.dma_semaphore, #tpu.memory_space<semaphore_mem>> -> memref<!tpu.dma_semaphore, #tpu.memory_space<semaphore_mem>>
      tpu.wait_indirect_dma semaphore(%dma_wait3A_238 : memref<!tpu.dma_semaphore, #tpu.memory_space<semaphore_mem>>) src(%dma_wait3A_236 : memref<10240x16xf32, #tpu.memory_space<hbm>>) dst(%dma_wait3A_230 : memref<250x16xf32, #tpu.memory_space<vmem>>)
      %add3A_239 = arith.constant 4 : i32
      %add3A_240 = arith.addi %mul3A_29, %add3A_239 : i32
      %run_scoped3A_241 = arith.constant 4 : i32
      "tpu.region"() ({
        %run_scoped3A_293 = tpu.sem_alloc : memref<!tpu.dma_semaphore, #tpu.memory_space<semaphore_mem>>
        %dma_start3A_294 = arith.constant 0 : i32
        %dma_start3A_295 = arith.constant 0 : i32
        %dma_start3A_296 = tpu.memref_slice %arg9[%run_scoped3A_241, %dma_start3A_294, %dma_start3A_295] : memref<8x250x16xf32, #tpu.memory_space<vmem>> -> memref<1x250x16xf32, #tpu.memory_space<vmem>>
        %dma_start3A_297 = tpu.memref_squeeze %dma_start3A_296 : memref<1x250x16xf32, #tpu.memory_space<vmem>> -> memref<250x16xf32, #tpu.memory_space<vmem>>
        %dma_start3A_298 = arith.constant 0 : i32
        %dma_start3A_299 = tpu.memref_slice %arg8[%add3A_240, %dma_start3A_298] : memref<40x250xi32, #tpu.memory_space<vmem>> -> memref<1x250xi32, #tpu.memory_space<vmem>>
        %dma_start3A_300 = tpu.memref_squeeze %dma_start3A_299 : memref<1x250xi32, #tpu.memory_space<vmem>> -> memref<250xi32, #tpu.memory_space<vmem>>
        %dma_start3A_301 = arith.constant 0 : i32
        %dma_start3A_302 = arith.constant 0 : i32
        %dma_start3A_303 = tpu.memref_slice %arg10[%dma_start3A_301, %dma_start3A_302] : memref<10240x16xf32, #tpu.memory_space<vmem_shared>> -> memref<10240x16xf32, #tpu.memory_space<vmem_shared>>
        tpu.enqueue_indirect_dma source(%dma_start3A_297 : memref<250x16xf32, #tpu.memory_space<vmem>>) target(%dma_start3A_303 : memref<10240x16xf32, #tpu.memory_space<vmem_shared>>) offsets(%dma_start3A_300 : memref<250xi32, #tpu.memory_space<vmem>>) semaphore(%run_scoped3A_293 : memref<!tpu.dma_semaphore, #tpu.memory_space<semaphore_mem>>) {add = true}
        %dma_wait3A_304 = arith.constant 0 : i32
        %dma_wait3A_305 = arith.constant 0 : i32
        %dma_wait3A_306 = tpu.memref_slice %arg9[%run_scoped3A_241, %dma_wait3A_304, %dma_wait3A_305] : memref<8x250x16xf32, #tpu.memory_space<vmem>> -> memref<1x250x16xf32, #tpu.memory_space<vmem>>
        %dma_wait3A_307 = tpu.memref_squeeze %dma_wait3A_306 : memref<1x250x16xf32, #tpu.memory_space<vmem>> -> memref<250x16xf32, #tpu.memory_space<vmem>>
        %dma_wait3A_308 = arith.constant 0 : i32
        %dma_wait3A_309 = tpu.memref_slice %arg8[%add3A_240, %dma_wait3A_308] : memref<40x250xi32, #tpu.memory_space<vmem>> -> memref<1x250xi32, #tpu.memory_space<vmem>>
        %dma_wait3A_310 = tpu.memref_squeeze %dma_wait3A_309 : memref<1x250xi32, #tpu.memory_space<vmem>> -> memref<250xi32, #tpu.memory_space<vmem>>
        %dma_wait3A_311 = arith.constant 0 : i32
        %dma_wait3A_312 = arith.constant 0 : i32
        %dma_wait3A_313 = tpu.memref_slice %arg10[%dma_wait3A_311, %dma_wait3A_312] : memref<10240x16xf32, #tpu.memory_space<vmem_shared>> -> memref<10240x16xf32, #tpu.memory_space<vmem_shared>>
        tpu.wait_indirect_dma semaphore(%run_scoped3A_293 : memref<!tpu.dma_semaphore, #tpu.memory_space<semaphore_mem>>) src(%dma_wait3A_307 : memref<250x16xf32, #tpu.memory_space<vmem>>) dst(%dma_wait3A_313 : memref<10240x16xf32, #tpu.memory_space<vmem_shared>>)
        tpu.yield
      }) : () -> ()
      %dma_wait3A_242 = arith.constant 5 : i32
      %dma_wait3A_243 = arith.constant 5 : i32
      %dma_wait3A_244 = arith.constant 0 : i32
      %dma_wait3A_245 = arith.constant 0 : i32
      %dma_wait3A_246 = tpu.memref_slice %arg9[%dma_wait3A_242, %dma_wait3A_244, %dma_wait3A_245] : memref<8x250x16xf32, #tpu.memory_space<vmem>> -> memref<1x250x16xf32, #tpu.memory_space<vmem>>
      %dma_wait3A_247 = tpu.memref_squeeze %dma_wait3A_246 : memref<1x250x16xf32, #tpu.memory_space<vmem>> -> memref<250x16xf32, #tpu.memory_space<vmem>>
      %dma_wait3A_248 = arith.constant 0 : i32
      %dma_wait3A_249 = tpu.memref_slice %arg7[%add3A_111, %dma_wait3A_248] : memref<40x250xi32, #tpu.memory_space<vmem>> -> memref<1x250xi32, #tpu.memory_space<vmem>>
      %dma_wait3A_250 = tpu.memref_squeeze %dma_wait3A_249 : memref<1x250xi32, #tpu.memory_space<vmem>> -> memref<250xi32, #tpu.memory_space<vmem>>
      %dma_wait3A_251 = arith.constant 0 : i32
      %dma_wait3A_252 = arith.constant 0 : i32
      %dma_wait3A_253 = tpu.memref_slice %arg2[%dma_wait3A_251, %dma_wait3A_252] : memref<10240x16xf32, #tpu.memory_space<hbm>> -> memref<10240x16xf32, #tpu.memory_space<hbm>>
      %dma_wait3A_254 = tpu.memref_slice %arg11[%dma_wait3A_243] : memref<8x!tpu.dma_semaphore, #tpu.memory_space<semaphore_mem>> -> memref<1x!tpu.dma_semaphore, #tpu.memory_space<semaphore_mem>>
      %dma_wait3A_255 = tpu.memref_squeeze %dma_wait3A_254 : memref<1x!tpu.dma_semaphore, #tpu.memory_space<semaphore_mem>> -> memref<!tpu.dma_semaphore, #tpu.memory_space<semaphore_mem>>
      tpu.wait_indirect_dma semaphore(%dma_wait3A_255 : memref<!tpu.dma_semaphore, #tpu.memory_space<semaphore_mem>>) src(%dma_wait3A_253 : memref<10240x16xf32, #tpu.memory_space<hbm>>) dst(%dma_wait3A_247 : memref<250x16xf32, #tpu.memory_space<vmem>>)
      %add3A_256 = arith.constant 5 : i32
      %add3A_257 = arith.addi %mul3A_29, %add3A_256 : i32
      %run_scoped3A_258 = arith.constant 5 : i32
      "tpu.region"() ({
        %run_scoped3A_293 = tpu.sem_alloc : memref<!tpu.dma_semaphore, #tpu.memory_space<semaphore_mem>>
        %dma_start3A_294 = arith.constant 0 : i32
        %dma_start3A_295 = arith.constant 0 : i32
        %dma_start3A_296 = tpu.memref_slice %arg9[%run_scoped3A_258, %dma_start3A_294, %dma_start3A_295] : memref<8x250x16xf32, #tpu.memory_space<vmem>> -> memref<1x250x16xf32, #tpu.memory_space<vmem>>
        %dma_start3A_297 = tpu.memref_squeeze %dma_start3A_296 : memref<1x250x16xf32, #tpu.memory_space<vmem>> -> memref<250x16xf32, #tpu.memory_space<vmem>>
        %dma_start3A_298 = arith.constant 0 : i32
        %dma_start3A_299 = tpu.memref_slice %arg8[%add3A_257, %dma_start3A_298] : memref<40x250xi32, #tpu.memory_space<vmem>> -> memref<1x250xi32, #tpu.memory_space<vmem>>
        %dma_start3A_300 = tpu.memref_squeeze %dma_start3A_299 : memref<1x250xi32, #tpu.memory_space<vmem>> -> memref<250xi32, #tpu.memory_space<vmem>>
        %dma_start3A_301 = arith.constant 0 : i32
        %dma_start3A_302 = arith.constant 0 : i32
        %dma_start3A_303 = tpu.memref_slice %arg10[%dma_start3A_301, %dma_start3A_302] : memref<10240x16xf32, #tpu.memory_space<vmem_shared>> -> memref<10240x16xf32, #tpu.memory_space<vmem_shared>>
        tpu.enqueue_indirect_dma source(%dma_start3A_297 : memref<250x16xf32, #tpu.memory_space<vmem>>) target(%dma_start3A_303 : memref<10240x16xf32, #tpu.memory_space<vmem_shared>>) offsets(%dma_start3A_300 : memref<250xi32, #tpu.memory_space<vmem>>) semaphore(%run_scoped3A_293 : memref<!tpu.dma_semaphore, #tpu.memory_space<semaphore_mem>>) {add = true}
        %dma_wait3A_304 = arith.constant 0 : i32
        %dma_wait3A_305 = arith.constant 0 : i32
        %dma_wait3A_306 = tpu.memref_slice %arg9[%run_scoped3A_258, %dma_wait3A_304, %dma_wait3A_305] : memref<8x250x16xf32, #tpu.memory_space<vmem>> -> memref<1x250x16xf32, #tpu.memory_space<vmem>>
        %dma_wait3A_307 = tpu.memref_squeeze %dma_wait3A_306 : memref<1x250x16xf32, #tpu.memory_space<vmem>> -> memref<250x16xf32, #tpu.memory_space<vmem>>
        %dma_wait3A_308 = arith.constant 0 : i32
        %dma_wait3A_309 = tpu.memref_slice %arg8[%add3A_257, %dma_wait3A_308] : memref<40x250xi32, #tpu.memory_space<vmem>> -> memref<1x250xi32, #tpu.memory_space<vmem>>
        %dma_wait3A_310 = tpu.memref_squeeze %dma_wait3A_309 : memref<1x250xi32, #tpu.memory_space<vmem>> -> memref<250xi32, #tpu.memory_space<vmem>>
        %dma_wait3A_311 = arith.constant 0 : i32
        %dma_wait3A_312 = arith.constant 0 : i32
        %dma_wait3A_313 = tpu.memref_slice %arg10[%dma_wait3A_311, %dma_wait3A_312] : memref<10240x16xf32, #tpu.memory_space<vmem_shared>> -> memref<10240x16xf32, #tpu.memory_space<vmem_shared>>
        tpu.wait_indirect_dma semaphore(%run_scoped3A_293 : memref<!tpu.dma_semaphore, #tpu.memory_space<semaphore_mem>>) src(%dma_wait3A_307 : memref<250x16xf32, #tpu.memory_space<vmem>>) dst(%dma_wait3A_313 : memref<10240x16xf32, #tpu.memory_space<vmem_shared>>)
        tpu.yield
      }) : () -> ()
      %dma_wait3A_259 = arith.constant 6 : i32
      %dma_wait3A_260 = arith.constant 6 : i32
      %dma_wait3A_261 = arith.constant 0 : i32
      %dma_wait3A_262 = arith.constant 0 : i32
      %dma_wait3A_263 = tpu.memref_slice %arg9[%dma_wait3A_259, %dma_wait3A_261, %dma_wait3A_262] : memref<8x250x16xf32, #tpu.memory_space<vmem>> -> memref<1x250x16xf32, #tpu.memory_space<vmem>>
      %dma_wait3A_264 = tpu.memref_squeeze %dma_wait3A_263 : memref<1x250x16xf32, #tpu.memory_space<vmem>> -> memref<250x16xf32, #tpu.memory_space<vmem>>
      %dma_wait3A_265 = arith.constant 0 : i32
      %dma_wait3A_266 = tpu.memref_slice %arg7[%add3A_127, %dma_wait3A_265] : memref<40x250xi32, #tpu.memory_space<vmem>> -> memref<1x250xi32, #tpu.memory_space<vmem>>
      %dma_wait3A_267 = tpu.memref_squeeze %dma_wait3A_266 : memref<1x250xi32, #tpu.memory_space<vmem>> -> memref<250xi32, #tpu.memory_space<vmem>>
      %dma_wait3A_268 = arith.constant 0 : i32
      %dma_wait3A_269 = arith.constant 0 : i32
      %dma_wait3A_270 = tpu.memref_slice %arg2[%dma_wait3A_268, %dma_wait3A_269] : memref<10240x16xf32, #tpu.memory_space<hbm>> -> memref<10240x16xf32, #tpu.memory_space<hbm>>
      %dma_wait3A_271 = tpu.memref_slice %arg11[%dma_wait3A_260] : memref<8x!tpu.dma_semaphore, #tpu.memory_space<semaphore_mem>> -> memref<1x!tpu.dma_semaphore, #tpu.memory_space<semaphore_mem>>
      %dma_wait3A_272 = tpu.memref_squeeze %dma_wait3A_271 : memref<1x!tpu.dma_semaphore, #tpu.memory_space<semaphore_mem>> -> memref<!tpu.dma_semaphore, #tpu.memory_space<semaphore_mem>>
      tpu.wait_indirect_dma semaphore(%dma_wait3A_272 : memref<!tpu.dma_semaphore, #tpu.memory_space<semaphore_mem>>) src(%dma_wait3A_270 : memref<10240x16xf32, #tpu.memory_space<hbm>>) dst(%dma_wait3A_264 : memref<250x16xf32, #tpu.memory_space<vmem>>)
      %add3A_273 = arith.constant 6 : i32
      %add3A_274 = arith.addi %mul3A_29, %add3A_273 : i32
      %run_scoped3A_275 = arith.constant 6 : i32
      "tpu.region"() ({
        %run_scoped3A_293 = tpu.sem_alloc : memref<!tpu.dma_semaphore, #tpu.memory_space<semaphore_mem>>
        %dma_start3A_294 = arith.constant 0 : i32
        %dma_start3A_295 = arith.constant 0 : i32
        %dma_start3A_296 = tpu.memref_slice %arg9[%run_scoped3A_275, %dma_start3A_294, %dma_start3A_295] : memref<8x250x16xf32, #tpu.memory_space<vmem>> -> memref<1x250x16xf32, #tpu.memory_space<vmem>>
        %dma_start3A_297 = tpu.memref_squeeze %dma_start3A_296 : memref<1x250x16xf32, #tpu.memory_space<vmem>> -> memref<250x16xf32, #tpu.memory_space<vmem>>
        %dma_start3A_298 = arith.constant 0 : i32
        %dma_start3A_299 = tpu.memref_slice %arg8[%add3A_274, %dma_start3A_298] : memref<40x250xi32, #tpu.memory_space<vmem>> -> memref<1x250xi32, #tpu.memory_space<vmem>>
        %dma_start3A_300 = tpu.memref_squeeze %dma_start3A_299 : memref<1x250xi32, #tpu.memory_space<vmem>> -> memref<250xi32, #tpu.memory_space<vmem>>
        %dma_start3A_301 = arith.constant 0 : i32
        %dma_start3A_302 = arith.constant 0 : i32
        %dma_start3A_303 = tpu.memref_slice %arg10[%dma_start3A_301, %dma_start3A_302] : memref<10240x16xf32, #tpu.memory_space<vmem_shared>> -> memref<10240x16xf32, #tpu.memory_space<vmem_shared>>
        tpu.enqueue_indirect_dma source(%dma_start3A_297 : memref<250x16xf32, #tpu.memory_space<vmem>>) target(%dma_start3A_303 : memref<10240x16xf32, #tpu.memory_space<vmem_shared>>) offsets(%dma_start3A_300 : memref<250xi32, #tpu.memory_space<vmem>>) semaphore(%run_scoped3A_293 : memref<!tpu.dma_semaphore, #tpu.memory_space<semaphore_mem>>) {add = true}
        %dma_wait3A_304 = arith.constant 0 : i32
        %dma_wait3A_305 = arith.constant 0 : i32
        %dma_wait3A_306 = tpu.memref_slice %arg9[%run_scoped3A_275, %dma_wait3A_304, %dma_wait3A_305] : memref<8x250x16xf32, #tpu.memory_space<vmem>> -> memref<1x250x16xf32, #tpu.memory_space<vmem>>
        %dma_wait3A_307 = tpu.memref_squeeze %dma_wait3A_306 : memref<1x250x16xf32, #tpu.memory_space<vmem>> -> memref<250x16xf32, #tpu.memory_space<vmem>>
        %dma_wait3A_308 = arith.constant 0 : i32
        %dma_wait3A_309 = tpu.memref_slice %arg8[%add3A_274, %dma_wait3A_308] : memref<40x250xi32, #tpu.memory_space<vmem>> -> memref<1x250xi32, #tpu.memory_space<vmem>>
        %dma_wait3A_310 = tpu.memref_squeeze %dma_wait3A_309 : memref<1x250xi32, #tpu.memory_space<vmem>> -> memref<250xi32, #tpu.memory_space<vmem>>
        %dma_wait3A_311 = arith.constant 0 : i32
        %dma_wait3A_312 = arith.constant 0 : i32
        %dma_wait3A_313 = tpu.memref_slice %arg10[%dma_wait3A_311, %dma_wait3A_312] : memref<10240x16xf32, #tpu.memory_space<vmem_shared>> -> memref<10240x16xf32, #tpu.memory_space<vmem_shared>>
        tpu.wait_indirect_dma semaphore(%run_scoped3A_293 : memref<!tpu.dma_semaphore, #tpu.memory_space<semaphore_mem>>) src(%dma_wait3A_307 : memref<250x16xf32, #tpu.memory_space<vmem>>) dst(%dma_wait3A_313 : memref<10240x16xf32, #tpu.memory_space<vmem_shared>>)
        tpu.yield
      }) : () -> ()
      %dma_wait3A_276 = arith.constant 7 : i32
      %dma_wait3A_277 = arith.constant 7 : i32
      %dma_wait3A_278 = arith.constant 0 : i32
      %dma_wait3A_279 = arith.constant 0 : i32
      %dma_wait3A_280 = tpu.memref_slice %arg9[%dma_wait3A_276, %dma_wait3A_278, %dma_wait3A_279] : memref<8x250x16xf32, #tpu.memory_space<vmem>> -> memref<1x250x16xf32, #tpu.memory_space<vmem>>
      %dma_wait3A_281 = tpu.memref_squeeze %dma_wait3A_280 : memref<1x250x16xf32, #tpu.memory_space<vmem>> -> memref<250x16xf32, #tpu.memory_space<vmem>>
      %dma_wait3A_282 = arith.constant 0 : i32
      %dma_wait3A_283 = tpu.memref_slice %arg7[%add3A_143, %dma_wait3A_282] : memref<40x250xi32, #tpu.memory_space<vmem>> -> memref<1x250xi32, #tpu.memory_space<vmem>>
      %dma_wait3A_284 = tpu.memref_squeeze %dma_wait3A_283 : memref<1x250xi32, #tpu.memory_space<vmem>> -> memref<250xi32, #tpu.memory_space<vmem>>
      %dma_wait3A_285 = arith.constant 0 : i32
      %dma_wait3A_286 = arith.constant 0 : i32
      %dma_wait3A_287 = tpu.memref_slice %arg2[%dma_wait3A_285, %dma_wait3A_286] : memref<10240x16xf32, #tpu.memory_space<hbm>> -> memref<10240x16xf32, #tpu.memory_space<hbm>>
      %dma_wait3A_288 = tpu.memref_slice %arg11[%dma_wait3A_277] : memref<8x!tpu.dma_semaphore, #tpu.memory_space<semaphore_mem>> -> memref<1x!tpu.dma_semaphore, #tpu.memory_space<semaphore_mem>>
      %dma_wait3A_289 = tpu.memref_squeeze %dma_wait3A_288 : memref<1x!tpu.dma_semaphore, #tpu.memory_space<semaphore_mem>> -> memref<!tpu.dma_semaphore, #tpu.memory_space<semaphore_mem>>
      tpu.wait_indirect_dma semaphore(%dma_wait3A_289 : memref<!tpu.dma_semaphore, #tpu.memory_space<semaphore_mem>>) src(%dma_wait3A_287 : memref<10240x16xf32, #tpu.memory_space<hbm>>) dst(%dma_wait3A_281 : memref<250x16xf32, #tpu.memory_space<vmem>>)
      %add3A_290 = arith.constant 7 : i32
      %add3A_291 = arith.addi %mul3A_29, %add3A_290 : i32
      %run_scoped3A_292 = arith.constant 7 : i32
      "tpu.region"() ({
        %run_scoped3A_293 = tpu.sem_alloc : memref<!tpu.dma_semaphore, #tpu.memory_space<semaphore_mem>>
        %dma_start3A_294 = arith.constant 0 : i32
        %dma_start3A_295 = arith.constant 0 : i32
        %dma_start3A_296 = tpu.memref_slice %arg9[%run_scoped3A_292, %dma_start3A_294, %dma_start3A_295] : memref<8x250x16xf32, #tpu.memory_space<vmem>> -> memref<1x250x16xf32, #tpu.memory_space<vmem>>
        %dma_start3A_297 = tpu.memref_squeeze %dma_start3A_296 : memref<1x250x16xf32, #tpu.memory_space<vmem>> -> memref<250x16xf32, #tpu.memory_space<vmem>>
        %dma_start3A_298 = arith.constant 0 : i32
        %dma_start3A_299 = tpu.memref_slice %arg8[%add3A_291, %dma_start3A_298] : memref<40x250xi32, #tpu.memory_space<vmem>> -> memref<1x250xi32, #tpu.memory_space<vmem>>
        %dma_start3A_300 = tpu.memref_squeeze %dma_start3A_299 : memref<1x250xi32, #tpu.memory_space<vmem>> -> memref<250xi32, #tpu.memory_space<vmem>>
        %dma_start3A_301 = arith.constant 0 : i32
        %dma_start3A_302 = arith.constant 0 : i32
        %dma_start3A_303 = tpu.memref_slice %arg10[%dma_start3A_301, %dma_start3A_302] : memref<10240x16xf32, #tpu.memory_space<vmem_shared>> -> memref<10240x16xf32, #tpu.memory_space<vmem_shared>>
        tpu.enqueue_indirect_dma source(%dma_start3A_297 : memref<250x16xf32, #tpu.memory_space<vmem>>) target(%dma_start3A_303 : memref<10240x16xf32, #tpu.memory_space<vmem_shared>>) offsets(%dma_start3A_300 : memref<250xi32, #tpu.memory_space<vmem>>) semaphore(%run_scoped3A_293 : memref<!tpu.dma_semaphore, #tpu.memory_space<semaphore_mem>>) {add = true}
        %dma_wait3A_304 = arith.constant 0 : i32
        %dma_wait3A_305 = arith.constant 0 : i32
        %dma_wait3A_306 = tpu.memref_slice %arg9[%run_scoped3A_292, %dma_wait3A_304, %dma_wait3A_305] : memref<8x250x16xf32, #tpu.memory_space<vmem>> -> memref<1x250x16xf32, #tpu.memory_space<vmem>>
        %dma_wait3A_307 = tpu.memref_squeeze %dma_wait3A_306 : memref<1x250x16xf32, #tpu.memory_space<vmem>> -> memref<250x16xf32, #tpu.memory_space<vmem>>
        %dma_wait3A_308 = arith.constant 0 : i32
        %dma_wait3A_309 = tpu.memref_slice %arg8[%add3A_291, %dma_wait3A_308] : memref<40x250xi32, #tpu.memory_space<vmem>> -> memref<1x250xi32, #tpu.memory_space<vmem>>
        %dma_wait3A_310 = tpu.memref_squeeze %dma_wait3A_309 : memref<1x250xi32, #tpu.memory_space<vmem>> -> memref<250xi32, #tpu.memory_space<vmem>>
        %dma_wait3A_311 = arith.constant 0 : i32
        %dma_wait3A_312 = arith.constant 0 : i32
        %dma_wait3A_313 = tpu.memref_slice %arg10[%dma_wait3A_311, %dma_wait3A_312] : memref<10240x16xf32, #tpu.memory_space<vmem_shared>> -> memref<10240x16xf32, #tpu.memory_space<vmem_shared>>
        tpu.wait_indirect_dma semaphore(%run_scoped3A_293 : memref<!tpu.dma_semaphore, #tpu.memory_space<semaphore_mem>>) src(%dma_wait3A_307 : memref<250x16xf32, #tpu.memory_space<vmem>>) dst(%dma_wait3A_313 : memref<10240x16xf32, #tpu.memory_space<vmem_shared>>)
        tpu.yield
      }) : () -> ()
    }
    %scan3A_25 = arith.constant 5 : i32
    %barrier3A_26 = arith.constant 0 : index
    tpu.barrier barrier_id(%barrier3A_26)
    "tpu.region"() ({
      %run_scoped3A = tpu.sem_alloc : memref<!tpu.dma_semaphore, #tpu.memory_space<semaphore_mem>>
      %dma_start3A_27 = arith.constant 0 : i32
      %dma_start3A_28 = arith.constant 0 : i32
      %dma_start3A_29 = tpu.memref_slice %arg6[%arg0, %dma_start3A_27, %dma_start3A_28] : memref<2x10240x16xf32, #tpu.memory_space<hbm>> -> memref<1x10240x16xf32, #tpu.memory_space<hbm>>
      %dma_start3A_30 = tpu.memref_squeeze %dma_start3A_29 : memref<1x10240x16xf32, #tpu.memory_space<hbm>> -> memref<10240x16xf32, #tpu.memory_space<hbm>>
      %dma_start3A_31 = arith.constant 0 : i32
      %dma_start3A_32 = tpu.memref_slice %dma_start3A_30[%mul3A_2, %dma_start3A_31] : memref<10240x16xf32, #tpu.memory_space<hbm>> -> memref<640x16xf32, #tpu.memory_space<hbm>>
      %dma_start3A_33 = arith.constant 0 : i32
      %dma_start3A_34 = tpu.memref_slice %arg10[%mul3A_2, %dma_start3A_33] : memref<10240x16xf32, #tpu.memory_space<vmem_shared>> -> memref<640x16xf32, #tpu.memory_space<vmem_shared>>
      tpu.enqueue_dma source(%dma_start3A_34 : memref<640x16xf32, #tpu.memory_space<vmem_shared>>) target(%dma_start3A_32 : memref<640x16xf32, #tpu.memory_space<hbm>>) target_semaphore(%run_scoped3A : memref<!tpu.dma_semaphore, #tpu.memory_space<semaphore_mem>>)
      %dma_wait3A_35 = arith.constant 0 : i32
      %dma_wait3A_36 = arith.constant 0 : i32
      %dma_wait3A_37 = tpu.memref_slice %arg6[%arg0, %dma_wait3A_35, %dma_wait3A_36] : memref<2x10240x16xf32, #tpu.memory_space<hbm>> -> memref<1x10240x16xf32, #tpu.memory_space<hbm>>
      %dma_wait3A_38 = tpu.memref_squeeze %dma_wait3A_37 : memref<1x10240x16xf32, #tpu.memory_space<hbm>> -> memref<10240x16xf32, #tpu.memory_space<hbm>>
      %dma_wait3A_39 = arith.constant 0 : i32
      %dma_wait3A_40 = tpu.memref_slice %dma_wait3A_38[%mul3A_2, %dma_wait3A_39] : memref<10240x16xf32, #tpu.memory_space<hbm>> -> memref<640x16xf32, #tpu.memory_space<hbm>>
      %dma_wait3A_41 = arith.constant 0 : i32
      %dma_wait3A_42 = tpu.memref_slice %arg10[%mul3A_2, %dma_wait3A_41] : memref<10240x16xf32, #tpu.memory_space<vmem_shared>> -> memref<640x16xf32, #tpu.memory_space<vmem_shared>>
      tpu.wait_dma2 semaphore(%run_scoped3A : memref<!tpu.dma_semaphore, #tpu.memory_space<semaphore_mem>>) src(%dma_wait3A_42 : memref<640x16xf32, #tpu.memory_space<vmem_shared>>) dst(%dma_wait3A_40 : memref<640x16xf32, #tpu.memory_space<hbm>>)
      tpu.yield
    }) : () -> ()
    return
  }
}

#map = affine_map<(d0, d1) -> (0, 0)>
#map1 = affine_map<(d0, d1) -> (0, 0, 0)>
module attributes {stable_mosaic.version = 14 : i64} {
  func.func @k(%arg0: i32, %arg1: i32, %arg2: memref<10240x16xf32, #tpu.memory_space<hbm>>, %arg3: memref<1280x250xi32, #tpu.memory_space<hbm>>, %arg4: memref<1280x250xi32, #tpu.memory_space<hbm>>, %arg5: memref<640x16xf32, #tpu.memory_space<hbm>>, %arg6: memref<2x10240x16xf32, #tpu.memory_space<hbm>>, %arg7: memref<40x250xi32, #tpu.memory_space<vmem>>, %arg8: memref<40x250xi32, #tpu.memory_space<vmem>>, %arg9: memref<8x250x16xf32, #tpu.memory_space<vmem>>, %arg10: memref<10240x16xf32, #tpu.memory_space<vmem_shared>>, %arg11: memref<8x!tpu.dma_semaphore, #tpu.memory_space<semaphore_mem>>, %arg12: memref<!tpu.dma_semaphore, #tpu.memory_space<semaphore_mem>>) attributes {dimension_semantics = [#tpu.dimension_semantics<core_parallel>, #tpu.dimension_semantics<subcore_parallel>], iteration_bounds = array<i64: 2, 16>, scalar_prefetch = 0 : i64, scratch_operands = 6 : i64, tpu.core_type = #tpu.core_type<sc_vector_subcore>, window_params = [{transform_indices = #map}, {transform_indices = #map}, {transform_indices = #map}, {transform_indices = #map}, {transform_indices = #map1}]} {
    %mul3A = arith.constant 16 : i32
    %mul3A_0 = arith.muli %arg0, %mul3A : i32
    %add3A = arith.addi %mul3A_0, %arg1 : i32
    %mul3A_1 = arith.constant 640 : i32
    %mul3A_2 = arith.muli %arg1, %mul3A_1 : i32
    "tpu.region"() ({
      %run_scoped3A = tpu.sem_alloc : memref<!tpu.dma_semaphore, #tpu.memory_space<semaphore_mem>>
      %dma_start3A_27 = arith.constant 0 : i32
      %dma_start3A_28 = tpu.memref_slice %arg10[%mul3A_2, %dma_start3A_27] : memref<10240x16xf32, #tpu.memory_space<vmem_shared>> -> memref<640x16xf32, #tpu.memory_space<vmem_shared>>
      tpu.enqueue_dma source(%arg5 : memref<640x16xf32, #tpu.memory_space<hbm>>) target(%dma_start3A_28 : memref<640x16xf32, #tpu.memory_space<vmem_shared>>) target_semaphore(%run_scoped3A : memref<!tpu.dma_semaphore, #tpu.memory_space<semaphore_mem>>)
      %dma_wait3A_29 = arith.constant 0 : i32
      %dma_wait3A_30 = tpu.memref_slice %arg10[%mul3A_2, %dma_wait3A_29] : memref<10240x16xf32, #tpu.memory_space<vmem_shared>> -> memref<640x16xf32, #tpu.memory_space<vmem_shared>>
      tpu.wait_dma2 semaphore(%run_scoped3A : memref<!tpu.dma_semaphore, #tpu.memory_space<semaphore_mem>>) src(%arg5 : memref<640x16xf32, #tpu.memory_space<hbm>>) dst(%dma_wait3A_30 : memref<640x16xf32, #tpu.memory_space<vmem_shared>>)
      tpu.yield
    }) : () -> ()
    %mul3A_3 = arith.constant 40 : i32
    %mul3A_4 = arith.muli %add3A, %mul3A_3 : i32
    %dma_start3A = arith.constant 0 : i32
    %dma_start3A_5 = tpu.memref_slice %arg3[%mul3A_4, %dma_start3A] : memref<1280x250xi32, #tpu.memory_space<hbm>> -> memref<40x250xi32, #tpu.memory_space<hbm>>
    %dma_start3A_6 = arith.constant 0 : i32
    %dma_start3A_7 = tpu.memref_slice %arg3[%mul3A_4, %dma_start3A_6] : memref<1280x250xi32, #tpu.memory_space<hbm>> -> memref<40x250xi32, #tpu.memory_space<hbm>>
    tpu.enqueue_dma source(%dma_start3A_7 : memref<40x250xi32, #tpu.memory_space<hbm>>) target(%arg7 : memref<40x250xi32, #tpu.memory_space<vmem>>) target_semaphore(%arg12 : memref<!tpu.dma_semaphore, #tpu.memory_space<semaphore_mem>>)
    %dma_wait3A = arith.constant 0 : i32
    %dma_wait3A_8 = tpu.memref_slice %arg3[%mul3A_4, %dma_wait3A] : memref<1280x250xi32, #tpu.memory_space<hbm>> -> memref<40x250xi32, #tpu.memory_space<hbm>>
    %dma_wait3A_9 = arith.constant 0 : i32
    %dma_wait3A_10 = tpu.memref_slice %arg3[%mul3A_4, %dma_wait3A_9] : memref<1280x250xi32, #tpu.memory_space<hbm>> -> memref<40x250xi32, #tpu.memory_space<hbm>>
    tpu.wait_dma2 semaphore(%arg12 : memref<!tpu.dma_semaphore, #tpu.memory_space<semaphore_mem>>) src(%dma_wait3A_10 : memref<40x250xi32, #tpu.memory_space<hbm>>) dst(%arg7 : memref<40x250xi32, #tpu.memory_space<vmem>>)
    %mul3A_11 = arith.constant 40 : i32
    %mul3A_12 = arith.muli %add3A, %mul3A_11 : i32
    %dma_start3A_13 = arith.constant 0 : i32
    %dma_start3A_14 = tpu.memref_slice %arg4[%mul3A_12, %dma_start3A_13] : memref<1280x250xi32, #tpu.memory_space<hbm>> -> memref<40x250xi32, #tpu.memory_space<hbm>>
    %dma_start3A_15 = arith.constant 0 : i32
    %dma_start3A_16 = tpu.memref_slice %arg4[%mul3A_12, %dma_start3A_15] : memref<1280x250xi32, #tpu.memory_space<hbm>> -> memref<40x250xi32, #tpu.memory_space<hbm>>
    tpu.enqueue_dma source(%dma_start3A_16 : memref<40x250xi32, #tpu.memory_space<hbm>>) target(%arg8 : memref<40x250xi32, #tpu.memory_space<vmem>>) target_semaphore(%arg12 : memref<!tpu.dma_semaphore, #tpu.memory_space<semaphore_mem>>)
    %dma_wait3A_17 = arith.constant 0 : i32
    %dma_wait3A_18 = tpu.memref_slice %arg4[%mul3A_12, %dma_wait3A_17] : memref<1280x250xi32, #tpu.memory_space<hbm>> -> memref<40x250xi32, #tpu.memory_space<hbm>>
    %dma_wait3A_19 = arith.constant 0 : i32
    %dma_wait3A_20 = tpu.memref_slice %arg4[%mul3A_12, %dma_wait3A_19] : memref<1280x250xi32, #tpu.memory_space<hbm>> -> memref<40x250xi32, #tpu.memory_space<hbm>>
    tpu.wait_dma2 semaphore(%arg12 : memref<!tpu.dma_semaphore, #tpu.memory_space<semaphore_mem>>) src(%dma_wait3A_20 : memref<40x250xi32, #tpu.memory_space<hbm>>) dst(%arg8 : memref<40x250xi32, #tpu.memory_space<vmem>>)
    %barrier3A = arith.constant 0 : index
    tpu.barrier barrier_id(%barrier3A)
    %scan3A = arith.constant 0 : i32
    %scan3A_21 = arith.constant 0 : i32
    %scan3A_22 = arith.constant 5 : i32
    %scan3A_23 = arith.addi %scan3A_21, %scan3A_22 : i32
    %scan3A_24 = arith.constant 1 : i32
    scf.for %scan3A_27 = %scan3A_21 to %scan3A_23 step %scan3A_24  : i32 {
      %mul3A_28 = arith.constant 8 : i32
      %mul3A_29 = arith.muli %scan3A_27, %mul3A_28 : i32
      %add3A_30 = arith.constant 0 : i32
      %add3A_31 = arith.addi %mul3A_29, %add3A_30 : i32
      %dma_start3A_32 = arith.constant 0 : i32
      %dma_start3A_33 = arith.constant 0 : i32
      %dma_start3A_34 = arith.constant 0 : i32
      %dma_start3A_35 = arith.constant 0 : i32
      %dma_start3A_36 = tpu.memref_slice %arg9[%dma_start3A_32, %dma_start3A_34, %dma_start3A_35] : memref<8x250x16xf32, #tpu.memory_space<vmem>> -> memref<1x250x16xf32, #tpu.memory_space<vmem>>
      %dma_start3A_37 = tpu.memref_squeeze %dma_start3A_36 : memref<1x250x16xf32, #tpu.memory_space<vmem>> -> memref<250x16xf32, #tpu.memory_space<vmem>>
      %dma_start3A_38 = arith.constant 0 : i32
      %dma_start3A_39 = tpu.memref_slice %arg7[%add3A_31, %dma_start3A_38] : memref<40x250xi32, #tpu.memory_space<vmem>> -> memref<1x250xi32, #tpu.memory_space<vmem>>
      %dma_start3A_40 = tpu.memref_squeeze %dma_start3A_39 : memref<1x250xi32, #tpu.memory_space<vmem>> -> memref<250xi32, #tpu.memory_space<vmem>>
      %dma_start3A_41 = arith.constant 0 : i32
      %dma_start3A_42 = arith.constant 0 : i32
      %dma_start3A_43 = tpu.memref_slice %arg2[%dma_start3A_41, %dma_start3A_42] : memref<10240x16xf32, #tpu.memory_space<hbm>> -> memref<10240x16xf32, #tpu.memory_space<hbm>>
      %dma_start3A_44 = tpu.memref_slice %arg11[%dma_start3A_33] : memref<8x!tpu.dma_semaphore, #tpu.memory_space<semaphore_mem>> -> memref<1x!tpu.dma_semaphore, #tpu.memory_space<semaphore_mem>>
      %dma_start3A_45 = tpu.memref_squeeze %dma_start3A_44 : memref<1x!tpu.dma_semaphore, #tpu.memory_space<semaphore_mem>> -> memref<!tpu.dma_semaphore, #tpu.memory_space<semaphore_mem>>
      tpu.enqueue_indirect_dma source(%dma_start3A_43 : memref<10240x16xf32, #tpu.memory_space<hbm>>) target(%dma_start3A_37 : memref<250x16xf32, #tpu.memory_space<vmem>>) offsets(%dma_start3A_40 : memref<250xi32, #tpu.memory_space<vmem>>) semaphore(%dma_start3A_45 : memref<!tpu.dma_semaphore, #tpu.memory_space<semaphore_mem>>)
      %add3A_46 = arith.constant 1 : i32
      %add3A_47 = arith.addi %mul3A_29, %add3A_46 : i32
      %dma_start3A_48 = arith.constant 1 : i32
      %dma_start3A_49 = arith.constant 1 : i32
      %dma_start3A_50 = arith.constant 0 : i32
      %dma_start3A_51 = arith.constant 0 : i32
      %dma_start3A_52 = tpu.memref_slice %arg9[%dma_start3A_48, %dma_start3A_50, %dma_start3A_51] : memref<8x250x16xf32, #tpu.memory_space<vmem>> -> memref<1x250x16xf32, #tpu.memory_space<vmem>>
      %dma_start3A_53 = tpu.memref_squeeze %dma_start3A_52 : memref<1x250x16xf32, #tpu.memory_space<vmem>> -> memref<250x16xf32, #tpu.memory_space<vmem>>
      %dma_start3A_54 = arith.constant 0 : i32
      %dma_start3A_55 = tpu.memref_slice %arg7[%add3A_47, %dma_start3A_54] : memref<40x250xi32, #tpu.memory_space<vmem>> -> memref<1x250xi32, #tpu.memory_space<vmem>>
      %dma_start3A_56 = tpu.memref_squeeze %dma_start3A_55 : memref<1x250xi32, #tpu.memory_space<vmem>> -> memref<250xi32, #tpu.memory_space<vmem>>
      %dma_start3A_57 = arith.constant 0 : i32
      %dma_start3A_58 = arith.constant 0 : i32
      %dma_start3A_59 = tpu.memref_slice %arg2[%dma_start3A_57, %dma_start3A_58] : memref<10240x16xf32, #tpu.memory_space<hbm>> -> memref<10240x16xf32, #tpu.memory_space<hbm>>
      %dma_start3A_60 = tpu.memref_slice %arg11[%dma_start3A_49] : memref<8x!tpu.dma_semaphore, #tpu.memory_space<semaphore_mem>> -> memref<1x!tpu.dma_semaphore, #tpu.memory_space<semaphore_mem>>
      %dma_start3A_61 = tpu.memref_squeeze %dma_start3A_60 : memref<1x!tpu.dma_semaphore, #tpu.memory_space<semaphore_mem>> -> memref<!tpu.dma_semaphore, #tpu.memory_space<semaphore_mem>>
      tpu.enqueue_indirect_dma source(%dma_start3A_59 : memref<10240x16xf32, #tpu.memory_space<hbm>>) target(%dma_start3A_53 : memref<250x16xf32, #tpu.memory_space<vmem>>) offsets(%dma_start3A_56 : memref<250xi32, #tpu.memory_space<vmem>>) semaphore(%dma_start3A_61 : memref<!tpu.dma_semaphore, #tpu.memory_space<semaphore_mem>>)
      %add3A_62 = arith.constant 2 : i32
      %add3A_63 = arith.addi %mul3A_29, %add3A_62 : i32
      %dma_start3A_64 = arith.constant 2 : i32
      %dma_start3A_65 = arith.constant 2 : i32
      %dma_start3A_66 = arith.constant 0 : i32
      %dma_start3A_67 = arith.constant 0 : i32
      %dma_start3A_68 = tpu.memref_slice %arg9[%dma_start3A_64, %dma_start3A_66, %dma_start3A_67] : memref<8x250x16xf32, #tpu.memory_space<vmem>> -> memref<1x250x16xf32, #tpu.memory_space<vmem>>
      %dma_start3A_69 = tpu.memref_squeeze %dma_start3A_68 : memref<1x250x16xf32, #tpu.memory_space<vmem>> -> memref<250x16xf32, #tpu.memory_space<vmem>>
      %dma_start3A_70 = arith.constant 0 : i32
      %dma_start3A_71 = tpu.memref_slice %arg7[%add3A_63, %dma_start3A_70] : memref<40x250xi32, #tpu.memory_space<vmem>> -> memref<1x250xi32, #tpu.memory_space<vmem>>
      %dma_start3A_72 = tpu.memref_squeeze %dma_start3A_71 : memref<1x250xi32, #tpu.memory_space<vmem>> -> memref<250xi32, #tpu.memory_space<vmem>>
      %dma_start3A_73 = arith.constant 0 : i32
      %dma_start3A_74 = arith.constant 0 : i32
      %dma_start3A_75 = tpu.memref_slice %arg2[%dma_start3A_73, %dma_start3A_74] : memref<10240x16xf32, #tpu.memory_space<hbm>> -> memref<10240x16xf32, #tpu.memory_space<hbm>>
      %dma_start3A_76 = tpu.memref_slice %arg11[%dma_start3A_65] : memref<8x!tpu.dma_semaphore, #tpu.memory_space<semaphore_mem>> -> memref<1x!tpu.dma_semaphore, #tpu.memory_space<semaphore_mem>>
      %dma_start3A_77 = tpu.memref_squeeze %dma_start3A_76 : memref<1x!tpu.dma_semaphore, #tpu.memory_space<semaphore_mem>> -> memref<!tpu.dma_semaphore, #tpu.memory_space<semaphore_mem>>
      tpu.enqueue_indirect_dma source(%dma_start3A_75 : memref<10240x16xf32, #tpu.memory_space<hbm>>) target(%dma_start3A_69 : memref<250x16xf32, #tpu.memory_space<vmem>>) offsets(%dma_start3A_72 : memref<250xi32, #tpu.memory_space<vmem>>) semaphore(%dma_start3A_77 : memref<!tpu.dma_semaphore, #tpu.memory_space<semaphore_mem>>)
      %add3A_78 = arith.constant 3 : i32
      %add3A_79 = arith.addi %mul3A_29, %add3A_78 : i32
      %dma_start3A_80 = arith.constant 3 : i32
      %dma_start3A_81 = arith.constant 3 : i32
      %dma_start3A_82 = arith.constant 0 : i32
      %dma_start3A_83 = arith.constant 0 : i32
      %dma_start3A_84 = tpu.memref_slice %arg9[%dma_start3A_80, %dma_start3A_82, %dma_start3A_83] : memref<8x250x16xf32, #tpu.memory_space<vmem>> -> memref<1x250x16xf32, #tpu.memory_space<vmem>>
      %dma_start3A_85 = tpu.memref_squeeze %dma_start3A_84 : memref<1x250x16xf32, #tpu.memory_space<vmem>> -> memref<250x16xf32, #tpu.memory_space<vmem>>
      %dma_start3A_86 = arith.constant 0 : i32
      %dma_start3A_87 = tpu.memref_slice %arg7[%add3A_79, %dma_start3A_86] : memref<40x250xi32, #tpu.memory_space<vmem>> -> memref<1x250xi32, #tpu.memory_space<vmem>>
      %dma_start3A_88 = tpu.memref_squeeze %dma_start3A_87 : memref<1x250xi32, #tpu.memory_space<vmem>> -> memref<250xi32, #tpu.memory_space<vmem>>
      %dma_start3A_89 = arith.constant 0 : i32
      %dma_start3A_90 = arith.constant 0 : i32
      %dma_start3A_91 = tpu.memref_slice %arg2[%dma_start3A_89, %dma_start3A_90] : memref<10240x16xf32, #tpu.memory_space<hbm>> -> memref<10240x16xf32, #tpu.memory_space<hbm>>
      %dma_start3A_92 = tpu.memref_slice %arg11[%dma_start3A_81] : memref<8x!tpu.dma_semaphore, #tpu.memory_space<semaphore_mem>> -> memref<1x!tpu.dma_semaphore, #tpu.memory_space<semaphore_mem>>
      %dma_start3A_93 = tpu.memref_squeeze %dma_start3A_92 : memref<1x!tpu.dma_semaphore, #tpu.memory_space<semaphore_mem>> -> memref<!tpu.dma_semaphore, #tpu.memory_space<semaphore_mem>>
      tpu.enqueue_indirect_dma source(%dma_start3A_91 : memref<10240x16xf32, #tpu.memory_space<hbm>>) target(%dma_start3A_85 : memref<250x16xf32, #tpu.memory_space<vmem>>) offsets(%dma_start3A_88 : memref<250xi32, #tpu.memory_space<vmem>>) semaphore(%dma_start3A_93 : memref<!tpu.dma_semaphore, #tpu.memory_space<semaphore_mem>>)
      %add3A_94 = arith.constant 4 : i32
      %add3A_95 = arith.addi %mul3A_29, %add3A_94 : i32
      %dma_start3A_96 = arith.constant 4 : i32
      %dma_start3A_97 = arith.constant 4 : i32
      %dma_start3A_98 = arith.constant 0 : i32
      %dma_start3A_99 = arith.constant 0 : i32
      %dma_start3A_100 = tpu.memref_slice %arg9[%dma_start3A_96, %dma_start3A_98, %dma_start3A_99] : memref<8x250x16xf32, #tpu.memory_space<vmem>> -> memref<1x250x16xf32, #tpu.memory_space<vmem>>
      %dma_start3A_101 = tpu.memref_squeeze %dma_start3A_100 : memref<1x250x16xf32, #tpu.memory_space<vmem>> -> memref<250x16xf32, #tpu.memory_space<vmem>>
      %dma_start3A_102 = arith.constant 0 : i32
      %dma_start3A_103 = tpu.memref_slice %arg7[%add3A_95, %dma_start3A_102] : memref<40x250xi32, #tpu.memory_space<vmem>> -> memref<1x250xi32, #tpu.memory_space<vmem>>
      %dma_start3A_104 = tpu.memref_squeeze %dma_start3A_103 : memref<1x250xi32, #tpu.memory_space<vmem>> -> memref<250xi32, #tpu.memory_space<vmem>>
      %dma_start3A_105 = arith.constant 0 : i32
      %dma_start3A_106 = arith.constant 0 : i32
      %dma_start3A_107 = tpu.memref_slice %arg2[%dma_start3A_105, %dma_start3A_106] : memref<10240x16xf32, #tpu.memory_space<hbm>> -> memref<10240x16xf32, #tpu.memory_space<hbm>>
      %dma_start3A_108 = tpu.memref_slice %arg11[%dma_start3A_97] : memref<8x!tpu.dma_semaphore, #tpu.memory_space<semaphore_mem>> -> memref<1x!tpu.dma_semaphore, #tpu.memory_space<semaphore_mem>>
      %dma_start3A_109 = tpu.memref_squeeze %dma_start3A_108 : memref<1x!tpu.dma_semaphore, #tpu.memory_space<semaphore_mem>> -> memref<!tpu.dma_semaphore, #tpu.memory_space<semaphore_mem>>
      tpu.enqueue_indirect_dma source(%dma_start3A_107 : memref<10240x16xf32, #tpu.memory_space<hbm>>) target(%dma_start3A_101 : memref<250x16xf32, #tpu.memory_space<vmem>>) offsets(%dma_start3A_104 : memref<250xi32, #tpu.memory_space<vmem>>) semaphore(%dma_start3A_109 : memref<!tpu.dma_semaphore, #tpu.memory_space<semaphore_mem>>)
      %add3A_110 = arith.constant 5 : i32
      %add3A_111 = arith.addi %mul3A_29, %add3A_110 : i32
      %dma_start3A_112 = arith.constant 5 : i32
      %dma_start3A_113 = arith.constant 5 : i32
      %dma_start3A_114 = arith.constant 0 : i32
      %dma_start3A_115 = arith.constant 0 : i32
      %dma_start3A_116 = tpu.memref_slice %arg9[%dma_start3A_112, %dma_start3A_114, %dma_start3A_115] : memref<8x250x16xf32, #tpu.memory_space<vmem>> -> memref<1x250x16xf32, #tpu.memory_space<vmem>>
      %dma_start3A_117 = tpu.memref_squeeze %dma_start3A_116 : memref<1x250x16xf32, #tpu.memory_space<vmem>> -> memref<250x16xf32, #tpu.memory_space<vmem>>
      %dma_start3A_118 = arith.constant 0 : i32
      %dma_start3A_119 = tpu.memref_slice %arg7[%add3A_111, %dma_start3A_118] : memref<40x250xi32, #tpu.memory_space<vmem>> -> memref<1x250xi32, #tpu.memory_space<vmem>>
      %dma_start3A_120 = tpu.memref_squeeze %dma_start3A_119 : memref<1x250xi32, #tpu.memory_space<vmem>> -> memref<250xi32, #tpu.memory_space<vmem>>
      %dma_start3A_121 = arith.constant 0 : i32
      %dma_start3A_122 = arith.constant 0 : i32
      %dma_start3A_123 = tpu.memref_slice %arg2[%dma_start3A_121, %dma_start3A_122] : memref<10240x16xf32, #tpu.memory_space<hbm>> -> memref<10240x16xf32, #tpu.memory_space<hbm>>
      %dma_start3A_124 = tpu.memref_slice %arg11[%dma_start3A_113] : memref<8x!tpu.dma_semaphore, #tpu.memory_space<semaphore_mem>> -> memref<1x!tpu.dma_semaphore, #tpu.memory_space<semaphore_mem>>
      %dma_start3A_125 = tpu.memref_squeeze %dma_start3A_124 : memref<1x!tpu.dma_semaphore, #tpu.memory_space<semaphore_mem>> -> memref<!tpu.dma_semaphore, #tpu.memory_space<semaphore_mem>>
      tpu.enqueue_indirect_dma source(%dma_start3A_123 : memref<10240x16xf32, #tpu.memory_space<hbm>>) target(%dma_start3A_117 : memref<250x16xf32, #tpu.memory_space<vmem>>) offsets(%dma_start3A_120 : memref<250xi32, #tpu.memory_space<vmem>>) semaphore(%dma_start3A_125 : memref<!tpu.dma_semaphore, #tpu.memory_space<semaphore_mem>>)
      %add3A_126 = arith.constant 6 : i32
      %add3A_127 = arith.addi %mul3A_29, %add3A_126 : i32
      %dma_start3A_128 = arith.constant 6 : i32
      %dma_start3A_129 = arith.constant 6 : i32
      %dma_start3A_130 = arith.constant 0 : i32
      %dma_start3A_131 = arith.constant 0 : i32
      %dma_start3A_132 = tpu.memref_slice %arg9[%dma_start3A_128, %dma_start3A_130, %dma_start3A_131] : memref<8x250x16xf32, #tpu.memory_space<vmem>> -> memref<1x250x16xf32, #tpu.memory_space<vmem>>
      %dma_start3A_133 = tpu.memref_squeeze %dma_start3A_132 : memref<1x250x16xf32, #tpu.memory_space<vmem>> -> memref<250x16xf32, #tpu.memory_space<vmem>>
      %dma_start3A_134 = arith.constant 0 : i32
      %dma_start3A_135 = tpu.memref_slice %arg7[%add3A_127, %dma_start3A_134] : memref<40x250xi32, #tpu.memory_space<vmem>> -> memref<1x250xi32, #tpu.memory_space<vmem>>
      %dma_start3A_136 = tpu.memref_squeeze %dma_start3A_135 : memref<1x250xi32, #tpu.memory_space<vmem>> -> memref<250xi32, #tpu.memory_space<vmem>>
      %dma_start3A_137 = arith.constant 0 : i32
      %dma_start3A_138 = arith.constant 0 : i32
      %dma_start3A_139 = tpu.memref_slice %arg2[%dma_start3A_137, %dma_start3A_138] : memref<10240x16xf32, #tpu.memory_space<hbm>> -> memref<10240x16xf32, #tpu.memory_space<hbm>>
      %dma_start3A_140 = tpu.memref_slice %arg11[%dma_start3A_129] : memref<8x!tpu.dma_semaphore, #tpu.memory_space<semaphore_mem>> -> memref<1x!tpu.dma_semaphore, #tpu.memory_space<semaphore_mem>>
      %dma_start3A_141 = tpu.memref_squeeze %dma_start3A_140 : memref<1x!tpu.dma_semaphore, #tpu.memory_space<semaphore_mem>> -> memref<!tpu.dma_semaphore, #tpu.memory_space<semaphore_mem>>
      tpu.enqueue_indirect_dma source(%dma_start3A_139 : memref<10240x16xf32, #tpu.memory_space<hbm>>) target(%dma_start3A_133 : memref<250x16xf32, #tpu.memory_space<vmem>>) offsets(%dma_start3A_136 : memref<250xi32, #tpu.memory_space<vmem>>) semaphore(%dma_start3A_141 : memref<!tpu.dma_semaphore, #tpu.memory_space<semaphore_mem>>)
      %add3A_142 = arith.constant 7 : i32
      %add3A_143 = arith.addi %mul3A_29, %add3A_142 : i32
      %dma_start3A_144 = arith.constant 7 : i32
      %dma_start3A_145 = arith.constant 7 : i32
      %dma_start3A_146 = arith.constant 0 : i32
      %dma_start3A_147 = arith.constant 0 : i32
      %dma_start3A_148 = tpu.memref_slice %arg9[%dma_start3A_144, %dma_start3A_146, %dma_start3A_147] : memref<8x250x16xf32, #tpu.memory_space<vmem>> -> memref<1x250x16xf32, #tpu.memory_space<vmem>>
      %dma_start3A_149 = tpu.memref_squeeze %dma_start3A_148 : memref<1x250x16xf32, #tpu.memory_space<vmem>> -> memref<250x16xf32, #tpu.memory_space<vmem>>
      %dma_start3A_150 = arith.constant 0 : i32
      %dma_start3A_151 = tpu.memref_slice %arg7[%add3A_143, %dma_start3A_150] : memref<40x250xi32, #tpu.memory_space<vmem>> -> memref<1x250xi32, #tpu.memory_space<vmem>>
      %dma_start3A_152 = tpu.memref_squeeze %dma_start3A_151 : memref<1x250xi32, #tpu.memory_space<vmem>> -> memref<250xi32, #tpu.memory_space<vmem>>
      %dma_start3A_153 = arith.constant 0 : i32
      %dma_start3A_154 = arith.constant 0 : i32
      %dma_start3A_155 = tpu.memref_slice %arg2[%dma_start3A_153, %dma_start3A_154] : memref<10240x16xf32, #tpu.memory_space<hbm>> -> memref<10240x16xf32, #tpu.memory_space<hbm>>
      %dma_start3A_156 = tpu.memref_slice %arg11[%dma_start3A_145] : memref<8x!tpu.dma_semaphore, #tpu.memory_space<semaphore_mem>> -> memref<1x!tpu.dma_semaphore, #tpu.memory_space<semaphore_mem>>
      %dma_start3A_157 = tpu.memref_squeeze %dma_start3A_156 : memref<1x!tpu.dma_semaphore, #tpu.memory_space<semaphore_mem>> -> memref<!tpu.dma_semaphore, #tpu.memory_space<semaphore_mem>>
      tpu.enqueue_indirect_dma source(%dma_start3A_155 : memref<10240x16xf32, #tpu.memory_space<hbm>>) target(%dma_start3A_149 : memref<250x16xf32, #tpu.memory_space<vmem>>) offsets(%dma_start3A_152 : memref<250xi32, #tpu.memory_space<vmem>>) semaphore(%dma_start3A_157 : memref<!tpu.dma_semaphore, #tpu.memory_space<semaphore_mem>>)
      %dma_wait3A_158 = arith.constant 0 : i32
      %dma_wait3A_159 = arith.constant 0 : i32
      %dma_wait3A_160 = arith.constant 0 : i32
      %dma_wait3A_161 = arith.constant 0 : i32
      %dma_wait3A_162 = tpu.memref_slice %arg9[%dma_wait3A_158, %dma_wait3A_160, %dma_wait3A_161] : memref<8x250x16xf32, #tpu.memory_space<vmem>> -> memref<1x250x16xf32, #tpu.memory_space<vmem>>
      %dma_wait3A_163 = tpu.memref_squeeze %dma_wait3A_162 : memref<1x250x16xf32, #tpu.memory_space<vmem>> -> memref<250x16xf32, #tpu.memory_space<vmem>>
      %dma_wait3A_164 = arith.constant 0 : i32
      %dma_wait3A_165 = tpu.memref_slice %arg7[%add3A_31, %dma_wait3A_164] : memref<40x250xi32, #tpu.memory_space<vmem>> -> memref<1x250xi32, #tpu.memory_space<vmem>>
      %dma_wait3A_166 = tpu.memref_squeeze %dma_wait3A_165 : memref<1x250xi32, #tpu.memory_space<vmem>> -> memref<250xi32, #tpu.memory_space<vmem>>
      %dma_wait3A_167 = arith.constant 0 : i32
      %dma_wait3A_168 = arith.constant 0 : i32
      %dma_wait3A_169 = tpu.memref_slice %arg2[%dma_wait3A_167, %dma_wait3A_168] : memref<10240x16xf32, #tpu.memory_space<hbm>> -> memref<10240x16xf32, #tpu.memory_space<hbm>>
      %dma_wait3A_170 = tpu.memref_slice %arg11[%dma_wait3A_159] : memref<8x!tpu.dma_semaphore, #tpu.memory_space<semaphore_mem>> -> memref<1x!tpu.dma_semaphore, #tpu.memory_space<semaphore_mem>>
      %dma_wait3A_171 = tpu.memref_squeeze %dma_wait3A_170 : memref<1x!tpu.dma_semaphore, #tpu.memory_space<semaphore_mem>> -> memref<!tpu.dma_semaphore, #tpu.memory_space<semaphore_mem>>
      tpu.wait_indirect_dma semaphore(%dma_wait3A_171 : memref<!tpu.dma_semaphore, #tpu.memory_space<semaphore_mem>>) src(%dma_wait3A_169 : memref<10240x16xf32, #tpu.memory_space<hbm>>) dst(%dma_wait3A_163 : memref<250x16xf32, #tpu.memory_space<vmem>>)
      %add3A_172 = arith.constant 0 : i32
      %add3A_173 = arith.addi %mul3A_29, %add3A_172 : i32
      %run_scoped3A = arith.constant 0 : i32
      "tpu.region"() ({
        %run_scoped3A_293 = tpu.sem_alloc : memref<!tpu.dma_semaphore, #tpu.memory_space<semaphore_mem>>
        %dma_start3A_294 = arith.constant 0 : i32
        %dma_start3A_295 = arith.constant 0 : i32
        %dma_start3A_296 = tpu.memref_slice %arg9[%run_scoped3A, %dma_start3A_294, %dma_start3A_295] : memref<8x250x16xf32, #tpu.memory_space<vmem>> -> memref<1x250x16xf32, #tpu.memory_space<vmem>>
        %dma_start3A_297 = tpu.memref_squeeze %dma_start3A_296 : memref<1x250x16xf32, #tpu.memory_space<vmem>> -> memref<250x16xf32, #tpu.memory_space<vmem>>
        %dma_start3A_298 = arith.constant 0 : i32
        %dma_start3A_299 = tpu.memref_slice %arg8[%add3A_173, %dma_start3A_298] : memref<40x250xi32, #tpu.memory_space<vmem>> -> memref<1x250xi32, #tpu.memory_space<vmem>>
        %dma_start3A_300 = tpu.memref_squeeze %dma_start3A_299 : memref<1x250xi32, #tpu.memory_space<vmem>> -> memref<250xi32, #tpu.memory_space<vmem>>
        %dma_start3A_301 = arith.constant 0 : i32
        %dma_start3A_302 = arith.constant 0 : i32
        %dma_start3A_303 = tpu.memref_slice %arg10[%dma_start3A_301, %dma_start3A_302] : memref<10240x16xf32, #tpu.memory_space<vmem_shared>> -> memref<10240x16xf32, #tpu.memory_space<vmem_shared>>
        tpu.enqueue_indirect_dma source(%dma_start3A_297 : memref<250x16xf32, #tpu.memory_space<vmem>>) target(%dma_start3A_303 : memref<10240x16xf32, #tpu.memory_space<vmem_shared>>) offsets(%dma_start3A_300 : memref<250xi32, #tpu.memory_space<vmem>>) semaphore(%run_scoped3A_293 : memref<!tpu.dma_semaphore, #tpu.memory_space<semaphore_mem>>) {add = true}
        %dma_wait3A_304 = arith.constant 0 : i32
        %dma_wait3A_305 = arith.constant 0 : i32
        %dma_wait3A_306 = tpu.memref_slice %arg9[%run_scoped3A, %dma_wait3A_304, %dma_wait3A_305] : memref<8x250x16xf32, #tpu.memory_space<vmem>> -> memref<1x250x16xf32, #tpu.memory_space<vmem>>
        %dma_wait3A_307 = tpu.memref_squeeze %dma_wait3A_306 : memref<1x250x16xf32, #tpu.memory_space<vmem>> -> memref<250x16xf32, #tpu.memory_space<vmem>>
        %dma_wait3A_308 = arith.constant 0 : i32
        %dma_wait3A_309 = tpu.memref_slice %arg8[%add3A_173, %dma_wait3A_308] : memref<40x250xi32, #tpu.memory_space<vmem>> -> memref<1x250xi32, #tpu.memory_space<vmem>>
        %dma_wait3A_310 = tpu.memref_squeeze %dma_wait3A_309 : memref<1x250xi32, #tpu.memory_space<vmem>> -> memref<250xi32, #tpu.memory_space<vmem>>
        %dma_wait3A_311 = arith.constant 0 : i32
        %dma_wait3A_312 = arith.constant 0 : i32
        %dma_wait3A_313 = tpu.memref_slice %arg10[%dma_wait3A_311, %dma_wait3A_312] : memref<10240x16xf32, #tpu.memory_space<vmem_shared>> -> memref<10240x16xf32, #tpu.memory_space<vmem_shared>>
        tpu.wait_indirect_dma semaphore(%run_scoped3A_293 : memref<!tpu.dma_semaphore, #tpu.memory_space<semaphore_mem>>) src(%dma_wait3A_307 : memref<250x16xf32, #tpu.memory_space<vmem>>) dst(%dma_wait3A_313 : memref<10240x16xf32, #tpu.memory_space<vmem_shared>>)
        tpu.yield
      }) : () -> ()
      %dma_wait3A_174 = arith.constant 1 : i32
      %dma_wait3A_175 = arith.constant 1 : i32
      %dma_wait3A_176 = arith.constant 0 : i32
      %dma_wait3A_177 = arith.constant 0 : i32
      %dma_wait3A_178 = tpu.memref_slice %arg9[%dma_wait3A_174, %dma_wait3A_176, %dma_wait3A_177] : memref<8x250x16xf32, #tpu.memory_space<vmem>> -> memref<1x250x16xf32, #tpu.memory_space<vmem>>
      %dma_wait3A_179 = tpu.memref_squeeze %dma_wait3A_178 : memref<1x250x16xf32, #tpu.memory_space<vmem>> -> memref<250x16xf32, #tpu.memory_space<vmem>>
      %dma_wait3A_180 = arith.constant 0 : i32
      %dma_wait3A_181 = tpu.memref_slice %arg7[%add3A_47, %dma_wait3A_180] : memref<40x250xi32, #tpu.memory_space<vmem>> -> memref<1x250xi32, #tpu.memory_space<vmem>>
      %dma_wait3A_182 = tpu.memref_squeeze %dma_wait3A_181 : memref<1x250xi32, #tpu.memory_space<vmem>> -> memref<250xi32, #tpu.memory_space<vmem>>
      %dma_wait3A_183 = arith.constant 0 : i32
      %dma_wait3A_184 = arith.constant 0 : i32
      %dma_wait3A_185 = tpu.memref_slice %arg2[%dma_wait3A_183, %dma_wait3A_184] : memref<10240x16xf32, #tpu.memory_space<hbm>> -> memref<10240x16xf32, #tpu.memory_space<hbm>>
      %dma_wait3A_186 = tpu.memref_slice %arg11[%dma_wait3A_175] : memref<8x!tpu.dma_semaphore, #tpu.memory_space<semaphore_mem>> -> memref<1x!tpu.dma_semaphore, #tpu.memory_space<semaphore_mem>>
      %dma_wait3A_187 = tpu.memref_squeeze %dma_wait3A_186 : memref<1x!tpu.dma_semaphore, #tpu.memory_space<semaphore_mem>> -> memref<!tpu.dma_semaphore, #tpu.memory_space<semaphore_mem>>
      tpu.wait_indirect_dma semaphore(%dma_wait3A_187 : memref<!tpu.dma_semaphore, #tpu.memory_space<semaphore_mem>>) src(%dma_wait3A_185 : memref<10240x16xf32, #tpu.memory_space<hbm>>) dst(%dma_wait3A_179 : memref<250x16xf32, #tpu.memory_space<vmem>>)
      %add3A_188 = arith.constant 1 : i32
      %add3A_189 = arith.addi %mul3A_29, %add3A_188 : i32
      %run_scoped3A_190 = arith.constant 1 : i32
      "tpu.region"() ({
        %run_scoped3A_293 = tpu.sem_alloc : memref<!tpu.dma_semaphore, #tpu.memory_space<semaphore_mem>>
        %dma_start3A_294 = arith.constant 0 : i32
        %dma_start3A_295 = arith.constant 0 : i32
        %dma_start3A_296 = tpu.memref_slice %arg9[%run_scoped3A_190, %dma_start3A_294, %dma_start3A_295] : memref<8x250x16xf32, #tpu.memory_space<vmem>> -> memref<1x250x16xf32, #tpu.memory_space<vmem>>
        %dma_start3A_297 = tpu.memref_squeeze %dma_start3A_296 : memref<1x250x16xf32, #tpu.memory_space<vmem>> -> memref<250x16xf32, #tpu.memory_space<vmem>>
        %dma_start3A_298 = arith.constant 0 : i32
        %dma_start3A_299 = tpu.memref_slice %arg8[%add3A_189, %dma_start3A_298] : memref<40x250xi32, #tpu.memory_space<vmem>> -> memref<1x250xi32, #tpu.memory_space<vmem>>
        %dma_start3A_300 = tpu.memref_squeeze %dma_start3A_299 : memref<1x250xi32, #tpu.memory_space<vmem>> -> memref<250xi32, #tpu.memory_space<vmem>>
        %dma_start3A_301 = arith.constant 0 : i32
        %dma_start3A_302 = arith.constant 0 : i32
        %dma_start3A_303 = tpu.memref_slice %arg10[%dma_start3A_301, %dma_start3A_302] : memref<10240x16xf32, #tpu.memory_space<vmem_shared>> -> memref<10240x16xf32, #tpu.memory_space<vmem_shared>>
        tpu.enqueue_indirect_dma source(%dma_start3A_297 : memref<250x16xf32, #tpu.memory_space<vmem>>) target(%dma_start3A_303 : memref<10240x16xf32, #tpu.memory_space<vmem_shared>>) offsets(%dma_start3A_300 : memref<250xi32, #tpu.memory_space<vmem>>) semaphore(%run_scoped3A_293 : memref<!tpu.dma_semaphore, #tpu.memory_space<semaphore_mem>>) {add = true}
        %dma_wait3A_304 = arith.constant 0 : i32
        %dma_wait3A_305 = arith.constant 0 : i32
        %dma_wait3A_306 = tpu.memref_slice %arg9[%run_scoped3A_190, %dma_wait3A_304, %dma_wait3A_305] : memref<8x250x16xf32, #tpu.memory_space<vmem>> -> memref<1x250x16xf32, #tpu.memory_space<vmem>>
        %dma_wait3A_307 = tpu.memref_squeeze %dma_wait3A_306 : memref<1x250x16xf32, #tpu.memory_space<vmem>> -> memref<250x16xf32, #tpu.memory_space<vmem>>
        %dma_wait3A_308 = arith.constant 0 : i32
        %dma_wait3A_309 = tpu.memref_slice %arg8[%add3A_189, %dma_wait3A_308] : memref<40x250xi32, #tpu.memory_space<vmem>> -> memref<1x250xi32, #tpu.memory_space<vmem>>
        %dma_wait3A_310 = tpu.memref_squeeze %dma_wait3A_309 : memref<1x250xi32, #tpu.memory_space<vmem>> -> memref<250xi32, #tpu.memory_space<vmem>>
        %dma_wait3A_311 = arith.constant 0 : i32
        %dma_wait3A_312 = arith.constant 0 : i32
        %dma_wait3A_313 = tpu.memref_slice %arg10[%dma_wait3A_311, %dma_wait3A_312] : memref<10240x16xf32, #tpu.memory_space<vmem_shared>> -> memref<10240x16xf32, #tpu.memory_space<vmem_shared>>
        tpu.wait_indirect_dma semaphore(%run_scoped3A_293 : memref<!tpu.dma_semaphore, #tpu.memory_space<semaphore_mem>>) src(%dma_wait3A_307 : memref<250x16xf32, #tpu.memory_space<vmem>>) dst(%dma_wait3A_313 : memref<10240x16xf32, #tpu.memory_space<vmem_shared>>)
        tpu.yield
      }) : () -> ()
      %dma_wait3A_191 = arith.constant 2 : i32
      %dma_wait3A_192 = arith.constant 2 : i32
      %dma_wait3A_193 = arith.constant 0 : i32
      %dma_wait3A_194 = arith.constant 0 : i32
      %dma_wait3A_195 = tpu.memref_slice %arg9[%dma_wait3A_191, %dma_wait3A_193, %dma_wait3A_194] : memref<8x250x16xf32, #tpu.memory_space<vmem>> -> memref<1x250x16xf32, #tpu.memory_space<vmem>>
      %dma_wait3A_196 = tpu.memref_squeeze %dma_wait3A_195 : memref<1x250x16xf32, #tpu.memory_space<vmem>> -> memref<250x16xf32, #tpu.memory_space<vmem>>
      %dma_wait3A_197 = arith.constant 0 : i32
      %dma_wait3A_198 = tpu.memref_slice %arg7[%add3A_63, %dma_wait3A_197] : memref<40x250xi32, #tpu.memory_space<vmem>> -> memref<1x250xi32, #tpu.memory_space<vmem>>
      %dma_wait3A_199 = tpu.memref_squeeze %dma_wait3A_198 : memref<1x250xi32, #tpu.memory_space<vmem>> -> memref<250xi32, #tpu.memory_space<vmem>>
      %dma_wait3A_200 = arith.constant 0 : i32
      %dma_wait3A_201 = arith.constant 0 : i32
      %dma_wait3A_202 = tpu.memref_slice %arg2[%dma_wait3A_200, %dma_wait3A_201] : memref<10240x16xf32, #tpu.memory_space<hbm>> -> memref<10240x16xf32, #tpu.memory_space<hbm>>
      %dma_wait3A_203 = tpu.memref_slice %arg11[%dma_wait3A_192] : memref<8x!tpu.dma_semaphore, #tpu.memory_space<semaphore_mem>> -> memref<1x!tpu.dma_semaphore, #tpu.memory_space<semaphore_mem>>
      %dma_wait3A_204 = tpu.memref_squeeze %dma_wait3A_203 : memref<1x!tpu.dma_semaphore, #tpu.memory_space<semaphore_mem>> -> memref<!tpu.dma_semaphore, #tpu.memory_space<semaphore_mem>>
      tpu.wait_indirect_dma semaphore(%dma_wait3A_204 : memref<!tpu.dma_semaphore, #tpu.memory_space<semaphore_mem>>) src(%dma_wait3A_202 : memref<10240x16xf32, #tpu.memory_space<hbm>>) dst(%dma_wait3A_196 : memref<250x16xf32, #tpu.memory_space<vmem>>)
      %add3A_205 = arith.constant 2 : i32
      %add3A_206 = arith.addi %mul3A_29, %add3A_205 : i32
      %run_scoped3A_207 = arith.constant 2 : i32
      "tpu.region"() ({
        %run_scoped3A_293 = tpu.sem_alloc : memref<!tpu.dma_semaphore, #tpu.memory_space<semaphore_mem>>
        %dma_start3A_294 = arith.constant 0 : i32
        %dma_start3A_295 = arith.constant 0 : i32
        %dma_start3A_296 = tpu.memref_slice %arg9[%run_scoped3A_207, %dma_start3A_294, %dma_start3A_295] : memref<8x250x16xf32, #tpu.memory_space<vmem>> -> memref<1x250x16xf32, #tpu.memory_space<vmem>>
        %dma_start3A_297 = tpu.memref_squeeze %dma_start3A_296 : memref<1x250x16xf32, #tpu.memory_space<vmem>> -> memref<250x16xf32, #tpu.memory_space<vmem>>
        %dma_start3A_298 = arith.constant 0 : i32
        %dma_start3A_299 = tpu.memref_slice %arg8[%add3A_206, %dma_start3A_298] : memref<40x250xi32, #tpu.memory_space<vmem>> -> memref<1x250xi32, #tpu.memory_space<vmem>>
        %dma_start3A_300 = tpu.memref_squeeze %dma_start3A_299 : memref<1x250xi32, #tpu.memory_space<vmem>> -> memref<250xi32, #tpu.memory_space<vmem>>
        %dma_start3A_301 = arith.constant 0 : i32
        %dma_start3A_302 = arith.constant 0 : i32
        %dma_start3A_303 = tpu.memref_slice %arg10[%dma_start3A_301, %dma_start3A_302] : memref<10240x16xf32, #tpu.memory_space<vmem_shared>> -> memref<10240x16xf32, #tpu.memory_space<vmem_shared>>
        tpu.enqueue_indirect_dma source(%dma_start3A_297 : memref<250x16xf32, #tpu.memory_space<vmem>>) target(%dma_start3A_303 : memref<10240x16xf32, #tpu.memory_space<vmem_shared>>) offsets(%dma_start3A_300 : memref<250xi32, #tpu.memory_space<vmem>>) semaphore(%run_scoped3A_293 : memref<!tpu.dma_semaphore, #tpu.memory_space<semaphore_mem>>) {add = true}
        %dma_wait3A_304 = arith.constant 0 : i32
        %dma_wait3A_305 = arith.constant 0 : i32
        %dma_wait3A_306 = tpu.memref_slice %arg9[%run_scoped3A_207, %dma_wait3A_304, %dma_wait3A_305] : memref<8x250x16xf32, #tpu.memory_space<vmem>> -> memref<1x250x16xf32, #tpu.memory_space<vmem>>
        %dma_wait3A_307 = tpu.memref_squeeze %dma_wait3A_306 : memref<1x250x16xf32, #tpu.memory_space<vmem>> -> memref<250x16xf32, #tpu.memory_space<vmem>>
        %dma_wait3A_308 = arith.constant 0 : i32
        %dma_wait3A_309 = tpu.memref_slice %arg8[%add3A_206, %dma_wait3A_308] : memref<40x250xi32, #tpu.memory_space<vmem>> -> memref<1x250xi32, #tpu.memory_space<vmem>>
        %dma_wait3A_310 = tpu.memref_squeeze %dma_wait3A_309 : memref<1x250xi32, #tpu.memory_space<vmem>> -> memref<250xi32, #tpu.memory_space<vmem>>
        %dma_wait3A_311 = arith.constant 0 : i32
        %dma_wait3A_312 = arith.constant 0 : i32
        %dma_wait3A_313 = tpu.memref_slice %arg10[%dma_wait3A_311, %dma_wait3A_312] : memref<10240x16xf32, #tpu.memory_space<vmem_shared>> -> memref<10240x16xf32, #tpu.memory_space<vmem_shared>>
        tpu.wait_indirect_dma semaphore(%run_scoped3A_293 : memref<!tpu.dma_semaphore, #tpu.memory_space<semaphore_mem>>) src(%dma_wait3A_307 : memref<250x16xf32, #tpu.memory_space<vmem>>) dst(%dma_wait3A_313 : memref<10240x16xf32, #tpu.memory_space<vmem_shared>>)
        tpu.yield
      }) : () -> ()
      %dma_wait3A_208 = arith.constant 3 : i32
      %dma_wait3A_209 = arith.constant 3 : i32
      %dma_wait3A_210 = arith.constant 0 : i32
      %dma_wait3A_211 = arith.constant 0 : i32
      %dma_wait3A_212 = tpu.memref_slice %arg9[%dma_wait3A_208, %dma_wait3A_210, %dma_wait3A_211] : memref<8x250x16xf32, #tpu.memory_space<vmem>> -> memref<1x250x16xf32, #tpu.memory_space<vmem>>
      %dma_wait3A_213 = tpu.memref_squeeze %dma_wait3A_212 : memref<1x250x16xf32, #tpu.memory_space<vmem>> -> memref<250x16xf32, #tpu.memory_space<vmem>>
      %dma_wait3A_214 = arith.constant 0 : i32
      %dma_wait3A_215 = tpu.memref_slice %arg7[%add3A_79, %dma_wait3A_214] : memref<40x250xi32, #tpu.memory_space<vmem>> -> memref<1x250xi32, #tpu.memory_space<vmem>>
      %dma_wait3A_216 = tpu.memref_squeeze %dma_wait3A_215 : memref<1x250xi32, #tpu.memory_space<vmem>> -> memref<250xi32, #tpu.memory_space<vmem>>
      %dma_wait3A_217 = arith.constant 0 : i32
      %dma_wait3A_218 = arith.constant 0 : i32
      %dma_wait3A_219 = tpu.memref_slice %arg2[%dma_wait3A_217, %dma_wait3A_218] : memref<10240x16xf32, #tpu.memory_space<hbm>> -> memref<10240x16xf32, #tpu.memory_space<hbm>>
      %dma_wait3A_220 = tpu.memref_slice %arg11[%dma_wait3A_209] : memref<8x!tpu.dma_semaphore, #tpu.memory_space<semaphore_mem>> -> memref<1x!tpu.dma_semaphore, #tpu.memory_space<semaphore_mem>>
      %dma_wait3A_221 = tpu.memref_squeeze %dma_wait3A_220 : memref<1x!tpu.dma_semaphore, #tpu.memory_space<semaphore_mem>> -> memref<!tpu.dma_semaphore, #tpu.memory_space<semaphore_mem>>
      tpu.wait_indirect_dma semaphore(%dma_wait3A_221 : memref<!tpu.dma_semaphore, #tpu.memory_space<semaphore_mem>>) src(%dma_wait3A_219 : memref<10240x16xf32, #tpu.memory_space<hbm>>) dst(%dma_wait3A_213 : memref<250x16xf32, #tpu.memory_space<vmem>>)
      %add3A_222 = arith.constant 3 : i32
      %add3A_223 = arith.addi %mul3A_29, %add3A_222 : i32
      %run_scoped3A_224 = arith.constant 3 : i32
      "tpu.region"() ({
        %run_scoped3A_293 = tpu.sem_alloc : memref<!tpu.dma_semaphore, #tpu.memory_space<semaphore_mem>>
        %dma_start3A_294 = arith.constant 0 : i32
        %dma_start3A_295 = arith.constant 0 : i32
        %dma_start3A_296 = tpu.memref_slice %arg9[%run_scoped3A_224, %dma_start3A_294, %dma_start3A_295] : memref<8x250x16xf32, #tpu.memory_space<vmem>> -> memref<1x250x16xf32, #tpu.memory_space<vmem>>
        %dma_start3A_297 = tpu.memref_squeeze %dma_start3A_296 : memref<1x250x16xf32, #tpu.memory_space<vmem>> -> memref<250x16xf32, #tpu.memory_space<vmem>>
        %dma_start3A_298 = arith.constant 0 : i32
        %dma_start3A_299 = tpu.memref_slice %arg8[%add3A_223, %dma_start3A_298] : memref<40x250xi32, #tpu.memory_space<vmem>> -> memref<1x250xi32, #tpu.memory_space<vmem>>
        %dma_start3A_300 = tpu.memref_squeeze %dma_start3A_299 : memref<1x250xi32, #tpu.memory_space<vmem>> -> memref<250xi32, #tpu.memory_space<vmem>>
        %dma_start3A_301 = arith.constant 0 : i32
        %dma_start3A_302 = arith.constant 0 : i32
        %dma_start3A_303 = tpu.memref_slice %arg10[%dma_start3A_301, %dma_start3A_302] : memref<10240x16xf32, #tpu.memory_space<vmem_shared>> -> memref<10240x16xf32, #tpu.memory_space<vmem_shared>>
        tpu.enqueue_indirect_dma source(%dma_start3A_297 : memref<250x16xf32, #tpu.memory_space<vmem>>) target(%dma_start3A_303 : memref<10240x16xf32, #tpu.memory_space<vmem_shared>>) offsets(%dma_start3A_300 : memref<250xi32, #tpu.memory_space<vmem>>) semaphore(%run_scoped3A_293 : memref<!tpu.dma_semaphore, #tpu.memory_space<semaphore_mem>>) {add = true}
        %dma_wait3A_304 = arith.constant 0 : i32
        %dma_wait3A_305 = arith.constant 0 : i32
        %dma_wait3A_306 = tpu.memref_slice %arg9[%run_scoped3A_224, %dma_wait3A_304, %dma_wait3A_305] : memref<8x250x16xf32, #tpu.memory_space<vmem>> -> memref<1x250x16xf32, #tpu.memory_space<vmem>>
        %dma_wait3A_307 = tpu.memref_squeeze %dma_wait3A_306 : memref<1x250x16xf32, #tpu.memory_space<vmem>> -> memref<250x16xf32, #tpu.memory_space<vmem>>
        %dma_wait3A_308 = arith.constant 0 : i32
        %dma_wait3A_309 = tpu.memref_slice %arg8[%add3A_223, %dma_wait3A_308] : memref<40x250xi32, #tpu.memory_space<vmem>> -> memref<1x250xi32, #tpu.memory_space<vmem>>
        %dma_wait3A_310 = tpu.memref_squeeze %dma_wait3A_309 : memref<1x250xi32, #tpu.memory_space<vmem>> -> memref<250xi32, #tpu.memory_space<vmem>>
        %dma_wait3A_311 = arith.constant 0 : i32
        %dma_wait3A_312 = arith.constant 0 : i32
        %dma_wait3A_313 = tpu.memref_slice %arg10[%dma_wait3A_311, %dma_wait3A_312] : memref<10240x16xf32, #tpu.memory_space<vmem_shared>> -> memref<10240x16xf32, #tpu.memory_space<vmem_shared>>
        tpu.wait_indirect_dma semaphore(%run_scoped3A_293 : memref<!tpu.dma_semaphore, #tpu.memory_space<semaphore_mem>>) src(%dma_wait3A_307 : memref<250x16xf32, #tpu.memory_space<vmem>>) dst(%dma_wait3A_313 : memref<10240x16xf32, #tpu.memory_space<vmem_shared>>)
        tpu.yield
      }) : () -> ()
      %dma_wait3A_225 = arith.constant 4 : i32
      %dma_wait3A_226 = arith.constant 4 : i32
      %dma_wait3A_227 = arith.constant 0 : i32
      %dma_wait3A_228 = arith.constant 0 : i32
      %dma_wait3A_229 = tpu.memref_slice %arg9[%dma_wait3A_225, %dma_wait3A_227, %dma_wait3A_228] : memref<8x250x16xf32, #tpu.memory_space<vmem>> -> memref<1x250x16xf32, #tpu.memory_space<vmem>>
      %dma_wait3A_230 = tpu.memref_squeeze %dma_wait3A_229 : memref<1x250x16xf32, #tpu.memory_space<vmem>> -> memref<250x16xf32, #tpu.memory_space<vmem>>
      %dma_wait3A_231 = arith.constant 0 : i32
      %dma_wait3A_232 = tpu.memref_slice %arg7[%add3A_95, %dma_wait3A_231] : memref<40x250xi32, #tpu.memory_space<vmem>> -> memref<1x250xi32, #tpu.memory_space<vmem>>
      %dma_wait3A_233 = tpu.memref_squeeze %dma_wait3A_232 : memref<1x250xi32, #tpu.memory_space<vmem>> -> memref<250xi32, #tpu.memory_space<vmem>>
      %dma_wait3A_234 = arith.constant 0 : i32
      %dma_wait3A_235 = arith.constant 0 : i32
      %dma_wait3A_236 = tpu.memref_slice %arg2[%dma_wait3A_234, %dma_wait3A_235] : memref<10240x16xf32, #tpu.memory_space<hbm>> -> memref<10240x16xf32, #tpu.memory_space<hbm>>
      %dma_wait3A_237 = tpu.memref_slice %arg11[%dma_wait3A_226] : memref<8x!tpu.dma_semaphore, #tpu.memory_space<semaphore_mem>> -> memref<1x!tpu.dma_semaphore, #tpu.memory_space<semaphore_mem>>
      %dma_wait3A_238 = tpu.memref_squeeze %dma_wait3A_237 : memref<1x!tpu.dma_semaphore, #tpu.memory_space<semaphore_mem>> -> memref<!tpu.dma_semaphore, #tpu.memory_space<semaphore_mem>>
      tpu.wait_indirect_dma semaphore(%dma_wait3A_238 : memref<!tpu.dma_semaphore, #tpu.memory_space<semaphore_mem>>) src(%dma_wait3A_236 : memref<10240x16xf32, #tpu.memory_space<hbm>>) dst(%dma_wait3A_230 : memref<250x16xf32, #tpu.memory_space<vmem>>)
      %add3A_239 = arith.constant 4 : i32
      %add3A_240 = arith.addi %mul3A_29, %add3A_239 : i32
      %run_scoped3A_241 = arith.constant 4 : i32
      "tpu.region"() ({
        %run_scoped3A_293 = tpu.sem_alloc : memref<!tpu.dma_semaphore, #tpu.memory_space<semaphore_mem>>
        %dma_start3A_294 = arith.constant 0 : i32
        %dma_start3A_295 = arith.constant 0 : i32
        %dma_start3A_296 = tpu.memref_slice %arg9[%run_scoped3A_241, %dma_start3A_294, %dma_start3A_295] : memref<8x250x16xf32, #tpu.memory_space<vmem>> -> memref<1x250x16xf32, #tpu.memory_space<vmem>>
        %dma_start3A_297 = tpu.memref_squeeze %dma_start3A_296 : memref<1x250x16xf32, #tpu.memory_space<vmem>> -> memref<250x16xf32, #tpu.memory_space<vmem>>
        %dma_start3A_298 = arith.constant 0 : i32
        %dma_start3A_299 = tpu.memref_slice %arg8[%add3A_240, %dma_start3A_298] : memref<40x250xi32, #tpu.memory_space<vmem>> -> memref<1x250xi32, #tpu.memory_space<vmem>>
        %dma_start3A_300 = tpu.memref_squeeze %dma_start3A_299 : memref<1x250xi32, #tpu.memory_space<vmem>> -> memref<250xi32, #tpu.memory_space<vmem>>
        %dma_start3A_301 = arith.constant 0 : i32
        %dma_start3A_302 = arith.constant 0 : i32
        %dma_start3A_303 = tpu.memref_slice %arg10[%dma_start3A_301, %dma_start3A_302] : memref<10240x16xf32, #tpu.memory_space<vmem_shared>> -> memref<10240x16xf32, #tpu.memory_space<vmem_shared>>
        tpu.enqueue_indirect_dma source(%dma_start3A_297 : memref<250x16xf32, #tpu.memory_space<vmem>>) target(%dma_start3A_303 : memref<10240x16xf32, #tpu.memory_space<vmem_shared>>) offsets(%dma_start3A_300 : memref<250xi32, #tpu.memory_space<vmem>>) semaphore(%run_scoped3A_293 : memref<!tpu.dma_semaphore, #tpu.memory_space<semaphore_mem>>) {add = true}
        %dma_wait3A_304 = arith.constant 0 : i32
        %dma_wait3A_305 = arith.constant 0 : i32
        %dma_wait3A_306 = tpu.memref_slice %arg9[%run_scoped3A_241, %dma_wait3A_304, %dma_wait3A_305] : memref<8x250x16xf32, #tpu.memory_space<vmem>> -> memref<1x250x16xf32, #tpu.memory_space<vmem>>
        %dma_wait3A_307 = tpu.memref_squeeze %dma_wait3A_306 : memref<1x250x16xf32, #tpu.memory_space<vmem>> -> memref<250x16xf32, #tpu.memory_space<vmem>>
        %dma_wait3A_308 = arith.constant 0 : i32
        %dma_wait3A_309 = tpu.memref_slice %arg8[%add3A_240, %dma_wait3A_308] : memref<40x250xi32, #tpu.memory_space<vmem>> -> memref<1x250xi32, #tpu.memory_space<vmem>>
        %dma_wait3A_310 = tpu.memref_squeeze %dma_wait3A_309 : memref<1x250xi32, #tpu.memory_space<vmem>> -> memref<250xi32, #tpu.memory_space<vmem>>
        %dma_wait3A_311 = arith.constant 0 : i32
        %dma_wait3A_312 = arith.constant 0 : i32
        %dma_wait3A_313 = tpu.memref_slice %arg10[%dma_wait3A_311, %dma_wait3A_312] : memref<10240x16xf32, #tpu.memory_space<vmem_shared>> -> memref<10240x16xf32, #tpu.memory_space<vmem_shared>>
        tpu.wait_indirect_dma semaphore(%run_scoped3A_293 : memref<!tpu.dma_semaphore, #tpu.memory_space<semaphore_mem>>) src(%dma_wait3A_307 : memref<250x16xf32, #tpu.memory_space<vmem>>) dst(%dma_wait3A_313 : memref<10240x16xf32, #tpu.memory_space<vmem_shared>>)
        tpu.yield
      }) : () -> ()
      %dma_wait3A_242 = arith.constant 5 : i32
      %dma_wait3A_243 = arith.constant 5 : i32
      %dma_wait3A_244 = arith.constant 0 : i32
      %dma_wait3A_245 = arith.constant 0 : i32
      %dma_wait3A_246 = tpu.memref_slice %arg9[%dma_wait3A_242, %dma_wait3A_244, %dma_wait3A_245] : memref<8x250x16xf32, #tpu.memory_space<vmem>> -> memref<1x250x16xf32, #tpu.memory_space<vmem>>
      %dma_wait3A_247 = tpu.memref_squeeze %dma_wait3A_246 : memref<1x250x16xf32, #tpu.memory_space<vmem>> -> memref<250x16xf32, #tpu.memory_space<vmem>>
      %dma_wait3A_248 = arith.constant 0 : i32
      %dma_wait3A_249 = tpu.memref_slice %arg7[%add3A_111, %dma_wait3A_248] : memref<40x250xi32, #tpu.memory_space<vmem>> -> memref<1x250xi32, #tpu.memory_space<vmem>>
      %dma_wait3A_250 = tpu.memref_squeeze %dma_wait3A_249 : memref<1x250xi32, #tpu.memory_space<vmem>> -> memref<250xi32, #tpu.memory_space<vmem>>
      %dma_wait3A_251 = arith.constant 0 : i32
      %dma_wait3A_252 = arith.constant 0 : i32
      %dma_wait3A_253 = tpu.memref_slice %arg2[%dma_wait3A_251, %dma_wait3A_252] : memref<10240x16xf32, #tpu.memory_space<hbm>> -> memref<10240x16xf32, #tpu.memory_space<hbm>>
      %dma_wait3A_254 = tpu.memref_slice %arg11[%dma_wait3A_243] : memref<8x!tpu.dma_semaphore, #tpu.memory_space<semaphore_mem>> -> memref<1x!tpu.dma_semaphore, #tpu.memory_space<semaphore_mem>>
      %dma_wait3A_255 = tpu.memref_squeeze %dma_wait3A_254 : memref<1x!tpu.dma_semaphore, #tpu.memory_space<semaphore_mem>> -> memref<!tpu.dma_semaphore, #tpu.memory_space<semaphore_mem>>
      tpu.wait_indirect_dma semaphore(%dma_wait3A_255 : memref<!tpu.dma_semaphore, #tpu.memory_space<semaphore_mem>>) src(%dma_wait3A_253 : memref<10240x16xf32, #tpu.memory_space<hbm>>) dst(%dma_wait3A_247 : memref<250x16xf32, #tpu.memory_space<vmem>>)
      %add3A_256 = arith.constant 5 : i32
      %add3A_257 = arith.addi %mul3A_29, %add3A_256 : i32
      %run_scoped3A_258 = arith.constant 5 : i32
      "tpu.region"() ({
        %run_scoped3A_293 = tpu.sem_alloc : memref<!tpu.dma_semaphore, #tpu.memory_space<semaphore_mem>>
        %dma_start3A_294 = arith.constant 0 : i32
        %dma_start3A_295 = arith.constant 0 : i32
        %dma_start3A_296 = tpu.memref_slice %arg9[%run_scoped3A_258, %dma_start3A_294, %dma_start3A_295] : memref<8x250x16xf32, #tpu.memory_space<vmem>> -> memref<1x250x16xf32, #tpu.memory_space<vmem>>
        %dma_start3A_297 = tpu.memref_squeeze %dma_start3A_296 : memref<1x250x16xf32, #tpu.memory_space<vmem>> -> memref<250x16xf32, #tpu.memory_space<vmem>>
        %dma_start3A_298 = arith.constant 0 : i32
        %dma_start3A_299 = tpu.memref_slice %arg8[%add3A_257, %dma_start3A_298] : memref<40x250xi32, #tpu.memory_space<vmem>> -> memref<1x250xi32, #tpu.memory_space<vmem>>
        %dma_start3A_300 = tpu.memref_squeeze %dma_start3A_299 : memref<1x250xi32, #tpu.memory_space<vmem>> -> memref<250xi32, #tpu.memory_space<vmem>>
        %dma_start3A_301 = arith.constant 0 : i32
        %dma_start3A_302 = arith.constant 0 : i32
        %dma_start3A_303 = tpu.memref_slice %arg10[%dma_start3A_301, %dma_start3A_302] : memref<10240x16xf32, #tpu.memory_space<vmem_shared>> -> memref<10240x16xf32, #tpu.memory_space<vmem_shared>>
        tpu.enqueue_indirect_dma source(%dma_start3A_297 : memref<250x16xf32, #tpu.memory_space<vmem>>) target(%dma_start3A_303 : memref<10240x16xf32, #tpu.memory_space<vmem_shared>>) offsets(%dma_start3A_300 : memref<250xi32, #tpu.memory_space<vmem>>) semaphore(%run_scoped3A_293 : memref<!tpu.dma_semaphore, #tpu.memory_space<semaphore_mem>>) {add = true}
        %dma_wait3A_304 = arith.constant 0 : i32
        %dma_wait3A_305 = arith.constant 0 : i32
        %dma_wait3A_306 = tpu.memref_slice %arg9[%run_scoped3A_258, %dma_wait3A_304, %dma_wait3A_305] : memref<8x250x16xf32, #tpu.memory_space<vmem>> -> memref<1x250x16xf32, #tpu.memory_space<vmem>>
        %dma_wait3A_307 = tpu.memref_squeeze %dma_wait3A_306 : memref<1x250x16xf32, #tpu.memory_space<vmem>> -> memref<250x16xf32, #tpu.memory_space<vmem>>
        %dma_wait3A_308 = arith.constant 0 : i32
        %dma_wait3A_309 = tpu.memref_slice %arg8[%add3A_257, %dma_wait3A_308] : memref<40x250xi32, #tpu.memory_space<vmem>> -> memref<1x250xi32, #tpu.memory_space<vmem>>
        %dma_wait3A_310 = tpu.memref_squeeze %dma_wait3A_309 : memref<1x250xi32, #tpu.memory_space<vmem>> -> memref<250xi32, #tpu.memory_space<vmem>>
        %dma_wait3A_311 = arith.constant 0 : i32
        %dma_wait3A_312 = arith.constant 0 : i32
        %dma_wait3A_313 = tpu.memref_slice %arg10[%dma_wait3A_311, %dma_wait3A_312] : memref<10240x16xf32, #tpu.memory_space<vmem_shared>> -> memref<10240x16xf32, #tpu.memory_space<vmem_shared>>
        tpu.wait_indirect_dma semaphore(%run_scoped3A_293 : memref<!tpu.dma_semaphore, #tpu.memory_space<semaphore_mem>>) src(%dma_wait3A_307 : memref<250x16xf32, #tpu.memory_space<vmem>>) dst(%dma_wait3A_313 : memref<10240x16xf32, #tpu.memory_space<vmem_shared>>)
        tpu.yield
      }) : () -> ()
      %dma_wait3A_259 = arith.constant 6 : i32
      %dma_wait3A_260 = arith.constant 6 : i32
      %dma_wait3A_261 = arith.constant 0 : i32
      %dma_wait3A_262 = arith.constant 0 : i32
      %dma_wait3A_263 = tpu.memref_slice %arg9[%dma_wait3A_259, %dma_wait3A_261, %dma_wait3A_262] : memref<8x250x16xf32, #tpu.memory_space<vmem>> -> memref<1x250x16xf32, #tpu.memory_space<vmem>>
      %dma_wait3A_264 = tpu.memref_squeeze %dma_wait3A_263 : memref<1x250x16xf32, #tpu.memory_space<vmem>> -> memref<250x16xf32, #tpu.memory_space<vmem>>
      %dma_wait3A_265 = arith.constant 0 : i32
      %dma_wait3A_266 = tpu.memref_slice %arg7[%add3A_127, %dma_wait3A_265] : memref<40x250xi32, #tpu.memory_space<vmem>> -> memref<1x250xi32, #tpu.memory_space<vmem>>
      %dma_wait3A_267 = tpu.memref_squeeze %dma_wait3A_266 : memref<1x250xi32, #tpu.memory_space<vmem>> -> memref<250xi32, #tpu.memory_space<vmem>>
      %dma_wait3A_268 = arith.constant 0 : i32
      %dma_wait3A_269 = arith.constant 0 : i32
      %dma_wait3A_270 = tpu.memref_slice %arg2[%dma_wait3A_268, %dma_wait3A_269] : memref<10240x16xf32, #tpu.memory_space<hbm>> -> memref<10240x16xf32, #tpu.memory_space<hbm>>
      %dma_wait3A_271 = tpu.memref_slice %arg11[%dma_wait3A_260] : memref<8x!tpu.dma_semaphore, #tpu.memory_space<semaphore_mem>> -> memref<1x!tpu.dma_semaphore, #tpu.memory_space<semaphore_mem>>
      %dma_wait3A_272 = tpu.memref_squeeze %dma_wait3A_271 : memref<1x!tpu.dma_semaphore, #tpu.memory_space<semaphore_mem>> -> memref<!tpu.dma_semaphore, #tpu.memory_space<semaphore_mem>>
      tpu.wait_indirect_dma semaphore(%dma_wait3A_272 : memref<!tpu.dma_semaphore, #tpu.memory_space<semaphore_mem>>) src(%dma_wait3A_270 : memref<10240x16xf32, #tpu.memory_space<hbm>>) dst(%dma_wait3A_264 : memref<250x16xf32, #tpu.memory_space<vmem>>)
      %add3A_273 = arith.constant 6 : i32
      %add3A_274 = arith.addi %mul3A_29, %add3A_273 : i32
      %run_scoped3A_275 = arith.constant 6 : i32
      "tpu.region"() ({
        %run_scoped3A_293 = tpu.sem_alloc : memref<!tpu.dma_semaphore, #tpu.memory_space<semaphore_mem>>
        %dma_start3A_294 = arith.constant 0 : i32
        %dma_start3A_295 = arith.constant 0 : i32
        %dma_start3A_296 = tpu.memref_slice %arg9[%run_scoped3A_275, %dma_start3A_294, %dma_start3A_295] : memref<8x250x16xf32, #tpu.memory_space<vmem>> -> memref<1x250x16xf32, #tpu.memory_space<vmem>>
        %dma_start3A_297 = tpu.memref_squeeze %dma_start3A_296 : memref<1x250x16xf32, #tpu.memory_space<vmem>> -> memref<250x16xf32, #tpu.memory_space<vmem>>
        %dma_start3A_298 = arith.constant 0 : i32
        %dma_start3A_299 = tpu.memref_slice %arg8[%add3A_274, %dma_start3A_298] : memref<40x250xi32, #tpu.memory_space<vmem>> -> memref<1x250xi32, #tpu.memory_space<vmem>>
        %dma_start3A_300 = tpu.memref_squeeze %dma_start3A_299 : memref<1x250xi32, #tpu.memory_space<vmem>> -> memref<250xi32, #tpu.memory_space<vmem>>
        %dma_start3A_301 = arith.constant 0 : i32
        %dma_start3A_302 = arith.constant 0 : i32
        %dma_start3A_303 = tpu.memref_slice %arg10[%dma_start3A_301, %dma_start3A_302] : memref<10240x16xf32, #tpu.memory_space<vmem_shared>> -> memref<10240x16xf32, #tpu.memory_space<vmem_shared>>
        tpu.enqueue_indirect_dma source(%dma_start3A_297 : memref<250x16xf32, #tpu.memory_space<vmem>>) target(%dma_start3A_303 : memref<10240x16xf32, #tpu.memory_space<vmem_shared>>) offsets(%dma_start3A_300 : memref<250xi32, #tpu.memory_space<vmem>>) semaphore(%run_scoped3A_293 : memref<!tpu.dma_semaphore, #tpu.memory_space<semaphore_mem>>) {add = true}
        %dma_wait3A_304 = arith.constant 0 : i32
        %dma_wait3A_305 = arith.constant 0 : i32
        %dma_wait3A_306 = tpu.memref_slice %arg9[%run_scoped3A_275, %dma_wait3A_304, %dma_wait3A_305] : memref<8x250x16xf32, #tpu.memory_space<vmem>> -> memref<1x250x16xf32, #tpu.memory_space<vmem>>
        %dma_wait3A_307 = tpu.memref_squeeze %dma_wait3A_306 : memref<1x250x16xf32, #tpu.memory_space<vmem>> -> memref<250x16xf32, #tpu.memory_space<vmem>>
        %dma_wait3A_308 = arith.constant 0 : i32
        %dma_wait3A_309 = tpu.memref_slice %arg8[%add3A_274, %dma_wait3A_308] : memref<40x250xi32, #tpu.memory_space<vmem>> -> memref<1x250xi32, #tpu.memory_space<vmem>>
        %dma_wait3A_310 = tpu.memref_squeeze %dma_wait3A_309 : memref<1x250xi32, #tpu.memory_space<vmem>> -> memref<250xi32, #tpu.memory_space<vmem>>
        %dma_wait3A_311 = arith.constant 0 : i32
        %dma_wait3A_312 = arith.constant 0 : i32
        %dma_wait3A_313 = tpu.memref_slice %arg10[%dma_wait3A_311, %dma_wait3A_312] : memref<10240x16xf32, #tpu.memory_space<vmem_shared>> -> memref<10240x16xf32, #tpu.memory_space<vmem_shared>>
        tpu.wait_indirect_dma semaphore(%run_scoped3A_293 : memref<!tpu.dma_semaphore, #tpu.memory_space<semaphore_mem>>) src(%dma_wait3A_307 : memref<250x16xf32, #tpu.memory_space<vmem>>) dst(%dma_wait3A_313 : memref<10240x16xf32, #tpu.memory_space<vmem_shared>>)
        tpu.yield
      }) : () -> ()
      %dma_wait3A_276 = arith.constant 7 : i32
      %dma_wait3A_277 = arith.constant 7 : i32
      %dma_wait3A_278 = arith.constant 0 : i32
      %dma_wait3A_279 = arith.constant 0 : i32
      %dma_wait3A_280 = tpu.memref_slice %arg9[%dma_wait3A_276, %dma_wait3A_278, %dma_wait3A_279] : memref<8x250x16xf32, #tpu.memory_space<vmem>> -> memref<1x250x16xf32, #tpu.memory_space<vmem>>
      %dma_wait3A_281 = tpu.memref_squeeze %dma_wait3A_280 : memref<1x250x16xf32, #tpu.memory_space<vmem>> -> memref<250x16xf32, #tpu.memory_space<vmem>>
      %dma_wait3A_282 = arith.constant 0 : i32
      %dma_wait3A_283 = tpu.memref_slice %arg7[%add3A_143, %dma_wait3A_282] : memref<40x250xi32, #tpu.memory_space<vmem>> -> memref<1x250xi32, #tpu.memory_space<vmem>>
      %dma_wait3A_284 = tpu.memref_squeeze %dma_wait3A_283 : memref<1x250xi32, #tpu.memory_space<vmem>> -> memref<250xi32, #tpu.memory_space<vmem>>
      %dma_wait3A_285 = arith.constant 0 : i32
      %dma_wait3A_286 = arith.constant 0 : i32
      %dma_wait3A_287 = tpu.memref_slice %arg2[%dma_wait3A_285, %dma_wait3A_286] : memref<10240x16xf32, #tpu.memory_space<hbm>> -> memref<10240x16xf32, #tpu.memory_space<hbm>>
      %dma_wait3A_288 = tpu.memref_slice %arg11[%dma_wait3A_277] : memref<8x!tpu.dma_semaphore, #tpu.memory_space<semaphore_mem>> -> memref<1x!tpu.dma_semaphore, #tpu.memory_space<semaphore_mem>>
      %dma_wait3A_289 = tpu.memref_squeeze %dma_wait3A_288 : memref<1x!tpu.dma_semaphore, #tpu.memory_space<semaphore_mem>> -> memref<!tpu.dma_semaphore, #tpu.memory_space<semaphore_mem>>
      tpu.wait_indirect_dma semaphore(%dma_wait3A_289 : memref<!tpu.dma_semaphore, #tpu.memory_space<semaphore_mem>>) src(%dma_wait3A_287 : memref<10240x16xf32, #tpu.memory_space<hbm>>) dst(%dma_wait3A_281 : memref<250x16xf32, #tpu.memory_space<vmem>>)
      %add3A_290 = arith.constant 7 : i32
      %add3A_291 = arith.addi %mul3A_29, %add3A_290 : i32
      %run_scoped3A_292 = arith.constant 7 : i32
      "tpu.region"() ({
        %run_scoped3A_293 = tpu.sem_alloc : memref<!tpu.dma_semaphore, #tpu.memory_space<semaphore_mem>>
        %dma_start3A_294 = arith.constant 0 : i32
        %dma_start3A_295 = arith.constant 0 : i32
        %dma_start3A_296 = tpu.memref_slice %arg9[%run_scoped3A_292, %dma_start3A_294, %dma_start3A_295] : memref<8x250x16xf32, #tpu.memory_space<vmem>> -> memref<1x250x16xf32, #tpu.memory_space<vmem>>
        %dma_start3A_297 = tpu.memref_squeeze %dma_start3A_296 : memref<1x250x16xf32, #tpu.memory_space<vmem>> -> memref<250x16xf32, #tpu.memory_space<vmem>>
        %dma_start3A_298 = arith.constant 0 : i32
        %dma_start3A_299 = tpu.memref_slice %arg8[%add3A_291, %dma_start3A_298] : memref<40x250xi32, #tpu.memory_space<vmem>> -> memref<1x250xi32, #tpu.memory_space<vmem>>
        %dma_start3A_300 = tpu.memref_squeeze %dma_start3A_299 : memref<1x250xi32, #tpu.memory_space<vmem>> -> memref<250xi32, #tpu.memory_space<vmem>>
        %dma_start3A_301 = arith.constant 0 : i32
        %dma_start3A_302 = arith.constant 0 : i32
        %dma_start3A_303 = tpu.memref_slice %arg10[%dma_start3A_301, %dma_start3A_302] : memref<10240x16xf32, #tpu.memory_space<vmem_shared>> -> memref<10240x16xf32, #tpu.memory_space<vmem_shared>>
        tpu.enqueue_indirect_dma source(%dma_start3A_297 : memref<250x16xf32, #tpu.memory_space<vmem>>) target(%dma_start3A_303 : memref<10240x16xf32, #tpu.memory_space<vmem_shared>>) offsets(%dma_start3A_300 : memref<250xi32, #tpu.memory_space<vmem>>) semaphore(%run_scoped3A_293 : memref<!tpu.dma_semaphore, #tpu.memory_space<semaphore_mem>>) {add = true}
        %dma_wait3A_304 = arith.constant 0 : i32
        %dma_wait3A_305 = arith.constant 0 : i32
        %dma_wait3A_306 = tpu.memref_slice %arg9[%run_scoped3A_292, %dma_wait3A_304, %dma_wait3A_305] : memref<8x250x16xf32, #tpu.memory_space<vmem>> -> memref<1x250x16xf32, #tpu.memory_space<vmem>>
        %dma_wait3A_307 = tpu.memref_squeeze %dma_wait3A_306 : memref<1x250x16xf32, #tpu.memory_space<vmem>> -> memref<250x16xf32, #tpu.memory_space<vmem>>
        %dma_wait3A_308 = arith.constant 0 : i32
        %dma_wait3A_309 = tpu.memref_slice %arg8[%add3A_291, %dma_wait3A_308] : memref<40x250xi32, #tpu.memory_space<vmem>> -> memref<1x250xi32, #tpu.memory_space<vmem>>
        %dma_wait3A_310 = tpu.memref_squeeze %dma_wait3A_309 : memref<1x250xi32, #tpu.memory_space<vmem>> -> memref<250xi32, #tpu.memory_space<vmem>>
        %dma_wait3A_311 = arith.constant 0 : i32
        %dma_wait3A_312 = arith.constant 0 : i32
        %dma_wait3A_313 = tpu.memref_slice %arg10[%dma_wait3A_311, %dma_wait3A_312] : memref<10240x16xf32, #tpu.memory_space<vmem_shared>> -> memref<10240x16xf32, #tpu.memory_space<vmem_shared>>
        tpu.wait_indirect_dma semaphore(%run_scoped3A_293 : memref<!tpu.dma_semaphore, #tpu.memory_space<semaphore_mem>>) src(%dma_wait3A_307 : memref<250x16xf32, #tpu.memory_space<vmem>>) dst(%dma_wait3A_313 : memref<10240x16xf32, #tpu.memory_space<vmem_shared>>)
        tpu.yield
      }) : () -> ()
    }
    %scan3A_25 = arith.constant 5 : i32
    %barrier3A_26 = arith.constant 0 : index
    tpu.barrier barrier_id(%barrier3A_26)
    "tpu.region"() ({
      %run_scoped3A = tpu.sem_alloc : memref<!tpu.dma_semaphore, #tpu.memory_space<semaphore_mem>>
      %dma_start3A_27 = arith.constant 0 : i32
      %dma_start3A_28 = arith.constant 0 : i32
      %dma_start3A_29 = tpu.memref_slice %arg6[%arg0, %dma_start3A_27, %dma_start3A_28] : memref<2x10240x16xf32, #tpu.memory_space<hbm>> -> memref<1x10240x16xf32, #tpu.memory_space<hbm>>
      %dma_start3A_30 = tpu.memref_squeeze %dma_start3A_29 : memref<1x10240x16xf32, #tpu.memory_space<hbm>> -> memref<10240x16xf32, #tpu.memory_space<hbm>>
      %dma_start3A_31 = arith.constant 0 : i32
      %dma_start3A_32 = tpu.memref_slice %dma_start3A_30[%mul3A_2, %dma_start3A_31] : memref<10240x16xf32, #tpu.memory_space<hbm>> -> memref<640x16xf32, #tpu.memory_space<hbm>>
      %dma_start3A_33 = arith.constant 0 : i32
      %dma_start3A_34 = tpu.memref_slice %arg10[%mul3A_2, %dma_start3A_33] : memref<10240x16xf32, #tpu.memory_space<vmem_shared>> -> memref<640x16xf32, #tpu.memory_space<vmem_shared>>
      tpu.enqueue_dma source(%dma_start3A_34 : memref<640x16xf32, #tpu.memory_space<vmem_shared>>) target(%dma_start3A_32 : memref<640x16xf32, #tpu.memory_space<hbm>>) target_semaphore(%run_scoped3A : memref<!tpu.dma_semaphore, #tpu.memory_space<semaphore_mem>>)
      %dma_wait3A_35 = arith.constant 0 : i32
      %dma_wait3A_36 = arith.constant 0 : i32
      %dma_wait3A_37 = tpu.memref_slice %arg6[%arg0, %dma_wait3A_35, %dma_wait3A_36] : memref<2x10240x16xf32, #tpu.memory_space<hbm>> -> memref<1x10240x16xf32, #tpu.memory_space<hbm>>
      %dma_wait3A_38 = tpu.memref_squeeze %dma_wait3A_37 : memref<1x10240x16xf32, #tpu.memory_space<hbm>> -> memref<10240x16xf32, #tpu.memory_space<hbm>>
      %dma_wait3A_39 = arith.constant 0 : i32
      %dma_wait3A_40 = tpu.memref_slice %dma_wait3A_38[%mul3A_2, %dma_wait3A_39] : memref<10240x16xf32, #tpu.memory_space<hbm>> -> memref<640x16xf32, #tpu.memory_space<hbm>>
      %dma_wait3A_41 = arith.constant 0 : i32
      %dma_wait3A_42 = tpu.memref_slice %arg10[%mul3A_2, %dma_wait3A_41] : memref<10240x16xf32, #tpu.memory_space<vmem_shared>> -> memref<640x16xf32, #tpu.memory_space<vmem_shared>>
      tpu.wait_dma2 semaphore(%run_scoped3A : memref<!tpu.dma_semaphore, #tpu.memory_space<semaphore_mem>>) src(%dma_wait3A_42 : memref<640x16xf32, #tpu.memory_space<vmem_shared>>) dst(%dma_wait3A_40 : memref<640x16xf32, #tpu.memory_space<hbm>>)
      tpu.yield
    }) : () -> ()
    return
  }
}

#map = affine_map<(d0, d1) -> (0, 0)>
#map1 = affine_map<(d0, d1) -> (0, 0, 0)>
module attributes {stable_mosaic.version = 14 : i64} {
  func.func @k(%arg0: i32, %arg1: i32, %arg2: memref<10240x16xf32, #tpu.memory_space<hbm>>, %arg3: memref<1280x250xi32, #tpu.memory_space<hbm>>, %arg4: memref<1280x250xi32, #tpu.memory_space<hbm>>, %arg5: memref<640x16xf32, #tpu.memory_space<hbm>>, %arg6: memref<2x10240x16xf32, #tpu.memory_space<hbm>>, %arg7: memref<40x250xi32, #tpu.memory_space<vmem>>, %arg8: memref<40x250xi32, #tpu.memory_space<vmem>>, %arg9: memref<8x250x16xf32, #tpu.memory_space<vmem>>, %arg10: memref<10240x16xf32, #tpu.memory_space<vmem_shared>>, %arg11: memref<8x!tpu.dma_semaphore, #tpu.memory_space<semaphore_mem>>, %arg12: memref<!tpu.dma_semaphore, #tpu.memory_space<semaphore_mem>>) attributes {dimension_semantics = [#tpu.dimension_semantics<core_parallel>, #tpu.dimension_semantics<subcore_parallel>], iteration_bounds = array<i64: 2, 16>, scalar_prefetch = 0 : i64, scratch_operands = 6 : i64, tpu.core_type = #tpu.core_type<sc_vector_subcore>, window_params = [{transform_indices = #map}, {transform_indices = #map}, {transform_indices = #map}, {transform_indices = #map}, {transform_indices = #map1}]} {
    %mul3A = arith.constant 16 : i32
    %mul3A_0 = arith.muli %arg0, %mul3A : i32
    %add3A = arith.addi %mul3A_0, %arg1 : i32
    %mul3A_1 = arith.constant 640 : i32
    %mul3A_2 = arith.muli %arg1, %mul3A_1 : i32
    "tpu.region"() ({
      %run_scoped3A = tpu.sem_alloc : memref<!tpu.dma_semaphore, #tpu.memory_space<semaphore_mem>>
      %dma_start3A_27 = arith.constant 0 : i32
      %dma_start3A_28 = tpu.memref_slice %arg10[%mul3A_2, %dma_start3A_27] : memref<10240x16xf32, #tpu.memory_space<vmem_shared>> -> memref<640x16xf32, #tpu.memory_space<vmem_shared>>
      tpu.enqueue_dma source(%arg5 : memref<640x16xf32, #tpu.memory_space<hbm>>) target(%dma_start3A_28 : memref<640x16xf32, #tpu.memory_space<vmem_shared>>) target_semaphore(%run_scoped3A : memref<!tpu.dma_semaphore, #tpu.memory_space<semaphore_mem>>)
      %dma_wait3A_29 = arith.constant 0 : i32
      %dma_wait3A_30 = tpu.memref_slice %arg10[%mul3A_2, %dma_wait3A_29] : memref<10240x16xf32, #tpu.memory_space<vmem_shared>> -> memref<640x16xf32, #tpu.memory_space<vmem_shared>>
      tpu.wait_dma2 semaphore(%run_scoped3A : memref<!tpu.dma_semaphore, #tpu.memory_space<semaphore_mem>>) src(%arg5 : memref<640x16xf32, #tpu.memory_space<hbm>>) dst(%dma_wait3A_30 : memref<640x16xf32, #tpu.memory_space<vmem_shared>>)
      tpu.yield
    }) : () -> ()
    %mul3A_3 = arith.constant 40 : i32
    %mul3A_4 = arith.muli %add3A, %mul3A_3 : i32
    %dma_start3A = arith.constant 0 : i32
    %dma_start3A_5 = tpu.memref_slice %arg3[%mul3A_4, %dma_start3A] : memref<1280x250xi32, #tpu.memory_space<hbm>> -> memref<40x250xi32, #tpu.memory_space<hbm>>
    %dma_start3A_6 = arith.constant 0 : i32
    %dma_start3A_7 = tpu.memref_slice %arg3[%mul3A_4, %dma_start3A_6] : memref<1280x250xi32, #tpu.memory_space<hbm>> -> memref<40x250xi32, #tpu.memory_space<hbm>>
    tpu.enqueue_dma source(%dma_start3A_7 : memref<40x250xi32, #tpu.memory_space<hbm>>) target(%arg7 : memref<40x250xi32, #tpu.memory_space<vmem>>) target_semaphore(%arg12 : memref<!tpu.dma_semaphore, #tpu.memory_space<semaphore_mem>>)
    %dma_wait3A = arith.constant 0 : i32
    %dma_wait3A_8 = tpu.memref_slice %arg3[%mul3A_4, %dma_wait3A] : memref<1280x250xi32, #tpu.memory_space<hbm>> -> memref<40x250xi32, #tpu.memory_space<hbm>>
    %dma_wait3A_9 = arith.constant 0 : i32
    %dma_wait3A_10 = tpu.memref_slice %arg3[%mul3A_4, %dma_wait3A_9] : memref<1280x250xi32, #tpu.memory_space<hbm>> -> memref<40x250xi32, #tpu.memory_space<hbm>>
    tpu.wait_dma2 semaphore(%arg12 : memref<!tpu.dma_semaphore, #tpu.memory_space<semaphore_mem>>) src(%dma_wait3A_10 : memref<40x250xi32, #tpu.memory_space<hbm>>) dst(%arg7 : memref<40x250xi32, #tpu.memory_space<vmem>>)
    %mul3A_11 = arith.constant 40 : i32
    %mul3A_12 = arith.muli %add3A, %mul3A_11 : i32
    %dma_start3A_13 = arith.constant 0 : i32
    %dma_start3A_14 = tpu.memref_slice %arg4[%mul3A_12, %dma_start3A_13] : memref<1280x250xi32, #tpu.memory_space<hbm>> -> memref<40x250xi32, #tpu.memory_space<hbm>>
    %dma_start3A_15 = arith.constant 0 : i32
    %dma_start3A_16 = tpu.memref_slice %arg4[%mul3A_12, %dma_start3A_15] : memref<1280x250xi32, #tpu.memory_space<hbm>> -> memref<40x250xi32, #tpu.memory_space<hbm>>
    tpu.enqueue_dma source(%dma_start3A_16 : memref<40x250xi32, #tpu.memory_space<hbm>>) target(%arg8 : memref<40x250xi32, #tpu.memory_space<vmem>>) target_semaphore(%arg12 : memref<!tpu.dma_semaphore, #tpu.memory_space<semaphore_mem>>)
    %dma_wait3A_17 = arith.constant 0 : i32
    %dma_wait3A_18 = tpu.memref_slice %arg4[%mul3A_12, %dma_wait3A_17] : memref<1280x250xi32, #tpu.memory_space<hbm>> -> memref<40x250xi32, #tpu.memory_space<hbm>>
    %dma_wait3A_19 = arith.constant 0 : i32
    %dma_wait3A_20 = tpu.memref_slice %arg4[%mul3A_12, %dma_wait3A_19] : memref<1280x250xi32, #tpu.memory_space<hbm>> -> memref<40x250xi32, #tpu.memory_space<hbm>>
    tpu.wait_dma2 semaphore(%arg12 : memref<!tpu.dma_semaphore, #tpu.memory_space<semaphore_mem>>) src(%dma_wait3A_20 : memref<40x250xi32, #tpu.memory_space<hbm>>) dst(%arg8 : memref<40x250xi32, #tpu.memory_space<vmem>>)
    %barrier3A = arith.constant 0 : index
    tpu.barrier barrier_id(%barrier3A)
    %scan3A = arith.constant 0 : i32
    %scan3A_21 = arith.constant 0 : i32
    %scan3A_22 = arith.constant 5 : i32
    %scan3A_23 = arith.addi %scan3A_21, %scan3A_22 : i32
    %scan3A_24 = arith.constant 1 : i32
    scf.for %scan3A_27 = %scan3A_21 to %scan3A_23 step %scan3A_24  : i32 {
      %mul3A_28 = arith.constant 8 : i32
      %mul3A_29 = arith.muli %scan3A_27, %mul3A_28 : i32
      %add3A_30 = arith.constant 0 : i32
      %add3A_31 = arith.addi %mul3A_29, %add3A_30 : i32
      %dma_start3A_32 = arith.constant 0 : i32
      %dma_start3A_33 = arith.constant 0 : i32
      %dma_start3A_34 = arith.constant 0 : i32
      %dma_start3A_35 = arith.constant 0 : i32
      %dma_start3A_36 = tpu.memref_slice %arg9[%dma_start3A_32, %dma_start3A_34, %dma_start3A_35] : memref<8x250x16xf32, #tpu.memory_space<vmem>> -> memref<1x250x16xf32, #tpu.memory_space<vmem>>
      %dma_start3A_37 = tpu.memref_squeeze %dma_start3A_36 : memref<1x250x16xf32, #tpu.memory_space<vmem>> -> memref<250x16xf32, #tpu.memory_space<vmem>>
      %dma_start3A_38 = arith.constant 0 : i32
      %dma_start3A_39 = tpu.memref_slice %arg7[%add3A_31, %dma_start3A_38] : memref<40x250xi32, #tpu.memory_space<vmem>> -> memref<1x250xi32, #tpu.memory_space<vmem>>
      %dma_start3A_40 = tpu.memref_squeeze %dma_start3A_39 : memref<1x250xi32, #tpu.memory_space<vmem>> -> memref<250xi32, #tpu.memory_space<vmem>>
      %dma_start3A_41 = arith.constant 0 : i32
      %dma_start3A_42 = arith.constant 0 : i32
      %dma_start3A_43 = tpu.memref_slice %arg2[%dma_start3A_41, %dma_start3A_42] : memref<10240x16xf32, #tpu.memory_space<hbm>> -> memref<10240x16xf32, #tpu.memory_space<hbm>>
      %dma_start3A_44 = tpu.memref_slice %arg11[%dma_start3A_33] : memref<8x!tpu.dma_semaphore, #tpu.memory_space<semaphore_mem>> -> memref<1x!tpu.dma_semaphore, #tpu.memory_space<semaphore_mem>>
      %dma_start3A_45 = tpu.memref_squeeze %dma_start3A_44 : memref<1x!tpu.dma_semaphore, #tpu.memory_space<semaphore_mem>> -> memref<!tpu.dma_semaphore, #tpu.memory_space<semaphore_mem>>
      tpu.enqueue_indirect_dma source(%dma_start3A_43 : memref<10240x16xf32, #tpu.memory_space<hbm>>) target(%dma_start3A_37 : memref<250x16xf32, #tpu.memory_space<vmem>>) offsets(%dma_start3A_40 : memref<250xi32, #tpu.memory_space<vmem>>) semaphore(%dma_start3A_45 : memref<!tpu.dma_semaphore, #tpu.memory_space<semaphore_mem>>)
      %add3A_46 = arith.constant 1 : i32
      %add3A_47 = arith.addi %mul3A_29, %add3A_46 : i32
      %dma_start3A_48 = arith.constant 1 : i32
      %dma_start3A_49 = arith.constant 1 : i32
      %dma_start3A_50 = arith.constant 0 : i32
      %dma_start3A_51 = arith.constant 0 : i32
      %dma_start3A_52 = tpu.memref_slice %arg9[%dma_start3A_48, %dma_start3A_50, %dma_start3A_51] : memref<8x250x16xf32, #tpu.memory_space<vmem>> -> memref<1x250x16xf32, #tpu.memory_space<vmem>>
      %dma_start3A_53 = tpu.memref_squeeze %dma_start3A_52 : memref<1x250x16xf32, #tpu.memory_space<vmem>> -> memref<250x16xf32, #tpu.memory_space<vmem>>
      %dma_start3A_54 = arith.constant 0 : i32
      %dma_start3A_55 = tpu.memref_slice %arg7[%add3A_47, %dma_start3A_54] : memref<40x250xi32, #tpu.memory_space<vmem>> -> memref<1x250xi32, #tpu.memory_space<vmem>>
      %dma_start3A_56 = tpu.memref_squeeze %dma_start3A_55 : memref<1x250xi32, #tpu.memory_space<vmem>> -> memref<250xi32, #tpu.memory_space<vmem>>
      %dma_start3A_57 = arith.constant 0 : i32
      %dma_start3A_58 = arith.constant 0 : i32
      %dma_start3A_59 = tpu.memref_slice %arg2[%dma_start3A_57, %dma_start3A_58] : memref<10240x16xf32, #tpu.memory_space<hbm>> -> memref<10240x16xf32, #tpu.memory_space<hbm>>
      %dma_start3A_60 = tpu.memref_slice %arg11[%dma_start3A_49] : memref<8x!tpu.dma_semaphore, #tpu.memory_space<semaphore_mem>> -> memref<1x!tpu.dma_semaphore, #tpu.memory_space<semaphore_mem>>
      %dma_start3A_61 = tpu.memref_squeeze %dma_start3A_60 : memref<1x!tpu.dma_semaphore, #tpu.memory_space<semaphore_mem>> -> memref<!tpu.dma_semaphore, #tpu.memory_space<semaphore_mem>>
      tpu.enqueue_indirect_dma source(%dma_start3A_59 : memref<10240x16xf32, #tpu.memory_space<hbm>>) target(%dma_start3A_53 : memref<250x16xf32, #tpu.memory_space<vmem>>) offsets(%dma_start3A_56 : memref<250xi32, #tpu.memory_space<vmem>>) semaphore(%dma_start3A_61 : memref<!tpu.dma_semaphore, #tpu.memory_space<semaphore_mem>>)
      %add3A_62 = arith.constant 2 : i32
      %add3A_63 = arith.addi %mul3A_29, %add3A_62 : i32
      %dma_start3A_64 = arith.constant 2 : i32
      %dma_start3A_65 = arith.constant 2 : i32
      %dma_start3A_66 = arith.constant 0 : i32
      %dma_start3A_67 = arith.constant 0 : i32
      %dma_start3A_68 = tpu.memref_slice %arg9[%dma_start3A_64, %dma_start3A_66, %dma_start3A_67] : memref<8x250x16xf32, #tpu.memory_space<vmem>> -> memref<1x250x16xf32, #tpu.memory_space<vmem>>
      %dma_start3A_69 = tpu.memref_squeeze %dma_start3A_68 : memref<1x250x16xf32, #tpu.memory_space<vmem>> -> memref<250x16xf32, #tpu.memory_space<vmem>>
      %dma_start3A_70 = arith.constant 0 : i32
      %dma_start3A_71 = tpu.memref_slice %arg7[%add3A_63, %dma_start3A_70] : memref<40x250xi32, #tpu.memory_space<vmem>> -> memref<1x250xi32, #tpu.memory_space<vmem>>
      %dma_start3A_72 = tpu.memref_squeeze %dma_start3A_71 : memref<1x250xi32, #tpu.memory_space<vmem>> -> memref<250xi32, #tpu.memory_space<vmem>>
      %dma_start3A_73 = arith.constant 0 : i32
      %dma_start3A_74 = arith.constant 0 : i32
      %dma_start3A_75 = tpu.memref_slice %arg2[%dma_start3A_73, %dma_start3A_74] : memref<10240x16xf32, #tpu.memory_space<hbm>> -> memref<10240x16xf32, #tpu.memory_space<hbm>>
      %dma_start3A_76 = tpu.memref_slice %arg11[%dma_start3A_65] : memref<8x!tpu.dma_semaphore, #tpu.memory_space<semaphore_mem>> -> memref<1x!tpu.dma_semaphore, #tpu.memory_space<semaphore_mem>>
      %dma_start3A_77 = tpu.memref_squeeze %dma_start3A_76 : memref<1x!tpu.dma_semaphore, #tpu.memory_space<semaphore_mem>> -> memref<!tpu.dma_semaphore, #tpu.memory_space<semaphore_mem>>
      tpu.enqueue_indirect_dma source(%dma_start3A_75 : memref<10240x16xf32, #tpu.memory_space<hbm>>) target(%dma_start3A_69 : memref<250x16xf32, #tpu.memory_space<vmem>>) offsets(%dma_start3A_72 : memref<250xi32, #tpu.memory_space<vmem>>) semaphore(%dma_start3A_77 : memref<!tpu.dma_semaphore, #tpu.memory_space<semaphore_mem>>)
      %add3A_78 = arith.constant 3 : i32
      %add3A_79 = arith.addi %mul3A_29, %add3A_78 : i32
      %dma_start3A_80 = arith.constant 3 : i32
      %dma_start3A_81 = arith.constant 3 : i32
      %dma_start3A_82 = arith.constant 0 : i32
      %dma_start3A_83 = arith.constant 0 : i32
      %dma_start3A_84 = tpu.memref_slice %arg9[%dma_start3A_80, %dma_start3A_82, %dma_start3A_83] : memref<8x250x16xf32, #tpu.memory_space<vmem>> -> memref<1x250x16xf32, #tpu.memory_space<vmem>>
      %dma_start3A_85 = tpu.memref_squeeze %dma_start3A_84 : memref<1x250x16xf32, #tpu.memory_space<vmem>> -> memref<250x16xf32, #tpu.memory_space<vmem>>
      %dma_start3A_86 = arith.constant 0 : i32
      %dma_start3A_87 = tpu.memref_slice %arg7[%add3A_79, %dma_start3A_86] : memref<40x250xi32, #tpu.memory_space<vmem>> -> memref<1x250xi32, #tpu.memory_space<vmem>>
      %dma_start3A_88 = tpu.memref_squeeze %dma_start3A_87 : memref<1x250xi32, #tpu.memory_space<vmem>> -> memref<250xi32, #tpu.memory_space<vmem>>
      %dma_start3A_89 = arith.constant 0 : i32
      %dma_start3A_90 = arith.constant 0 : i32
      %dma_start3A_91 = tpu.memref_slice %arg2[%dma_start3A_89, %dma_start3A_90] : memref<10240x16xf32, #tpu.memory_space<hbm>> -> memref<10240x16xf32, #tpu.memory_space<hbm>>
      %dma_start3A_92 = tpu.memref_slice %arg11[%dma_start3A_81] : memref<8x!tpu.dma_semaphore, #tpu.memory_space<semaphore_mem>> -> memref<1x!tpu.dma_semaphore, #tpu.memory_space<semaphore_mem>>
      %dma_start3A_93 = tpu.memref_squeeze %dma_start3A_92 : memref<1x!tpu.dma_semaphore, #tpu.memory_space<semaphore_mem>> -> memref<!tpu.dma_semaphore, #tpu.memory_space<semaphore_mem>>
      tpu.enqueue_indirect_dma source(%dma_start3A_91 : memref<10240x16xf32, #tpu.memory_space<hbm>>) target(%dma_start3A_85 : memref<250x16xf32, #tpu.memory_space<vmem>>) offsets(%dma_start3A_88 : memref<250xi32, #tpu.memory_space<vmem>>) semaphore(%dma_start3A_93 : memref<!tpu.dma_semaphore, #tpu.memory_space<semaphore_mem>>)
      %add3A_94 = arith.constant 4 : i32
      %add3A_95 = arith.addi %mul3A_29, %add3A_94 : i32
      %dma_start3A_96 = arith.constant 4 : i32
      %dma_start3A_97 = arith.constant 4 : i32
      %dma_start3A_98 = arith.constant 0 : i32
      %dma_start3A_99 = arith.constant 0 : i32
      %dma_start3A_100 = tpu.memref_slice %arg9[%dma_start3A_96, %dma_start3A_98, %dma_start3A_99] : memref<8x250x16xf32, #tpu.memory_space<vmem>> -> memref<1x250x16xf32, #tpu.memory_space<vmem>>
      %dma_start3A_101 = tpu.memref_squeeze %dma_start3A_100 : memref<1x250x16xf32, #tpu.memory_space<vmem>> -> memref<250x16xf32, #tpu.memory_space<vmem>>
      %dma_start3A_102 = arith.constant 0 : i32
      %dma_start3A_103 = tpu.memref_slice %arg7[%add3A_95, %dma_start3A_102] : memref<40x250xi32, #tpu.memory_space<vmem>> -> memref<1x250xi32, #tpu.memory_space<vmem>>
      %dma_start3A_104 = tpu.memref_squeeze %dma_start3A_103 : memref<1x250xi32, #tpu.memory_space<vmem>> -> memref<250xi32, #tpu.memory_space<vmem>>
      %dma_start3A_105 = arith.constant 0 : i32
      %dma_start3A_106 = arith.constant 0 : i32
      %dma_start3A_107 = tpu.memref_slice %arg2[%dma_start3A_105, %dma_start3A_106] : memref<10240x16xf32, #tpu.memory_space<hbm>> -> memref<10240x16xf32, #tpu.memory_space<hbm>>
      %dma_start3A_108 = tpu.memref_slice %arg11[%dma_start3A_97] : memref<8x!tpu.dma_semaphore, #tpu.memory_space<semaphore_mem>> -> memref<1x!tpu.dma_semaphore, #tpu.memory_space<semaphore_mem>>
      %dma_start3A_109 = tpu.memref_squeeze %dma_start3A_108 : memref<1x!tpu.dma_semaphore, #tpu.memory_space<semaphore_mem>> -> memref<!tpu.dma_semaphore, #tpu.memory_space<semaphore_mem>>
      tpu.enqueue_indirect_dma source(%dma_start3A_107 : memref<10240x16xf32, #tpu.memory_space<hbm>>) target(%dma_start3A_101 : memref<250x16xf32, #tpu.memory_space<vmem>>) offsets(%dma_start3A_104 : memref<250xi32, #tpu.memory_space<vmem>>) semaphore(%dma_start3A_109 : memref<!tpu.dma_semaphore, #tpu.memory_space<semaphore_mem>>)
      %add3A_110 = arith.constant 5 : i32
      %add3A_111 = arith.addi %mul3A_29, %add3A_110 : i32
      %dma_start3A_112 = arith.constant 5 : i32
      %dma_start3A_113 = arith.constant 5 : i32
      %dma_start3A_114 = arith.constant 0 : i32
      %dma_start3A_115 = arith.constant 0 : i32
      %dma_start3A_116 = tpu.memref_slice %arg9[%dma_start3A_112, %dma_start3A_114, %dma_start3A_115] : memref<8x250x16xf32, #tpu.memory_space<vmem>> -> memref<1x250x16xf32, #tpu.memory_space<vmem>>
      %dma_start3A_117 = tpu.memref_squeeze %dma_start3A_116 : memref<1x250x16xf32, #tpu.memory_space<vmem>> -> memref<250x16xf32, #tpu.memory_space<vmem>>
      %dma_start3A_118 = arith.constant 0 : i32
      %dma_start3A_119 = tpu.memref_slice %arg7[%add3A_111, %dma_start3A_118] : memref<40x250xi32, #tpu.memory_space<vmem>> -> memref<1x250xi32, #tpu.memory_space<vmem>>
      %dma_start3A_120 = tpu.memref_squeeze %dma_start3A_119 : memref<1x250xi32, #tpu.memory_space<vmem>> -> memref<250xi32, #tpu.memory_space<vmem>>
      %dma_start3A_121 = arith.constant 0 : i32
      %dma_start3A_122 = arith.constant 0 : i32
      %dma_start3A_123 = tpu.memref_slice %arg2[%dma_start3A_121, %dma_start3A_122] : memref<10240x16xf32, #tpu.memory_space<hbm>> -> memref<10240x16xf32, #tpu.memory_space<hbm>>
      %dma_start3A_124 = tpu.memref_slice %arg11[%dma_start3A_113] : memref<8x!tpu.dma_semaphore, #tpu.memory_space<semaphore_mem>> -> memref<1x!tpu.dma_semaphore, #tpu.memory_space<semaphore_mem>>
      %dma_start3A_125 = tpu.memref_squeeze %dma_start3A_124 : memref<1x!tpu.dma_semaphore, #tpu.memory_space<semaphore_mem>> -> memref<!tpu.dma_semaphore, #tpu.memory_space<semaphore_mem>>
      tpu.enqueue_indirect_dma source(%dma_start3A_123 : memref<10240x16xf32, #tpu.memory_space<hbm>>) target(%dma_start3A_117 : memref<250x16xf32, #tpu.memory_space<vmem>>) offsets(%dma_start3A_120 : memref<250xi32, #tpu.memory_space<vmem>>) semaphore(%dma_start3A_125 : memref<!tpu.dma_semaphore, #tpu.memory_space<semaphore_mem>>)
      %add3A_126 = arith.constant 6 : i32
      %add3A_127 = arith.addi %mul3A_29, %add3A_126 : i32
      %dma_start3A_128 = arith.constant 6 : i32
      %dma_start3A_129 = arith.constant 6 : i32
      %dma_start3A_130 = arith.constant 0 : i32
      %dma_start3A_131 = arith.constant 0 : i32
      %dma_start3A_132 = tpu.memref_slice %arg9[%dma_start3A_128, %dma_start3A_130, %dma_start3A_131] : memref<8x250x16xf32, #tpu.memory_space<vmem>> -> memref<1x250x16xf32, #tpu.memory_space<vmem>>
      %dma_start3A_133 = tpu.memref_squeeze %dma_start3A_132 : memref<1x250x16xf32, #tpu.memory_space<vmem>> -> memref<250x16xf32, #tpu.memory_space<vmem>>
      %dma_start3A_134 = arith.constant 0 : i32
      %dma_start3A_135 = tpu.memref_slice %arg7[%add3A_127, %dma_start3A_134] : memref<40x250xi32, #tpu.memory_space<vmem>> -> memref<1x250xi32, #tpu.memory_space<vmem>>
      %dma_start3A_136 = tpu.memref_squeeze %dma_start3A_135 : memref<1x250xi32, #tpu.memory_space<vmem>> -> memref<250xi32, #tpu.memory_space<vmem>>
      %dma_start3A_137 = arith.constant 0 : i32
      %dma_start3A_138 = arith.constant 0 : i32
      %dma_start3A_139 = tpu.memref_slice %arg2[%dma_start3A_137, %dma_start3A_138] : memref<10240x16xf32, #tpu.memory_space<hbm>> -> memref<10240x16xf32, #tpu.memory_space<hbm>>
      %dma_start3A_140 = tpu.memref_slice %arg11[%dma_start3A_129] : memref<8x!tpu.dma_semaphore, #tpu.memory_space<semaphore_mem>> -> memref<1x!tpu.dma_semaphore, #tpu.memory_space<semaphore_mem>>
      %dma_start3A_141 = tpu.memref_squeeze %dma_start3A_140 : memref<1x!tpu.dma_semaphore, #tpu.memory_space<semaphore_mem>> -> memref<!tpu.dma_semaphore, #tpu.memory_space<semaphore_mem>>
      tpu.enqueue_indirect_dma source(%dma_start3A_139 : memref<10240x16xf32, #tpu.memory_space<hbm>>) target(%dma_start3A_133 : memref<250x16xf32, #tpu.memory_space<vmem>>) offsets(%dma_start3A_136 : memref<250xi32, #tpu.memory_space<vmem>>) semaphore(%dma_start3A_141 : memref<!tpu.dma_semaphore, #tpu.memory_space<semaphore_mem>>)
      %add3A_142 = arith.constant 7 : i32
      %add3A_143 = arith.addi %mul3A_29, %add3A_142 : i32
      %dma_start3A_144 = arith.constant 7 : i32
      %dma_start3A_145 = arith.constant 7 : i32
      %dma_start3A_146 = arith.constant 0 : i32
      %dma_start3A_147 = arith.constant 0 : i32
      %dma_start3A_148 = tpu.memref_slice %arg9[%dma_start3A_144, %dma_start3A_146, %dma_start3A_147] : memref<8x250x16xf32, #tpu.memory_space<vmem>> -> memref<1x250x16xf32, #tpu.memory_space<vmem>>
      %dma_start3A_149 = tpu.memref_squeeze %dma_start3A_148 : memref<1x250x16xf32, #tpu.memory_space<vmem>> -> memref<250x16xf32, #tpu.memory_space<vmem>>
      %dma_start3A_150 = arith.constant 0 : i32
      %dma_start3A_151 = tpu.memref_slice %arg7[%add3A_143, %dma_start3A_150] : memref<40x250xi32, #tpu.memory_space<vmem>> -> memref<1x250xi32, #tpu.memory_space<vmem>>
      %dma_start3A_152 = tpu.memref_squeeze %dma_start3A_151 : memref<1x250xi32, #tpu.memory_space<vmem>> -> memref<250xi32, #tpu.memory_space<vmem>>
      %dma_start3A_153 = arith.constant 0 : i32
      %dma_start3A_154 = arith.constant 0 : i32
      %dma_start3A_155 = tpu.memref_slice %arg2[%dma_start3A_153, %dma_start3A_154] : memref<10240x16xf32, #tpu.memory_space<hbm>> -> memref<10240x16xf32, #tpu.memory_space<hbm>>
      %dma_start3A_156 = tpu.memref_slice %arg11[%dma_start3A_145] : memref<8x!tpu.dma_semaphore, #tpu.memory_space<semaphore_mem>> -> memref<1x!tpu.dma_semaphore, #tpu.memory_space<semaphore_mem>>
      %dma_start3A_157 = tpu.memref_squeeze %dma_start3A_156 : memref<1x!tpu.dma_semaphore, #tpu.memory_space<semaphore_mem>> -> memref<!tpu.dma_semaphore, #tpu.memory_space<semaphore_mem>>
      tpu.enqueue_indirect_dma source(%dma_start3A_155 : memref<10240x16xf32, #tpu.memory_space<hbm>>) target(%dma_start3A_149 : memref<250x16xf32, #tpu.memory_space<vmem>>) offsets(%dma_start3A_152 : memref<250xi32, #tpu.memory_space<vmem>>) semaphore(%dma_start3A_157 : memref<!tpu.dma_semaphore, #tpu.memory_space<semaphore_mem>>)
      %dma_wait3A_158 = arith.constant 0 : i32
      %dma_wait3A_159 = arith.constant 0 : i32
      %dma_wait3A_160 = arith.constant 0 : i32
      %dma_wait3A_161 = arith.constant 0 : i32
      %dma_wait3A_162 = tpu.memref_slice %arg9[%dma_wait3A_158, %dma_wait3A_160, %dma_wait3A_161] : memref<8x250x16xf32, #tpu.memory_space<vmem>> -> memref<1x250x16xf32, #tpu.memory_space<vmem>>
      %dma_wait3A_163 = tpu.memref_squeeze %dma_wait3A_162 : memref<1x250x16xf32, #tpu.memory_space<vmem>> -> memref<250x16xf32, #tpu.memory_space<vmem>>
      %dma_wait3A_164 = arith.constant 0 : i32
      %dma_wait3A_165 = tpu.memref_slice %arg7[%add3A_31, %dma_wait3A_164] : memref<40x250xi32, #tpu.memory_space<vmem>> -> memref<1x250xi32, #tpu.memory_space<vmem>>
      %dma_wait3A_166 = tpu.memref_squeeze %dma_wait3A_165 : memref<1x250xi32, #tpu.memory_space<vmem>> -> memref<250xi32, #tpu.memory_space<vmem>>
      %dma_wait3A_167 = arith.constant 0 : i32
      %dma_wait3A_168 = arith.constant 0 : i32
      %dma_wait3A_169 = tpu.memref_slice %arg2[%dma_wait3A_167, %dma_wait3A_168] : memref<10240x16xf32, #tpu.memory_space<hbm>> -> memref<10240x16xf32, #tpu.memory_space<hbm>>
      %dma_wait3A_170 = tpu.memref_slice %arg11[%dma_wait3A_159] : memref<8x!tpu.dma_semaphore, #tpu.memory_space<semaphore_mem>> -> memref<1x!tpu.dma_semaphore, #tpu.memory_space<semaphore_mem>>
      %dma_wait3A_171 = tpu.memref_squeeze %dma_wait3A_170 : memref<1x!tpu.dma_semaphore, #tpu.memory_space<semaphore_mem>> -> memref<!tpu.dma_semaphore, #tpu.memory_space<semaphore_mem>>
      tpu.wait_indirect_dma semaphore(%dma_wait3A_171 : memref<!tpu.dma_semaphore, #tpu.memory_space<semaphore_mem>>) src(%dma_wait3A_169 : memref<10240x16xf32, #tpu.memory_space<hbm>>) dst(%dma_wait3A_163 : memref<250x16xf32, #tpu.memory_space<vmem>>)
      %add3A_172 = arith.constant 0 : i32
      %add3A_173 = arith.addi %mul3A_29, %add3A_172 : i32
      %run_scoped3A = arith.constant 0 : i32
      "tpu.region"() ({
        %run_scoped3A_293 = tpu.sem_alloc : memref<!tpu.dma_semaphore, #tpu.memory_space<semaphore_mem>>
        %dma_start3A_294 = arith.constant 0 : i32
        %dma_start3A_295 = arith.constant 0 : i32
        %dma_start3A_296 = tpu.memref_slice %arg9[%run_scoped3A, %dma_start3A_294, %dma_start3A_295] : memref<8x250x16xf32, #tpu.memory_space<vmem>> -> memref<1x250x16xf32, #tpu.memory_space<vmem>>
        %dma_start3A_297 = tpu.memref_squeeze %dma_start3A_296 : memref<1x250x16xf32, #tpu.memory_space<vmem>> -> memref<250x16xf32, #tpu.memory_space<vmem>>
        %dma_start3A_298 = arith.constant 0 : i32
        %dma_start3A_299 = tpu.memref_slice %arg8[%add3A_173, %dma_start3A_298] : memref<40x250xi32, #tpu.memory_space<vmem>> -> memref<1x250xi32, #tpu.memory_space<vmem>>
        %dma_start3A_300 = tpu.memref_squeeze %dma_start3A_299 : memref<1x250xi32, #tpu.memory_space<vmem>> -> memref<250xi32, #tpu.memory_space<vmem>>
        %dma_start3A_301 = arith.constant 0 : i32
        %dma_start3A_302 = arith.constant 0 : i32
        %dma_start3A_303 = tpu.memref_slice %arg10[%dma_start3A_301, %dma_start3A_302] : memref<10240x16xf32, #tpu.memory_space<vmem_shared>> -> memref<10240x16xf32, #tpu.memory_space<vmem_shared>>
        tpu.enqueue_indirect_dma source(%dma_start3A_297 : memref<250x16xf32, #tpu.memory_space<vmem>>) target(%dma_start3A_303 : memref<10240x16xf32, #tpu.memory_space<vmem_shared>>) offsets(%dma_start3A_300 : memref<250xi32, #tpu.memory_space<vmem>>) semaphore(%run_scoped3A_293 : memref<!tpu.dma_semaphore, #tpu.memory_space<semaphore_mem>>) {add = true}
        %dma_wait3A_304 = arith.constant 0 : i32
        %dma_wait3A_305 = arith.constant 0 : i32
        %dma_wait3A_306 = tpu.memref_slice %arg9[%run_scoped3A, %dma_wait3A_304, %dma_wait3A_305] : memref<8x250x16xf32, #tpu.memory_space<vmem>> -> memref<1x250x16xf32, #tpu.memory_space<vmem>>
        %dma_wait3A_307 = tpu.memref_squeeze %dma_wait3A_306 : memref<1x250x16xf32, #tpu.memory_space<vmem>> -> memref<250x16xf32, #tpu.memory_space<vmem>>
        %dma_wait3A_308 = arith.constant 0 : i32
        %dma_wait3A_309 = tpu.memref_slice %arg8[%add3A_173, %dma_wait3A_308] : memref<40x250xi32, #tpu.memory_space<vmem>> -> memref<1x250xi32, #tpu.memory_space<vmem>>
        %dma_wait3A_310 = tpu.memref_squeeze %dma_wait3A_309 : memref<1x250xi32, #tpu.memory_space<vmem>> -> memref<250xi32, #tpu.memory_space<vmem>>
        %dma_wait3A_311 = arith.constant 0 : i32
        %dma_wait3A_312 = arith.constant 0 : i32
        %dma_wait3A_313 = tpu.memref_slice %arg10[%dma_wait3A_311, %dma_wait3A_312] : memref<10240x16xf32, #tpu.memory_space<vmem_shared>> -> memref<10240x16xf32, #tpu.memory_space<vmem_shared>>
        tpu.wait_indirect_dma semaphore(%run_scoped3A_293 : memref<!tpu.dma_semaphore, #tpu.memory_space<semaphore_mem>>) src(%dma_wait3A_307 : memref<250x16xf32, #tpu.memory_space<vmem>>) dst(%dma_wait3A_313 : memref<10240x16xf32, #tpu.memory_space<vmem_shared>>)
        tpu.yield
      }) : () -> ()
      %dma_wait3A_174 = arith.constant 1 : i32
      %dma_wait3A_175 = arith.constant 1 : i32
      %dma_wait3A_176 = arith.constant 0 : i32
      %dma_wait3A_177 = arith.constant 0 : i32
      %dma_wait3A_178 = tpu.memref_slice %arg9[%dma_wait3A_174, %dma_wait3A_176, %dma_wait3A_177] : memref<8x250x16xf32, #tpu.memory_space<vmem>> -> memref<1x250x16xf32, #tpu.memory_space<vmem>>
      %dma_wait3A_179 = tpu.memref_squeeze %dma_wait3A_178 : memref<1x250x16xf32, #tpu.memory_space<vmem>> -> memref<250x16xf32, #tpu.memory_space<vmem>>
      %dma_wait3A_180 = arith.constant 0 : i32
      %dma_wait3A_181 = tpu.memref_slice %arg7[%add3A_47, %dma_wait3A_180] : memref<40x250xi32, #tpu.memory_space<vmem>> -> memref<1x250xi32, #tpu.memory_space<vmem>>
      %dma_wait3A_182 = tpu.memref_squeeze %dma_wait3A_181 : memref<1x250xi32, #tpu.memory_space<vmem>> -> memref<250xi32, #tpu.memory_space<vmem>>
      %dma_wait3A_183 = arith.constant 0 : i32
      %dma_wait3A_184 = arith.constant 0 : i32
      %dma_wait3A_185 = tpu.memref_slice %arg2[%dma_wait3A_183, %dma_wait3A_184] : memref<10240x16xf32, #tpu.memory_space<hbm>> -> memref<10240x16xf32, #tpu.memory_space<hbm>>
      %dma_wait3A_186 = tpu.memref_slice %arg11[%dma_wait3A_175] : memref<8x!tpu.dma_semaphore, #tpu.memory_space<semaphore_mem>> -> memref<1x!tpu.dma_semaphore, #tpu.memory_space<semaphore_mem>>
      %dma_wait3A_187 = tpu.memref_squeeze %dma_wait3A_186 : memref<1x!tpu.dma_semaphore, #tpu.memory_space<semaphore_mem>> -> memref<!tpu.dma_semaphore, #tpu.memory_space<semaphore_mem>>
      tpu.wait_indirect_dma semaphore(%dma_wait3A_187 : memref<!tpu.dma_semaphore, #tpu.memory_space<semaphore_mem>>) src(%dma_wait3A_185 : memref<10240x16xf32, #tpu.memory_space<hbm>>) dst(%dma_wait3A_179 : memref<250x16xf32, #tpu.memory_space<vmem>>)
      %add3A_188 = arith.constant 1 : i32
      %add3A_189 = arith.addi %mul3A_29, %add3A_188 : i32
      %run_scoped3A_190 = arith.constant 1 : i32
      "tpu.region"() ({
        %run_scoped3A_293 = tpu.sem_alloc : memref<!tpu.dma_semaphore, #tpu.memory_space<semaphore_mem>>
        %dma_start3A_294 = arith.constant 0 : i32
        %dma_start3A_295 = arith.constant 0 : i32
        %dma_start3A_296 = tpu.memref_slice %arg9[%run_scoped3A_190, %dma_start3A_294, %dma_start3A_295] : memref<8x250x16xf32, #tpu.memory_space<vmem>> -> memref<1x250x16xf32, #tpu.memory_space<vmem>>
        %dma_start3A_297 = tpu.memref_squeeze %dma_start3A_296 : memref<1x250x16xf32, #tpu.memory_space<vmem>> -> memref<250x16xf32, #tpu.memory_space<vmem>>
        %dma_start3A_298 = arith.constant 0 : i32
        %dma_start3A_299 = tpu.memref_slice %arg8[%add3A_189, %dma_start3A_298] : memref<40x250xi32, #tpu.memory_space<vmem>> -> memref<1x250xi32, #tpu.memory_space<vmem>>
        %dma_start3A_300 = tpu.memref_squeeze %dma_start3A_299 : memref<1x250xi32, #tpu.memory_space<vmem>> -> memref<250xi32, #tpu.memory_space<vmem>>
        %dma_start3A_301 = arith.constant 0 : i32
        %dma_start3A_302 = arith.constant 0 : i32
        %dma_start3A_303 = tpu.memref_slice %arg10[%dma_start3A_301, %dma_start3A_302] : memref<10240x16xf32, #tpu.memory_space<vmem_shared>> -> memref<10240x16xf32, #tpu.memory_space<vmem_shared>>
        tpu.enqueue_indirect_dma source(%dma_start3A_297 : memref<250x16xf32, #tpu.memory_space<vmem>>) target(%dma_start3A_303 : memref<10240x16xf32, #tpu.memory_space<vmem_shared>>) offsets(%dma_start3A_300 : memref<250xi32, #tpu.memory_space<vmem>>) semaphore(%run_scoped3A_293 : memref<!tpu.dma_semaphore, #tpu.memory_space<semaphore_mem>>) {add = true}
        %dma_wait3A_304 = arith.constant 0 : i32
        %dma_wait3A_305 = arith.constant 0 : i32
        %dma_wait3A_306 = tpu.memref_slice %arg9[%run_scoped3A_190, %dma_wait3A_304, %dma_wait3A_305] : memref<8x250x16xf32, #tpu.memory_space<vmem>> -> memref<1x250x16xf32, #tpu.memory_space<vmem>>
        %dma_wait3A_307 = tpu.memref_squeeze %dma_wait3A_306 : memref<1x250x16xf32, #tpu.memory_space<vmem>> -> memref<250x16xf32, #tpu.memory_space<vmem>>
        %dma_wait3A_308 = arith.constant 0 : i32
        %dma_wait3A_309 = tpu.memref_slice %arg8[%add3A_189, %dma_wait3A_308] : memref<40x250xi32, #tpu.memory_space<vmem>> -> memref<1x250xi32, #tpu.memory_space<vmem>>
        %dma_wait3A_310 = tpu.memref_squeeze %dma_wait3A_309 : memref<1x250xi32, #tpu.memory_space<vmem>> -> memref<250xi32, #tpu.memory_space<vmem>>
        %dma_wait3A_311 = arith.constant 0 : i32
        %dma_wait3A_312 = arith.constant 0 : i32
        %dma_wait3A_313 = tpu.memref_slice %arg10[%dma_wait3A_311, %dma_wait3A_312] : memref<10240x16xf32, #tpu.memory_space<vmem_shared>> -> memref<10240x16xf32, #tpu.memory_space<vmem_shared>>
        tpu.wait_indirect_dma semaphore(%run_scoped3A_293 : memref<!tpu.dma_semaphore, #tpu.memory_space<semaphore_mem>>) src(%dma_wait3A_307 : memref<250x16xf32, #tpu.memory_space<vmem>>) dst(%dma_wait3A_313 : memref<10240x16xf32, #tpu.memory_space<vmem_shared>>)
        tpu.yield
      }) : () -> ()
      %dma_wait3A_191 = arith.constant 2 : i32
      %dma_wait3A_192 = arith.constant 2 : i32
      %dma_wait3A_193 = arith.constant 0 : i32
      %dma_wait3A_194 = arith.constant 0 : i32
      %dma_wait3A_195 = tpu.memref_slice %arg9[%dma_wait3A_191, %dma_wait3A_193, %dma_wait3A_194] : memref<8x250x16xf32, #tpu.memory_space<vmem>> -> memref<1x250x16xf32, #tpu.memory_space<vmem>>
      %dma_wait3A_196 = tpu.memref_squeeze %dma_wait3A_195 : memref<1x250x16xf32, #tpu.memory_space<vmem>> -> memref<250x16xf32, #tpu.memory_space<vmem>>
      %dma_wait3A_197 = arith.constant 0 : i32
      %dma_wait3A_198 = tpu.memref_slice %arg7[%add3A_63, %dma_wait3A_197] : memref<40x250xi32, #tpu.memory_space<vmem>> -> memref<1x250xi32, #tpu.memory_space<vmem>>
      %dma_wait3A_199 = tpu.memref_squeeze %dma_wait3A_198 : memref<1x250xi32, #tpu.memory_space<vmem>> -> memref<250xi32, #tpu.memory_space<vmem>>
      %dma_wait3A_200 = arith.constant 0 : i32
      %dma_wait3A_201 = arith.constant 0 : i32
      %dma_wait3A_202 = tpu.memref_slice %arg2[%dma_wait3A_200, %dma_wait3A_201] : memref<10240x16xf32, #tpu.memory_space<hbm>> -> memref<10240x16xf32, #tpu.memory_space<hbm>>
      %dma_wait3A_203 = tpu.memref_slice %arg11[%dma_wait3A_192] : memref<8x!tpu.dma_semaphore, #tpu.memory_space<semaphore_mem>> -> memref<1x!tpu.dma_semaphore, #tpu.memory_space<semaphore_mem>>
      %dma_wait3A_204 = tpu.memref_squeeze %dma_wait3A_203 : memref<1x!tpu.dma_semaphore, #tpu.memory_space<semaphore_mem>> -> memref<!tpu.dma_semaphore, #tpu.memory_space<semaphore_mem>>
      tpu.wait_indirect_dma semaphore(%dma_wait3A_204 : memref<!tpu.dma_semaphore, #tpu.memory_space<semaphore_mem>>) src(%dma_wait3A_202 : memref<10240x16xf32, #tpu.memory_space<hbm>>) dst(%dma_wait3A_196 : memref<250x16xf32, #tpu.memory_space<vmem>>)
      %add3A_205 = arith.constant 2 : i32
      %add3A_206 = arith.addi %mul3A_29, %add3A_205 : i32
      %run_scoped3A_207 = arith.constant 2 : i32
      "tpu.region"() ({
        %run_scoped3A_293 = tpu.sem_alloc : memref<!tpu.dma_semaphore, #tpu.memory_space<semaphore_mem>>
        %dma_start3A_294 = arith.constant 0 : i32
        %dma_start3A_295 = arith.constant 0 : i32
        %dma_start3A_296 = tpu.memref_slice %arg9[%run_scoped3A_207, %dma_start3A_294, %dma_start3A_295] : memref<8x250x16xf32, #tpu.memory_space<vmem>> -> memref<1x250x16xf32, #tpu.memory_space<vmem>>
        %dma_start3A_297 = tpu.memref_squeeze %dma_start3A_296 : memref<1x250x16xf32, #tpu.memory_space<vmem>> -> memref<250x16xf32, #tpu.memory_space<vmem>>
        %dma_start3A_298 = arith.constant 0 : i32
        %dma_start3A_299 = tpu.memref_slice %arg8[%add3A_206, %dma_start3A_298] : memref<40x250xi32, #tpu.memory_space<vmem>> -> memref<1x250xi32, #tpu.memory_space<vmem>>
        %dma_start3A_300 = tpu.memref_squeeze %dma_start3A_299 : memref<1x250xi32, #tpu.memory_space<vmem>> -> memref<250xi32, #tpu.memory_space<vmem>>
        %dma_start3A_301 = arith.constant 0 : i32
        %dma_start3A_302 = arith.constant 0 : i32
        %dma_start3A_303 = tpu.memref_slice %arg10[%dma_start3A_301, %dma_start3A_302] : memref<10240x16xf32, #tpu.memory_space<vmem_shared>> -> memref<10240x16xf32, #tpu.memory_space<vmem_shared>>
        tpu.enqueue_indirect_dma source(%dma_start3A_297 : memref<250x16xf32, #tpu.memory_space<vmem>>) target(%dma_start3A_303 : memref<10240x16xf32, #tpu.memory_space<vmem_shared>>) offsets(%dma_start3A_300 : memref<250xi32, #tpu.memory_space<vmem>>) semaphore(%run_scoped3A_293 : memref<!tpu.dma_semaphore, #tpu.memory_space<semaphore_mem>>) {add = true}
        %dma_wait3A_304 = arith.constant 0 : i32
        %dma_wait3A_305 = arith.constant 0 : i32
        %dma_wait3A_306 = tpu.memref_slice %arg9[%run_scoped3A_207, %dma_wait3A_304, %dma_wait3A_305] : memref<8x250x16xf32, #tpu.memory_space<vmem>> -> memref<1x250x16xf32, #tpu.memory_space<vmem>>
        %dma_wait3A_307 = tpu.memref_squeeze %dma_wait3A_306 : memref<1x250x16xf32, #tpu.memory_space<vmem>> -> memref<250x16xf32, #tpu.memory_space<vmem>>
        %dma_wait3A_308 = arith.constant 0 : i32
        %dma_wait3A_309 = tpu.memref_slice %arg8[%add3A_206, %dma_wait3A_308] : memref<40x250xi32, #tpu.memory_space<vmem>> -> memref<1x250xi32, #tpu.memory_space<vmem>>
        %dma_wait3A_310 = tpu.memref_squeeze %dma_wait3A_309 : memref<1x250xi32, #tpu.memory_space<vmem>> -> memref<250xi32, #tpu.memory_space<vmem>>
        %dma_wait3A_311 = arith.constant 0 : i32
        %dma_wait3A_312 = arith.constant 0 : i32
        %dma_wait3A_313 = tpu.memref_slice %arg10[%dma_wait3A_311, %dma_wait3A_312] : memref<10240x16xf32, #tpu.memory_space<vmem_shared>> -> memref<10240x16xf32, #tpu.memory_space<vmem_shared>>
        tpu.wait_indirect_dma semaphore(%run_scoped3A_293 : memref<!tpu.dma_semaphore, #tpu.memory_space<semaphore_mem>>) src(%dma_wait3A_307 : memref<250x16xf32, #tpu.memory_space<vmem>>) dst(%dma_wait3A_313 : memref<10240x16xf32, #tpu.memory_space<vmem_shared>>)
        tpu.yield
      }) : () -> ()
      %dma_wait3A_208 = arith.constant 3 : i32
      %dma_wait3A_209 = arith.constant 3 : i32
      %dma_wait3A_210 = arith.constant 0 : i32
      %dma_wait3A_211 = arith.constant 0 : i32
      %dma_wait3A_212 = tpu.memref_slice %arg9[%dma_wait3A_208, %dma_wait3A_210, %dma_wait3A_211] : memref<8x250x16xf32, #tpu.memory_space<vmem>> -> memref<1x250x16xf32, #tpu.memory_space<vmem>>
      %dma_wait3A_213 = tpu.memref_squeeze %dma_wait3A_212 : memref<1x250x16xf32, #tpu.memory_space<vmem>> -> memref<250x16xf32, #tpu.memory_space<vmem>>
      %dma_wait3A_214 = arith.constant 0 : i32
      %dma_wait3A_215 = tpu.memref_slice %arg7[%add3A_79, %dma_wait3A_214] : memref<40x250xi32, #tpu.memory_space<vmem>> -> memref<1x250xi32, #tpu.memory_space<vmem>>
      %dma_wait3A_216 = tpu.memref_squeeze %dma_wait3A_215 : memref<1x250xi32, #tpu.memory_space<vmem>> -> memref<250xi32, #tpu.memory_space<vmem>>
      %dma_wait3A_217 = arith.constant 0 : i32
      %dma_wait3A_218 = arith.constant 0 : i32
      %dma_wait3A_219 = tpu.memref_slice %arg2[%dma_wait3A_217, %dma_wait3A_218] : memref<10240x16xf32, #tpu.memory_space<hbm>> -> memref<10240x16xf32, #tpu.memory_space<hbm>>
      %dma_wait3A_220 = tpu.memref_slice %arg11[%dma_wait3A_209] : memref<8x!tpu.dma_semaphore, #tpu.memory_space<semaphore_mem>> -> memref<1x!tpu.dma_semaphore, #tpu.memory_space<semaphore_mem>>
      %dma_wait3A_221 = tpu.memref_squeeze %dma_wait3A_220 : memref<1x!tpu.dma_semaphore, #tpu.memory_space<semaphore_mem>> -> memref<!tpu.dma_semaphore, #tpu.memory_space<semaphore_mem>>
      tpu.wait_indirect_dma semaphore(%dma_wait3A_221 : memref<!tpu.dma_semaphore, #tpu.memory_space<semaphore_mem>>) src(%dma_wait3A_219 : memref<10240x16xf32, #tpu.memory_space<hbm>>) dst(%dma_wait3A_213 : memref<250x16xf32, #tpu.memory_space<vmem>>)
      %add3A_222 = arith.constant 3 : i32
      %add3A_223 = arith.addi %mul3A_29, %add3A_222 : i32
      %run_scoped3A_224 = arith.constant 3 : i32
      "tpu.region"() ({
        %run_scoped3A_293 = tpu.sem_alloc : memref<!tpu.dma_semaphore, #tpu.memory_space<semaphore_mem>>
        %dma_start3A_294 = arith.constant 0 : i32
        %dma_start3A_295 = arith.constant 0 : i32
        %dma_start3A_296 = tpu.memref_slice %arg9[%run_scoped3A_224, %dma_start3A_294, %dma_start3A_295] : memref<8x250x16xf32, #tpu.memory_space<vmem>> -> memref<1x250x16xf32, #tpu.memory_space<vmem>>
        %dma_start3A_297 = tpu.memref_squeeze %dma_start3A_296 : memref<1x250x16xf32, #tpu.memory_space<vmem>> -> memref<250x16xf32, #tpu.memory_space<vmem>>
        %dma_start3A_298 = arith.constant 0 : i32
        %dma_start3A_299 = tpu.memref_slice %arg8[%add3A_223, %dma_start3A_298] : memref<40x250xi32, #tpu.memory_space<vmem>> -> memref<1x250xi32, #tpu.memory_space<vmem>>
        %dma_start3A_300 = tpu.memref_squeeze %dma_start3A_299 : memref<1x250xi32, #tpu.memory_space<vmem>> -> memref<250xi32, #tpu.memory_space<vmem>>
        %dma_start3A_301 = arith.constant 0 : i32
        %dma_start3A_302 = arith.constant 0 : i32
        %dma_start3A_303 = tpu.memref_slice %arg10[%dma_start3A_301, %dma_start3A_302] : memref<10240x16xf32, #tpu.memory_space<vmem_shared>> -> memref<10240x16xf32, #tpu.memory_space<vmem_shared>>
        tpu.enqueue_indirect_dma source(%dma_start3A_297 : memref<250x16xf32, #tpu.memory_space<vmem>>) target(%dma_start3A_303 : memref<10240x16xf32, #tpu.memory_space<vmem_shared>>) offsets(%dma_start3A_300 : memref<250xi32, #tpu.memory_space<vmem>>) semaphore(%run_scoped3A_293 : memref<!tpu.dma_semaphore, #tpu.memory_space<semaphore_mem>>) {add = true}
        %dma_wait3A_304 = arith.constant 0 : i32
        %dma_wait3A_305 = arith.constant 0 : i32
        %dma_wait3A_306 = tpu.memref_slice %arg9[%run_scoped3A_224, %dma_wait3A_304, %dma_wait3A_305] : memref<8x250x16xf32, #tpu.memory_space<vmem>> -> memref<1x250x16xf32, #tpu.memory_space<vmem>>
        %dma_wait3A_307 = tpu.memref_squeeze %dma_wait3A_306 : memref<1x250x16xf32, #tpu.memory_space<vmem>> -> memref<250x16xf32, #tpu.memory_space<vmem>>
        %dma_wait3A_308 = arith.constant 0 : i32
        %dma_wait3A_309 = tpu.memref_slice %arg8[%add3A_223, %dma_wait3A_308] : memref<40x250xi32, #tpu.memory_space<vmem>> -> memref<1x250xi32, #tpu.memory_space<vmem>>
        %dma_wait3A_310 = tpu.memref_squeeze %dma_wait3A_309 : memref<1x250xi32, #tpu.memory_space<vmem>> -> memref<250xi32, #tpu.memory_space<vmem>>
        %dma_wait3A_311 = arith.constant 0 : i32
        %dma_wait3A_312 = arith.constant 0 : i32
        %dma_wait3A_313 = tpu.memref_slice %arg10[%dma_wait3A_311, %dma_wait3A_312] : memref<10240x16xf32, #tpu.memory_space<vmem_shared>> -> memref<10240x16xf32, #tpu.memory_space<vmem_shared>>
        tpu.wait_indirect_dma semaphore(%run_scoped3A_293 : memref<!tpu.dma_semaphore, #tpu.memory_space<semaphore_mem>>) src(%dma_wait3A_307 : memref<250x16xf32, #tpu.memory_space<vmem>>) dst(%dma_wait3A_313 : memref<10240x16xf32, #tpu.memory_space<vmem_shared>>)
        tpu.yield
      }) : () -> ()
      %dma_wait3A_225 = arith.constant 4 : i32
      %dma_wait3A_226 = arith.constant 4 : i32
      %dma_wait3A_227 = arith.constant 0 : i32
      %dma_wait3A_228 = arith.constant 0 : i32
      %dma_wait3A_229 = tpu.memref_slice %arg9[%dma_wait3A_225, %dma_wait3A_227, %dma_wait3A_228] : memref<8x250x16xf32, #tpu.memory_space<vmem>> -> memref<1x250x16xf32, #tpu.memory_space<vmem>>
      %dma_wait3A_230 = tpu.memref_squeeze %dma_wait3A_229 : memref<1x250x16xf32, #tpu.memory_space<vmem>> -> memref<250x16xf32, #tpu.memory_space<vmem>>
      %dma_wait3A_231 = arith.constant 0 : i32
      %dma_wait3A_232 = tpu.memref_slice %arg7[%add3A_95, %dma_wait3A_231] : memref<40x250xi32, #tpu.memory_space<vmem>> -> memref<1x250xi32, #tpu.memory_space<vmem>>
      %dma_wait3A_233 = tpu.memref_squeeze %dma_wait3A_232 : memref<1x250xi32, #tpu.memory_space<vmem>> -> memref<250xi32, #tpu.memory_space<vmem>>
      %dma_wait3A_234 = arith.constant 0 : i32
      %dma_wait3A_235 = arith.constant 0 : i32
      %dma_wait3A_236 = tpu.memref_slice %arg2[%dma_wait3A_234, %dma_wait3A_235] : memref<10240x16xf32, #tpu.memory_space<hbm>> -> memref<10240x16xf32, #tpu.memory_space<hbm>>
      %dma_wait3A_237 = tpu.memref_slice %arg11[%dma_wait3A_226] : memref<8x!tpu.dma_semaphore, #tpu.memory_space<semaphore_mem>> -> memref<1x!tpu.dma_semaphore, #tpu.memory_space<semaphore_mem>>
      %dma_wait3A_238 = tpu.memref_squeeze %dma_wait3A_237 : memref<1x!tpu.dma_semaphore, #tpu.memory_space<semaphore_mem>> -> memref<!tpu.dma_semaphore, #tpu.memory_space<semaphore_mem>>
      tpu.wait_indirect_dma semaphore(%dma_wait3A_238 : memref<!tpu.dma_semaphore, #tpu.memory_space<semaphore_mem>>) src(%dma_wait3A_236 : memref<10240x16xf32, #tpu.memory_space<hbm>>) dst(%dma_wait3A_230 : memref<250x16xf32, #tpu.memory_space<vmem>>)
      %add3A_239 = arith.constant 4 : i32
      %add3A_240 = arith.addi %mul3A_29, %add3A_239 : i32
      %run_scoped3A_241 = arith.constant 4 : i32
      "tpu.region"() ({
        %run_scoped3A_293 = tpu.sem_alloc : memref<!tpu.dma_semaphore, #tpu.memory_space<semaphore_mem>>
        %dma_start3A_294 = arith.constant 0 : i32
        %dma_start3A_295 = arith.constant 0 : i32
        %dma_start3A_296 = tpu.memref_slice %arg9[%run_scoped3A_241, %dma_start3A_294, %dma_start3A_295] : memref<8x250x16xf32, #tpu.memory_space<vmem>> -> memref<1x250x16xf32, #tpu.memory_space<vmem>>
        %dma_start3A_297 = tpu.memref_squeeze %dma_start3A_296 : memref<1x250x16xf32, #tpu.memory_space<vmem>> -> memref<250x16xf32, #tpu.memory_space<vmem>>
        %dma_start3A_298 = arith.constant 0 : i32
        %dma_start3A_299 = tpu.memref_slice %arg8[%add3A_240, %dma_start3A_298] : memref<40x250xi32, #tpu.memory_space<vmem>> -> memref<1x250xi32, #tpu.memory_space<vmem>>
        %dma_start3A_300 = tpu.memref_squeeze %dma_start3A_299 : memref<1x250xi32, #tpu.memory_space<vmem>> -> memref<250xi32, #tpu.memory_space<vmem>>
        %dma_start3A_301 = arith.constant 0 : i32
        %dma_start3A_302 = arith.constant 0 : i32
        %dma_start3A_303 = tpu.memref_slice %arg10[%dma_start3A_301, %dma_start3A_302] : memref<10240x16xf32, #tpu.memory_space<vmem_shared>> -> memref<10240x16xf32, #tpu.memory_space<vmem_shared>>
        tpu.enqueue_indirect_dma source(%dma_start3A_297 : memref<250x16xf32, #tpu.memory_space<vmem>>) target(%dma_start3A_303 : memref<10240x16xf32, #tpu.memory_space<vmem_shared>>) offsets(%dma_start3A_300 : memref<250xi32, #tpu.memory_space<vmem>>) semaphore(%run_scoped3A_293 : memref<!tpu.dma_semaphore, #tpu.memory_space<semaphore_mem>>) {add = true}
        %dma_wait3A_304 = arith.constant 0 : i32
        %dma_wait3A_305 = arith.constant 0 : i32
        %dma_wait3A_306 = tpu.memref_slice %arg9[%run_scoped3A_241, %dma_wait3A_304, %dma_wait3A_305] : memref<8x250x16xf32, #tpu.memory_space<vmem>> -> memref<1x250x16xf32, #tpu.memory_space<vmem>>
        %dma_wait3A_307 = tpu.memref_squeeze %dma_wait3A_306 : memref<1x250x16xf32, #tpu.memory_space<vmem>> -> memref<250x16xf32, #tpu.memory_space<vmem>>
        %dma_wait3A_308 = arith.constant 0 : i32
        %dma_wait3A_309 = tpu.memref_slice %arg8[%add3A_240, %dma_wait3A_308] : memref<40x250xi32, #tpu.memory_space<vmem>> -> memref<1x250xi32, #tpu.memory_space<vmem>>
        %dma_wait3A_310 = tpu.memref_squeeze %dma_wait3A_309 : memref<1x250xi32, #tpu.memory_space<vmem>> -> memref<250xi32, #tpu.memory_space<vmem>>
        %dma_wait3A_311 = arith.constant 0 : i32
        %dma_wait3A_312 = arith.constant 0 : i32
        %dma_wait3A_313 = tpu.memref_slice %arg10[%dma_wait3A_311, %dma_wait3A_312] : memref<10240x16xf32, #tpu.memory_space<vmem_shared>> -> memref<10240x16xf32, #tpu.memory_space<vmem_shared>>
        tpu.wait_indirect_dma semaphore(%run_scoped3A_293 : memref<!tpu.dma_semaphore, #tpu.memory_space<semaphore_mem>>) src(%dma_wait3A_307 : memref<250x16xf32, #tpu.memory_space<vmem>>) dst(%dma_wait3A_313 : memref<10240x16xf32, #tpu.memory_space<vmem_shared>>)
        tpu.yield
      }) : () -> ()
      %dma_wait3A_242 = arith.constant 5 : i32
      %dma_wait3A_243 = arith.constant 5 : i32
      %dma_wait3A_244 = arith.constant 0 : i32
      %dma_wait3A_245 = arith.constant 0 : i32
      %dma_wait3A_246 = tpu.memref_slice %arg9[%dma_wait3A_242, %dma_wait3A_244, %dma_wait3A_245] : memref<8x250x16xf32, #tpu.memory_space<vmem>> -> memref<1x250x16xf32, #tpu.memory_space<vmem>>
      %dma_wait3A_247 = tpu.memref_squeeze %dma_wait3A_246 : memref<1x250x16xf32, #tpu.memory_space<vmem>> -> memref<250x16xf32, #tpu.memory_space<vmem>>
      %dma_wait3A_248 = arith.constant 0 : i32
      %dma_wait3A_249 = tpu.memref_slice %arg7[%add3A_111, %dma_wait3A_248] : memref<40x250xi32, #tpu.memory_space<vmem>> -> memref<1x250xi32, #tpu.memory_space<vmem>>
      %dma_wait3A_250 = tpu.memref_squeeze %dma_wait3A_249 : memref<1x250xi32, #tpu.memory_space<vmem>> -> memref<250xi32, #tpu.memory_space<vmem>>
      %dma_wait3A_251 = arith.constant 0 : i32
      %dma_wait3A_252 = arith.constant 0 : i32
      %dma_wait3A_253 = tpu.memref_slice %arg2[%dma_wait3A_251, %dma_wait3A_252] : memref<10240x16xf32, #tpu.memory_space<hbm>> -> memref<10240x16xf32, #tpu.memory_space<hbm>>
      %dma_wait3A_254 = tpu.memref_slice %arg11[%dma_wait3A_243] : memref<8x!tpu.dma_semaphore, #tpu.memory_space<semaphore_mem>> -> memref<1x!tpu.dma_semaphore, #tpu.memory_space<semaphore_mem>>
      %dma_wait3A_255 = tpu.memref_squeeze %dma_wait3A_254 : memref<1x!tpu.dma_semaphore, #tpu.memory_space<semaphore_mem>> -> memref<!tpu.dma_semaphore, #tpu.memory_space<semaphore_mem>>
      tpu.wait_indirect_dma semaphore(%dma_wait3A_255 : memref<!tpu.dma_semaphore, #tpu.memory_space<semaphore_mem>>) src(%dma_wait3A_253 : memref<10240x16xf32, #tpu.memory_space<hbm>>) dst(%dma_wait3A_247 : memref<250x16xf32, #tpu.memory_space<vmem>>)
      %add3A_256 = arith.constant 5 : i32
      %add3A_257 = arith.addi %mul3A_29, %add3A_256 : i32
      %run_scoped3A_258 = arith.constant 5 : i32
      "tpu.region"() ({
        %run_scoped3A_293 = tpu.sem_alloc : memref<!tpu.dma_semaphore, #tpu.memory_space<semaphore_mem>>
        %dma_start3A_294 = arith.constant 0 : i32
        %dma_start3A_295 = arith.constant 0 : i32
        %dma_start3A_296 = tpu.memref_slice %arg9[%run_scoped3A_258, %dma_start3A_294, %dma_start3A_295] : memref<8x250x16xf32, #tpu.memory_space<vmem>> -> memref<1x250x16xf32, #tpu.memory_space<vmem>>
        %dma_start3A_297 = tpu.memref_squeeze %dma_start3A_296 : memref<1x250x16xf32, #tpu.memory_space<vmem>> -> memref<250x16xf32, #tpu.memory_space<vmem>>
        %dma_start3A_298 = arith.constant 0 : i32
        %dma_start3A_299 = tpu.memref_slice %arg8[%add3A_257, %dma_start3A_298] : memref<40x250xi32, #tpu.memory_space<vmem>> -> memref<1x250xi32, #tpu.memory_space<vmem>>
        %dma_start3A_300 = tpu.memref_squeeze %dma_start3A_299 : memref<1x250xi32, #tpu.memory_space<vmem>> -> memref<250xi32, #tpu.memory_space<vmem>>
        %dma_start3A_301 = arith.constant 0 : i32
        %dma_start3A_302 = arith.constant 0 : i32
        %dma_start3A_303 = tpu.memref_slice %arg10[%dma_start3A_301, %dma_start3A_302] : memref<10240x16xf32, #tpu.memory_space<vmem_shared>> -> memref<10240x16xf32, #tpu.memory_space<vmem_shared>>
        tpu.enqueue_indirect_dma source(%dma_start3A_297 : memref<250x16xf32, #tpu.memory_space<vmem>>) target(%dma_start3A_303 : memref<10240x16xf32, #tpu.memory_space<vmem_shared>>) offsets(%dma_start3A_300 : memref<250xi32, #tpu.memory_space<vmem>>) semaphore(%run_scoped3A_293 : memref<!tpu.dma_semaphore, #tpu.memory_space<semaphore_mem>>) {add = true}
        %dma_wait3A_304 = arith.constant 0 : i32
        %dma_wait3A_305 = arith.constant 0 : i32
        %dma_wait3A_306 = tpu.memref_slice %arg9[%run_scoped3A_258, %dma_wait3A_304, %dma_wait3A_305] : memref<8x250x16xf32, #tpu.memory_space<vmem>> -> memref<1x250x16xf32, #tpu.memory_space<vmem>>
        %dma_wait3A_307 = tpu.memref_squeeze %dma_wait3A_306 : memref<1x250x16xf32, #tpu.memory_space<vmem>> -> memref<250x16xf32, #tpu.memory_space<vmem>>
        %dma_wait3A_308 = arith.constant 0 : i32
        %dma_wait3A_309 = tpu.memref_slice %arg8[%add3A_257, %dma_wait3A_308] : memref<40x250xi32, #tpu.memory_space<vmem>> -> memref<1x250xi32, #tpu.memory_space<vmem>>
        %dma_wait3A_310 = tpu.memref_squeeze %dma_wait3A_309 : memref<1x250xi32, #tpu.memory_space<vmem>> -> memref<250xi32, #tpu.memory_space<vmem>>
        %dma_wait3A_311 = arith.constant 0 : i32
        %dma_wait3A_312 = arith.constant 0 : i32
        %dma_wait3A_313 = tpu.memref_slice %arg10[%dma_wait3A_311, %dma_wait3A_312] : memref<10240x16xf32, #tpu.memory_space<vmem_shared>> -> memref<10240x16xf32, #tpu.memory_space<vmem_shared>>
        tpu.wait_indirect_dma semaphore(%run_scoped3A_293 : memref<!tpu.dma_semaphore, #tpu.memory_space<semaphore_mem>>) src(%dma_wait3A_307 : memref<250x16xf32, #tpu.memory_space<vmem>>) dst(%dma_wait3A_313 : memref<10240x16xf32, #tpu.memory_space<vmem_shared>>)
        tpu.yield
      }) : () -> ()
      %dma_wait3A_259 = arith.constant 6 : i32
      %dma_wait3A_260 = arith.constant 6 : i32
      %dma_wait3A_261 = arith.constant 0 : i32
      %dma_wait3A_262 = arith.constant 0 : i32
      %dma_wait3A_263 = tpu.memref_slice %arg9[%dma_wait3A_259, %dma_wait3A_261, %dma_wait3A_262] : memref<8x250x16xf32, #tpu.memory_space<vmem>> -> memref<1x250x16xf32, #tpu.memory_space<vmem>>
      %dma_wait3A_264 = tpu.memref_squeeze %dma_wait3A_263 : memref<1x250x16xf32, #tpu.memory_space<vmem>> -> memref<250x16xf32, #tpu.memory_space<vmem>>
      %dma_wait3A_265 = arith.constant 0 : i32
      %dma_wait3A_266 = tpu.memref_slice %arg7[%add3A_127, %dma_wait3A_265] : memref<40x250xi32, #tpu.memory_space<vmem>> -> memref<1x250xi32, #tpu.memory_space<vmem>>
      %dma_wait3A_267 = tpu.memref_squeeze %dma_wait3A_266 : memref<1x250xi32, #tpu.memory_space<vmem>> -> memref<250xi32, #tpu.memory_space<vmem>>
      %dma_wait3A_268 = arith.constant 0 : i32
      %dma_wait3A_269 = arith.constant 0 : i32
      %dma_wait3A_270 = tpu.memref_slice %arg2[%dma_wait3A_268, %dma_wait3A_269] : memref<10240x16xf32, #tpu.memory_space<hbm>> -> memref<10240x16xf32, #tpu.memory_space<hbm>>
      %dma_wait3A_271 = tpu.memref_slice %arg11[%dma_wait3A_260] : memref<8x!tpu.dma_semaphore, #tpu.memory_space<semaphore_mem>> -> memref<1x!tpu.dma_semaphore, #tpu.memory_space<semaphore_mem>>
      %dma_wait3A_272 = tpu.memref_squeeze %dma_wait3A_271 : memref<1x!tpu.dma_semaphore, #tpu.memory_space<semaphore_mem>> -> memref<!tpu.dma_semaphore, #tpu.memory_space<semaphore_mem>>
      tpu.wait_indirect_dma semaphore(%dma_wait3A_272 : memref<!tpu.dma_semaphore, #tpu.memory_space<semaphore_mem>>) src(%dma_wait3A_270 : memref<10240x16xf32, #tpu.memory_space<hbm>>) dst(%dma_wait3A_264 : memref<250x16xf32, #tpu.memory_space<vmem>>)
      %add3A_273 = arith.constant 6 : i32
      %add3A_274 = arith.addi %mul3A_29, %add3A_273 : i32
      %run_scoped3A_275 = arith.constant 6 : i32
      "tpu.region"() ({
        %run_scoped3A_293 = tpu.sem_alloc : memref<!tpu.dma_semaphore, #tpu.memory_space<semaphore_mem>>
        %dma_start3A_294 = arith.constant 0 : i32
        %dma_start3A_295 = arith.constant 0 : i32
        %dma_start3A_296 = tpu.memref_slice %arg9[%run_scoped3A_275, %dma_start3A_294, %dma_start3A_295] : memref<8x250x16xf32, #tpu.memory_space<vmem>> -> memref<1x250x16xf32, #tpu.memory_space<vmem>>
        %dma_start3A_297 = tpu.memref_squeeze %dma_start3A_296 : memref<1x250x16xf32, #tpu.memory_space<vmem>> -> memref<250x16xf32, #tpu.memory_space<vmem>>
        %dma_start3A_298 = arith.constant 0 : i32
        %dma_start3A_299 = tpu.memref_slice %arg8[%add3A_274, %dma_start3A_298] : memref<40x250xi32, #tpu.memory_space<vmem>> -> memref<1x250xi32, #tpu.memory_space<vmem>>
        %dma_start3A_300 = tpu.memref_squeeze %dma_start3A_299 : memref<1x250xi32, #tpu.memory_space<vmem>> -> memref<250xi32, #tpu.memory_space<vmem>>
        %dma_start3A_301 = arith.constant 0 : i32
        %dma_start3A_302 = arith.constant 0 : i32
        %dma_start3A_303 = tpu.memref_slice %arg10[%dma_start3A_301, %dma_start3A_302] : memref<10240x16xf32, #tpu.memory_space<vmem_shared>> -> memref<10240x16xf32, #tpu.memory_space<vmem_shared>>
        tpu.enqueue_indirect_dma source(%dma_start3A_297 : memref<250x16xf32, #tpu.memory_space<vmem>>) target(%dma_start3A_303 : memref<10240x16xf32, #tpu.memory_space<vmem_shared>>) offsets(%dma_start3A_300 : memref<250xi32, #tpu.memory_space<vmem>>) semaphore(%run_scoped3A_293 : memref<!tpu.dma_semaphore, #tpu.memory_space<semaphore_mem>>) {add = true}
        %dma_wait3A_304 = arith.constant 0 : i32
        %dma_wait3A_305 = arith.constant 0 : i32
        %dma_wait3A_306 = tpu.memref_slice %arg9[%run_scoped3A_275, %dma_wait3A_304, %dma_wait3A_305] : memref<8x250x16xf32, #tpu.memory_space<vmem>> -> memref<1x250x16xf32, #tpu.memory_space<vmem>>
        %dma_wait3A_307 = tpu.memref_squeeze %dma_wait3A_306 : memref<1x250x16xf32, #tpu.memory_space<vmem>> -> memref<250x16xf32, #tpu.memory_space<vmem>>
        %dma_wait3A_308 = arith.constant 0 : i32
        %dma_wait3A_309 = tpu.memref_slice %arg8[%add3A_274, %dma_wait3A_308] : memref<40x250xi32, #tpu.memory_space<vmem>> -> memref<1x250xi32, #tpu.memory_space<vmem>>
        %dma_wait3A_310 = tpu.memref_squeeze %dma_wait3A_309 : memref<1x250xi32, #tpu.memory_space<vmem>> -> memref<250xi32, #tpu.memory_space<vmem>>
        %dma_wait3A_311 = arith.constant 0 : i32
        %dma_wait3A_312 = arith.constant 0 : i32
        %dma_wait3A_313 = tpu.memref_slice %arg10[%dma_wait3A_311, %dma_wait3A_312] : memref<10240x16xf32, #tpu.memory_space<vmem_shared>> -> memref<10240x16xf32, #tpu.memory_space<vmem_shared>>
        tpu.wait_indirect_dma semaphore(%run_scoped3A_293 : memref<!tpu.dma_semaphore, #tpu.memory_space<semaphore_mem>>) src(%dma_wait3A_307 : memref<250x16xf32, #tpu.memory_space<vmem>>) dst(%dma_wait3A_313 : memref<10240x16xf32, #tpu.memory_space<vmem_shared>>)
        tpu.yield
      }) : () -> ()
      %dma_wait3A_276 = arith.constant 7 : i32
      %dma_wait3A_277 = arith.constant 7 : i32
      %dma_wait3A_278 = arith.constant 0 : i32
      %dma_wait3A_279 = arith.constant 0 : i32
      %dma_wait3A_280 = tpu.memref_slice %arg9[%dma_wait3A_276, %dma_wait3A_278, %dma_wait3A_279] : memref<8x250x16xf32, #tpu.memory_space<vmem>> -> memref<1x250x16xf32, #tpu.memory_space<vmem>>
      %dma_wait3A_281 = tpu.memref_squeeze %dma_wait3A_280 : memref<1x250x16xf32, #tpu.memory_space<vmem>> -> memref<250x16xf32, #tpu.memory_space<vmem>>
      %dma_wait3A_282 = arith.constant 0 : i32
      %dma_wait3A_283 = tpu.memref_slice %arg7[%add3A_143, %dma_wait3A_282] : memref<40x250xi32, #tpu.memory_space<vmem>> -> memref<1x250xi32, #tpu.memory_space<vmem>>
      %dma_wait3A_284 = tpu.memref_squeeze %dma_wait3A_283 : memref<1x250xi32, #tpu.memory_space<vmem>> -> memref<250xi32, #tpu.memory_space<vmem>>
      %dma_wait3A_285 = arith.constant 0 : i32
      %dma_wait3A_286 = arith.constant 0 : i32
      %dma_wait3A_287 = tpu.memref_slice %arg2[%dma_wait3A_285, %dma_wait3A_286] : memref<10240x16xf32, #tpu.memory_space<hbm>> -> memref<10240x16xf32, #tpu.memory_space<hbm>>
      %dma_wait3A_288 = tpu.memref_slice %arg11[%dma_wait3A_277] : memref<8x!tpu.dma_semaphore, #tpu.memory_space<semaphore_mem>> -> memref<1x!tpu.dma_semaphore, #tpu.memory_space<semaphore_mem>>
      %dma_wait3A_289 = tpu.memref_squeeze %dma_wait3A_288 : memref<1x!tpu.dma_semaphore, #tpu.memory_space<semaphore_mem>> -> memref<!tpu.dma_semaphore, #tpu.memory_space<semaphore_mem>>
      tpu.wait_indirect_dma semaphore(%dma_wait3A_289 : memref<!tpu.dma_semaphore, #tpu.memory_space<semaphore_mem>>) src(%dma_wait3A_287 : memref<10240x16xf32, #tpu.memory_space<hbm>>) dst(%dma_wait3A_281 : memref<250x16xf32, #tpu.memory_space<vmem>>)
      %add3A_290 = arith.constant 7 : i32
      %add3A_291 = arith.addi %mul3A_29, %add3A_290 : i32
      %run_scoped3A_292 = arith.constant 7 : i32
      "tpu.region"() ({
        %run_scoped3A_293 = tpu.sem_alloc : memref<!tpu.dma_semaphore, #tpu.memory_space<semaphore_mem>>
        %dma_start3A_294 = arith.constant 0 : i32
        %dma_start3A_295 = arith.constant 0 : i32
        %dma_start3A_296 = tpu.memref_slice %arg9[%run_scoped3A_292, %dma_start3A_294, %dma_start3A_295] : memref<8x250x16xf32, #tpu.memory_space<vmem>> -> memref<1x250x16xf32, #tpu.memory_space<vmem>>
        %dma_start3A_297 = tpu.memref_squeeze %dma_start3A_296 : memref<1x250x16xf32, #tpu.memory_space<vmem>> -> memref<250x16xf32, #tpu.memory_space<vmem>>
        %dma_start3A_298 = arith.constant 0 : i32
        %dma_start3A_299 = tpu.memref_slice %arg8[%add3A_291, %dma_start3A_298] : memref<40x250xi32, #tpu.memory_space<vmem>> -> memref<1x250xi32, #tpu.memory_space<vmem>>
        %dma_start3A_300 = tpu.memref_squeeze %dma_start3A_299 : memref<1x250xi32, #tpu.memory_space<vmem>> -> memref<250xi32, #tpu.memory_space<vmem>>
        %dma_start3A_301 = arith.constant 0 : i32
        %dma_start3A_302 = arith.constant 0 : i32
        %dma_start3A_303 = tpu.memref_slice %arg10[%dma_start3A_301, %dma_start3A_302] : memref<10240x16xf32, #tpu.memory_space<vmem_shared>> -> memref<10240x16xf32, #tpu.memory_space<vmem_shared>>
        tpu.enqueue_indirect_dma source(%dma_start3A_297 : memref<250x16xf32, #tpu.memory_space<vmem>>) target(%dma_start3A_303 : memref<10240x16xf32, #tpu.memory_space<vmem_shared>>) offsets(%dma_start3A_300 : memref<250xi32, #tpu.memory_space<vmem>>) semaphore(%run_scoped3A_293 : memref<!tpu.dma_semaphore, #tpu.memory_space<semaphore_mem>>) {add = true}
        %dma_wait3A_304 = arith.constant 0 : i32
        %dma_wait3A_305 = arith.constant 0 : i32
        %dma_wait3A_306 = tpu.memref_slice %arg9[%run_scoped3A_292, %dma_wait3A_304, %dma_wait3A_305] : memref<8x250x16xf32, #tpu.memory_space<vmem>> -> memref<1x250x16xf32, #tpu.memory_space<vmem>>
        %dma_wait3A_307 = tpu.memref_squeeze %dma_wait3A_306 : memref<1x250x16xf32, #tpu.memory_space<vmem>> -> memref<250x16xf32, #tpu.memory_space<vmem>>
        %dma_wait3A_308 = arith.constant 0 : i32
        %dma_wait3A_309 = tpu.memref_slice %arg8[%add3A_291, %dma_wait3A_308] : memref<40x250xi32, #tpu.memory_space<vmem>> -> memref<1x250xi32, #tpu.memory_space<vmem>>
        %dma_wait3A_310 = tpu.memref_squeeze %dma_wait3A_309 : memref<1x250xi32, #tpu.memory_space<vmem>> -> memref<250xi32, #tpu.memory_space<vmem>>
        %dma_wait3A_311 = arith.constant 0 : i32
        %dma_wait3A_312 = arith.constant 0 : i32
        %dma_wait3A_313 = tpu.memref_slice %arg10[%dma_wait3A_311, %dma_wait3A_312] : memref<10240x16xf32, #tpu.memory_space<vmem_shared>> -> memref<10240x16xf32, #tpu.memory_space<vmem_shared>>
        tpu.wait_indirect_dma semaphore(%run_scoped3A_293 : memref<!tpu.dma_semaphore, #tpu.memory_space<semaphore_mem>>) src(%dma_wait3A_307 : memref<250x16xf32, #tpu.memory_space<vmem>>) dst(%dma_wait3A_313 : memref<10240x16xf32, #tpu.memory_space<vmem_shared>>)
        tpu.yield
      }) : () -> ()
    }
    %scan3A_25 = arith.constant 5 : i32
    %barrier3A_26 = arith.constant 0 : index
    tpu.barrier barrier_id(%barrier3A_26)
    "tpu.region"() ({
      %run_scoped3A = tpu.sem_alloc : memref<!tpu.dma_semaphore, #tpu.memory_space<semaphore_mem>>
      %dma_start3A_27 = arith.constant 0 : i32
      %dma_start3A_28 = arith.constant 0 : i32
      %dma_start3A_29 = tpu.memref_slice %arg6[%arg0, %dma_start3A_27, %dma_start3A_28] : memref<2x10240x16xf32, #tpu.memory_space<hbm>> -> memref<1x10240x16xf32, #tpu.memory_space<hbm>>
      %dma_start3A_30 = tpu.memref_squeeze %dma_start3A_29 : memref<1x10240x16xf32, #tpu.memory_space<hbm>> -> memref<10240x16xf32, #tpu.memory_space<hbm>>
      %dma_start3A_31 = arith.constant 0 : i32
      %dma_start3A_32 = tpu.memref_slice %dma_start3A_30[%mul3A_2, %dma_start3A_31] : memref<10240x16xf32, #tpu.memory_space<hbm>> -> memref<640x16xf32, #tpu.memory_space<hbm>>
      %dma_start3A_33 = arith.constant 0 : i32
      %dma_start3A_34 = tpu.memref_slice %arg10[%mul3A_2, %dma_start3A_33] : memref<10240x16xf32, #tpu.memory_space<vmem_shared>> -> memref<640x16xf32, #tpu.memory_space<vmem_shared>>
      tpu.enqueue_dma source(%dma_start3A_34 : memref<640x16xf32, #tpu.memory_space<vmem_shared>>) target(%dma_start3A_32 : memref<640x16xf32, #tpu.memory_space<hbm>>) target_semaphore(%run_scoped3A : memref<!tpu.dma_semaphore, #tpu.memory_space<semaphore_mem>>)
      %dma_wait3A_35 = arith.constant 0 : i32
      %dma_wait3A_36 = arith.constant 0 : i32
      %dma_wait3A_37 = tpu.memref_slice %arg6[%arg0, %dma_wait3A_35, %dma_wait3A_36] : memref<2x10240x16xf32, #tpu.memory_space<hbm>> -> memref<1x10240x16xf32, #tpu.memory_space<hbm>>
      %dma_wait3A_38 = tpu.memref_squeeze %dma_wait3A_37 : memref<1x10240x16xf32, #tpu.memory_space<hbm>> -> memref<10240x16xf32, #tpu.memory_space<hbm>>
      %dma_wait3A_39 = arith.constant 0 : i32
      %dma_wait3A_40 = tpu.memref_slice %dma_wait3A_38[%mul3A_2, %dma_wait3A_39] : memref<10240x16xf32, #tpu.memory_space<hbm>> -> memref<640x16xf32, #tpu.memory_space<hbm>>
      %dma_wait3A_41 = arith.constant 0 : i32
      %dma_wait3A_42 = tpu.memref_slice %arg10[%mul3A_2, %dma_wait3A_41] : memref<10240x16xf32, #tpu.memory_space<vmem_shared>> -> memref<640x16xf32, #tpu.memory_space<vmem_shared>>
      tpu.wait_dma2 semaphore(%run_scoped3A : memref<!tpu.dma_semaphore, #tpu.memory_space<semaphore_mem>>) src(%dma_wait3A_42 : memref<640x16xf32, #tpu.memory_space<vmem_shared>>) dst(%dma_wait3A_40 : memref<640x16xf32, #tpu.memory_space<hbm>>)
      tpu.yield
    }) : () -> ()
    return
  }
}

module attributes {stable_mosaic.version = 14 : i64} {
  func.func @body(%arg0: i32, %arg1: memref<2x1024x16xf32, #tpu.memory_space<vmem>>, %arg2: memref<2x1024x16xf32, #tpu.memory_space<vmem>>, %arg3: memref<1024x128xf32, #tpu.memory_space<vmem>>, %arg4: memref<1x128xf32, #tpu.memory_space<vmem>>, %arg5: memref<1x128xf32, #tpu.memory_space<vmem>>, %arg6: memref<128x16xf32, #tpu.memory_space<vmem>>, %arg7: memref<1x16xf32, #tpu.memory_space<vmem>>, %arg8: memref<16x16xf32, #tpu.memory_space<vmem>>, %arg9: memref<1x16xf32, #tpu.memory_space<vmem>>, %arg10: memref<16x16xf32, #tpu.memory_space<vmem>>, %arg11: memref<1x16xf32, #tpu.memory_space<vmem>>, %arg12: memref<16x16xf32, #tpu.memory_space<vmem>>, %arg13: memref<1x16xf32, #tpu.memory_space<vmem>>, %arg14: memref<1024x16xf32, #tpu.memory_space<vmem>>, %arg15: memref<1024x16xf32, #tpu.memory_space<vmem>>, %arg16: memref<1024x16xf32, #tpu.memory_space<vmem>>) attributes {dimension_semantics = [#tpu.dimension_semantics<arbitrary>], iteration_bounds = array<i64: 10>, scalar_prefetch = 0 : i64, scratch_operands = 0 : i64, tpu.core_type = #tpu.core_type<tc>, window_params = [{transform_indices = @transform_0, window_bounds = array<i64: 2, 1024, 16>}, {transform_indices = @transform_1, window_bounds = array<i64: 2, 1024, 16>}, {transform_indices = @transform_2, window_bounds = array<i64: 1024, 128>}, {pipeline_mode = #tpu.pipeline_mode<synchronous>, transform_indices = @transform_3, window_bounds = array<i64: 1, 128>}, {pipeline_mode = #tpu.pipeline_mode<synchronous>, transform_indices = @transform_4, window_bounds = array<i64: 1, 128>}, {pipeline_mode = #tpu.pipeline_mode<synchronous>, transform_indices = @transform_5, window_bounds = array<i64: 128, 16>}, {pipeline_mode = #tpu.pipeline_mode<synchronous>, transform_indices = @transform_6, window_bounds = array<i64: 1, 16>}, {pipeline_mode = #tpu.pipeline_mode<synchronous>, transform_indices = @transform_7, window_bounds = array<i64: 16, 16>}, {pipeline_mode = #tpu.pipeline_mode<synchronous>, transform_indices = @transform_8, window_bounds = array<i64: 1, 16>}, {pipeline_mode = #tpu.pipeline_mode<synchronous>, transform_indices = @transform_9, window_bounds = array<i64: 16, 16>}, {pipeline_mode = #tpu.pipeline_mode<synchronous>, transform_indices = @transform_10, window_bounds = array<i64: 1, 16>}, {pipeline_mode = #tpu.pipeline_mode<synchronous>, transform_indices = @transform_11, window_bounds = array<i64: 16, 16>}, {pipeline_mode = #tpu.pipeline_mode<synchronous>, transform_indices = @transform_12, window_bounds = array<i64: 1, 16>}, {transform_indices = @transform_13, window_bounds = array<i64: 1024, 16>}, {transform_indices = @transform_14, window_bounds = array<i64: 1024, 16>}, {transform_indices = @transform_15, window_bounds = array<i64: 1024, 16>}]} {
    %get3A = arith.constant 0 : index
    %get3A_0 = arith.constant 0 : index
    %get3A_1 = vector.load %arg3[%get3A, %get3A_0] : memref<1024x128xf32, #tpu.memory_space<vmem>>, vector<1024x128xf32>
    %get3A_2 = arith.constant 0 : index
    %get3A_3 = arith.constant 0 : index
    %get3A_4 = vector.load %arg4[%get3A_2, %get3A_3] : memref<1x128xf32, #tpu.memory_space<vmem>>, vector<1x128xf32>
    %sub3A = vector.broadcast %get3A_4 : vector<1x128xf32> to vector<1024x128xf32>
    %sub3A_5 = arith.subf %get3A_1, %sub3A : vector<1024x128xf32>
    %get3A_6 = arith.constant 0 : index
    %get3A_7 = arith.constant 0 : index
    %get3A_8 = vector.load %arg5[%get3A_6, %get3A_7] : memref<1x128xf32, #tpu.memory_space<vmem>>, vector<1x128xf32>
    %div3A = vector.broadcast %get3A_8 : vector<1x128xf32> to vector<1024x128xf32>
    %div3A_9 = arith.divf %sub3A_5, %div3A : vector<1024x128xf32>
    %get3A_10 = arith.constant 0 : index
    %get3A_11 = arith.constant 0 : index
    %get3A_12 = vector.load %arg6[%get3A_10, %get3A_11] : memref<128x16xf32, #tpu.memory_space<vmem>>, vector<128x16xf32>
    %dot_general3A = arith.constant dense<0.000000e+00> : vector<1024x16xf32>
    %dot_general3A_13 = tpu.matmul %div3A_9, %get3A_12, %dot_general3A {dimension_numbers = #tpu.dot_dimension_numbers<[1], [0], [0], [1], [0, 0, 1, 1], [], []>, transpose_lhs_hint = false} : vector<1024x128xf32>, vector<128x16xf32>, vector<1024x16xf32> -> vector<1024x16xf32>
    %get3A_14 = arith.constant 0 : index
    %get3A_15 = arith.constant 0 : index
    %get3A_16 = vector.load %arg7[%get3A_14, %get3A_15] : memref<1x16xf32, #tpu.memory_space<vmem>>, vector<1x16xf32>
    %add3A = vector.broadcast %get3A_16 : vector<1x16xf32> to vector<1024x16xf32>
    %add3A_17 = arith.addf %dot_general3A_13, %add3A : vector<1024x16xf32>
    %get3A_18 = arith.constant 0 : index
    %get3A_19 = arith.constant 0 : index
    %get3A_20 = arith.constant 0 : index
    %get3A_21 = vector.load %arg1[%get3A_18, %get3A_19, %get3A_20] : memref<2x1024x16xf32, #tpu.memory_space<vmem>>, vector<1x1024x16xf32>
    %get3A_22 = vector.shape_cast %get3A_21 : vector<1x1024x16xf32> to vector<1024x16xf32>
    %get3A_23 = arith.constant 1 : index
    %get3A_24 = arith.constant 0 : index
    %get3A_25 = arith.constant 0 : index
    %get3A_26 = vector.load %arg1[%get3A_23, %get3A_24, %get3A_25] : memref<2x1024x16xf32, #tpu.memory_space<vmem>>, vector<1x1024x16xf32>
    %get3A_27 = vector.shape_cast %get3A_26 : vector<1x1024x16xf32> to vector<1024x16xf32>
    %add3A_28 = arith.addf %get3A_22, %get3A_27 : vector<1024x16xf32>
    %get3A_29 = arith.constant 0 : index
    %get3A_30 = arith.constant 0 : index
    %get3A_31 = arith.constant 0 : index
    %get3A_32 = vector.load %arg2[%get3A_29, %get3A_30, %get3A_31] : memref<2x1024x16xf32, #tpu.memory_space<vmem>>, vector<1x1024x16xf32>
    %get3A_33 = vector.shape_cast %get3A_32 : vector<1x1024x16xf32> to vector<1024x16xf32>
    %get3A_34 = arith.constant 1 : index
    %get3A_35 = arith.constant 0 : index
    %get3A_36 = arith.constant 0 : index
    %get3A_37 = vector.load %arg2[%get3A_34, %get3A_35, %get3A_36] : memref<2x1024x16xf32, #tpu.memory_space<vmem>>, vector<1x1024x16xf32>
    %get3A_38 = vector.shape_cast %get3A_37 : vector<1x1024x16xf32> to vector<1024x16xf32>
    %add3A_39 = arith.addf %get3A_33, %get3A_38 : vector<1024x16xf32>
    %slice3A = vector.extract_strided_slice %add3A_39 {offsets = [0, 0], sizes = [1024, 1], strides = [1, 1]} : vector<1024x16xf32> to vector<1024x1xf32>
    %get3A_40 = arith.constant 0 : index
    %get3A_41 = arith.constant 0 : index
    %get3A_42 = vector.load %arg8[%get3A_40, %get3A_41] : memref<16x16xf32, #tpu.memory_space<vmem>>, vector<16x16xf32>
    %dot_general3A_43 = arith.constant dense<0.000000e+00> : vector<1024x16xf32>
    %dot_general3A_44 = tpu.matmul %add3A_28, %get3A_42, %dot_general3A_43 {dimension_numbers = #tpu.dot_dimension_numbers<[1], [0], [0], [1], [0, 0, 1, 1], [], []>, transpose_lhs_hint = false} : vector<1024x16xf32>, vector<16x16xf32>, vector<1024x16xf32> -> vector<1024x16xf32>
    %get3A_45 = arith.constant 0 : index
    %get3A_46 = arith.constant 0 : index
    %get3A_47 = vector.load %arg9[%get3A_45, %get3A_46] : memref<1x16xf32, #tpu.memory_space<vmem>>, vector<1x16xf32>
    %mul3A = vector.broadcast %slice3A : vector<1024x1xf32> to vector<1024x16xf32>
    %mul3A_48 = vector.broadcast %get3A_47 : vector<1x16xf32> to vector<1024x16xf32>
    %mul3A_49 = arith.mulf %mul3A, %mul3A_48 : vector<1024x16xf32>
    %add3A_50 = arith.addf %dot_general3A_44, %mul3A_49 : vector<1024x16xf32>
    %broadcast_in_dim3A = arith.constant 0.000000e+00 : f32
    %broadcast_in_dim3A_51 = vector.broadcast %broadcast_in_dim3A : f32 to vector<1x16xf32>
    %get3A_52 = arith.constant 0 : index
    %get3A_53 = arith.constant 0 : index
    %get3A_54 = vector.load %arg10[%get3A_52, %get3A_53] : memref<16x16xf32, #tpu.memory_space<vmem>>, vector<16x16xf32>
    %dot_general3A_55 = arith.constant dense<0.000000e+00> : vector<1x16xf32>
    %dot_general3A_56 = tpu.matmul %broadcast_in_dim3A_51, %get3A_54, %dot_general3A_55 {dimension_numbers = #tpu.dot_dimension_numbers<[1], [0], [0], [1], [0, 0, 1, 1], [], []>, transpose_lhs_hint = false} : vector<1x16xf32>, vector<16x16xf32>, vector<1x16xf32> -> vector<1x16xf32>
    %get3A_57 = arith.constant 0 : index
    %get3A_58 = arith.constant 0 : index
    %get3A_59 = vector.load %arg11[%get3A_57, %get3A_58] : memref<1x16xf32, #tpu.memory_space<vmem>>, vector<1x16xf32>
    %add3A_60 = arith.addf %dot_general3A_56, %get3A_59 : vector<1x16xf32>
    %max3A = arith.constant 0.000000e+00 : f32
    %max3A_61 = vector.broadcast %max3A : f32 to vector<1x16xf32>
    %max3A_62 = arith.maximumf %add3A_60, %max3A_61 : vector<1x16xf32>
    %get3A_63 = arith.constant 0 : index
    %get3A_64 = arith.constant 0 : index
    %get3A_65 = vector.load %arg12[%get3A_63, %get3A_64] : memref<16x16xf32, #tpu.memory_space<vmem>>, vector<16x16xf32>
    %dot_general3A_66 = arith.constant dense<0.000000e+00> : vector<1x16xf32>
    %dot_general3A_67 = tpu.matmul %max3A_62, %get3A_65, %dot_general3A_66 {dimension_numbers = #tpu.dot_dimension_numbers<[1], [0], [0], [1], [0, 0, 1, 1], [], []>, transpose_lhs_hint = false} : vector<1x16xf32>, vector<16x16xf32>, vector<1x16xf32> -> vector<1x16xf32>
    %get3A_68 = arith.constant 0 : index
    %get3A_69 = arith.constant 0 : index
    %get3A_70 = vector.load %arg13[%get3A_68, %get3A_69] : memref<1x16xf32, #tpu.memory_space<vmem>>, vector<1x16xf32>
    %add3A_71 = arith.addf %dot_general3A_67, %get3A_70 : vector<1x16xf32>
    %max3A_72 = arith.constant 0.000000e+00 : f32
    %max3A_73 = vector.broadcast %max3A_72 : f32 to vector<1x16xf32>
    %max3A_74 = arith.maximumf %add3A_71, %max3A_73 : vector<1x16xf32>
    %add3A_75 = arith.addf %add3A_17, %add3A_50 : vector<1024x16xf32>
    %mul3A_76 = vector.broadcast %slice3A : vector<1024x1xf32> to vector<1024x16xf32>
    %mul3A_77 = vector.broadcast %max3A_74 : vector<1x16xf32> to vector<1024x16xf32>
    %mul3A_78 = arith.mulf %mul3A_76, %mul3A_77 : vector<1024x16xf32>
    %add3A_79 = arith.addf %add3A_75, %mul3A_78 : vector<1024x16xf32>
    %max3A_80 = arith.constant 0.000000e+00 : f32
    %max3A_81 = vector.broadcast %max3A_80 : f32 to vector<1024x16xf32>
    %max3A_82 = arith.maximumf %add3A_79, %max3A_81 : vector<1024x16xf32>
    %swap3A = arith.constant 0 : index
    %swap3A_83 = arith.constant 0 : index
    %swap3A_84 = vector.load %arg14[%swap3A, %swap3A_83] : memref<1024x16xf32, #tpu.memory_space<vmem>>, vector<1024x16xf32>
    tpu.vector_store %arg14[%swap3A, %swap3A_83], %add3A_17 {strides = array<i32>} : memref<1024x16xf32, #tpu.memory_space<vmem>>, vector<1024x16xf32>,
    %swap3A_85 = arith.constant 0 : index
    %swap3A_86 = arith.constant 0 : index
    %swap3A_87 = vector.load %arg15[%swap3A_85, %swap3A_86] : memref<1024x16xf32, #tpu.memory_space<vmem>>, vector<1024x16xf32>
    tpu.vector_store %arg15[%swap3A_85, %swap3A_86], %add3A_50 {strides = array<i32>} : memref<1024x16xf32, #tpu.memory_space<vmem>>, vector<1024x16xf32>,
    %get3A_88 = arith.constant 0 : index
    %get3A_89 = arith.constant 0 : index
    %get3A_90 = vector.load %arg10[%get3A_88, %get3A_89] : memref<16x16xf32, #tpu.memory_space<vmem>>, vector<16x16xf32>
    %dot_general3A_91 = arith.constant dense<0.000000e+00> : vector<1024x16xf32>
    %dot_general3A_92 = tpu.matmul %max3A_82, %get3A_90, %dot_general3A_91 {dimension_numbers = #tpu.dot_dimension_numbers<[1], [0], [0], [1], [0, 0, 1, 1], [], []>, transpose_lhs_hint = false} : vector<1024x16xf32>, vector<16x16xf32>, vector<1024x16xf32> -> vector<1024x16xf32>
    %get3A_93 = arith.constant 0 : index
    %get3A_94 = arith.constant 0 : index
    %get3A_95 = vector.load %arg11[%get3A_93, %get3A_94] : memref<1x16xf32, #tpu.memory_space<vmem>>, vector<1x16xf32>
    %add3A_96 = vector.broadcast %get3A_95 : vector<1x16xf32> to vector<1024x16xf32>
    %add3A_97 = arith.addf %dot_general3A_92, %add3A_96 : vector<1024x16xf32>
    %max3A_98 = arith.constant 0.000000e+00 : f32
    %max3A_99 = vector.broadcast %max3A_98 : f32 to vector<1024x16xf32>
    %max3A_100 = arith.maximumf %add3A_97, %max3A_99 : vector<1024x16xf32>
    %get3A_101 = arith.constant 0 : index
    %get3A_102 = arith.constant 0 : index
    %get3A_103 = vector.load %arg12[%get3A_101, %get3A_102] : memref<16x16xf32, #tpu.memory_space<vmem>>, vector<16x16xf32>
    %dot_general3A_104 = arith.constant dense<0.000000e+00> : vector<1024x16xf32>
    %dot_general3A_105 = tpu.matmul %max3A_100, %get3A_103, %dot_general3A_104 {dimension_numbers = #tpu.dot_dimension_numbers<[1], [0], [0], [1], [0, 0, 1, 1], [], []>, transpose_lhs_hint = false} : vector<1024x16xf32>, vector<16x16xf32>, vector<1024x16xf32> -> vector<1024x16xf32>
    %get3A_106 = arith.constant 0 : index
    %get3A_107 = arith.constant 0 : index
    %get3A_108 = vector.load %arg13[%get3A_106, %get3A_107] : memref<1x16xf32, #tpu.memory_space<vmem>>, vector<1x16xf32>
    %add3A_109 = vector.broadcast %get3A_108 : vector<1x16xf32> to vector<1024x16xf32>
    %add3A_110 = arith.addf %dot_general3A_105, %add3A_109 : vector<1024x16xf32>
    %max3A_111 = arith.constant 0.000000e+00 : f32
    %max3A_112 = vector.broadcast %max3A_111 : f32 to vector<1024x16xf32>
    %max3A_113 = arith.maximumf %add3A_110, %max3A_112 : vector<1024x16xf32>
    %swap3A_114 = arith.constant 0 : index
    %swap3A_115 = arith.constant 0 : index
    %swap3A_116 = vector.load %arg16[%swap3A_114, %swap3A_115] : memref<1024x16xf32, #tpu.memory_space<vmem>>, vector<1024x16xf32>
    tpu.vector_store %arg16[%swap3A_114, %swap3A_115], %max3A_113 {strides = array<i32>} : memref<1024x16xf32, #tpu.memory_space<vmem>>, vector<1024x16xf32>,
    return
  }
  func.func @transform_0(%arg0: i32) -> (i32, i32, i32) {
    %c0_i32 = arith.constant 0 : i32
    %c0_i32_0 = arith.constant 0 : i32
    %c0_i32_1 = arith.constant 0 : i32
    return %c0_i32, %arg0, %c0_i32_0 : i32, i32, i32
  }
  func.func @transform_1(%arg0: i32) -> (i32, i32, i32) {
    %c0_i32 = arith.constant 0 : i32
    %c0_i32_0 = arith.constant 0 : i32
    %c0_i32_1 = arith.constant 0 : i32
    return %c0_i32, %arg0, %c0_i32_0 : i32, i32, i32
  }
  func.func @transform_2(%arg0: i32) -> (i32, i32) {
    %c0_i32 = arith.constant 0 : i32
    %c0_i32_0 = arith.constant 0 : i32
    return %arg0, %c0_i32 : i32, i32
  }
  func.func @transform_3(%arg0: i32) -> (i32, i32) {
    %c0_i32 = arith.constant 0 : i32
    %c0_i32_0 = arith.constant 0 : i32
    %c0_i32_1 = arith.constant 0 : i32
    return %c0_i32, %c0_i32_0 : i32, i32
  }
  func.func @transform_4(%arg0: i32) -> (i32, i32) {
    %c0_i32 = arith.constant 0 : i32
    %c0_i32_0 = arith.constant 0 : i32
    %c0_i32_1 = arith.constant 0 : i32
    return %c0_i32, %c0_i32_0 : i32, i32
  }
  func.func @transform_5(%arg0: i32) -> (i32, i32) {
    %c0_i32 = arith.constant 0 : i32
    %c0_i32_0 = arith.constant 0 : i32
    %c0_i32_1 = arith.constant 0 : i32
    return %c0_i32, %c0_i32_0 : i32, i32
  }
  func.func @transform_6(%arg0: i32) -> (i32, i32) {
    %c0_i32 = arith.constant 0 : i32
    %c0_i32_0 = arith.constant 0 : i32
    %c0_i32_1 = arith.constant 0 : i32
    return %c0_i32, %c0_i32_0 : i32, i32
  }
  func.func @transform_7(%arg0: i32) -> (i32, i32) {
    %c0_i32 = arith.constant 0 : i32
    %c0_i32_0 = arith.constant 0 : i32
    %c0_i32_1 = arith.constant 0 : i32
    return %c0_i32, %c0_i32_0 : i32, i32
  }
  func.func @transform_8(%arg0: i32) -> (i32, i32) {
    %c0_i32 = arith.constant 0 : i32
    %c0_i32_0 = arith.constant 0 : i32
    %c0_i32_1 = arith.constant 0 : i32
    return %c0_i32, %c0_i32_0 : i32, i32
  }
  func.func @transform_9(%arg0: i32) -> (i32, i32) {
    %c0_i32 = arith.constant 0 : i32
    %c0_i32_0 = arith.constant 0 : i32
    %c0_i32_1 = arith.constant 0 : i32
    return %c0_i32, %c0_i32_0 : i32, i32
  }
  func.func @transform_10(%arg0: i32) -> (i32, i32) {
    %c0_i32 = arith.constant 0 : i32
    %c0_i32_0 = arith.constant 0 : i32
    %c0_i32_1 = arith.constant 0 : i32
    return %c0_i32, %c0_i32_0 : i32, i32
  }
  func.func @transform_11(%arg0: i32) -> (i32, i32) {
    %c0_i32 = arith.constant 0 : i32
    %c0_i32_0 = arith.constant 0 : i32
    %c0_i32_1 = arith.constant 0 : i32
    return %c0_i32, %c0_i32_0 : i32, i32
  }
  func.func @transform_12(%arg0: i32) -> (i32, i32) {
    %c0_i32 = arith.constant 0 : i32
    %c0_i32_0 = arith.constant 0 : i32
    %c0_i32_1 = arith.constant 0 : i32
    return %c0_i32, %c0_i32_0 : i32, i32
  }
  func.func @transform_13(%arg0: i32) -> (i32, i32) {
    %c0_i32 = arith.constant 0 : i32
    %c0_i32_0 = arith.constant 0 : i32
    return %arg0, %c0_i32 : i32, i32
  }
  func.func @transform_14(%arg0: i32) -> (i32, i32) {
    %c0_i32 = arith.constant 0 : i32
    %c0_i32_0 = arith.constant 0 : i32
    return %arg0, %c0_i32 : i32, i32
  }
  func.func @transform_15(%arg0: i32) -> (i32, i32) {
    %c0_i32 = arith.constant 0 : i32
    %c0_i32_0 = arith.constant 0 : i32
    return %arg0, %c0_i32 : i32, i32
  }
}

module attributes {stable_mosaic.version = 14 : i64} {
  func.func @body(%arg0: i32, %arg1: memref<2x1024x16xf32, #tpu.memory_space<vmem>>, %arg2: memref<1024x16xf32, #tpu.memory_space<vmem>>, %arg3: memref<1024x16xf32, #tpu.memory_space<vmem>>, %arg4: memref<16x16xf32, #tpu.memory_space<vmem>>, %arg5: memref<1x16xf32, #tpu.memory_space<vmem>>, %arg6: memref<16x16xf32, #tpu.memory_space<vmem>>, %arg7: memref<1x16xf32, #tpu.memory_space<vmem>>, %arg8: memref<1024x16xf32, #tpu.memory_space<vmem>>) attributes {dimension_semantics = [#tpu.dimension_semantics<arbitrary>], iteration_bounds = array<i64: 10>, scalar_prefetch = 0 : i64, scratch_operands = 0 : i64, tpu.core_type = #tpu.core_type<tc>, window_params = [{transform_indices = @transform_0, window_bounds = array<i64: 2, 1024, 16>}, {transform_indices = @transform_1, window_bounds = array<i64: 1024, 16>}, {transform_indices = @transform_2, window_bounds = array<i64: 1024, 16>}, {pipeline_mode = #tpu.pipeline_mode<synchronous>, transform_indices = @transform_3, window_bounds = array<i64: 16, 16>}, {pipeline_mode = #tpu.pipeline_mode<synchronous>, transform_indices = @transform_4, window_bounds = array<i64: 1, 16>}, {pipeline_mode = #tpu.pipeline_mode<synchronous>, transform_indices = @transform_5, window_bounds = array<i64: 16, 16>}, {pipeline_mode = #tpu.pipeline_mode<synchronous>, transform_indices = @transform_6, window_bounds = array<i64: 1, 16>}, {transform_indices = @transform_7, window_bounds = array<i64: 1024, 16>}]} {
    %get3A = arith.constant 0 : index
    %get3A_0 = arith.constant 0 : index
    %get3A_1 = vector.load %arg2[%get3A, %get3A_0] : memref<1024x16xf32, #tpu.memory_space<vmem>>, vector<1024x16xf32>
    %get3A_2 = arith.constant 0 : index
    %get3A_3 = arith.constant 0 : index
    %get3A_4 = arith.constant 0 : index
    %get3A_5 = vector.load %arg1[%get3A_2, %get3A_3, %get3A_4] : memref<2x1024x16xf32, #tpu.memory_space<vmem>>, vector<1x1024x16xf32>
    %get3A_6 = vector.shape_cast %get3A_5 : vector<1x1024x16xf32> to vector<1024x16xf32>
    %add3A = arith.addf %get3A_1, %get3A_6 : vector<1024x16xf32>
    %get3A_7 = arith.constant 1 : index
    %get3A_8 = arith.constant 0 : index
    %get3A_9 = arith.constant 0 : index
    %get3A_10 = vector.load %arg1[%get3A_7, %get3A_8, %get3A_9] : memref<2x1024x16xf32, #tpu.memory_space<vmem>>, vector<1x1024x16xf32>
    %get3A_11 = vector.shape_cast %get3A_10 : vector<1x1024x16xf32> to vector<1024x16xf32>
    %add3A_12 = arith.addf %add3A, %get3A_11 : vector<1024x16xf32>
    %get3A_13 = arith.constant 0 : index
    %get3A_14 = arith.constant 0 : index
    %get3A_15 = vector.load %arg3[%get3A_13, %get3A_14] : memref<1024x16xf32, #tpu.memory_space<vmem>>, vector<1024x16xf32>
    %add3A_16 = arith.addf %add3A_12, %get3A_15 : vector<1024x16xf32>
    %max3A = arith.constant 0.000000e+00 : f32
    %max3A_17 = vector.broadcast %max3A : f32 to vector<1024x16xf32>
    %max3A_18 = arith.maximumf %add3A_16, %max3A_17 : vector<1024x16xf32>
    %get3A_19 = arith.constant 0 : index
    %get3A_20 = arith.constant 0 : index
    %get3A_21 = vector.load %arg4[%get3A_19, %get3A_20] : memref<16x16xf32, #tpu.memory_space<vmem>>, vector<16x16xf32>
    %dot_general3A = arith.constant dense<0.000000e+00> : vector<1024x16xf32>
    %dot_general3A_22 = tpu.matmul %max3A_18, %get3A_21, %dot_general3A {dimension_numbers = #tpu.dot_dimension_numbers<[1], [0], [0], [1], [0, 0, 1, 1], [], []>, transpose_lhs_hint = false} : vector<1024x16xf32>, vector<16x16xf32>, vector<1024x16xf32> -> vector<1024x16xf32>
    %get3A_23 = arith.constant 0 : index
    %get3A_24 = arith.constant 0 : index
    %get3A_25 = vector.load %arg5[%get3A_23, %get3A_24] : memref<1x16xf32, #tpu.memory_space<vmem>>, vector<1x16xf32>
    %add3A_26 = vector.broadcast %get3A_25 : vector<1x16xf32> to vector<1024x16xf32>
    %add3A_27 = arith.addf %dot_general3A_22, %add3A_26 : vector<1024x16xf32>
    %max3A_28 = arith.constant 0.000000e+00 : f32
    %max3A_29 = vector.broadcast %max3A_28 : f32 to vector<1024x16xf32>
    %max3A_30 = arith.maximumf %add3A_27, %max3A_29 : vector<1024x16xf32>
    %get3A_31 = arith.constant 0 : index
    %get3A_32 = arith.constant 0 : index
    %get3A_33 = vector.load %arg6[%get3A_31, %get3A_32] : memref<16x16xf32, #tpu.memory_space<vmem>>, vector<16x16xf32>
    %dot_general3A_34 = arith.constant dense<0.000000e+00> : vector<1024x16xf32>
    %dot_general3A_35 = tpu.matmul %max3A_30, %get3A_33, %dot_general3A_34 {dimension_numbers = #tpu.dot_dimension_numbers<[1], [0], [0], [1], [0, 0, 1, 1], [], []>, transpose_lhs_hint = false} : vector<1024x16xf32>, vector<16x16xf32>, vector<1024x16xf32> -> vector<1024x16xf32>
    %get3A_36 = arith.constant 0 : index
    %get3A_37 = arith.constant 0 : index
    %get3A_38 = vector.load %arg7[%get3A_36, %get3A_37] : memref<1x16xf32, #tpu.memory_space<vmem>>, vector<1x16xf32>
    %add3A_39 = vector.broadcast %get3A_38 : vector<1x16xf32> to vector<1024x16xf32>
    %add3A_40 = arith.addf %dot_general3A_35, %add3A_39 : vector<1024x16xf32>
    %max3A_41 = arith.constant 0.000000e+00 : f32
    %max3A_42 = vector.broadcast %max3A_41 : f32 to vector<1024x16xf32>
    %max3A_43 = arith.maximumf %add3A_40, %max3A_42 : vector<1024x16xf32>
    %swap3A = arith.constant 0 : index
    %swap3A_44 = arith.constant 0 : index
    %swap3A_45 = vector.load %arg8[%swap3A, %swap3A_44] : memref<1024x16xf32, #tpu.memory_space<vmem>>, vector<1024x16xf32>
    tpu.vector_store %arg8[%swap3A, %swap3A_44], %max3A_43 {strides = array<i32>} : memref<1024x16xf32, #tpu.memory_space<vmem>>, vector<1024x16xf32>,
    return
  }
  func.func @transform_0(%arg0: i32) -> (i32, i32, i32) {
    %c0_i32 = arith.constant 0 : i32
    %c0_i32_0 = arith.constant 0 : i32
    %c0_i32_1 = arith.constant 0 : i32
    return %c0_i32, %arg0, %c0_i32_0 : i32, i32, i32
  }
  func.func @transform_1(%arg0: i32) -> (i32, i32) {
    %c0_i32 = arith.constant 0 : i32
    %c0_i32_0 = arith.constant 0 : i32
    return %arg0, %c0_i32 : i32, i32
  }
  func.func @transform_2(%arg0: i32) -> (i32, i32) {
    %c0_i32 = arith.constant 0 : i32
    %c0_i32_0 = arith.constant 0 : i32
    return %arg0, %c0_i32 : i32, i32
  }
  func.func @transform_3(%arg0: i32) -> (i32, i32) {
    %c0_i32 = arith.constant 0 : i32
    %c0_i32_0 = arith.constant 0 : i32
    %c0_i32_1 = arith.constant 0 : i32
    return %c0_i32, %c0_i32_0 : i32, i32
  }
  func.func @transform_4(%arg0: i32) -> (i32, i32) {
    %c0_i32 = arith.constant 0 : i32
    %c0_i32_0 = arith.constant 0 : i32
    %c0_i32_1 = arith.constant 0 : i32
    return %c0_i32, %c0_i32_0 : i32, i32
  }
  func.func @transform_5(%arg0: i32) -> (i32, i32) {
    %c0_i32 = arith.constant 0 : i32
    %c0_i32_0 = arith.constant 0 : i32
    %c0_i32_1 = arith.constant 0 : i32
    return %c0_i32, %c0_i32_0 : i32, i32
  }
  func.func @transform_6(%arg0: i32) -> (i32, i32) {
    %c0_i32 = arith.constant 0 : i32
    %c0_i32_0 = arith.constant 0 : i32
    %c0_i32_1 = arith.constant 0 : i32
    return %c0_i32, %c0_i32_0 : i32, i32
  }
  func.func @transform_7(%arg0: i32) -> (i32, i32) {
    %c0_i32 = arith.constant 0 : i32
    %c0_i32_0 = arith.constant 0 : i32
    return %arg0, %c0_i32 : i32, i32
  }
}

module attributes {stable_mosaic.version = 14 : i64} {
  func.func @body(%arg0: i32, %arg1: memref<2x1024x16xf32, #tpu.memory_space<vmem>>, %arg2: memref<1024x16xf32, #tpu.memory_space<vmem>>, %arg3: memref<1024x16xf32, #tpu.memory_space<vmem>>, %arg4: memref<16x16xf32, #tpu.memory_space<vmem>>, %arg5: memref<1x16xf32, #tpu.memory_space<vmem>>, %arg6: memref<16x16xf32, #tpu.memory_space<vmem>>, %arg7: memref<1x16xf32, #tpu.memory_space<vmem>>, %arg8: memref<16x40xf32, #tpu.memory_space<vmem>>, %arg9: memref<1x40xf32, #tpu.memory_space<vmem>>, %arg10: memref<1024x40xf32, #tpu.memory_space<vmem>>) attributes {dimension_semantics = [#tpu.dimension_semantics<arbitrary>], iteration_bounds = array<i64: 10>, scalar_prefetch = 0 : i64, scratch_operands = 0 : i64, tpu.core_type = #tpu.core_type<tc>, window_params = [{transform_indices = @transform_0, window_bounds = array<i64: 2, 1024, 16>}, {transform_indices = @transform_1, window_bounds = array<i64: 1024, 16>}, {transform_indices = @transform_2, window_bounds = array<i64: 1024, 16>}, {pipeline_mode = #tpu.pipeline_mode<synchronous>, transform_indices = @transform_3, window_bounds = array<i64: 16, 16>}, {pipeline_mode = #tpu.pipeline_mode<synchronous>, transform_indices = @transform_4, window_bounds = array<i64: 1, 16>}, {pipeline_mode = #tpu.pipeline_mode<synchronous>, transform_indices = @transform_5, window_bounds = array<i64: 16, 16>}, {pipeline_mode = #tpu.pipeline_mode<synchronous>, transform_indices = @transform_6, window_bounds = array<i64: 1, 16>}, {pipeline_mode = #tpu.pipeline_mode<synchronous>, transform_indices = @transform_7, window_bounds = array<i64: 16, 40>}, {pipeline_mode = #tpu.pipeline_mode<synchronous>, transform_indices = @transform_8, window_bounds = array<i64: 1, 40>}, {transform_indices = @transform_9, window_bounds = array<i64: 1024, 40>}]} {
    %get3A = arith.constant 0 : index
    %get3A_0 = arith.constant 0 : index
    %get3A_1 = vector.load %arg2[%get3A, %get3A_0] : memref<1024x16xf32, #tpu.memory_space<vmem>>, vector<1024x16xf32>
    %get3A_2 = arith.constant 0 : index
    %get3A_3 = arith.constant 0 : index
    %get3A_4 = arith.constant 0 : index
    %get3A_5 = vector.load %arg1[%get3A_2, %get3A_3, %get3A_4] : memref<2x1024x16xf32, #tpu.memory_space<vmem>>, vector<1x1024x16xf32>
    %get3A_6 = vector.shape_cast %get3A_5 : vector<1x1024x16xf32> to vector<1024x16xf32>
    %add3A = arith.addf %get3A_1, %get3A_6 : vector<1024x16xf32>
    %get3A_7 = arith.constant 1 : index
    %get3A_8 = arith.constant 0 : index
    %get3A_9 = arith.constant 0 : index
    %get3A_10 = vector.load %arg1[%get3A_7, %get3A_8, %get3A_9] : memref<2x1024x16xf32, #tpu.memory_space<vmem>>, vector<1x1024x16xf32>
    %get3A_11 = vector.shape_cast %get3A_10 : vector<1x1024x16xf32> to vector<1024x16xf32>
    %add3A_12 = arith.addf %add3A, %get3A_11 : vector<1024x16xf32>
    %get3A_13 = arith.constant 0 : index
    %get3A_14 = arith.constant 0 : index
    %get3A_15 = vector.load %arg3[%get3A_13, %get3A_14] : memref<1024x16xf32, #tpu.memory_space<vmem>>, vector<1024x16xf32>
    %add3A_16 = arith.addf %add3A_12, %get3A_15 : vector<1024x16xf32>
    %max3A = arith.constant 0.000000e+00 : f32
    %max3A_17 = vector.broadcast %max3A : f32 to vector<1024x16xf32>
    %max3A_18 = arith.maximumf %add3A_16, %max3A_17 : vector<1024x16xf32>
    %get3A_19 = arith.constant 0 : index
    %get3A_20 = arith.constant 0 : index
    %get3A_21 = vector.load %arg4[%get3A_19, %get3A_20] : memref<16x16xf32, #tpu.memory_space<vmem>>, vector<16x16xf32>
    %dot_general3A = arith.constant dense<0.000000e+00> : vector<1024x16xf32>
    %dot_general3A_22 = tpu.matmul %max3A_18, %get3A_21, %dot_general3A {dimension_numbers = #tpu.dot_dimension_numbers<[1], [0], [0], [1], [0, 0, 1, 1], [], []>, transpose_lhs_hint = false} : vector<1024x16xf32>, vector<16x16xf32>, vector<1024x16xf32> -> vector<1024x16xf32>
    %get3A_23 = arith.constant 0 : index
    %get3A_24 = arith.constant 0 : index
    %get3A_25 = vector.load %arg5[%get3A_23, %get3A_24] : memref<1x16xf32, #tpu.memory_space<vmem>>, vector<1x16xf32>
    %add3A_26 = vector.broadcast %get3A_25 : vector<1x16xf32> to vector<1024x16xf32>
    %add3A_27 = arith.addf %dot_general3A_22, %add3A_26 : vector<1024x16xf32>
    %max3A_28 = arith.constant 0.000000e+00 : f32
    %max3A_29 = vector.broadcast %max3A_28 : f32 to vector<1024x16xf32>
    %max3A_30 = arith.maximumf %add3A_27, %max3A_29 : vector<1024x16xf32>
    %get3A_31 = arith.constant 0 : index
    %get3A_32 = arith.constant 0 : index
    %get3A_33 = vector.load %arg6[%get3A_31, %get3A_32] : memref<16x16xf32, #tpu.memory_space<vmem>>, vector<16x16xf32>
    %dot_general3A_34 = arith.constant dense<0.000000e+00> : vector<1024x16xf32>
    %dot_general3A_35 = tpu.matmul %max3A_30, %get3A_33, %dot_general3A_34 {dimension_numbers = #tpu.dot_dimension_numbers<[1], [0], [0], [1], [0, 0, 1, 1], [], []>, transpose_lhs_hint = false} : vector<1024x16xf32>, vector<16x16xf32>, vector<1024x16xf32> -> vector<1024x16xf32>
    %get3A_36 = arith.constant 0 : index
    %get3A_37 = arith.constant 0 : index
    %get3A_38 = vector.load %arg7[%get3A_36, %get3A_37] : memref<1x16xf32, #tpu.memory_space<vmem>>, vector<1x16xf32>
    %add3A_39 = vector.broadcast %get3A_38 : vector<1x16xf32> to vector<1024x16xf32>
    %add3A_40 = arith.addf %dot_general3A_35, %add3A_39 : vector<1024x16xf32>
    %max3A_41 = arith.constant 0.000000e+00 : f32
    %max3A_42 = vector.broadcast %max3A_41 : f32 to vector<1024x16xf32>
    %max3A_43 = arith.maximumf %add3A_40, %max3A_42 : vector<1024x16xf32>
    %get3A_44 = arith.constant 0 : index
    %get3A_45 = arith.constant 0 : index
    %get3A_46 = vector.load %arg8[%get3A_44, %get3A_45] : memref<16x40xf32, #tpu.memory_space<vmem>>, vector<16x40xf32>
    %dot_general3A_47 = arith.constant dense<0.000000e+00> : vector<1024x40xf32>
    %dot_general3A_48 = tpu.matmul %max3A_43, %get3A_46, %dot_general3A_47 {dimension_numbers = #tpu.dot_dimension_numbers<[1], [0], [0], [1], [0, 0, 1, 1], [], []>, transpose_lhs_hint = false} : vector<1024x16xf32>, vector<16x40xf32>, vector<1024x40xf32> -> vector<1024x40xf32>
    %get3A_49 = arith.constant 0 : index
    %get3A_50 = arith.constant 0 : index
    %get3A_51 = vector.load %arg9[%get3A_49, %get3A_50] : memref<1x40xf32, #tpu.memory_space<vmem>>, vector<1x40xf32>
    %add3A_52 = vector.broadcast %get3A_51 : vector<1x40xf32> to vector<1024x40xf32>
    %add3A_53 = arith.addf %dot_general3A_48, %add3A_52 : vector<1024x40xf32>
    %reduce_max3A = arith.constant dense<0xFF800000> : vector<1024xf32>
    %reduce_max3A_54 = vector.multi_reduction <maximumf>, %add3A_53, %reduce_max3A [1] : vector<1024x40xf32> to vector<1024xf32>
    %broadcast_in_dim3A = vector.shape_cast %reduce_max3A_54 : vector<1024xf32> to vector<1024x1xf32>
    %sub3A = vector.broadcast %broadcast_in_dim3A : vector<1024x1xf32> to vector<1024x40xf32>
    %sub3A_55 = arith.subf %add3A_53, %sub3A : vector<1024x40xf32>
    %exp3A = math.exp %sub3A_55 : vector<1024x40xf32>
    %reduce_sum3A = arith.constant dense<0.000000e+00> : vector<1024xf32>
    %reduce_sum3A_56 = vector.multi_reduction <add>, %exp3A, %reduce_sum3A [1] : vector<1024x40xf32> to vector<1024xf32>
    %broadcast_in_dim3A_57 = vector.shape_cast %reduce_sum3A_56 : vector<1024xf32> to vector<1024x1xf32>
    %log3A = math.log %broadcast_in_dim3A_57 : vector<1024x1xf32>
    %sub3A_58 = vector.broadcast %log3A : vector<1024x1xf32> to vector<1024x40xf32>
    %sub3A_59 = arith.subf %sub3A_55, %sub3A_58 : vector<1024x40xf32>
    %swap3A = arith.constant 0 : index
    %swap3A_60 = arith.constant 0 : index
    %swap3A_61 = vector.load %arg10[%swap3A, %swap3A_60] : memref<1024x40xf32, #tpu.memory_space<vmem>>, vector<1024x40xf32>
    tpu.vector_store %arg10[%swap3A, %swap3A_60], %sub3A_59 {strides = array<i32>} : memref<1024x40xf32, #tpu.memory_space<vmem>>, vector<1024x40xf32>,
    return
  }
  func.func @transform_0(%arg0: i32) -> (i32, i32, i32) {
    %c0_i32 = arith.constant 0 : i32
    %c0_i32_0 = arith.constant 0 : i32
    %c0_i32_1 = arith.constant 0 : i32
    return %c0_i32, %arg0, %c0_i32_0 : i32, i32, i32
  }
  func.func @transform_1(%arg0: i32) -> (i32, i32) {
    %c0_i32 = arith.constant 0 : i32
    %c0_i32_0 = arith.constant 0 : i32
    return %arg0, %c0_i32 : i32, i32
  }
  func.func @transform_2(%arg0: i32) -> (i32, i32) {
    %c0_i32 = arith.constant 0 : i32
    %c0_i32_0 = arith.constant 0 : i32
    return %arg0, %c0_i32 : i32, i32
  }
  func.func @transform_3(%arg0: i32) -> (i32, i32) {
    %c0_i32 = arith.constant 0 : i32
    %c0_i32_0 = arith.constant 0 : i32
    %c0_i32_1 = arith.constant 0 : i32
    return %c0_i32, %c0_i32_0 : i32, i32
  }
  func.func @transform_4(%arg0: i32) -> (i32, i32) {
    %c0_i32 = arith.constant 0 : i32
    %c0_i32_0 = arith.constant 0 : i32
    %c0_i32_1 = arith.constant 0 : i32
    return %c0_i32, %c0_i32_0 : i32, i32
  }
  func.func @transform_5(%arg0: i32) -> (i32, i32) {
    %c0_i32 = arith.constant 0 : i32
    %c0_i32_0 = arith.constant 0 : i32
    %c0_i32_1 = arith.constant 0 : i32
    return %c0_i32, %c0_i32_0 : i32, i32
  }
  func.func @transform_6(%arg0: i32) -> (i32, i32) {
    %c0_i32 = arith.constant 0 : i32
    %c0_i32_0 = arith.constant 0 : i32
    %c0_i32_1 = arith.constant 0 : i32
    return %c0_i32, %c0_i32_0 : i32, i32
  }
  func.func @transform_7(%arg0: i32) -> (i32, i32) {
    %c0_i32 = arith.constant 0 : i32
    %c0_i32_0 = arith.constant 0 : i32
    %c0_i32_1 = arith.constant 0 : i32
    return %c0_i32, %c0_i32_0 : i32, i32
  }
  func.func @transform_8(%arg0: i32) -> (i32, i32) {
    %c0_i32 = arith.constant 0 : i32
    %c0_i32_0 = arith.constant 0 : i32
    %c0_i32_1 = arith.constant 0 : i32
    return %c0_i32, %c0_i32_0 : i32, i32
  }
  func.func @transform_9(%arg0: i32) -> (i32, i32) {
    %c0_i32 = arith.constant 0 : i32
    %c0_i32_0 = arith.constant 0 : i32
    return %arg0, %c0_i32 : i32, i32
  }
}

</mosaic_0001>

<sc_bundles>
// kernel: kernel.10.cloned.1.call-start
scs
__scs_entry_jumppad:
0x0: {  	(pc) =	sbr.rel $0x88, $3  }
0x1: {  	(tag) =	ssettag $0x0;
	lr =	simm.s32 $0x1  }
0x2: {  	[smem:$0x3F8E] =	sst lr;
	_ =	strace $0xD0000000  }
0x3: {  	_ = 	snop  }
0x4: {  	_ = 	snop  }
0x5: {  	_ = 	snop  }
0x6: {  	_ = 	snop  }
0x7: {  	_ = 	snop  }
__scs_overlays_trampoline_lowered:
0x8: {  	[smem:$0x3F9D] =	sst s0  }
0x9: {  	[smem:$0x3F9E] =	sst s1  }
0xa: {  	[smem:$0x3F9F] =	sst s2  }
0xb: {  	[smem:$0x3FA0] =	sst s3  }
0xc: {  	[smem:$0x3FA1] =	sst s4  }
0xd: {  	[smem:$0x3FA2] =	sst s5  }
0xe: {  	[smem:$0x3FA3] =	sst s6  }
0xf: {  	[smem:$0x3FA4] =	sst s7  }
0x10: {  	[smem:$0x3FA5] =	sst s8  }
0x11: {  	[smem:$0x3FA6] =	sst s9;
	s0 =	simm.s32 @!p0 $0x0  }
0x12: {  	s1 =	sld [smem:$0x3F8C];
	s0 =	simm.s32 @p0 $0x1  }
0x13: {  	[smem:$0x3FA7] =	sst s0;
	s0 =	simm.s32 @!p1 $0x0  }
0x14: {  	s2 =	sld [smem:$0x3F8B];
	s0 =	simm.s32 @p1 $0x1  }
0x15: {  	[smem:$0x3FA8] =	sst s0;
	s0 =	simm.s32 @!p2 $0x0  }
0x16: {  	s3 =	sld [smem:$0x3FDB];
	s0 =	simm.s32 @p2 $0x1  }
0x17: {  	s4 =	simm.s32 $0x1BF5;
	[smem:$0x3FAA] =	sst s0  }
0x18: {  	s0 =	sld [smem:$0x3F8D];
	_ =	swait.ge [sflag:s4], $0x0  }
0x19: {  	s7 =	sld [smem:$0x3F8E]  }
0x1a: {  	s8 =	sadd.s32 $0xFFFFE003, lr  }
0x1b: {  	s9 =	sadd.s32 $0xFFFFFEF7, lr;
	s5 =	simm.s32 $0xFFFFFFFF;
	p2 =	slt.u32 s8, $0xFFFFF086  }
0x1c: {  	p1 =	slt.u32 s9, $0xF7A;
	s5 =	simm.s32 @!p2 $0x0  }
0x1d: {  	s5 =	simm.s32 @p1 $0x1;
	p0 =	seq.s32 s7, s2  }
0x1e: {  	s7 =	smul.u32 @!p0 $0xF7A, s2;
	p2 =	seq.s32 @!p0 s5, $0x0  }
0x1f: {  	s9 =	smul.u32 $0xF7A, s1;
	s8 =	simm.s32 @!p0 $0x1BF5;
	p2 =	por !p2, p0  }
0x20: {  	[sflag:s8] =	ssyncset.s32 @!p0 $0xFFFFF086;
	s6 =	sadd.s32 @!p0 s3, s7;
	s7 =	simm.s32 @!p0 $0x108  }
0x21: {  	s3 =	sadd.s32 s3, s9;
	s6 =	sadd.s32 @!p0 $0x88, s6;
	s7 =	simm.s32 @p2 $0x1082  }
0x22: {  	[simem:s7], [sflag:s8] =	dma.local @!p0 [hbm:s6], $0xF7A  }
0x23: {  	s9 =	sor.u32 $0xD0000000, s2;
	s6 =	simm.s32 $0x108;
	_ =	swait.ge @!p0 [sflag:s8], $0x0  }
0x24: {  	s3 =	sadd.s32 $0x88, s3;
	s6 =	simm.s32 @!p1 $0x1082;
	[sflag:s4] =	ssyncset.s32 $0xFFFFF086  }
0x25: {  	[simem:s6], [sflag:s4] =	dma.local [hbm:s3], $0xF7A  }
0x26: {  	[smem:$0x3F8E] =	sst s1;
	(tag) =	ssettag s2;
	_ =	strace s9  }
0x27: {  	s1 =	sld [smem:$0x3F9E]  }
0x28: {  	s2 =	sld [smem:$0x3F9F]  }
0x29: {  	s4 =	sld [smem:$0x3FA1]  }
0x2a: {  	p0 =	seq.s32 s5, $0x0;
	s5 =	sld [smem:$0x3FA2]  }
0x2b: {  	s6 =	sld [smem:$0x3FA3]  }
0x2c: {  	s7 =	sld [smem:$0x3FA4]  }
0x2d: {  	s3 =	simm.s32 $0x108;
	s8 =	sld [smem:$0x3FA5]  }
0x2e: {  	s3 =	simm.s32 @!p0 $0x1082;
	s9 =	sld [smem:$0x3FA6]  }
0x2f: {  	lr =	sadd.s32 s0, s3;
	s0 =	sld [smem:$0x3F9D]  }
0x30: {  	s3 =	sld [smem:$0x3FA0]  }
0x31: {  	[smem:$0x3FA9] =	sst s10  }
0x32: {  	s10 =	sld [smem:$0x3FA7];
	_ =	sdelay $0x3  }
0x33: {  	p0 =	seq.s32 s10, $0x1;
	s10 =	sld [smem:$0x3FA9];
	_ =	sdelay $0x3  }
0x34: {  	[smem:$0x3FA9] =	sst s10  }
0x35: {  	s10 =	sld [smem:$0x3FA8];
	_ =	sdelay $0x3  }
0x36: {  	p1 =	seq.s32 s10, $0x1;
	s10 =	sld [smem:$0x3FA9];
	_ =	sdelay $0x3  }
0x37: {  	[smem:$0x3FA9] =	sst s10  }
0x38: {  	s10 =	sld [smem:$0x3FAA]  }
0x39: {  	_ = 	snop;
	(pc) =	sbr.ind lr, $3  }
0x3a: {  	_ = 	snop  }
0x3b: {  	_ = 	snop  }
0x3c: {  	p2 =	seq.s32 s10, $0x1;
	s10 =	sld [smem:$0x3FA9]  }
0x3d: {  	_ =	shalt  }
0x3e: {  	_ =	shalt  }
0x3f: {  	_ =	shalt  }
0x40: {  	_ =	shalt  }
0x41: {  	_ =	shalt  }
0x42: {  	_ =	shalt  }
0x43: {  	_ =	shalt  }
0x44: {  	_ =	shalt  }
0x45: {  	_ =	shalt  }
0x46: {  	_ =	shalt  }
0x47: {  	_ =	shalt  }
0x48: {  	_ =	shalt  }
0x49: {  	_ =	shalt  }
0x4a: {  	_ =	shalt  }
0x4b: {  	_ =	shalt  }
0x4c: {  	_ =	shalt  }
0x4d: {  	_ =	shalt  }
0x4e: {  	_ =	shalt  }
0x4f: {  	_ =	shalt  }
0x50: {  	_ =	shalt  }
0x51: {  	_ =	shalt  }
0x52: {  	_ =	shalt  }
0x53: {  	_ =	shalt  }
0x54: {  	_ =	shalt  }
0x55: {  	_ =	shalt  }
0x56: {  	_ =	shalt  }
0x57: {  	_ =	shalt  }
0x58: {  	_ =	shalt  }
0x59: {  	_ =	shalt  }
0x5a: {  	_ =	shalt  }
0x5b: {  	_ =	shalt  }
0x5c: {  	_ =	shalt  }
0x5d: {  	_ =	shalt  }
0x5e: {  	_ =	shalt  }
0x5f: {  	_ =	shalt  }
0x60: {  	_ =	shalt  }
0x61: {  	_ =	shalt  }
0x62: {  	_ =	shalt  }
0x63: {  	_ =	shalt  }
0x64: {  	_ =	shalt  }
0x65: {  	_ =	shalt  }
0x66: {  	_ =	shalt  }
0x67: {  	_ =	shalt  }
0x68: {  	_ =	shalt  }
0x69: {  	_ =	shalt  }
0x6a: {  	_ =	shalt  }
0x6b: {  	_ =	shalt  }
0x6c: {  	_ =	shalt  }
0x6d: {  	_ =	shalt  }
0x6e: {  	_ =	shalt  }
0x6f: {  	_ =	shalt  }
0x70: {  	_ =	shalt  }
0x71: {  	_ =	shalt  }
0x72: {  	_ =	shalt  }
0x73: {  	_ =	shalt  }
0x74: {  	_ =	shalt  }
0x75: {  	_ =	shalt  }
0x76: {  	_ =	shalt  }
0x77: {  	_ =	shalt  }
0x78: {  	_ =	shalt  }
0x79: {  	_ =	shalt  }
0x7a: {  	_ =	shalt  }
0x7b: {  	_ =	shalt  }
0x7c: {  	_ =	shalt  }
0x7d: {  	_ =	shalt  }
0x7e: {  	_ =	shalt  }
0x7f: {  	_ =	shalt  }
0x80: {  	_ =	shalt  }
0x81: {  	_ =	shalt  }
0x82: {  	_ =	shalt  }
0x83: {  	_ =	shalt  }
0x84: {  	_ =	shalt  }
0x85: {  	_ =	shalt  }
0x86: {  	_ =	shalt  }
0x87: {  	_ =	shalt  }
.Lfunc_end0:
.L_simem_size_0:
called_computation_lowered:
.L_overlay_start_0:
0x88: {  	s2 =	sld [smem:$0x3FD9]  }
0x89: {  	s3 =	sld [smem:$0x3FFE];
	_ =	sdelay $0x1  }
0x8a: {  	s1 =	srdreg.scid  }
0x8b: {  	s0 =	sand.u32 $0x1, s1  }
0x8c: {  	s17 =	sshll.u32 s0, $0xA;
	s2 =	sadd.s32 s3, s2  }
0x8d: {  	s2 =	sadd.s32 s2, s17  }
0x8e: {  	[smem:$0x3FB5] =	sst s2  }
0x8f: {  	_ = 	snop  }
0x90: {  	s2 =	sld [smem:$0x3FD0];
	(tm) =	ssettm $0x1  }
0x91: {  	s18 =	sld [smem:$0x3FFB];
	_ =	sdelay $0x3  }
0x92: {  	_ =	strace s18  }
0x93: {  	s3 =	sld [smem:$0x3FFC];
	_ =	sdelay $0x3  }
0x94: {  	_ =	strace s3  }
0x95: {  	s3 =	sld [smem:$0x3FFD];
	_ =	sdelay $0x3  }
0x96: {  	_ =	strace s3  }
0x97: {  	_ =	strace $0x8FFFFFFF  }
0x98: {  	s19 =	sld [smem:$0x3FDB];
	_ =	sdelay $0x1  }
0x99: {  	s4 =	simm.s32 $_scs_section_size  }
0x9a: {  	s5 =	simm.s32 $_size__tile_overlayer_lowered;
	s6 =	simm.s32 $_tile_overlayer_lowered  }
0x9b: {  	s22 =	simm.s32 $0x1BFF;
	s21 =	sshll.u32 s6, $0x1;
	s3 =	sadd.s32 s4, s19  }
0x9c: {  	s7 =	simm.s32 $0x0;
	s20 =	sshll.u32 s5, $0x1;
	s5 =	sadd.s32 s21, s3  }
0x9d: {  	[timem:s7], [sflag:s22] =	dma.local [hbm:s5], s20  }
0x9e: {  	_ =	swait.ge [sflag:s22], s20  }
0x9f: {  	s4 =	ssub.s32 $0x0, s20;
	[sflag:s22] =	ssyncset.done $0x0  }
0xa0: {  	[sflag:s22] =	ssyncadd.s32 s4;
	_ =	sdelay $0x1  }
0xa1: {  	s23 =	simm.s32 $0x1B8B  }
0xa2: {  	_ =	swait.ge [sflag:s23], $0x1  }
0xa3: {  	[sflag:s23] =	ssyncset.done $0x0  }
0xa4: {  	s25 =	simm.s32 $0x1B8E;
	s24 =	sld [smem:$0x3FFE];
	[sflag:s23] =	ssyncadd.s32 $0xFFFFFFFF  }
0xa5: {  	s26 =	simm.s32 $execute0_lowered;
	[smem:$0x3FD2] =	sst s25  }
0xa6: {  	s5 =	sshll.u32 s26, $0x1;
	_ =	strace $0x80000046;
	[dreg:$0x1] =	wrdreg $0xFFFFFFFF  }
0xa7: {  	s28 =	simm.s32 $_size_execute0_lowered;
	s3 =	sadd.s32 s3, s5;
	[dreg:$0x0] =	wrdreg $0x0  }
0xa8: {  	s5 =	sshll.u32 s28, $0x1;
	[dreg:$0x2] =	wrdreg s3  }
0xa9: {  	[dreg:$0x3] =	wrdreg s5  }
0xaa: {  	[dreg:$0x4] =	wrdreg $0xC0  }
0xab: {  	_ =	task [dreg:s7], $0x5FFFF  }
0xac: {  	[dreg:$0x1] =	wrdreg $0xFFFFFFFF  }
0xad: {  	[dreg:$0x0] =	wrdreg $0x60  }
0xae: {  	[dreg:$0x2] =	wrdreg s24  }
0xaf: {  	[dreg:$0x3] =	wrdreg s2  }
0xb0: {  	[dreg:$0x4] =	wrdreg $0xB4A00  }
0xb1: {  	[dreg:$0x5] =	wrdreg $0xDCA00  }
0xb2: {  	[dreg:$0x6] =	wrdreg $0x9  }
0xb3: {  	_ =	task.clear_ibuf [dreg:s7], $0x7FFFF;
	_ =	strace $0x90000046  }
0xb4: {  	s29 =	simm.s32 $0x9;
	_ =	strace $0x80000048  }
0xb5: {  	_ =	swait.ge [sflag:s29], $0x1  }
0xb6: {  	[sflag:s29] =	ssyncadd.s32 $0xFFFFFFFF  }
0xb7: {  	_ =	strace $0x90000048  }
0xb8: {  	_ =	sfence  }
0xb9: {  	s30 =	sld [smem:$0x0];
	_ =	sdelay $0x2  }
0xba: {  	s31 =	sshll.u32 s1, $0xD;
	s1 =	sshrl.u32 s1, $0x2  }
0xbb: {  	s3 =	sand.u32 $0x4000, s31;
	s1 =	sadd.s32 s1, s30  }
0xbc: {  	s0 =	sor.u32 s3, s0;
	s1 =	sshll.u32 s1, $0x11  }
0xbd: {  	s0 =	sor.u32 s1, s0  }
0xbe: {  	s0 =	sadd.s32 $0x8F2B, s0  }
0xbf: {  	[sflag:s0] =	ssyncadd.remote.s32 $0x1  }
0xc0: {  	_ =	sfence.sel $0xFFFF  }
0xc1: {  	[dreg:$0x0] =	wrdreg $0xFFFFFFFF;
	(pc) =	sbr.abs _section_cstart, $3  }
0xc2: {  	[dreg:$0x1] =	wrdreg $0xFFFFFFFF  }
0xc3: {  	_ =	task.clear_ibuf [dreg:s7], $0x2FFFF;
	_ =	strace $0x9FFFFFFF  }
0xc4: {  	(tm) =	ssettm $0x7FFFFFFF  }
0xc5: {  	_ =	shalt  }
tec
execute0_lowered:
.L_overlay_start_1:
0x0: {  	(tag) =	ssettag $0x1  }
0x1: {  	s0 =	rddreg [dreg:$0x0]  }
0x2: {  	s4 =	rddreg [dreg:$0x1]  }
0x3: {  	s1 =	rddreg [dreg:$0x2]  }
0x4: {  	s2 =	rddreg [dreg:$0x3];
	s3 =	simm.s32 $0x0;
	s5 =	srdreg.scid  }
0x5: {  	s6 =	stileid.u32;
	s14 =	simm.s32 $0x2800;
	s28 =	simm.s32 $0x2  }
0x6: {  	s29 =	simm.s32 $0x3;
	s30 =	simm.s32 $0x4;
	s9 =	smul.u32 $0x2800, s6  }
0x7: {  	s31 =	simm.s32 $0x5;
	[smem:$0x7FF] =	sst s3;
	s12 =	smul.u32 $0x2710, s6  }
0x8: {  	s5 =	sand.u32 $0x1, s5;
	s24 =	sadd.s32 $0x4E5400, s0;
	s17 =	smul.u32 $0x4E20, s6  }
0x9: {  	s8 =	sadd.s32 $0x3400, s0;
	s18 =	sshll.u32 s6, $0x6;
	s7 =	smul.u32 $0x5000, s5  }
0xa: {  	_ =	strace $0x80000047;
	[dreg:$0xd] =	wrdreg s8;
	s10 =	smul.u32 $0x4E200, s5  }
0xb: {  	s15 =	ssub.s32 $0x2, s5;
	s16 =	smul.u32 $0x27100, s5;
	s5 =	sshll.u32 s5, $0x4  }
0xc: {  	s8 =	sor.u32 $0x1C0A, s18;
	s18 =	simm.s32 $0x6680;
	s11 =	sshrl.u32 s15, $0x1  }
0xd: {  	s5 =	sor.u32 s6, s5;
	s13 =	sadd.s32 s9, s1;
	s26 =	sadd.s32 s9, s2  }
0xe: {  	s9 =	sshrl.u32 s9, $0x3;
	s0 =	sadd.s32 s7, s0;
	s7 =	ssub.s32 s15, s11  }
0xf: {  	[dreg:$0xe] =	wrdreg s13;
	s12 =	sadd.s32 s12, s16;
	s10 =	sadd.s32 s17, s10  }
0x10: {  	s5 =	smul.u32 $0x500, s5;
	[dreg:$0xf] =	wrdreg s26;
	s15 =	simm.s32 $0x37A0  }
0x11: {  	s19 =	sshll.u32 s12, $0x1;
	[dreg:$0x5] =	wrdreg s10;
	s23 =	smax.u32 s7, $0x1  }
0x12: {  	s16 =	simm.s32 $0x4740;
	s25 =	sadd.s32 $0xDAC, s19;
	[dreg:$0x11] =	wrdreg s23  }
0x13: {  	s17 =	simm.s32 $0x56E0;
	s4 =	sadd.s32 s4, s5;
	[dreg:$0x6] =	wrdreg s25  }
0x14: {  	s13 =	sadd.s32 $0x3A00, s0;
	s6 =	sadd.s32 $0xBB8, s19;
	[dreg:$0x10] =	wrdreg s4  }
0x15: {  	s0 =	sadd.s32 $0xDA00, s0;
	s12 =	sadd.s32 $0x9C4, s19;
	[dreg:$0x7] =	wrdreg s6  }
0x16: {  	s7 =	simm.s32 $0x8;
	s20 =	sadd.s32 $0x7D0, s19;
	[dreg:$0x8] =	wrdreg s12  }
0x17: {  	s21 =	sadd.s32 $0x5DC, s19;
	s22 =	sadd.s32 $0x3E8, s19;
	[dreg:$0x9] =	wrdreg s20  }
0x18: {  	s26 =	sadd.s32 s9, s13;
	s0 =	sadd.s32 s9, s0;
	[dreg:$0xa] =	wrdreg s21  }
0x19: {  	s9 =	simm.s32 $0x0;
	[dreg:$0xb] =	wrdreg s22;
	s25 =	sadd.s32 $0x1F4, s19  }
0x1a: {  	s12 =	simm.s32 $0xA;
	s19 =	simm.s32 $0x7620;
	s20 =	simm.s32 $0x85C0  }
0x1b: {  	s21 =	simm.s32 $0x9560;
	s22 =	simm.s32 $0x1;
	[dreg:$0x12] =	wrdreg s26  }
0x1c: {  	[dreg:$0x13] =	wrdreg s0;
	s26 =	simm.s32 $0xA500;
	s0 =	simm.s32 $0x6  }
0x1d: {  	v0 =	vimm.f32 $1.000000000e+00;
	s4 =	simm.s32 $0x7;
	[dreg:$0xc] =	wrdreg s25;
	s25 =	simm.s32 $0xFA  }
.LBB2_1:
0x1e: {  	s5 =	simm.s32 $0x40;
	s10 =	simm.s32 $0x0  }
.LBB2_2:
0x1f: {  	p0 =	sne.s32 s5, $0x3E40;
	[tilespmem:s10+$0xA500] =	vst v0;
	s10 =	smov.u32 s5;
	s5 =	sadd.s32 $0x40, s5  }
.Ltmp0:
0x20: {  	(pc) =	sbr.rel @p0 .LBB2_2-.Ltmp0, $2  }
0x21: {  	_ =	sdelay $0x2  }
0x22: {  	s10 =	sshra.s32 s10, $0x2  }
0x23: {  	s5 =	rddreg [dreg:$0xe]  }
0x24: {  	[tilespmem:s10+$0xA500] =	vst v0;
	s10 =	rddreg [dreg:$0xd];
	s6 =	sshrl.u32 s5, $0x3  }
0x25: {  	[dreg:$0x14] =	wrdreg s6  }
0x26: {  	[spmem:s6], [sflag:s8] =	dma.local [hbm:s10], $0x500  }
0x27: {  	_ =	swait.ge [sflag:s12], $0x500  }
0x28: {  	s11 =	rddreg [dreg:$0xf]  }
0x29: {  	[sflag:s12] =	ssyncset.done $0x0;
	s6 =	sshrl.u32 s11, $0x3  }
0x2a: {  	[sflag:s12] =	ssyncadd.s32 $0xFFFFFB00;
	[dreg:$0x15] =	wrdreg s6  }
0x2b: {  	[spmem:s6], [sflag:s8] =	dma.local [hbm:s10], $0x500  }
0x2c: {  	_ =	swait.ge [sflag:s12], $0x500  }
0x2d: {  	s13 =	simm.s32 $0x0;
	[sflag:s12] =	ssyncset.done $0x0  }
0x2e: {  	s10 =	simm.s32 $0x9;
	s23 =	rddreg [dreg:$0x10];
	[sflag:s12] =	ssyncadd.s32 $0xFFFFFB00  }
0x2f: {  	[tilespmem:s13], [sflag:$0x9] =	stream.linear.gather [hbm4b:s23+s13], $0x2800, $0x38;
	[tilespmem:$0x104A0] =	vst v63  }
0x30: {  	_ =	swait.ge [sflag:s10], $0x2800  }
0x31: {  	[sflag:s10] =	ssyncset.done $0x0  }
0x32: {  	[sflag:s10] =	ssyncadd.s32 $0xFFFFD800  }
0x33: {  	[bflag:$0x0] =	sbarrier.arrive $0xFFFF  }
0x34: {  	s11 =	rddreg [dreg:$0x5]  }
0x35: {  	s13 =	rddreg [dreg:$0xc];
	s5 =	sadd.s32 s24, s11  }
0x36: {  	[tilespmem:s14], [sflag:$0x1] =	stream.linear.gather [hbm4b:s5+s3], $0xFA0, $0x38;
	[tilespmem:$0x104A0] =	vst v63  }
0x37: {  	s23 =	rddreg [dreg:$0xb];
	s13 =	sadd.s32 s24, s13  }
0x38: {  	[tilespmem:s15], [sflag:$0x2] =	stream.linear.gather [hbm4b:s13+s3], $0xFA0, $0x38;
	[tilespmem:$0x104A0] =	vst v63  }
0x39: {  	s6 =	rddreg [dreg:$0xa];
	s5 =	sadd.s32 s24, s23  }
0x3a: {  	[tilespmem:s16], [sflag:$0x3] =	stream.linear.gather [hbm4b:s5+s3], $0xFA0, $0x38;
	[tilespmem:$0x104A0] =	vst v63  }
0x3b: {  	s10 =	rddreg [dreg:$0x9];
	s13 =	sadd.s32 s24, s6  }
0x3c: {  	[tilespmem:s17], [sflag:$0x4] =	stream.linear.gather [hbm4b:s13+s3], $0xFA0, $0x38;
	[tilespmem:$0x104A0] =	vst v63  }
0x3d: {  	s11 =	rddreg [dreg:$0x8];
	s5 =	sadd.s32 s24, s10  }
0x3e: {  	[tilespmem:s18], [sflag:$0x5] =	stream.linear.gather [hbm4b:s5+s3], $0xFA0, $0x38;
	[tilespmem:$0x104A0] =	vst v63  }
0x3f: {  	s23 =	rddreg [dreg:$0x7];
	s13 =	sadd.s32 s24, s11  }
0x40: {  	[tilespmem:s19], [sflag:$0x6] =	stream.linear.gather [hbm4b:s13+s3], $0xFA0, $0x38;
	[tilespmem:$0x104A0] =	vst v63  }
0x41: {  	s6 =	rddreg [dreg:$0x6];
	s5 =	sadd.s32 s24, s23  }
0x42: {  	[tilespmem:s20], [sflag:$0x7] =	stream.linear.gather [hbm4b:s5+s3], $0xFA0, $0x38;
	[tilespmem:$0x104A0] =	vst v63  }
0x43: {  	s10 =	sadd.s32 s24, s6  }
0x44: {  	[tilespmem:s21], [sflag:$0x8] =	stream.linear.gather [hbm4b:s10+s3], $0xFA0, $0x38;
	[tilespmem:$0x104A0] =	vst v63  }
0x45: {  	_ =	swait.ge [sflag:s22], $0xFA0  }
0x46: {  	[sflag:s22] =	ssyncset.done $0x0  }
0x47: {  	s11 =	simm.s32 $0x0;
	[sflag:s22] =	ssyncadd.s32 $0xFFFFF060  }
0x48: {  	[spmem:s1] =	stream.indirect.scatter.add.f32 [tilespmem:s14], [sflag:$0xA], $0x10, s11, s25, $0xb8;
	[tilespmem:$0x104A0] =	vst v63  }
0x49: {  	_ =	swait.ge [sflag:s12], $0xFA0  }
0x4a: {  	[sflag:s12] =	ssyncset.done $0x0  }
0x4b: {  	[sflag:s12] =	ssyncadd.s32 $0xFFFFF060  }
0x4c: {  	[spmem:s2] =	stream.indirect.scatter.add.f32 [tilespmem:s26], [sflag:$0xA], $0x10, s11, s25, $0xb8;
	[tilespmem:$0x104A0] =	vst v63  }
0x4d: {  	_ =	swait.ge [sflag:s12], $0xFA0  }
0x4e: {  	[sflag:s12] =	ssyncset.done $0x0  }
0x4f: {  	[sflag:s12] =	ssyncadd.s32 $0xFFFFF060  }
0x50: {  	_ =	swait.ge [sflag:s28], $0xFA0  }
0x51: {  	[sflag:s28] =	ssyncset.done $0x0  }
0x52: {  	s13 =	simm.s32 $0x100;
	[sflag:s28] =	ssyncadd.s32 $0xFFFFF060  }
0x53: {  	[spmem:s1] =	stream.indirect.scatter.add.f32 [tilespmem:s15], [sflag:$0xA], $0x10, s13, s25, $0xb8;
	[tilespmem:$0x104A0] =	vst v63  }
0x54: {  	_ =	swait.ge [sflag:s12], $0xFA0  }
0x55: {  	[sflag:s12] =	ssyncset.done $0x0  }
0x56: {  	[sflag:s12] =	ssyncadd.s32 $0xFFFFF060  }
0x57: {  	[spmem:s2] =	stream.indirect.scatter.add.f32 [tilespmem:s26], [sflag:$0xA], $0x10, s13, s25, $0xb8;
	[tilespmem:$0x104A0] =	vst v63  }
0x58: {  	_ =	swait.ge [sflag:s12], $0xFA0  }
0x59: {  	[sflag:s12] =	ssyncset.done $0x0  }
0x5a: {  	[sflag:s12] =	ssyncadd.s32 $0xFFFFF060  }
0x5b: {  	_ =	swait.ge [sflag:s29], $0xFA0  }
0x5c: {  	[sflag:s29] =	ssyncset.done $0x0  }
0x5d: {  	s23 =	simm.s32 $0x200;
	[sflag:s29] =	ssyncadd.s32 $0xFFFFF060  }
0x5e: {  	[spmem:s1] =	stream.indirect.scatter.add.f32 [tilespmem:s16], [sflag:$0xA], $0x10, s23, s25, $0xb8;
	[tilespmem:$0x104A0] =	vst v63  }
0x5f: {  	_ =	swait.ge [sflag:s12], $0xFA0  }
0x60: {  	[sflag:s12] =	ssyncset.done $0x0  }
0x61: {  	[sflag:s12] =	ssyncadd.s32 $0xFFFFF060  }
0x62: {  	[spmem:s2] =	stream.indirect.scatter.add.f32 [tilespmem:s26], [sflag:$0xA], $0x10, s23, s25, $0xb8;
	[tilespmem:$0x104A0] =	vst v63  }
0x63: {  	_ =	swait.ge [sflag:s12], $0xFA0  }
0x64: {  	[sflag:s12] =	ssyncset.done $0x0  }
0x65: {  	[sflag:s12] =	ssyncadd.s32 $0xFFFFF060  }
0x66: {  	_ =	swait.ge [sflag:s30], $0xFA0  }
0x67: {  	[sflag:s30] =	ssyncset.done $0x0  }
0x68: {  	s6 =	simm.s32 $0x300;
	[sflag:s30] =	ssyncadd.s32 $0xFFFFF060  }
0x69: {  	[spmem:s1] =	stream.indirect.scatter.add.f32 [tilespmem:s17], [sflag:$0xA], $0x10, s6, s25, $0xb8;
	[tilespmem:$0x104A0] =	vst v63  }
0x6a: {  	_ =	swait.ge [sflag:s12], $0xFA0  }
0x6b: {  	[sflag:s12] =	ssyncset.done $0x0  }
0x6c: {  	[sflag:s12] =	ssyncadd.s32 $0xFFFFF060  }
0x6d: {  	[spmem:s2] =	stream.indirect.scatter.add.f32 [tilespmem:s26], [sflag:$0xA], $0x10, s6, s25, $0xb8;
	[tilespmem:$0x104A0] =	vst v63  }
0x6e: {  	_ =	swait.ge [sflag:s12], $0xFA0  }
0x6f: {  	[sflag:s12] =	ssyncset.done $0x0  }
0x70: {  	[sflag:s12] =	ssyncadd.s32 $0xFFFFF060  }
0x71: {  	_ =	swait.ge [sflag:s31], $0xFA0  }
0x72: {  	[sflag:s31] =	ssyncset.done $0x0  }
0x73: {  	s10 =	simm.s32 $0x400;
	[sflag:s31] =	ssyncadd.s32 $0xFFFFF060  }
0x74: {  	[spmem:s1] =	stream.indirect.scatter.add.f32 [tilespmem:s18], [sflag:$0xA], $0x10, s10, s25, $0xb8;
	[tilespmem:$0x104A0] =	vst v63  }
0x75: {  	_ =	swait.ge [sflag:s12], $0xFA0  }
0x76: {  	[sflag:s12] =	ssyncset.done $0x0  }
0x77: {  	[sflag:s12] =	ssyncadd.s32 $0xFFFFF060  }
0x78: {  	[spmem:s2] =	stream.indirect.scatter.add.f32 [tilespmem:s26], [sflag:$0xA], $0x10, s10, s25, $0xb8;
	[tilespmem:$0x104A0] =	vst v63  }
0x79: {  	_ =	swait.ge [sflag:s12], $0xFA0  }
0x7a: {  	[sflag:s12] =	ssyncset.done $0x0  }
0x7b: {  	[sflag:s12] =	ssyncadd.s32 $0xFFFFF060  }
0x7c: {  	_ =	swait.ge [sflag:s0], $0xFA0  }
0x7d: {  	[sflag:s0] =	ssyncset.done $0x0  }
0x7e: {  	s11 =	simm.s32 $0x500;
	[sflag:s0] =	ssyncadd.s32 $0xFFFFF060  }
0x7f: {  	[spmem:s1] =	stream.indirect.scatter.add.f32 [tilespmem:s19], [sflag:$0xA], $0x10, s11, s25, $0xb8;
	[tilespmem:$0x104A0] =	vst v63  }
0x80: {  	_ =	swait.ge [sflag:s12], $0xFA0  }
0x81: {  	[sflag:s12] =	ssyncset.done $0x0  }
0x82: {  	[sflag:s12] =	ssyncadd.s32 $0xFFFFF060  }
0x83: {  	[spmem:s2] =	stream.indirect.scatter.add.f32 [tilespmem:s26], [sflag:$0xA], $0x10, s11, s25, $0xb8;
	[tilespmem:$0x104A0] =	vst v63  }
0x84: {  	_ =	swait.ge [sflag:s12], $0xFA0  }
0x85: {  	[sflag:s12] =	ssyncset.done $0x0  }
0x86: {  	[sflag:s12] =	ssyncadd.s32 $0xFFFFF060  }
0x87: {  	_ =	swait.ge [sflag:s4], $0xFA0  }
0x88: {  	[sflag:s4] =	ssyncset.done $0x0  }
0x89: {  	s13 =	simm.s32 $0x600;
	[sflag:s4] =	ssyncadd.s32 $0xFFFFF060  }
0x8a: {  	[spmem:s1] =	stream.indirect.scatter.add.f32 [tilespmem:s20], [sflag:$0xA], $0x10, s13, s25, $0xb8;
	[tilespmem:$0x104A0] =	vst v63  }
0x8b: {  	_ =	swait.ge [sflag:s12], $0xFA0  }
0x8c: {  	[sflag:s12] =	ssyncset.done $0x0  }
0x8d: {  	[sflag:s12] =	ssyncadd.s32 $0xFFFFF060  }
0x8e: {  	[spmem:s2] =	stream.indirect.scatter.add.f32 [tilespmem:s26], [sflag:$0xA], $0x10, s13, s25, $0xb8;
	[tilespmem:$0x104A0] =	vst v63  }
0x8f: {  	_ =	swait.ge [sflag:s12], $0xFA0  }
0x90: {  	[sflag:s12] =	ssyncset.done $0x0  }
0x91: {  	[sflag:s12] =	ssyncadd.s32 $0xFFFFF060  }
0x92: {  	_ =	swait.ge [sflag:s7], $0xFA0  }
0x93: {  	[sflag:s7] =	ssyncset.done $0x0  }
0x94: {  	s23 =	simm.s32 $0x700;
	[sflag:s7] =	ssyncadd.s32 $0xFFFFF060  }
0x95: {  	[spmem:s1] =	stream.indirect.scatter.add.f32 [tilespmem:s21], [sflag:$0xA], $0x10, s23, s25, $0xb8;
	[tilespmem:$0x104A0] =	vst v63  }
0x96: {  	_ =	swait.ge [sflag:s12], $0xFA0  }
0x97: {  	[sflag:s12] =	ssyncset.done $0x0  }
0x98: {  	[sflag:s12] =	ssyncadd.s32 $0xFFFFF060  }
0x99: {  	[spmem:s2] =	stream.indirect.scatter.add.f32 [tilespmem:s26], [sflag:$0xA], $0x10, s23, s25, $0xb8;
	[tilespmem:$0x104A0] =	vst v63  }
0x9a: {  	s5 =	smov.u32 s24;
	s23 =	simm.s32 $0x2000;
	_ =	swait.ge [sflag:s12], $0xFA0  }
.LBB2_4:
0x9b: {  	s13 =	rddreg [dreg:$0x5];
	[sflag:s12] =	ssyncset.done $0x0;
	s5 =	sadd.s32 $0xFA0, s5  }
0x9c: {  	s10 =	rddreg [dreg:$0xc];
	s13 =	sadd.s32 s5, s13;
	[sflag:s12] =	ssyncadd.s32 $0xFFFFF060  }
0x9d: {  	[tilespmem:s14], [sflag:$0x1] =	stream.linear.gather [hbm4b:s13+s3], $0xFA0, $0x38;
	[tilespmem:$0x104A0] =	vst v63  }
0x9e: {  	s11 =	rddreg [dreg:$0xb];
	s10 =	sadd.s32 s5, s10  }
0x9f: {  	[tilespmem:s15], [sflag:$0x2] =	stream.linear.gather [hbm4b:s10+s3], $0xFA0, $0x38;
	[tilespmem:$0x104A0] =	vst v63  }
0xa0: {  	s13 =	rddreg [dreg:$0xa];
	s10 =	sadd.s32 s5, s11  }
0xa1: {  	[tilespmem:s16], [sflag:$0x3] =	stream.linear.gather [hbm4b:s10+s3], $0xFA0, $0x38;
	[tilespmem:$0x104A0] =	vst v63  }
0xa2: {  	s11 =	rddreg [dreg:$0x9];
	s10 =	sadd.s32 s5, s13  }
0xa3: {  	[tilespmem:s17], [sflag:$0x4] =	stream.linear.gather [hbm4b:s10+s3], $0xFA0, $0x38;
	[tilespmem:$0x104A0] =	vst v63  }
0xa4: {  	s13 =	rddreg [dreg:$0x8];
	s10 =	sadd.s32 s5, s11  }
0xa5: {  	[tilespmem:s18], [sflag:$0x5] =	stream.linear.gather [hbm4b:s10+s3], $0xFA0, $0x38;
	[tilespmem:$0x104A0] =	vst v63  }
0xa6: {  	s11 =	rddreg [dreg:$0x7];
	s10 =	sadd.s32 s5, s13  }
0xa7: {  	[tilespmem:s19], [sflag:$0x6] =	stream.linear.gather [hbm4b:s10+s3], $0xFA0, $0x38;
	[tilespmem:$0x104A0] =	vst v63  }
0xa8: {  	s11 =	sadd.s32 s5, s11;
	s13 =	rddreg [dreg:$0x6]  }
0xa9: {  	[tilespmem:s20], [sflag:$0x7] =	stream.linear.gather [hbm4b:s11+s3], $0xFA0, $0x38;
	[tilespmem:$0x104A0] =	vst v63  }
0xaa: {  	s13 =	sadd.s32 s5, s13  }
0xab: {  	[tilespmem:s21], [sflag:$0x8] =	stream.linear.gather [hbm4b:s13+s3], $0xFA0, $0x38;
	[tilespmem:$0x104A0] =	vst v63  }
0xac: {  	_ =	swait.ge [sflag:s22], $0xFA0  }
0xad: {  	s6 =	smov.u32 s23;
	[sflag:s22] =	ssyncset.done $0x0  }
0xae: {  	s13 =	sshra.s32 s6, $0x2;
	[sflag:s22] =	ssyncadd.s32 $0xFFFFF060  }
0xaf: {  	[spmem:s1] =	stream.indirect.scatter.add.f32 [tilespmem:s14], [sflag:$0xA], $0x10, s13, s25, $0xb8;
	[tilespmem:$0x104A0] =	vst v63  }
0xb0: {  	_ =	swait.ge [sflag:s12], $0xFA0  }
0xb1: {  	[sflag:s12] =	ssyncset.done $0x0  }
0xb2: {  	[sflag:s12] =	ssyncadd.s32 $0xFFFFF060  }
0xb3: {  	[spmem:s2] =	stream.indirect.scatter.add.f32 [tilespmem:s26], [sflag:$0xA], $0x10, s13, s25, $0xb8;
	[tilespmem:$0x104A0] =	vst v63  }
0xb4: {  	_ =	swait.ge [sflag:s12], $0xFA0  }
0xb5: {  	[sflag:s12] =	ssyncset.done $0x0  }
0xb6: {  	[sflag:s12] =	ssyncadd.s32 $0xFFFFF060  }
0xb7: {  	_ =	swait.ge [sflag:s28], $0xFA0  }
0xb8: {  	[sflag:s28] =	ssyncset.done $0x0  }
0xb9: {  	s6 =	sadd.s32 $0x100, s13;
	[sflag:s28] =	ssyncadd.s32 $0xFFFFF060  }
0xba: {  	[spmem:s1] =	stream.indirect.scatter.add.f32 [tilespmem:s15], [sflag:$0xA], $0x10, s6, s25, $0xb8;
	[tilespmem:$0x104A0] =	vst v63  }
0xbb: {  	_ =	swait.ge [sflag:s12], $0xFA0  }
0xbc: {  	[sflag:s12] =	ssyncset.done $0x0  }
0xbd: {  	[sflag:s12] =	ssyncadd.s32 $0xFFFFF060  }
0xbe: {  	[spmem:s2] =	stream.indirect.scatter.add.f32 [tilespmem:s26], [sflag:$0xA], $0x10, s6, s25, $0xb8;
	[tilespmem:$0x104A0] =	vst v63  }
0xbf: {  	_ =	swait.ge [sflag:s12], $0xFA0  }
0xc0: {  	[sflag:s12] =	ssyncset.done $0x0  }
0xc1: {  	[sflag:s12] =	ssyncadd.s32 $0xFFFFF060  }
0xc2: {  	_ =	swait.ge [sflag:s29], $0xFA0  }
0xc3: {  	[sflag:s29] =	ssyncset.done $0x0  }
0xc4: {  	s11 =	sadd.s32 $0x200, s13;
	[sflag:s29] =	ssyncadd.s32 $0xFFFFF060  }
0xc5: {  	[spmem:s1] =	stream.indirect.scatter.add.f32 [tilespmem:s16], [sflag:$0xA], $0x10, s11, s25, $0xb8;
	[tilespmem:$0x104A0] =	vst v63  }
0xc6: {  	_ =	swait.ge [sflag:s12], $0xFA0  }
0xc7: {  	[sflag:s12] =	ssyncset.done $0x0  }
0xc8: {  	[sflag:s12] =	ssyncadd.s32 $0xFFFFF060  }
0xc9: {  	[spmem:s2] =	stream.indirect.scatter.add.f32 [tilespmem:s26], [sflag:$0xA], $0x10, s11, s25, $0xb8;
	[tilespmem:$0x104A0] =	vst v63  }
0xca: {  	_ =	swait.ge [sflag:s12], $0xFA0  }
0xcb: {  	[sflag:s12] =	ssyncset.done $0x0  }
0xcc: {  	[sflag:s12] =	ssyncadd.s32 $0xFFFFF060  }
0xcd: {  	_ =	swait.ge [sflag:s30], $0xFA0  }
0xce: {  	[sflag:s30] =	ssyncset.done $0x0  }
0xcf: {  	s10 =	sadd.s32 $0x300, s13;
	[sflag:s30] =	ssyncadd.s32 $0xFFFFF060  }
0xd0: {  	[spmem:s1] =	stream.indirect.scatter.add.f32 [tilespmem:s17], [sflag:$0xA], $0x10, s10, s25, $0xb8;
	[tilespmem:$0x104A0] =	vst v63  }
0xd1: {  	_ =	swait.ge [sflag:s12], $0xFA0  }
0xd2: {  	[sflag:s12] =	ssyncset.done $0x0  }
0xd3: {  	[sflag:s12] =	ssyncadd.s32 $0xFFFFF060  }
0xd4: {  	[spmem:s2] =	stream.indirect.scatter.add.f32 [tilespmem:s26], [sflag:$0xA], $0x10, s10, s25, $0xb8;
	[tilespmem:$0x104A0] =	vst v63  }
0xd5: {  	_ =	swait.ge [sflag:s12], $0xFA0  }
0xd6: {  	[sflag:s12] =	ssyncset.done $0x0  }
0xd7: {  	[sflag:s12] =	ssyncadd.s32 $0xFFFFF060  }
0xd8: {  	_ =	swait.ge [sflag:s31], $0xFA0  }
0xd9: {  	[sflag:s31] =	ssyncset.done $0x0  }
0xda: {  	s11 =	sadd.s32 $0x400, s13;
	[sflag:s31] =	ssyncadd.s32 $0xFFFFF060  }
0xdb: {  	[spmem:s1] =	stream.indirect.scatter.add.f32 [tilespmem:s18], [sflag:$0xA], $0x10, s11, s25, $0xb8;
	[tilespmem:$0x104A0] =	vst v63  }
0xdc: {  	_ =	swait.ge [sflag:s12], $0xFA0  }
0xdd: {  	[sflag:s12] =	ssyncset.done $0x0  }
0xde: {  	[sflag:s12] =	ssyncadd.s32 $0xFFFFF060  }
0xdf: {  	[spmem:s2] =	stream.indirect.scatter.add.f32 [tilespmem:s26], [sflag:$0xA], $0x10, s11, s25, $0xb8;
	[tilespmem:$0x104A0] =	vst v63  }
0xe0: {  	_ =	swait.ge [sflag:s12], $0xFA0  }
0xe1: {  	[sflag:s12] =	ssyncset.done $0x0  }
0xe2: {  	[sflag:s12] =	ssyncadd.s32 $0xFFFFF060  }
0xe3: {  	_ =	swait.ge [sflag:s0], $0xFA0  }
0xe4: {  	[sflag:s0] =	ssyncset.done $0x0  }
0xe5: {  	s10 =	sadd.s32 $0x500, s13;
	[sflag:s0] =	ssyncadd.s32 $0xFFFFF060  }
0xe6: {  	[spmem:s1] =	stream.indirect.scatter.add.f32 [tilespmem:s19], [sflag:$0xA], $0x10, s10, s25, $0xb8;
	[tilespmem:$0x104A0] =	vst v63  }
0xe7: {  	_ =	swait.ge [sflag:s12], $0xFA0  }
0xe8: {  	[sflag:s12] =	ssyncset.done $0x0  }
0xe9: {  	[sflag:s12] =	ssyncadd.s32 $0xFFFFF060  }
0xea: {  	[spmem:s2] =	stream.indirect.scatter.add.f32 [tilespmem:s26], [sflag:$0xA], $0x10, s10, s25, $0xb8;
	[tilespmem:$0x104A0] =	vst v63  }
0xeb: {  	_ =	swait.ge [sflag:s12], $0xFA0  }
0xec: {  	[sflag:s12] =	ssyncset.done $0x0  }
0xed: {  	[sflag:s12] =	ssyncadd.s32 $0xFFFFF060  }
0xee: {  	_ =	swait.ge [sflag:s4], $0xFA0  }
0xef: {  	[sflag:s4] =	ssyncset.done $0x0  }
0xf0: {  	s11 =	sadd.s32 $0x600, s13;
	[sflag:s4] =	ssyncadd.s32 $0xFFFFF060  }
0xf1: {  	[spmem:s1] =	stream.indirect.scatter.add.f32 [tilespmem:s20], [sflag:$0xA], $0x10, s11, s25, $0xb8;
	[tilespmem:$0x104A0] =	vst v63  }
0xf2: {  	_ =	swait.ge [sflag:s12], $0xFA0  }
0xf3: {  	[sflag:s12] =	ssyncset.done $0x0  }
0xf4: {  	[sflag:s12] =	ssyncadd.s32 $0xFFFFF060  }
0xf5: {  	[spmem:s2] =	stream.indirect.scatter.add.f32 [tilespmem:s26], [sflag:$0xA], $0x10, s11, s25, $0xb8;
	[tilespmem:$0x104A0] =	vst v63  }
0xf6: {  	_ =	swait.ge [sflag:s12], $0xFA0  }
0xf7: {  	[sflag:s12] =	ssyncset.done $0x0  }
0xf8: {  	[sflag:s12] =	ssyncadd.s32 $0xFFFFF060  }
0xf9: {  	_ =	swait.ge [sflag:s7], $0xFA0  }
0xfa: {  	[sflag:s7] =	ssyncset.done $0x0  }
0xfb: {  	p0 =	sne.s32 s23, $0x8000;
	s13 =	sadd.s32 $0x700, s13;
	[sflag:s7] =	ssyncadd.s32 $0xFFFFF060  }
0xfc: {  	[spmem:s1] =	stream.indirect.scatter.add.f32 [tilespmem:s21], [sflag:$0xA], $0x10, s13, s25, $0xb8;
	[tilespmem:$0x104A0] =	vst v63  }
.Ltmp1:
0xfd: {  	_ =	swait.ge [sflag:s12], $0xFA0;
	(pc) =	sbr.rel @p0 .LBB2_4-.Ltmp1, $4  }
0xfe: {  	[sflag:s12] =	ssyncset.done $0x0  }
0xff: {  	[sflag:s12] =	ssyncadd.s32 $0xFFFFF060  }
0x100: {  	[spmem:s2] =	stream.indirect.scatter.add.f32 [tilespmem:s26], [sflag:$0xA], $0x10, s13, s25, $0xb8;
	[tilespmem:$0x104A0] =	vst v63  }
0x101: {  	s23 =	sadd.s32 $0x2000, s23;
	_ =	swait.ge [sflag:s12], $0xFA0  }
0x102: {  	[sflag:s12] =	ssyncset.done $0x0  }
0x103: {  	[sflag:s12] =	ssyncadd.s32 $0xFFFFF060  }
0x104: {  	[bflag:$0x0] =	sbarrier.arrive $0xFFFF  }
0x105: {  	s5 =	rddreg [dreg:$0x12]  }
0x106: {  	s6 =	rddreg [dreg:$0x14]  }
0x107: {  	[hbm:s5], [sflag:s8] =	dma.local [spmem:s6], $0x500  }
0x108: {  	_ =	swait.ge [sflag:s12], $0x500  }
0x109: {  	[sflag:s12] =	ssyncset.done $0x0;
	s11 =	rddreg [dreg:$0x13]  }
0x10a: {  	s13 =	rddreg [dreg:$0x15];
	[sflag:s12] =	ssyncadd.s32 $0xFFFFFB00  }
0x10b: {  	[hbm:s11], [sflag:s8] =	dma.local [spmem:s13], $0x500  }
0x10c: {  	_ =	swait.ge [sflag:s12], $0x500  }
0x10d: {  	s9 =	sadd.s32 $0x1, s9;
	s23 =	rddreg [dreg:$0x11]  }
0x10e: {  	p0 =	sne.s32 s9, s23  }
.Ltmp2:
0x10f: {  	_ = 	snop;
	(pc) =	sbr.rel @p0 .LBB2_1-.Ltmp2, $3  }
0x110: {  	_ =	sdelay $0x1  }
0x111: {  	[sflag:s12] =	ssyncset.done $0x0  }
0x112: {  	[sflag:s12] =	ssyncadd.s32 $0xFFFFFB00  }
0x113: {  	_ =	sfence.sel $0x180000  }
0x114: {  	[bflag:$0x0] =	sbarrier.arrive $0xFFFF  }
0x115: {  	_ =	strace $0x90000047  }
0x116: {  	s0 =	stileid.u32;
	[bflag:$0x2] =	sbarrier.arrive $0xFFFF  }
0x117: {  	p0 =	sne.s32 s0, $0x0;
	s0 =	rddreg [dreg:$0x4]  }
0x118: {  	s0 =	sadd.s32 @!p0 $0x100000, s0  }
0x119: {  	[sflag:s0] =	ssyncadd.tile.s32 @!p0 $0x1;
	_ =	shalt  }
.Lfunc_end2:
_tile_overlayer_lowered:
.L_overlay_start_2:
0x11a: {  	(tag) =	ssettag $0x2  }
0x11b: {  	s0 =	rddreg [dreg:$0x0];
	s2 =	stileid.u32  }
0x11c: {  	s1 =	rddreg [dreg:$0x1];
	p0 =	sne.s32 s2, $0x0  }
0x11d: {  	s3 =	rddreg [dreg:$0x2];
	[bflag:$0x3] =	sbarrier.arrive $0xFFFF;
	s2 =	simm.s32 @!p0 $0x1C0A  }
0x11e: {  	[timem:s3], [sflag:s2] =	dma.local @!p0 [hbm:s0], s1  }
0x11f: {  	s0 =	simm.s32 @!p0 $0xA  }
0x120: {  	_ =	swait.ge @!p0 [sflag:s0], s1  }
0x121: {  	s1 =	ssub.s32 @!p0 $0x0, s1;
	[sflag:s0] =	ssyncset.done @!p0 $0x0  }
0x122: {  	[sflag:s0] =	ssyncadd.s32 @!p0 s1  }
0x123: {  	[bflag:$0x3] =	sbarrier.arrive $0xFFFF  }
0x124: {  	_ =	shalt  }

// kernel: kernel.13.cloned.1.call-start
scs
__scs_entry_jumppad:
0x0: {  	(pc) =	sbr.rel $0x88, $3  }
0x1: {  	(tag) =	ssettag $0x0;
	lr =	simm.s32 $0x1  }
0x2: {  	[smem:$0x3F8E] =	sst lr;
	_ =	strace $0xD0000000  }
0x3: {  	_ = 	snop  }
0x4: {  	_ = 	snop  }
0x5: {  	_ = 	snop  }
0x6: {  	_ = 	snop  }
0x7: {  	_ = 	snop  }
__scs_overlays_trampoline_lowered:
0x8: {  	[smem:$0x3F9D] =	sst s0  }
0x9: {  	[smem:$0x3F9E] =	sst s1  }
0xa: {  	[smem:$0x3F9F] =	sst s2  }
0xb: {  	[smem:$0x3FA0] =	sst s3  }
0xc: {  	[smem:$0x3FA1] =	sst s4  }
0xd: {  	[smem:$0x3FA2] =	sst s5  }
0xe: {  	[smem:$0x3FA3] =	sst s6  }
0xf: {  	[smem:$0x3FA4] =	sst s7  }
0x10: {  	[smem:$0x3FA5] =	sst s8  }
0x11: {  	[smem:$0x3FA6] =	sst s9;
	s0 =	simm.s32 @!p0 $0x0  }
0x12: {  	s1 =	sld [smem:$0x3F8C];
	s0 =	simm.s32 @p0 $0x1  }
0x13: {  	[smem:$0x3FA7] =	sst s0;
	s0 =	simm.s32 @!p1 $0x0  }
0x14: {  	s2 =	sld [smem:$0x3F8B];
	s0 =	simm.s32 @p1 $0x1  }
0x15: {  	[smem:$0x3FA8] =	sst s0;
	s0 =	simm.s32 @!p2 $0x0  }
0x16: {  	s3 =	sld [smem:$0x3FDB];
	s0 =	simm.s32 @p2 $0x1  }
0x17: {  	s4 =	simm.s32 $0x1BF5;
	[smem:$0x3FAA] =	sst s0  }
0x18: {  	s0 =	sld [smem:$0x3F8D];
	_ =	swait.ge [sflag:s4], $0x0  }
0x19: {  	s7 =	sld [smem:$0x3F8E]  }
0x1a: {  	s8 =	sadd.s32 $0xFFFFE003, lr  }
0x1b: {  	s9 =	sadd.s32 $0xFFFFFEF7, lr;
	s5 =	simm.s32 $0xFFFFFFFF;
	p2 =	slt.u32 s8, $0xFFFFF086  }
0x1c: {  	p1 =	slt.u32 s9, $0xF7A;
	s5 =	simm.s32 @!p2 $0x0  }
0x1d: {  	s5 =	simm.s32 @p1 $0x1;
	p0 =	seq.s32 s7, s2  }
0x1e: {  	s7 =	smul.u32 @!p0 $0xF7A, s2;
	p2 =	seq.s32 @!p0 s5, $0x0  }
0x1f: {  	s9 =	smul.u32 $0xF7A, s1;
	s8 =	simm.s32 @!p0 $0x1BF5;
	p2 =	por !p2, p0  }
0x20: {  	[sflag:s8] =	ssyncset.s32 @!p0 $0xFFFFF086;
	s6 =	sadd.s32 @!p0 s3, s7;
	s7 =	simm.s32 @!p0 $0x108  }
0x21: {  	s3 =	sadd.s32 s3, s9;
	s6 =	sadd.s32 @!p0 $0x88, s6;
	s7 =	simm.s32 @p2 $0x1082  }
0x22: {  	[simem:s7], [sflag:s8] =	dma.local @!p0 [hbm:s6], $0xF7A  }
0x23: {  	s9 =	sor.u32 $0xD0000000, s2;
	s6 =	simm.s32 $0x108;
	_ =	swait.ge @!p0 [sflag:s8], $0x0  }
0x24: {  	s3 =	sadd.s32 $0x88, s3;
	s6 =	simm.s32 @!p1 $0x1082;
	[sflag:s4] =	ssyncset.s32 $0xFFFFF086  }
0x25: {  	[simem:s6], [sflag:s4] =	dma.local [hbm:s3], $0xF7A  }
0x26: {  	[smem:$0x3F8E] =	sst s1;
	(tag) =	ssettag s2;
	_ =	strace s9  }
0x27: {  	s1 =	sld [smem:$0x3F9E]  }
0x28: {  	s2 =	sld [smem:$0x3F9F]  }
0x29: {  	s4 =	sld [smem:$0x3FA1]  }
0x2a: {  	p0 =	seq.s32 s5, $0x0;
	s5 =	sld [smem:$0x3FA2]  }
0x2b: {  	s6 =	sld [smem:$0x3FA3]  }
0x2c: {  	s7 =	sld [smem:$0x3FA4]  }
0x2d: {  	s3 =	simm.s32 $0x108;
	s8 =	sld [smem:$0x3FA5]  }
0x2e: {  	s3 =	simm.s32 @!p0 $0x1082;
	s9 =	sld [smem:$0x3FA6]  }
0x2f: {  	lr =	sadd.s32 s0, s3;
	s0 =	sld [smem:$0x3F9D]  }
0x30: {  	s3 =	sld [smem:$0x3FA0]  }
0x31: {  	[smem:$0x3FA9] =	sst s10  }
0x32: {  	s10 =	sld [smem:$0x3FA7];
	_ =	sdelay $0x3  }
0x33: {  	p0 =	seq.s32 s10, $0x1;
	s10 =	sld [smem:$0x3FA9];
	_ =	sdelay $0x3  }
0x34: {  	[smem:$0x3FA9] =	sst s10  }
0x35: {  	s10 =	sld [smem:$0x3FA8];
	_ =	sdelay $0x3  }
0x36: {  	p1 =	seq.s32 s10, $0x1;
	s10 =	sld [smem:$0x3FA9];
	_ =	sdelay $0x3  }
0x37: {  	[smem:$0x3FA9] =	sst s10  }
0x38: {  	s10 =	sld [smem:$0x3FAA]  }
0x39: {  	_ = 	snop;
	(pc) =	sbr.ind lr, $3  }
0x3a: {  	_ = 	snop  }
0x3b: {  	_ = 	snop  }
0x3c: {  	p2 =	seq.s32 s10, $0x1;
	s10 =	sld [smem:$0x3FA9]  }
0x3d: {  	_ =	shalt  }
0x3e: {  	_ =	shalt  }
0x3f: {  	_ =	shalt  }
0x40: {  	_ =	shalt  }
0x41: {  	_ =	shalt  }
0x42: {  	_ =	shalt  }
0x43: {  	_ =	shalt  }
0x44: {  	_ =	shalt  }
0x45: {  	_ =	shalt  }
0x46: {  	_ =	shalt  }
0x47: {  	_ =	shalt  }
0x48: {  	_ =	shalt  }
0x49: {  	_ =	shalt  }
0x4a: {  	_ =	shalt  }
0x4b: {  	_ =	shalt  }
0x4c: {  	_ =	shalt  }
0x4d: {  	_ =	shalt  }
0x4e: {  	_ =	shalt  }
0x4f: {  	_ =	shalt  }
0x50: {  	_ =	shalt  }
0x51: {  	_ =	shalt  }
0x52: {  	_ =	shalt  }
0x53: {  	_ =	shalt  }
0x54: {  	_ =	shalt  }
0x55: {  	_ =	shalt  }
0x56: {  	_ =	shalt  }
0x57: {  	_ =	shalt  }
0x58: {  	_ =	shalt  }
0x59: {  	_ =	shalt  }
0x5a: {  	_ =	shalt  }
0x5b: {  	_ =	shalt  }
0x5c: {  	_ =	shalt  }
0x5d: {  	_ =	shalt  }
0x5e: {  	_ =	shalt  }
0x5f: {  	_ =	shalt  }
0x60: {  	_ =	shalt  }
0x61: {  	_ =	shalt  }
0x62: {  	_ =	shalt  }
0x63: {  	_ =	shalt  }
0x64: {  	_ =	shalt  }
0x65: {  	_ =	shalt  }
0x66: {  	_ =	shalt  }
0x67: {  	_ =	shalt  }
0x68: {  	_ =	shalt  }
0x69: {  	_ =	shalt  }
0x6a: {  	_ =	shalt  }
0x6b: {  	_ =	shalt  }
0x6c: {  	_ =	shalt  }
0x6d: {  	_ =	shalt  }
0x6e: {  	_ =	shalt  }
0x6f: {  	_ =	shalt  }
0x70: {  	_ =	shalt  }
0x71: {  	_ =	shalt  }
0x72: {  	_ =	shalt  }
0x73: {  	_ =	shalt  }
0x74: {  	_ =	shalt  }
0x75: {  	_ =	shalt  }
0x76: {  	_ =	shalt  }
0x77: {  	_ =	shalt  }
0x78: {  	_ =	shalt  }
0x79: {  	_ =	shalt  }
0x7a: {  	_ =	shalt  }
0x7b: {  	_ =	shalt  }
0x7c: {  	_ =	shalt  }
0x7d: {  	_ =	shalt  }
0x7e: {  	_ =	shalt  }
0x7f: {  	_ =	shalt  }
0x80: {  	_ =	shalt  }
0x81: {  	_ =	shalt  }
0x82: {  	_ =	shalt  }
0x83: {  	_ =	shalt  }
0x84: {  	_ =	shalt  }
0x85: {  	_ =	shalt  }
0x86: {  	_ =	shalt  }
0x87: {  	_ =	shalt  }
.Lfunc_end0:
.L_simem_size_0:
called_computation.1_lowered:
.L_overlay_start_0:
0x88: {  	s2 =	sld [smem:$0x3FD9]  }
0x89: {  	s3 =	sld [smem:$0x3FFE];
	_ =	sdelay $0x1  }
0x8a: {  	s1 =	srdreg.scid  }
0x8b: {  	s0 =	sand.u32 $0x1, s1  }
0x8c: {  	s17 =	sshll.u32 s0, $0xA;
	s2 =	sadd.s32 s3, s2  }
0x8d: {  	s2 =	sadd.s32 s2, s17  }
0x8e: {  	[smem:$0x3FB5] =	sst s2  }
0x8f: {  	_ = 	snop  }
0x90: {  	s2 =	sld [smem:$0x3FD0];
	(tm) =	ssettm $0x1  }
0x91: {  	s18 =	sld [smem:$0x3FFB];
	_ =	sdelay $0x3  }
0x92: {  	_ =	strace s18  }
0x93: {  	s3 =	sld [smem:$0x3FFC];
	_ =	sdelay $0x3  }
0x94: {  	_ =	strace s3  }
0x95: {  	s3 =	sld [smem:$0x3FFD];
	_ =	sdelay $0x3  }
0x96: {  	_ =	strace s3  }
0x97: {  	_ =	strace $0x8FFFFFFF  }
0x98: {  	s19 =	sld [smem:$0x3FDB];
	_ =	sdelay $0x1  }
0x99: {  	s4 =	simm.s32 $_scs_section_size  }
0x9a: {  	s5 =	simm.s32 $_size__tile_overlayer_lowered;
	s6 =	simm.s32 $_tile_overlayer_lowered  }
0x9b: {  	s22 =	simm.s32 $0x1BFF;
	s21 =	sshll.u32 s6, $0x1;
	s3 =	sadd.s32 s4, s19  }
0x9c: {  	s7 =	simm.s32 $0x0;
	s20 =	sshll.u32 s5, $0x1;
	s5 =	sadd.s32 s21, s3  }
0x9d: {  	[timem:s7], [sflag:s22] =	dma.local [hbm:s5], s20  }
0x9e: {  	_ =	swait.ge [sflag:s22], s20  }
0x9f: {  	s4 =	ssub.s32 $0x0, s20;
	[sflag:s22] =	ssyncset.done $0x0  }
0xa0: {  	[sflag:s22] =	ssyncadd.s32 s4;
	_ =	sdelay $0x1  }
0xa1: {  	s23 =	simm.s32 $0x1B8B  }
0xa2: {  	_ =	swait.ge [sflag:s23], $0x1  }
0xa3: {  	[sflag:s23] =	ssyncset.done $0x0  }
0xa4: {  	s25 =	simm.s32 $0x1B8E;
	s24 =	sld [smem:$0x3FFE];
	[sflag:s23] =	ssyncadd.s32 $0xFFFFFFFF  }
0xa5: {  	s26 =	simm.s32 $execute0_lowered;
	[smem:$0x3FD2] =	sst s25  }
0xa6: {  	s5 =	sshll.u32 s26, $0x1;
	_ =	strace $0x80000049;
	[dreg:$0x1] =	wrdreg $0xFFFFFFFF  }
0xa7: {  	s28 =	simm.s32 $_size_execute0_lowered;
	s3 =	sadd.s32 s3, s5;
	[dreg:$0x0] =	wrdreg $0x0  }
0xa8: {  	s5 =	sshll.u32 s28, $0x1;
	[dreg:$0x2] =	wrdreg s3  }
0xa9: {  	[dreg:$0x3] =	wrdreg s5  }
0xaa: {  	[dreg:$0x4] =	wrdreg $0xC0  }
0xab: {  	_ =	task [dreg:s7], $0x5FFFF  }
0xac: {  	[dreg:$0x1] =	wrdreg $0xFFFFFFFF  }
0xad: {  	[dreg:$0x0] =	wrdreg $0x60  }
0xae: {  	[dreg:$0x2] =	wrdreg s24  }
0xaf: {  	[dreg:$0x3] =	wrdreg s2  }
0xb0: {  	[dreg:$0x4] =	wrdreg $0xCD000  }
0xb1: {  	[dreg:$0x5] =	wrdreg $0x9  }
0xb2: {  	_ =	task.clear_ibuf [dreg:s7], $0x6FFFF;
	_ =	strace $0x90000049  }
0xb3: {  	s29 =	simm.s32 $0x9;
	_ =	strace $0x8000004B  }
0xb4: {  	_ =	swait.ge [sflag:s29], $0x1  }
0xb5: {  	[sflag:s29] =	ssyncadd.s32 $0xFFFFFFFF  }
0xb6: {  	_ =	strace $0x9000004B  }
0xb7: {  	_ =	sfence  }
0xb8: {  	s30 =	sld [smem:$0x0];
	_ =	sdelay $0x2  }
0xb9: {  	s31 =	sshll.u32 s1, $0xD;
	s1 =	sshrl.u32 s1, $0x2  }
0xba: {  	s3 =	sand.u32 $0x4000, s31;
	s1 =	sadd.s32 s1, s30  }
0xbb: {  	s0 =	sor.u32 s3, s0;
	s1 =	sshll.u32 s1, $0x11  }
0xbc: {  	s0 =	sor.u32 s1, s0  }
0xbd: {  	s0 =	sadd.s32 $0x8F2B, s0  }
0xbe: {  	[sflag:s0] =	ssyncadd.remote.s32 $0x1  }
0xbf: {  	_ =	sfence.sel $0xFFFF  }
0xc0: {  	[dreg:$0x0] =	wrdreg $0xFFFFFFFF;
	(pc) =	sbr.abs _section_cstart, $3  }
0xc1: {  	[dreg:$0x1] =	wrdreg $0xFFFFFFFF  }
0xc2: {  	_ =	task.clear_ibuf [dreg:s7], $0x2FFFF;
	_ =	strace $0x9FFFFFFF  }
0xc3: {  	(tm) =	ssettm $0x7FFFFFFF  }
tec
execute0_lowered:
.L_overlay_start_1:
0x0: {  	(tag) =	ssettag $0x1  }
0x1: {  	s0 =	rddreg [dreg:$0x0]  }
0x2: {  	s1 =	srdreg.scid;
	s3 =	rddreg [dreg:$0x1]  }
0x3: {  	s2 =	rddreg [dreg:$0x2];
	s10 =	stileid.u32  }
0x4: {  	s5 =	simm.s32 $0x0;
	s11 =	simm.s32 $0xA;
	s12 =	simm.s32 $0x9  }
0x5: {  	s14 =	simm.s32 $0xFA;
	s15 =	simm.s32 $0x5000;
	s16 =	simm.s32 $0x5FA0  }
0x6: {  	s17 =	simm.s32 $0x6F40;
	s18 =	simm.s32 $0x7EE0;
	s19 =	simm.s32 $0x8E80  }
0x7: {  	s20 =	simm.s32 $0x9E20;
	s21 =	simm.s32 $0xADC0;
	s28 =	simm.s32 $0x4  }
0x8: {  	s29 =	simm.s32 $0x5;
	s30 =	simm.s32 $0x6;
	s31 =	simm.s32 $0x7  }
0x9: {  	s1 =	sand.u32 $0x1, s1;
	[smem:$0x7FF] =	sst s5;
	s8 =	sadd.s32 $0x3400, s0  }
0xa: {  	s9 =	smul.u32 $0x2800, s10;
	s24 =	sshll.u32 s10, $0x6;
	s4 =	sshll.u32 s1, $0x4  }
0xb: {  	_ =	strace $0x8000004A;
	s6 =	smul.u32 $0x5000, s1;
	s1 =	ssub.s32 $0x2, s1  }
0xc: {  	[dreg:$0x4] =	wrdreg s8;
	s4 =	sor.u32 s10, s4;
	s23 =	sshrl.u32 s1, $0x1  }
0xd: {  	s25 =	sadd.s32 s9, s2;
	s26 =	sshrl.u32 s9, $0x3;
	s22 =	smul.u32 $0x500, s4  }
0xe: {  	s4 =	sadd.s32 $0x3A00, s0;
	s1 =	ssub.s32 s1, s23;
	s10 =	sshrl.u32 s25, $0x3  }
0xf: {  	s23 =	simm.s32 $0x1;
	s25 =	simm.s32 $0x2;
	s9 =	smax.u32 s1, $0x1  }
0x10: {  	s1 =	simm.s32 $0x0;
	s7 =	sadd.s32 s22, s0;
	s0 =	sadd.s32 s6, s0  }
0x11: {  	s6 =	sor.u32 $0x1C0A, s24;
	s8 =	sadd.s32 s3, s22;
	s7 =	sadd.s32 $0x17A00, s7  }
0x12: {  	s22 =	simm.s32 $0xBD60;
	s0 =	sadd.s32 $0x8A00, s0;
	[dreg:$0x5] =	wrdreg s7  }
0x13: {  	s24 =	sadd.s32 s26, s0;
	s26 =	simm.s32 $0x3;
	s0 =	simm.s32 $0x8  }
.LBB2_1:
0x14: {  	s3 =	rddreg [dreg:$0x4]  }
0x15: {  	[spmem:s10], [sflag:s6] =	dma.local [hbm:s3], $0x500  }
0x16: {  	_ =	swait.ge [sflag:s11], $0x500  }
0x17: {  	[sflag:s11] =	ssyncset.done $0x0  }
0x18: {  	s13 =	simm.s32 $0x0;
	s5 =	rddreg [dreg:$0x5];
	[sflag:s11] =	ssyncadd.s32 $0xFFFFFB00  }
0x19: {  	[tilespmem:s13], [sflag:$0x9] =	stream.linear.gather [hbm4b:s5+s13], $0x2800, $0x38;
	[tilespmem:$0xF500] =	vst v63  }
0x1a: {  	_ =	swait.ge [sflag:s12], $0x2800  }
0x1b: {  	[sflag:s12] =	ssyncset.done $0x0  }
0x1c: {  	s7 =	simm.s32 $0x2800;
	[sflag:s12] =	ssyncadd.s32 $0xFFFFD800  }
0x1d: {  	[tilespmem:s7], [sflag:$0x9] =	stream.linear.gather [hbm4b:s8+s13], $0x2800, $0x38;
	[tilespmem:$0xF500] =	vst v63  }
0x1e: {  	_ =	swait.ge [sflag:s12], $0x2800  }
0x1f: {  	[sflag:s12] =	ssyncset.done $0x0  }
0x20: {  	[sflag:s12] =	ssyncadd.s32 $0xFFFFD800  }
0x21: {  	s13 =	simm.s32 $0x0;
	[bflag:$0x0] =	sbarrier.arrive $0xFFFF  }
0x22: {  	[tilespmem:s15], [sflag:$0x1] =	stream.indirect.gather [hbm4b:s4+s14], $0x10, s13, s14, $0xb8;
	[tilespmem:$0xF500] =	vst v63  }
0x23: {  	s5 =	simm.s32 $0x100  }
0x24: {  	[tilespmem:s16], [sflag:$0x2] =	stream.indirect.gather [hbm4b:s4+s14], $0x10, s5, s14, $0xb8;
	[tilespmem:$0xF500] =	vst v63  }
0x25: {  	s7 =	simm.s32 $0x200  }
0x26: {  	[tilespmem:s17], [sflag:$0x3] =	stream.indirect.gather [hbm4b:s4+s14], $0x10, s7, s14, $0xb8;
	[tilespmem:$0xF500] =	vst v63  }
0x27: {  	s13 =	simm.s32 $0x300  }
0x28: {  	[tilespmem:s18], [sflag:$0x4] =	stream.indirect.gather [hbm4b:s4+s14], $0x10, s13, s14, $0xb8;
	[tilespmem:$0xF500] =	vst v63  }
0x29: {  	s5 =	simm.s32 $0x400  }
0x2a: {  	[tilespmem:s19], [sflag:$0x5] =	stream.indirect.gather [hbm4b:s4+s14], $0x10, s5, s14, $0xb8;
	[tilespmem:$0xF500] =	vst v63  }
0x2b: {  	s7 =	simm.s32 $0x500  }
0x2c: {  	[tilespmem:s20], [sflag:$0x6] =	stream.indirect.gather [hbm4b:s4+s14], $0x10, s7, s14, $0xb8;
	[tilespmem:$0xF500] =	vst v63  }
0x2d: {  	s13 =	simm.s32 $0x600  }
0x2e: {  	[tilespmem:s21], [sflag:$0x7] =	stream.indirect.gather [hbm4b:s4+s14], $0x10, s13, s14, $0xb8;
	[tilespmem:$0xF500] =	vst v63  }
0x2f: {  	s5 =	simm.s32 $0x700  }
0x30: {  	[tilespmem:s22], [sflag:$0x8] =	stream.indirect.gather [hbm4b:s4+s14], $0x10, s5, s14, $0xb8;
	[tilespmem:$0xF500] =	vst v63  }
0x31: {  	_ =	swait.ge [sflag:s23], $0xFA0  }
0x32: {  	[sflag:s23] =	ssyncset.done $0x0  }
0x33: {  	s7 =	simm.s32 $0x2800;
	[sflag:s23] =	ssyncadd.s32 $0xFFFFF060  }
0x34: {  	[spmem:s2] =	stream.indirect.scatter.add.f32 [tilespmem:s15], [sflag:$0xA], $0x10, s7, s14, $0xb8;
	[tilespmem:$0xF500] =	vst v63  }
0x35: {  	_ =	swait.ge [sflag:s11], $0xFA0  }
0x36: {  	[sflag:s11] =	ssyncset.done $0x0  }
0x37: {  	[sflag:s11] =	ssyncadd.s32 $0xFFFFF060  }
0x38: {  	_ =	swait.ge [sflag:s25], $0xFA0  }
0x39: {  	[sflag:s25] =	ssyncset.done $0x0  }
0x3a: {  	s13 =	simm.s32 $0x2900;
	[sflag:s25] =	ssyncadd.s32 $0xFFFFF060  }
0x3b: {  	[spmem:s2] =	stream.indirect.scatter.add.f32 [tilespmem:s16], [sflag:$0xA], $0x10, s13, s14, $0xb8;
	[tilespmem:$0xF500] =	vst v63  }
0x3c: {  	_ =	swait.ge [sflag:s11], $0xFA0  }
0x3d: {  	[sflag:s11] =	ssyncset.done $0x0  }
0x3e: {  	[sflag:s11] =	ssyncadd.s32 $0xFFFFF060  }
0x3f: {  	_ =	swait.ge [sflag:s26], $0xFA0  }
0x40: {  	[sflag:s26] =	ssyncset.done $0x0  }
0x41: {  	s5 =	simm.s32 $0x2A00;
	[sflag:s26] =	ssyncadd.s32 $0xFFFFF060  }
0x42: {  	[spmem:s2] =	stream.indirect.scatter.add.f32 [tilespmem:s17], [sflag:$0xA], $0x10, s5, s14, $0xb8;
	[tilespmem:$0xF500] =	vst v63  }
0x43: {  	_ =	swait.ge [sflag:s11], $0xFA0  }
0x44: {  	[sflag:s11] =	ssyncset.done $0x0  }
0x45: {  	[sflag:s11] =	ssyncadd.s32 $0xFFFFF060  }
0x46: {  	_ =	swait.ge [sflag:s28], $0xFA0  }
0x47: {  	[sflag:s28] =	ssyncset.done $0x0  }
0x48: {  	s7 =	simm.s32 $0x2B00;
	[sflag:s28] =	ssyncadd.s32 $0xFFFFF060  }
0x49: {  	[spmem:s2] =	stream.indirect.scatter.add.f32 [tilespmem:s18], [sflag:$0xA], $0x10, s7, s14, $0xb8;
	[tilespmem:$0xF500] =	vst v63  }
0x4a: {  	_ =	swait.ge [sflag:s11], $0xFA0  }
0x4b: {  	[sflag:s11] =	ssyncset.done $0x0  }
0x4c: {  	[sflag:s11] =	ssyncadd.s32 $0xFFFFF060  }
0x4d: {  	_ =	swait.ge [sflag:s29], $0xFA0  }
0x4e: {  	[sflag:s29] =	ssyncset.done $0x0  }
0x4f: {  	s13 =	simm.s32 $0x2C00;
	[sflag:s29] =	ssyncadd.s32 $0xFFFFF060  }
0x50: {  	[spmem:s2] =	stream.indirect.scatter.add.f32 [tilespmem:s19], [sflag:$0xA], $0x10, s13, s14, $0xb8;
	[tilespmem:$0xF500] =	vst v63  }
0x51: {  	_ =	swait.ge [sflag:s11], $0xFA0  }
0x52: {  	[sflag:s11] =	ssyncset.done $0x0  }
0x53: {  	[sflag:s11] =	ssyncadd.s32 $0xFFFFF060  }
0x54: {  	_ =	swait.ge [sflag:s30], $0xFA0  }
0x55: {  	[sflag:s30] =	ssyncset.done $0x0  }
0x56: {  	s5 =	simm.s32 $0x2D00;
	[sflag:s30] =	ssyncadd.s32 $0xFFFFF060  }
0x57: {  	[spmem:s2] =	stream.indirect.scatter.add.f32 [tilespmem:s20], [sflag:$0xA], $0x10, s5, s14, $0xb8;
	[tilespmem:$0xF500] =	vst v63  }
0x58: {  	_ =	swait.ge [sflag:s11], $0xFA0  }
0x59: {  	[sflag:s11] =	ssyncset.done $0x0  }
0x5a: {  	[sflag:s11] =	ssyncadd.s32 $0xFFFFF060  }
0x5b: {  	_ =	swait.ge [sflag:s31], $0xFA0  }
0x5c: {  	[sflag:s31] =	ssyncset.done $0x0  }
0x5d: {  	s7 =	simm.s32 $0x2E00;
	[sflag:s31] =	ssyncadd.s32 $0xFFFFF060  }
0x5e: {  	[spmem:s2] =	stream.indirect.scatter.add.f32 [tilespmem:s21], [sflag:$0xA], $0x10, s7, s14, $0xb8;
	[tilespmem:$0xF500] =	vst v63  }
0x5f: {  	_ =	swait.ge [sflag:s11], $0xFA0  }
0x60: {  	[sflag:s11] =	ssyncset.done $0x0  }
0x61: {  	[sflag:s11] =	ssyncadd.s32 $0xFFFFF060  }
0x62: {  	_ =	swait.ge [sflag:s0], $0xFA0  }
0x63: {  	[sflag:s0] =	ssyncset.done $0x0  }
0x64: {  	s13 =	simm.s32 $0x2F00;
	[sflag:s0] =	ssyncadd.s32 $0xFFFFF060  }
0x65: {  	[spmem:s2] =	stream.indirect.scatter.add.f32 [tilespmem:s22], [sflag:$0xA], $0x10, s13, s14, $0xb8;
	[tilespmem:$0xF500] =	vst v63  }
0x66: {  	_ =	swait.ge [sflag:s11], $0xFA0  }
0x67: {  	s3 =	simm.s32 $0x4000;
	s13 =	simm.s32 $0x2000;
	[sflag:s11] =	ssyncset.done $0x0  }
.LBB2_2:
0x68: {  	s5 =	sshra.s32 s13, $0x2  }
0x69: {  	[sflag:s11] =	ssyncadd.s32 $0xFFFFF060;
	s13 =	smov.u32 s3;
	s7 =	sadd.s32 $0x2000, s3  }
0x6a: {  	[tilespmem:s15], [sflag:$0x1] =	stream.indirect.gather [hbm4b:s4+s14], $0x10, s5, s14, $0xb8;
	[tilespmem:$0xF500] =	vst v63  }
0x6b: {  	p0 =	sne.s32 s3, $0x8000;
	s3 =	sadd.s32 $0x100, s5  }
0x6c: {  	[tilespmem:s16], [sflag:$0x2] =	stream.indirect.gather [hbm4b:s4+s14], $0x10, s3, s14, $0xb8;
	[tilespmem:$0xF500] =	vst v63  }
0x6d: {  	s3 =	sadd.s32 $0x200, s5  }
0x6e: {  	[tilespmem:s17], [sflag:$0x3] =	stream.indirect.gather [hbm4b:s4+s14], $0x10, s3, s14, $0xb8;
	[tilespmem:$0xF500] =	vst v63  }
0x6f: {  	s3 =	sadd.s32 $0x300, s5  }
0x70: {  	[tilespmem:s18], [sflag:$0x4] =	stream.indirect.gather [hbm4b:s4+s14], $0x10, s3, s14, $0xb8;
	[tilespmem:$0xF500] =	vst v63  }
0x71: {  	s3 =	sadd.s32 $0x400, s5  }
0x72: {  	[tilespmem:s19], [sflag:$0x5] =	stream.indirect.gather [hbm4b:s4+s14], $0x10, s3, s14, $0xb8;
	[tilespmem:$0xF500] =	vst v63  }
0x73: {  	s3 =	sadd.s32 $0x500, s5  }
0x74: {  	[tilespmem:s20], [sflag:$0x6] =	stream.indirect.gather [hbm4b:s4+s14], $0x10, s3, s14, $0xb8;
	[tilespmem:$0xF500] =	vst v63  }
0x75: {  	s3 =	sadd.s32 $0x600, s5  }
0x76: {  	[tilespmem:s21], [sflag:$0x7] =	stream.indirect.gather [hbm4b:s4+s14], $0x10, s3, s14, $0xb8;
	[tilespmem:$0xF500] =	vst v63  }
0x77: {  	s3 =	sadd.s32 $0x700, s5  }
0x78: {  	[tilespmem:s22], [sflag:$0x8] =	stream.indirect.gather [hbm4b:s4+s14], $0x10, s3, s14, $0xb8;
	[tilespmem:$0xF500] =	vst v63  }
0x79: {  	_ =	swait.ge [sflag:s23], $0xFA0  }
0x7a: {  	[sflag:s23] =	ssyncset.done $0x0  }
0x7b: {  	s3 =	sadd.s32 $0x2800, s5;
	[sflag:s23] =	ssyncadd.s32 $0xFFFFF060  }
0x7c: {  	[spmem:s2] =	stream.indirect.scatter.add.f32 [tilespmem:s15], [sflag:$0xA], $0x10, s3, s14, $0xb8;
	[tilespmem:$0xF500] =	vst v63  }
0x7d: {  	_ =	swait.ge [sflag:s11], $0xFA0  }
0x7e: {  	[sflag:s11] =	ssyncset.done $0x0  }
0x7f: {  	[sflag:s11] =	ssyncadd.s32 $0xFFFFF060  }
0x80: {  	_ =	swait.ge [sflag:s25], $0xFA0  }
0x81: {  	[sflag:s25] =	ssyncset.done $0x0  }
0x82: {  	s3 =	sadd.s32 $0x2900, s5;
	[sflag:s25] =	ssyncadd.s32 $0xFFFFF060  }
0x83: {  	[spmem:s2] =	stream.indirect.scatter.add.f32 [tilespmem:s16], [sflag:$0xA], $0x10, s3, s14, $0xb8;
	[tilespmem:$0xF500] =	vst v63  }
0x84: {  	_ =	swait.ge [sflag:s11], $0xFA0  }
0x85: {  	[sflag:s11] =	ssyncset.done $0x0  }
0x86: {  	[sflag:s11] =	ssyncadd.s32 $0xFFFFF060  }
0x87: {  	_ =	swait.ge [sflag:s26], $0xFA0  }
0x88: {  	[sflag:s26] =	ssyncset.done $0x0  }
0x89: {  	s3 =	sadd.s32 $0x2A00, s5;
	[sflag:s26] =	ssyncadd.s32 $0xFFFFF060  }
0x8a: {  	[spmem:s2] =	stream.indirect.scatter.add.f32 [tilespmem:s17], [sflag:$0xA], $0x10, s3, s14, $0xb8;
	[tilespmem:$0xF500] =	vst v63  }
0x8b: {  	_ =	swait.ge [sflag:s11], $0xFA0  }
0x8c: {  	[sflag:s11] =	ssyncset.done $0x0  }
0x8d: {  	[sflag:s11] =	ssyncadd.s32 $0xFFFFF060  }
0x8e: {  	_ =	swait.ge [sflag:s28], $0xFA0  }
0x8f: {  	[sflag:s28] =	ssyncset.done $0x0  }
0x90: {  	s3 =	sadd.s32 $0x2B00, s5;
	[sflag:s28] =	ssyncadd.s32 $0xFFFFF060  }
0x91: {  	[spmem:s2] =	stream.indirect.scatter.add.f32 [tilespmem:s18], [sflag:$0xA], $0x10, s3, s14, $0xb8;
	[tilespmem:$0xF500] =	vst v63  }
0x92: {  	_ =	swait.ge [sflag:s11], $0xFA0  }
0x93: {  	[sflag:s11] =	ssyncset.done $0x0  }
0x94: {  	[sflag:s11] =	ssyncadd.s32 $0xFFFFF060  }
0x95: {  	_ =	swait.ge [sflag:s29], $0xFA0  }
0x96: {  	[sflag:s29] =	ssyncset.done $0x0  }
0x97: {  	s3 =	sadd.s32 $0x2C00, s5;
	[sflag:s29] =	ssyncadd.s32 $0xFFFFF060  }
0x98: {  	[spmem:s2] =	stream.indirect.scatter.add.f32 [tilespmem:s19], [sflag:$0xA], $0x10, s3, s14, $0xb8;
	[tilespmem:$0xF500] =	vst v63  }
0x99: {  	_ =	swait.ge [sflag:s11], $0xFA0  }
0x9a: {  	[sflag:s11] =	ssyncset.done $0x0  }
0x9b: {  	[sflag:s11] =	ssyncadd.s32 $0xFFFFF060  }
0x9c: {  	_ =	swait.ge [sflag:s30], $0xFA0  }
0x9d: {  	[sflag:s30] =	ssyncset.done $0x0  }
0x9e: {  	s3 =	sadd.s32 $0x2D00, s5;
	[sflag:s30] =	ssyncadd.s32 $0xFFFFF060  }
0x9f: {  	[spmem:s2] =	stream.indirect.scatter.add.f32 [tilespmem:s20], [sflag:$0xA], $0x10, s3, s14, $0xb8;
	[tilespmem:$0xF500] =	vst v63  }
0xa0: {  	_ =	swait.ge [sflag:s11], $0xFA0  }
0xa1: {  	[sflag:s11] =	ssyncset.done $0x0  }
0xa2: {  	[sflag:s11] =	ssyncadd.s32 $0xFFFFF060  }
0xa3: {  	_ =	swait.ge [sflag:s31], $0xFA0  }
0xa4: {  	[sflag:s31] =	ssyncset.done $0x0  }
0xa5: {  	s3 =	sadd.s32 $0x2E00, s5;
	[sflag:s31] =	ssyncadd.s32 $0xFFFFF060  }
0xa6: {  	[spmem:s2] =	stream.indirect.scatter.add.f32 [tilespmem:s21], [sflag:$0xA], $0x10, s3, s14, $0xb8;
	[tilespmem:$0xF500] =	vst v63  }
0xa7: {  	_ =	swait.ge [sflag:s11], $0xFA0  }
0xa8: {  	[sflag:s11] =	ssyncset.done $0x0  }
0xa9: {  	[sflag:s11] =	ssyncadd.s32 $0xFFFFF060  }
0xaa: {  	_ =	swait.ge [sflag:s0], $0xFA0  }
.Ltmp0:
0xab: {  	[sflag:s0] =	ssyncset.done $0x0;
	(pc) =	sbr.rel @p0 .LBB2_2-.Ltmp0, $4  }
0xac: {  	s3 =	sadd.s32 $0x2F00, s5;
	[sflag:s0] =	ssyncadd.s32 $0xFFFFF060  }
0xad: {  	[spmem:s2] =	stream.indirect.scatter.add.f32 [tilespmem:s22], [sflag:$0xA], $0x10, s3, s14, $0xb8;
	[tilespmem:$0xF500] =	vst v63  }
0xae: {  	_ =	swait.ge [sflag:s11], $0xFA0  }
0xaf: {  	s3 =	smov.u32 s7;
	[sflag:s11] =	ssyncset.done $0x0  }
0xb0: {  	s3 =	sshra.s32 s13, $0x2;
	[sflag:s11] =	ssyncadd.s32 $0xFFFFF060  }
0xb1: {  	[tilespmem:s15], [sflag:$0x1] =	stream.indirect.gather [hbm4b:s4+s14], $0x10, s3, s14, $0xb8;
	[tilespmem:$0xF500] =	vst v63  }
0xb2: {  	s5 =	sadd.s32 $0x100, s3  }
0xb3: {  	[tilespmem:s16], [sflag:$0x2] =	stream.indirect.gather [hbm4b:s4+s14], $0x10, s5, s14, $0xb8;
	[tilespmem:$0xF500] =	vst v63  }
0xb4: {  	s13 =	sadd.s32 $0x200, s3  }
0xb5: {  	[tilespmem:s17], [sflag:$0x3] =	stream.indirect.gather [hbm4b:s4+s14], $0x10, s13, s14, $0xb8;
	[tilespmem:$0xF500] =	vst v63  }
0xb6: {  	s7 =	sadd.s32 $0x300, s3  }
0xb7: {  	[tilespmem:s18], [sflag:$0x4] =	stream.indirect.gather [hbm4b:s4+s14], $0x10, s7, s14, $0xb8;
	[tilespmem:$0xF500] =	vst v63  }
0xb8: {  	s13 =	sadd.s32 $0x400, s3  }
0xb9: {  	[tilespmem:s19], [sflag:$0x5] =	stream.indirect.gather [hbm4b:s4+s14], $0x10, s13, s14, $0xb8;
	[tilespmem:$0xF500] =	vst v63  }
0xba: {  	s7 =	sadd.s32 $0x500, s3  }
0xbb: {  	[tilespmem:s20], [sflag:$0x6] =	stream.indirect.gather [hbm4b:s4+s14], $0x10, s7, s14, $0xb8;
	[tilespmem:$0xF500] =	vst v63  }
0xbc: {  	s13 =	sadd.s32 $0x600, s3  }
0xbd: {  	[tilespmem:s21], [sflag:$0x7] =	stream.indirect.gather [hbm4b:s4+s14], $0x10, s13, s14, $0xb8;
	[tilespmem:$0xF500] =	vst v63  }
0xbe: {  	s7 =	sadd.s32 $0x700, s3  }
0xbf: {  	[tilespmem:s22], [sflag:$0x8] =	stream.indirect.gather [hbm4b:s4+s14], $0x10, s7, s14, $0xb8;
	[tilespmem:$0xF500] =	vst v63  }
0xc0: {  	_ =	swait.ge [sflag:s23], $0xFA0  }
0xc1: {  	[sflag:s23] =	ssyncset.done $0x0  }
0xc2: {  	s13 =	sadd.s32 $0x2800, s3;
	[sflag:s23] =	ssyncadd.s32 $0xFFFFF060  }
0xc3: {  	[spmem:s2] =	stream.indirect.scatter.add.f32 [tilespmem:s15], [sflag:$0xA], $0x10, s13, s14, $0xb8;
	[tilespmem:$0xF500] =	vst v63  }
0xc4: {  	_ =	swait.ge [sflag:s11], $0xFA0  }
0xc5: {  	[sflag:s11] =	ssyncset.done $0x0  }
0xc6: {  	[sflag:s11] =	ssyncadd.s32 $0xFFFFF060  }
0xc7: {  	_ =	swait.ge [sflag:s25], $0xFA0  }
0xc8: {  	[sflag:s25] =	ssyncset.done $0x0  }
0xc9: {  	s7 =	sadd.s32 $0x2900, s3;
	[sflag:s25] =	ssyncadd.s32 $0xFFFFF060  }
0xca: {  	[spmem:s2] =	stream.indirect.scatter.add.f32 [tilespmem:s16], [sflag:$0xA], $0x10, s7, s14, $0xb8;
	[tilespmem:$0xF500] =	vst v63  }
0xcb: {  	_ =	swait.ge [sflag:s11], $0xFA0  }
0xcc: {  	[sflag:s11] =	ssyncset.done $0x0  }
0xcd: {  	[sflag:s11] =	ssyncadd.s32 $0xFFFFF060  }
0xce: {  	_ =	swait.ge [sflag:s26], $0xFA0  }
0xcf: {  	[sflag:s26] =	ssyncset.done $0x0  }
0xd0: {  	s13 =	sadd.s32 $0x2A00, s3;
	[sflag:s26] =	ssyncadd.s32 $0xFFFFF060  }
0xd1: {  	[spmem:s2] =	stream.indirect.scatter.add.f32 [tilespmem:s17], [sflag:$0xA], $0x10, s13, s14, $0xb8;
	[tilespmem:$0xF500] =	vst v63  }
0xd2: {  	_ =	swait.ge [sflag:s11], $0xFA0  }
0xd3: {  	[sflag:s11] =	ssyncset.done $0x0  }
0xd4: {  	[sflag:s11] =	ssyncadd.s32 $0xFFFFF060  }
0xd5: {  	_ =	swait.ge [sflag:s28], $0xFA0  }
0xd6: {  	[sflag:s28] =	ssyncset.done $0x0  }
0xd7: {  	s7 =	sadd.s32 $0x2B00, s3;
	[sflag:s28] =	ssyncadd.s32 $0xFFFFF060  }
0xd8: {  	[spmem:s2] =	stream.indirect.scatter.add.f32 [tilespmem:s18], [sflag:$0xA], $0x10, s7, s14, $0xb8;
	[tilespmem:$0xF500] =	vst v63  }
0xd9: {  	_ =	swait.ge [sflag:s11], $0xFA0  }
0xda: {  	[sflag:s11] =	ssyncset.done $0x0  }
0xdb: {  	[sflag:s11] =	ssyncadd.s32 $0xFFFFF060  }
0xdc: {  	_ =	swait.ge [sflag:s29], $0xFA0  }
0xdd: {  	[sflag:s29] =	ssyncset.done $0x0  }
0xde: {  	s13 =	sadd.s32 $0x2C00, s3;
	[sflag:s29] =	ssyncadd.s32 $0xFFFFF060  }
0xdf: {  	[spmem:s2] =	stream.indirect.scatter.add.f32 [tilespmem:s19], [sflag:$0xA], $0x10, s13, s14, $0xb8;
	[tilespmem:$0xF500] =	vst v63  }
0xe0: {  	_ =	swait.ge [sflag:s11], $0xFA0  }
0xe1: {  	[sflag:s11] =	ssyncset.done $0x0  }
0xe2: {  	[sflag:s11] =	ssyncadd.s32 $0xFFFFF060  }
0xe3: {  	_ =	swait.ge [sflag:s30], $0xFA0  }
0xe4: {  	[sflag:s30] =	ssyncset.done $0x0  }
0xe5: {  	s7 =	sadd.s32 $0x2D00, s3;
	[sflag:s30] =	ssyncadd.s32 $0xFFFFF060  }
0xe6: {  	[spmem:s2] =	stream.indirect.scatter.add.f32 [tilespmem:s20], [sflag:$0xA], $0x10, s7, s14, $0xb8;
	[tilespmem:$0xF500] =	vst v63  }
0xe7: {  	_ =	swait.ge [sflag:s11], $0xFA0  }
0xe8: {  	[sflag:s11] =	ssyncset.done $0x0  }
0xe9: {  	[sflag:s11] =	ssyncadd.s32 $0xFFFFF060  }
0xea: {  	_ =	swait.ge [sflag:s31], $0xFA0  }
0xeb: {  	[sflag:s31] =	ssyncset.done $0x0  }
0xec: {  	s13 =	sadd.s32 $0x2E00, s3;
	[sflag:s31] =	ssyncadd.s32 $0xFFFFF060  }
0xed: {  	[spmem:s2] =	stream.indirect.scatter.add.f32 [tilespmem:s21], [sflag:$0xA], $0x10, s13, s14, $0xb8;
	[tilespmem:$0xF500] =	vst v63  }
0xee: {  	_ =	swait.ge [sflag:s11], $0xFA0  }
0xef: {  	[sflag:s11] =	ssyncset.done $0x0  }
0xf0: {  	[sflag:s11] =	ssyncadd.s32 $0xFFFFF060  }
0xf1: {  	_ =	swait.ge [sflag:s0], $0xFA0  }
0xf2: {  	[sflag:s0] =	ssyncset.done $0x0  }
0xf3: {  	s3 =	sadd.s32 $0x2F00, s3;
	[sflag:s0] =	ssyncadd.s32 $0xFFFFF060  }
0xf4: {  	[spmem:s2] =	stream.indirect.scatter.add.f32 [tilespmem:s22], [sflag:$0xA], $0x10, s3, s14, $0xb8;
	[tilespmem:$0xF500] =	vst v63  }
0xf5: {  	_ =	swait.ge [sflag:s11], $0xFA0  }
0xf6: {  	s1 =	sadd.s32 $0x1, s1;
	[sflag:s11] =	ssyncset.done $0x0  }
0xf7: {  	p0 =	sne.s32 s1, s9;
	[sflag:s11] =	ssyncadd.s32 $0xFFFFF060  }
.Ltmp1:
0xf8: {  	[bflag:$0x0] =	sbarrier.arrive $0xFFFF;
	(pc) =	sbr.rel @p0 .LBB2_1-.Ltmp1, $4  }
0xf9: {  	[hbm:s24], [sflag:s6] =	dma.local [spmem:s10], $0x500  }
0xfa: {  	_ =	swait.ge [sflag:s11], $0x500  }
0xfb: {  	[sflag:s11] =	ssyncset.done $0x0  }
0xfc: {  	[sflag:s11] =	ssyncadd.s32 $0xFFFFFB00  }
0xfd: {  	_ =	sfence.sel $0x180000  }
0xfe: {  	[bflag:$0x0] =	sbarrier.arrive $0xFFFF  }
0xff: {  	_ =	strace $0x9000004A  }
0x100: {  	s0 =	stileid.u32;
	[bflag:$0x2] =	sbarrier.arrive $0xFFFF  }
0x101: {  	p0 =	sne.s32 s0, $0x0;
	s0 =	rddreg [dreg:$0x3]  }
0x102: {  	s0 =	sadd.s32 @!p0 $0x100000, s0  }
0x103: {  	[sflag:s0] =	ssyncadd.tile.s32 @!p0 $0x1;
	_ =	shalt  }
.Lfunc_end2:
_tile_overlayer_lowered:
.L_overlay_start_2:
0x104: {  	(tag) =	ssettag $0x2  }
0x105: {  	s0 =	rddreg [dreg:$0x0];
	s2 =	stileid.u32  }
0x106: {  	s1 =	rddreg [dreg:$0x1];
	p0 =	sne.s32 s2, $0x0  }
0x107: {  	s3 =	rddreg [dreg:$0x2];
	[bflag:$0x3] =	sbarrier.arrive $0xFFFF;
	s2 =	simm.s32 @!p0 $0x1C0A  }
0x108: {  	[timem:s3], [sflag:s2] =	dma.local @!p0 [hbm:s0], s1  }
0x109: {  	s0 =	simm.s32 @!p0 $0xA  }
0x10a: {  	_ =	swait.ge @!p0 [sflag:s0], s1  }
0x10b: {  	s1 =	ssub.s32 @!p0 $0x0, s1;
	[sflag:s0] =	ssyncset.done @!p0 $0x0  }
0x10c: {  	[sflag:s0] =	ssyncadd.s32 @!p0 s1  }
0x10d: {  	[bflag:$0x3] =	sbarrier.arrive $0xFFFF  }
0x10e: {  	_ =	shalt  }

// kernel: kernel.16.cloned.1.call-start
scs
__scs_entry_jumppad:
0x0: {  	(pc) =	sbr.rel $0x88, $3  }
0x1: {  	(tag) =	ssettag $0x0;
	lr =	simm.s32 $0x1  }
0x2: {  	[smem:$0x3F8E] =	sst lr;
	_ =	strace $0xD0000000  }
0x3: {  	_ = 	snop  }
0x4: {  	_ = 	snop  }
0x5: {  	_ = 	snop  }
0x6: {  	_ = 	snop  }
0x7: {  	_ = 	snop  }
__scs_overlays_trampoline_lowered:
0x8: {  	[smem:$0x3F9D] =	sst s0  }
0x9: {  	[smem:$0x3F9E] =	sst s1  }
0xa: {  	[smem:$0x3F9F] =	sst s2  }
0xb: {  	[smem:$0x3FA0] =	sst s3  }
0xc: {  	[smem:$0x3FA1] =	sst s4  }
0xd: {  	[smem:$0x3FA2] =	sst s5  }
0xe: {  	[smem:$0x3FA3] =	sst s6  }
0xf: {  	[smem:$0x3FA4] =	sst s7  }
0x10: {  	[smem:$0x3FA5] =	sst s8  }
0x11: {  	[smem:$0x3FA6] =	sst s9;
	s0 =	simm.s32 @!p0 $0x0  }
0x12: {  	s1 =	sld [smem:$0x3F8C];
	s0 =	simm.s32 @p0 $0x1  }
0x13: {  	[smem:$0x3FA7] =	sst s0;
	s0 =	simm.s32 @!p1 $0x0  }
0x14: {  	s2 =	sld [smem:$0x3F8B];
	s0 =	simm.s32 @p1 $0x1  }
0x15: {  	[smem:$0x3FA8] =	sst s0;
	s0 =	simm.s32 @!p2 $0x0  }
0x16: {  	s3 =	sld [smem:$0x3FDB];
	s0 =	simm.s32 @p2 $0x1  }
0x17: {  	s4 =	simm.s32 $0x1BF5;
	[smem:$0x3FAA] =	sst s0  }
0x18: {  	s0 =	sld [smem:$0x3F8D];
	_ =	swait.ge [sflag:s4], $0x0  }
0x19: {  	s7 =	sld [smem:$0x3F8E]  }
0x1a: {  	s8 =	sadd.s32 $0xFFFFE003, lr  }
0x1b: {  	s9 =	sadd.s32 $0xFFFFFEF7, lr;
	s5 =	simm.s32 $0xFFFFFFFF;
	p2 =	slt.u32 s8, $0xFFFFF086  }
0x1c: {  	p1 =	slt.u32 s9, $0xF7A;
	s5 =	simm.s32 @!p2 $0x0  }
0x1d: {  	s5 =	simm.s32 @p1 $0x1;
	p0 =	seq.s32 s7, s2  }
0x1e: {  	s7 =	smul.u32 @!p0 $0xF7A, s2;
	p2 =	seq.s32 @!p0 s5, $0x0  }
0x1f: {  	s9 =	smul.u32 $0xF7A, s1;
	s8 =	simm.s32 @!p0 $0x1BF5;
	p2 =	por !p2, p0  }
0x20: {  	[sflag:s8] =	ssyncset.s32 @!p0 $0xFFFFF086;
	s6 =	sadd.s32 @!p0 s3, s7;
	s7 =	simm.s32 @!p0 $0x108  }
0x21: {  	s3 =	sadd.s32 s3, s9;
	s6 =	sadd.s32 @!p0 $0x88, s6;
	s7 =	simm.s32 @p2 $0x1082  }
0x22: {  	[simem:s7], [sflag:s8] =	dma.local @!p0 [hbm:s6], $0xF7A  }
0x23: {  	s9 =	sor.u32 $0xD0000000, s2;
	s6 =	simm.s32 $0x108;
	_ =	swait.ge @!p0 [sflag:s8], $0x0  }
0x24: {  	s3 =	sadd.s32 $0x88, s3;
	s6 =	simm.s32 @!p1 $0x1082;
	[sflag:s4] =	ssyncset.s32 $0xFFFFF086  }
0x25: {  	[simem:s6], [sflag:s4] =	dma.local [hbm:s3], $0xF7A  }
0x26: {  	[smem:$0x3F8E] =	sst s1;
	(tag) =	ssettag s2;
	_ =	strace s9  }
0x27: {  	s1 =	sld [smem:$0x3F9E]  }
0x28: {  	s2 =	sld [smem:$0x3F9F]  }
0x29: {  	s4 =	sld [smem:$0x3FA1]  }
0x2a: {  	p0 =	seq.s32 s5, $0x0;
	s5 =	sld [smem:$0x3FA2]  }
0x2b: {  	s6 =	sld [smem:$0x3FA3]  }
0x2c: {  	s7 =	sld [smem:$0x3FA4]  }
0x2d: {  	s3 =	simm.s32 $0x108;
	s8 =	sld [smem:$0x3FA5]  }
0x2e: {  	s3 =	simm.s32 @!p0 $0x1082;
	s9 =	sld [smem:$0x3FA6]  }
0x2f: {  	lr =	sadd.s32 s0, s3;
	s0 =	sld [smem:$0x3F9D]  }
0x30: {  	s3 =	sld [smem:$0x3FA0]  }
0x31: {  	[smem:$0x3FA9] =	sst s10  }
0x32: {  	s10 =	sld [smem:$0x3FA7];
	_ =	sdelay $0x3  }
0x33: {  	p0 =	seq.s32 s10, $0x1;
	s10 =	sld [smem:$0x3FA9];
	_ =	sdelay $0x3  }
0x34: {  	[smem:$0x3FA9] =	sst s10  }
0x35: {  	s10 =	sld [smem:$0x3FA8];
	_ =	sdelay $0x3  }
0x36: {  	p1 =	seq.s32 s10, $0x1;
	s10 =	sld [smem:$0x3FA9];
	_ =	sdelay $0x3  }
0x37: {  	[smem:$0x3FA9] =	sst s10  }
0x38: {  	s10 =	sld [smem:$0x3FAA]  }
0x39: {  	_ = 	snop;
	(pc) =	sbr.ind lr, $3  }
0x3a: {  	_ = 	snop  }
0x3b: {  	_ = 	snop  }
0x3c: {  	p2 =	seq.s32 s10, $0x1;
	s10 =	sld [smem:$0x3FA9]  }
0x3d: {  	_ =	shalt  }
0x3e: {  	_ =	shalt  }
0x3f: {  	_ =	shalt  }
0x40: {  	_ =	shalt  }
0x41: {  	_ =	shalt  }
0x42: {  	_ =	shalt  }
0x43: {  	_ =	shalt  }
0x44: {  	_ =	shalt  }
0x45: {  	_ =	shalt  }
0x46: {  	_ =	shalt  }
0x47: {  	_ =	shalt  }
0x48: {  	_ =	shalt  }
0x49: {  	_ =	shalt  }
0x4a: {  	_ =	shalt  }
0x4b: {  	_ =	shalt  }
0x4c: {  	_ =	shalt  }
0x4d: {  	_ =	shalt  }
0x4e: {  	_ =	shalt  }
0x4f: {  	_ =	shalt  }
0x50: {  	_ =	shalt  }
0x51: {  	_ =	shalt  }
0x52: {  	_ =	shalt  }
0x53: {  	_ =	shalt  }
0x54: {  	_ =	shalt  }
0x55: {  	_ =	shalt  }
0x56: {  	_ =	shalt  }
0x57: {  	_ =	shalt  }
0x58: {  	_ =	shalt  }
0x59: {  	_ =	shalt  }
0x5a: {  	_ =	shalt  }
0x5b: {  	_ =	shalt  }
0x5c: {  	_ =	shalt  }
0x5d: {  	_ =	shalt  }
0x5e: {  	_ =	shalt  }
0x5f: {  	_ =	shalt  }
0x60: {  	_ =	shalt  }
0x61: {  	_ =	shalt  }
0x62: {  	_ =	shalt  }
0x63: {  	_ =	shalt  }
0x64: {  	_ =	shalt  }
0x65: {  	_ =	shalt  }
0x66: {  	_ =	shalt  }
0x67: {  	_ =	shalt  }
0x68: {  	_ =	shalt  }
0x69: {  	_ =	shalt  }
0x6a: {  	_ =	shalt  }
0x6b: {  	_ =	shalt  }
0x6c: {  	_ =	shalt  }
0x6d: {  	_ =	shalt  }
0x6e: {  	_ =	shalt  }
0x6f: {  	_ =	shalt  }
0x70: {  	_ =	shalt  }
0x71: {  	_ =	shalt  }
0x72: {  	_ =	shalt  }
0x73: {  	_ =	shalt  }
0x74: {  	_ =	shalt  }
0x75: {  	_ =	shalt  }
0x76: {  	_ =	shalt  }
0x77: {  	_ =	shalt  }
0x78: {  	_ =	shalt  }
0x79: {  	_ =	shalt  }
0x7a: {  	_ =	shalt  }
0x7b: {  	_ =	shalt  }
0x7c: {  	_ =	shalt  }
0x7d: {  	_ =	shalt  }
0x7e: {  	_ =	shalt  }
0x7f: {  	_ =	shalt  }
0x80: {  	_ =	shalt  }
0x81: {  	_ =	shalt  }
0x82: {  	_ =	shalt  }
0x83: {  	_ =	shalt  }
0x84: {  	_ =	shalt  }
0x85: {  	_ =	shalt  }
0x86: {  	_ =	shalt  }
0x87: {  	_ =	shalt  }
.Lfunc_end0:
.L_simem_size_0:
called_computation.2_lowered:
.L_overlay_start_0:
0x88: {  	s2 =	sld [smem:$0x3FD9]  }
0x89: {  	s3 =	sld [smem:$0x3FFE];
	_ =	sdelay $0x1  }
0x8a: {  	s1 =	srdreg.scid  }
0x8b: {  	s0 =	sand.u32 $0x1, s1  }
0x8c: {  	s17 =	sshll.u32 s0, $0xA;
	s2 =	sadd.s32 s3, s2  }
0x8d: {  	s2 =	sadd.s32 s2, s17  }
0x8e: {  	[smem:$0x3FB5] =	sst s2  }
0x8f: {  	_ = 	snop  }
0x90: {  	s2 =	sld [smem:$0x3FD0];
	(tm) =	ssettm $0x1  }
0x91: {  	s18 =	sld [smem:$0x3FFB];
	_ =	sdelay $0x3  }
0x92: {  	_ =	strace s18  }
0x93: {  	s3 =	sld [smem:$0x3FFC];
	_ =	sdelay $0x3  }
0x94: {  	_ =	strace s3  }
0x95: {  	s3 =	sld [smem:$0x3FFD];
	_ =	sdelay $0x3  }
0x96: {  	_ =	strace s3  }
0x97: {  	_ =	strace $0x8FFFFFFF  }
0x98: {  	s19 =	sld [smem:$0x3FDB];
	_ =	sdelay $0x1  }
0x99: {  	s4 =	simm.s32 $_scs_section_size  }
0x9a: {  	s5 =	simm.s32 $_size__tile_overlayer_lowered;
	s6 =	simm.s32 $_tile_overlayer_lowered  }
0x9b: {  	s22 =	simm.s32 $0x1BFF;
	s21 =	sshll.u32 s6, $0x1;
	s3 =	sadd.s32 s4, s19  }
0x9c: {  	s7 =	simm.s32 $0x0;
	s20 =	sshll.u32 s5, $0x1;
	s5 =	sadd.s32 s21, s3  }
0x9d: {  	[timem:s7], [sflag:s22] =	dma.local [hbm:s5], s20  }
0x9e: {  	_ =	swait.ge [sflag:s22], s20  }
0x9f: {  	s4 =	ssub.s32 $0x0, s20;
	[sflag:s22] =	ssyncset.done $0x0  }
0xa0: {  	[sflag:s22] =	ssyncadd.s32 s4;
	_ =	sdelay $0x1  }
0xa1: {  	s23 =	simm.s32 $0x1B8B  }
0xa2: {  	_ =	swait.ge [sflag:s23], $0x1  }
0xa3: {  	[sflag:s23] =	ssyncset.done $0x0  }
0xa4: {  	s25 =	simm.s32 $0x1B8E;
	s24 =	sld [smem:$0x3FFE];
	[sflag:s23] =	ssyncadd.s32 $0xFFFFFFFF  }
0xa5: {  	s26 =	simm.s32 $execute0_lowered;
	[smem:$0x3FD2] =	sst s25  }
0xa6: {  	s5 =	sshll.u32 s26, $0x1;
	_ =	strace $0x8000004C;
	[dreg:$0x1] =	wrdreg $0xFFFFFFFF  }
0xa7: {  	s28 =	simm.s32 $_size_execute0_lowered;
	s3 =	sadd.s32 s3, s5;
	[dreg:$0x0] =	wrdreg $0x0  }
0xa8: {  	s5 =	sshll.u32 s28, $0x1;
	[dreg:$0x2] =	wrdreg s3  }
0xa9: {  	[dreg:$0x3] =	wrdreg s5  }
0xaa: {  	[dreg:$0x4] =	wrdreg $0xC0  }
0xab: {  	_ =	task [dreg:s7], $0x5FFFF  }
0xac: {  	[dreg:$0x1] =	wrdreg $0xFFFFFFFF  }
0xad: {  	[dreg:$0x0] =	wrdreg $0x60  }
0xae: {  	[dreg:$0x2] =	wrdreg s24  }
0xaf: {  	[dreg:$0x3] =	wrdreg s2  }
0xb0: {  	[dreg:$0x4] =	wrdreg $0xCD000  }
0xb1: {  	[dreg:$0x5] =	wrdreg $0x9  }
0xb2: {  	_ =	task.clear_ibuf [dreg:s7], $0x6FFFF;
	_ =	strace $0x9000004C  }
0xb3: {  	s29 =	simm.s32 $0x9;
	_ =	strace $0x8000004E  }
0xb4: {  	_ =	swait.ge [sflag:s29], $0x1  }
0xb5: {  	[sflag:s29] =	ssyncadd.s32 $0xFFFFFFFF  }
0xb6: {  	_ =	strace $0x9000004E  }
0xb7: {  	_ =	sfence  }
0xb8: {  	s30 =	sld [smem:$0x0];
	_ =	sdelay $0x2  }
0xb9: {  	s31 =	sshll.u32 s1, $0xD;
	s1 =	sshrl.u32 s1, $0x2  }
0xba: {  	s3 =	sand.u32 $0x4000, s31;
	s1 =	sadd.s32 s1, s30  }
0xbb: {  	s0 =	sor.u32 s3, s0;
	s1 =	sshll.u32 s1, $0x11  }
0xbc: {  	s0 =	sor.u32 s1, s0  }
0xbd: {  	s0 =	sadd.s32 $0x8F2B, s0  }
0xbe: {  	[sflag:s0] =	ssyncadd.remote.s32 $0x1  }
0xbf: {  	_ =	sfence.sel $0xFFFF  }
0xc0: {  	[dreg:$0x0] =	wrdreg $0xFFFFFFFF;
	(pc) =	sbr.abs _section_cstart, $3  }
0xc1: {  	[dreg:$0x1] =	wrdreg $0xFFFFFFFF  }
0xc2: {  	_ =	task.clear_ibuf [dreg:s7], $0x2FFFF;
	_ =	strace $0x9FFFFFFF  }
0xc3: {  	(tm) =	ssettm $0x7FFFFFFF  }
tec
execute0_lowered:
.L_overlay_start_1:
0x0: {  	(tag) =	ssettag $0x1  }
0x1: {  	s0 =	rddreg [dreg:$0x0]  }
0x2: {  	s1 =	srdreg.scid;
	s3 =	rddreg [dreg:$0x1]  }
0x3: {  	s2 =	rddreg [dreg:$0x2];
	s10 =	stileid.u32  }
0x4: {  	s5 =	simm.s32 $0x0;
	s11 =	simm.s32 $0xA;
	s12 =	simm.s32 $0x9  }
0x5: {  	s14 =	simm.s32 $0xFA;
	s15 =	simm.s32 $0x5000;
	s16 =	simm.s32 $0x5FA0  }
0x6: {  	s17 =	simm.s32 $0x6F40;
	s18 =	simm.s32 $0x7EE0;
	s19 =	simm.s32 $0x8E80  }
0x7: {  	s20 =	simm.s32 $0x9E20;
	s21 =	simm.s32 $0xADC0;
	s28 =	simm.s32 $0x4  }
0x8: {  	s29 =	simm.s32 $0x5;
	s30 =	simm.s32 $0x6;
	s31 =	simm.s32 $0x7  }
0x9: {  	s1 =	sand.u32 $0x1, s1;
	[smem:$0x7FF] =	sst s5;
	s8 =	sadd.s32 $0x3400, s0  }
0xa: {  	s9 =	smul.u32 $0x2800, s10;
	s24 =	sshll.u32 s10, $0x6;
	s4 =	sshll.u32 s1, $0x4  }
0xb: {  	_ =	strace $0x8000004D;
	s6 =	smul.u32 $0x5000, s1;
	s1 =	ssub.s32 $0x2, s1  }
0xc: {  	[dreg:$0x4] =	wrdreg s8;
	s4 =	sor.u32 s10, s4;
	s23 =	sshrl.u32 s1, $0x1  }
0xd: {  	s25 =	sadd.s32 s9, s2;
	s26 =	sshrl.u32 s9, $0x3;
	s22 =	smul.u32 $0x500, s4  }
0xe: {  	s4 =	sadd.s32 $0x3A00, s0;
	s1 =	ssub.s32 s1, s23;
	s10 =	sshrl.u32 s25, $0x3  }
0xf: {  	s23 =	simm.s32 $0x1;
	s25 =	simm.s32 $0x2;
	s9 =	smax.u32 s1, $0x1  }
0x10: {  	s1 =	simm.s32 $0x0;
	s7 =	sadd.s32 s22, s0;
	s0 =	sadd.s32 s6, s0  }
0x11: {  	s6 =	sor.u32 $0x1C0A, s24;
	s8 =	sadd.s32 s3, s22;
	s7 =	sadd.s32 $0x17A00, s7  }
0x12: {  	s22 =	simm.s32 $0xBD60;
	s0 =	sadd.s32 $0x8A00, s0;
	[dreg:$0x5] =	wrdreg s7  }
0x13: {  	s24 =	sadd.s32 s26, s0;
	s26 =	simm.s32 $0x3;
	s0 =	simm.s32 $0x8  }
.LBB2_1:
0x14: {  	s3 =	rddreg [dreg:$0x4]  }
0x15: {  	[spmem:s10], [sflag:s6] =	dma.local [hbm:s3], $0x500  }
0x16: {  	_ =	swait.ge [sflag:s11], $0x500  }
0x17: {  	[sflag:s11] =	ssyncset.done $0x0  }
0x18: {  	s13 =	simm.s32 $0x0;
	s5 =	rddreg [dreg:$0x5];
	[sflag:s11] =	ssyncadd.s32 $0xFFFFFB00  }
0x19: {  	[tilespmem:s13], [sflag:$0x9] =	stream.linear.gather [hbm4b:s5+s13], $0x2800, $0x38;
	[tilespmem:$0xF500] =	vst v63  }
0x1a: {  	_ =	swait.ge [sflag:s12], $0x2800  }
0x1b: {  	[sflag:s12] =	ssyncset.done $0x0  }
0x1c: {  	s7 =	simm.s32 $0x2800;
	[sflag:s12] =	ssyncadd.s32 $0xFFFFD800  }
0x1d: {  	[tilespmem:s7], [sflag:$0x9] =	stream.linear.gather [hbm4b:s8+s13], $0x2800, $0x38;
	[tilespmem:$0xF500] =	vst v63  }
0x1e: {  	_ =	swait.ge [sflag:s12], $0x2800  }
0x1f: {  	[sflag:s12] =	ssyncset.done $0x0  }
0x20: {  	[sflag:s12] =	ssyncadd.s32 $0xFFFFD800  }
0x21: {  	s13 =	simm.s32 $0x0;
	[bflag:$0x0] =	sbarrier.arrive $0xFFFF  }
0x22: {  	[tilespmem:s15], [sflag:$0x1] =	stream.indirect.gather [hbm4b:s4+s14], $0x10, s13, s14, $0xb8;
	[tilespmem:$0xF500] =	vst v63  }
0x23: {  	s5 =	simm.s32 $0x100  }
0x24: {  	[tilespmem:s16], [sflag:$0x2] =	stream.indirect.gather [hbm4b:s4+s14], $0x10, s5, s14, $0xb8;
	[tilespmem:$0xF500] =	vst v63  }
0x25: {  	s7 =	simm.s32 $0x200  }
0x26: {  	[tilespmem:s17], [sflag:$0x3] =	stream.indirect.gather [hbm4b:s4+s14], $0x10, s7, s14, $0xb8;
	[tilespmem:$0xF500] =	vst v63  }
0x27: {  	s13 =	simm.s32 $0x300  }
0x28: {  	[tilespmem:s18], [sflag:$0x4] =	stream.indirect.gather [hbm4b:s4+s14], $0x10, s13, s14, $0xb8;
	[tilespmem:$0xF500] =	vst v63  }
0x29: {  	s5 =	simm.s32 $0x400  }
0x2a: {  	[tilespmem:s19], [sflag:$0x5] =	stream.indirect.gather [hbm4b:s4+s14], $0x10, s5, s14, $0xb8;
	[tilespmem:$0xF500] =	vst v63  }
0x2b: {  	s7 =	simm.s32 $0x500  }
0x2c: {  	[tilespmem:s20], [sflag:$0x6] =	stream.indirect.gather [hbm4b:s4+s14], $0x10, s7, s14, $0xb8;
	[tilespmem:$0xF500] =	vst v63  }
0x2d: {  	s13 =	simm.s32 $0x600  }
0x2e: {  	[tilespmem:s21], [sflag:$0x7] =	stream.indirect.gather [hbm4b:s4+s14], $0x10, s13, s14, $0xb8;
	[tilespmem:$0xF500] =	vst v63  }
0x2f: {  	s5 =	simm.s32 $0x700  }
0x30: {  	[tilespmem:s22], [sflag:$0x8] =	stream.indirect.gather [hbm4b:s4+s14], $0x10, s5, s14, $0xb8;
	[tilespmem:$0xF500] =	vst v63  }
0x31: {  	_ =	swait.ge [sflag:s23], $0xFA0  }
0x32: {  	[sflag:s23] =	ssyncset.done $0x0  }
0x33: {  	s7 =	simm.s32 $0x2800;
	[sflag:s23] =	ssyncadd.s32 $0xFFFFF060  }
0x34: {  	[spmem:s2] =	stream.indirect.scatter.add.f32 [tilespmem:s15], [sflag:$0xA], $0x10, s7, s14, $0xb8;
	[tilespmem:$0xF500] =	vst v63  }
0x35: {  	_ =	swait.ge [sflag:s11], $0xFA0  }
0x36: {  	[sflag:s11] =	ssyncset.done $0x0  }
0x37: {  	[sflag:s11] =	ssyncadd.s32 $0xFFFFF060  }
0x38: {  	_ =	swait.ge [sflag:s25], $0xFA0  }
0x39: {  	[sflag:s25] =	ssyncset.done $0x0  }
0x3a: {  	s13 =	simm.s32 $0x2900;
	[sflag:s25] =	ssyncadd.s32 $0xFFFFF060  }
0x3b: {  	[spmem:s2] =	stream.indirect.scatter.add.f32 [tilespmem:s16], [sflag:$0xA], $0x10, s13, s14, $0xb8;
	[tilespmem:$0xF500] =	vst v63  }
0x3c: {  	_ =	swait.ge [sflag:s11], $0xFA0  }
0x3d: {  	[sflag:s11] =	ssyncset.done $0x0  }
0x3e: {  	[sflag:s11] =	ssyncadd.s32 $0xFFFFF060  }
0x3f: {  	_ =	swait.ge [sflag:s26], $0xFA0  }
0x40: {  	[sflag:s26] =	ssyncset.done $0x0  }
0x41: {  	s5 =	simm.s32 $0x2A00;
	[sflag:s26] =	ssyncadd.s32 $0xFFFFF060  }
0x42: {  	[spmem:s2] =	stream.indirect.scatter.add.f32 [tilespmem:s17], [sflag:$0xA], $0x10, s5, s14, $0xb8;
	[tilespmem:$0xF500] =	vst v63  }
0x43: {  	_ =	swait.ge [sflag:s11], $0xFA0  }
0x44: {  	[sflag:s11] =	ssyncset.done $0x0  }
0x45: {  	[sflag:s11] =	ssyncadd.s32 $0xFFFFF060  }
0x46: {  	_ =	swait.ge [sflag:s28], $0xFA0  }
0x47: {  	[sflag:s28] =	ssyncset.done $0x0  }
0x48: {  	s7 =	simm.s32 $0x2B00;
	[sflag:s28] =	ssyncadd.s32 $0xFFFFF060  }
0x49: {  	[spmem:s2] =	stream.indirect.scatter.add.f32 [tilespmem:s18], [sflag:$0xA], $0x10, s7, s14, $0xb8;
	[tilespmem:$0xF500] =	vst v63  }
0x4a: {  	_ =	swait.ge [sflag:s11], $0xFA0  }
0x4b: {  	[sflag:s11] =	ssyncset.done $0x0  }
0x4c: {  	[sflag:s11] =	ssyncadd.s32 $0xFFFFF060  }
0x4d: {  	_ =	swait.ge [sflag:s29], $0xFA0  }
0x4e: {  	[sflag:s29] =	ssyncset.done $0x0  }
0x4f: {  	s13 =	simm.s32 $0x2C00;
	[sflag:s29] =	ssyncadd.s32 $0xFFFFF060  }
0x50: {  	[spmem:s2] =	stream.indirect.scatter.add.f32 [tilespmem:s19], [sflag:$0xA], $0x10, s13, s14, $0xb8;
	[tilespmem:$0xF500] =	vst v63  }
0x51: {  	_ =	swait.ge [sflag:s11], $0xFA0  }
0x52: {  	[sflag:s11] =	ssyncset.done $0x0  }
0x53: {  	[sflag:s11] =	ssyncadd.s32 $0xFFFFF060  }
0x54: {  	_ =	swait.ge [sflag:s30], $0xFA0  }
0x55: {  	[sflag:s30] =	ssyncset.done $0x0  }
0x56: {  	s5 =	simm.s32 $0x2D00;
	[sflag:s30] =	ssyncadd.s32 $0xFFFFF060  }
0x57: {  	[spmem:s2] =	stream.indirect.scatter.add.f32 [tilespmem:s20], [sflag:$0xA], $0x10, s5, s14, $0xb8;
	[tilespmem:$0xF500] =	vst v63  }
0x58: {  	_ =	swait.ge [sflag:s11], $0xFA0  }
0x59: {  	[sflag:s11] =	ssyncset.done $0x0  }
0x5a: {  	[sflag:s11] =	ssyncadd.s32 $0xFFFFF060  }
0x5b: {  	_ =	swait.ge [sflag:s31], $0xFA0  }
0x5c: {  	[sflag:s31] =	ssyncset.done $0x0  }
0x5d: {  	s7 =	simm.s32 $0x2E00;
	[sflag:s31] =	ssyncadd.s32 $0xFFFFF060  }
0x5e: {  	[spmem:s2] =	stream.indirect.scatter.add.f32 [tilespmem:s21], [sflag:$0xA], $0x10, s7, s14, $0xb8;
	[tilespmem:$0xF500] =	vst v63  }
0x5f: {  	_ =	swait.ge [sflag:s11], $0xFA0  }
0x60: {  	[sflag:s11] =	ssyncset.done $0x0  }
0x61: {  	[sflag:s11] =	ssyncadd.s32 $0xFFFFF060  }
0x62: {  	_ =	swait.ge [sflag:s0], $0xFA0  }
0x63: {  	[sflag:s0] =	ssyncset.done $0x0  }
0x64: {  	s13 =	simm.s32 $0x2F00;
	[sflag:s0] =	ssyncadd.s32 $0xFFFFF060  }
0x65: {  	[spmem:s2] =	stream.indirect.scatter.add.f32 [tilespmem:s22], [sflag:$0xA], $0x10, s13, s14, $0xb8;
	[tilespmem:$0xF500] =	vst v63  }
0x66: {  	_ =	swait.ge [sflag:s11], $0xFA0  }
0x67: {  	s3 =	simm.s32 $0x4000;
	s13 =	simm.s32 $0x2000;
	[sflag:s11] =	ssyncset.done $0x0  }
.LBB2_2:
0x68: {  	s5 =	sshra.s32 s13, $0x2  }
0x69: {  	[sflag:s11] =	ssyncadd.s32 $0xFFFFF060;
	s13 =	smov.u32 s3;
	s7 =	sadd.s32 $0x2000, s3  }
0x6a: {  	[tilespmem:s15], [sflag:$0x1] =	stream.indirect.gather [hbm4b:s4+s14], $0x10, s5, s14, $0xb8;
	[tilespmem:$0xF500] =	vst v63  }
0x6b: {  	p0 =	sne.s32 s3, $0x8000;
	s3 =	sadd.s32 $0x100, s5  }
0x6c: {  	[tilespmem:s16], [sflag:$0x2] =	stream.indirect.gather [hbm4b:s4+s14], $0x10, s3, s14, $0xb8;
	[tilespmem:$0xF500] =	vst v63  }
0x6d: {  	s3 =	sadd.s32 $0x200, s5  }
0x6e: {  	[tilespmem:s17], [sflag:$0x3] =	stream.indirect.gather [hbm4b:s4+s14], $0x10, s3, s14, $0xb8;
	[tilespmem:$0xF500] =	vst v63  }
0x6f: {  	s3 =	sadd.s32 $0x300, s5  }
0x70: {  	[tilespmem:s18], [sflag:$0x4] =	stream.indirect.gather [hbm4b:s4+s14], $0x10, s3, s14, $0xb8;
	[tilespmem:$0xF500] =	vst v63  }
0x71: {  	s3 =	sadd.s32 $0x400, s5  }
0x72: {  	[tilespmem:s19], [sflag:$0x5] =	stream.indirect.gather [hbm4b:s4+s14], $0x10, s3, s14, $0xb8;
	[tilespmem:$0xF500] =	vst v63  }
0x73: {  	s3 =	sadd.s32 $0x500, s5  }
0x74: {  	[tilespmem:s20], [sflag:$0x6] =	stream.indirect.gather [hbm4b:s4+s14], $0x10, s3, s14, $0xb8;
	[tilespmem:$0xF500] =	vst v63  }
0x75: {  	s3 =	sadd.s32 $0x600, s5  }
0x76: {  	[tilespmem:s21], [sflag:$0x7] =	stream.indirect.gather [hbm4b:s4+s14], $0x10, s3, s14, $0xb8;
	[tilespmem:$0xF500] =	vst v63  }
0x77: {  	s3 =	sadd.s32 $0x700, s5  }
0x78: {  	[tilespmem:s22], [sflag:$0x8] =	stream.indirect.gather [hbm4b:s4+s14], $0x10, s3, s14, $0xb8;
	[tilespmem:$0xF500] =	vst v63  }
0x79: {  	_ =	swait.ge [sflag:s23], $0xFA0  }
0x7a: {  	[sflag:s23] =	ssyncset.done $0x0  }
0x7b: {  	s3 =	sadd.s32 $0x2800, s5;
	[sflag:s23] =	ssyncadd.s32 $0xFFFFF060  }
0x7c: {  	[spmem:s2] =	stream.indirect.scatter.add.f32 [tilespmem:s15], [sflag:$0xA], $0x10, s3, s14, $0xb8;
	[tilespmem:$0xF500] =	vst v63  }
0x7d: {  	_ =	swait.ge [sflag:s11], $0xFA0  }
0x7e: {  	[sflag:s11] =	ssyncset.done $0x0  }
0x7f: {  	[sflag:s11] =	ssyncadd.s32 $0xFFFFF060  }
0x80: {  	_ =	swait.ge [sflag:s25], $0xFA0  }
0x81: {  	[sflag:s25] =	ssyncset.done $0x0  }
0x82: {  	s3 =	sadd.s32 $0x2900, s5;
	[sflag:s25] =	ssyncadd.s32 $0xFFFFF060  }
0x83: {  	[spmem:s2] =	stream.indirect.scatter.add.f32 [tilespmem:s16], [sflag:$0xA], $0x10, s3, s14, $0xb8;
	[tilespmem:$0xF500] =	vst v63  }
0x84: {  	_ =	swait.ge [sflag:s11], $0xFA0  }
0x85: {  	[sflag:s11] =	ssyncset.done $0x0  }
0x86: {  	[sflag:s11] =	ssyncadd.s32 $0xFFFFF060  }
0x87: {  	_ =	swait.ge [sflag:s26], $0xFA0  }
0x88: {  	[sflag:s26] =	ssyncset.done $0x0  }
0x89: {  	s3 =	sadd.s32 $0x2A00, s5;
	[sflag:s26] =	ssyncadd.s32 $0xFFFFF060  }
0x8a: {  	[spmem:s2] =	stream.indirect.scatter.add.f32 [tilespmem:s17], [sflag:$0xA], $0x10, s3, s14, $0xb8;
	[tilespmem:$0xF500] =	vst v63  }
0x8b: {  	_ =	swait.ge [sflag:s11], $0xFA0  }
0x8c: {  	[sflag:s11] =	ssyncset.done $0x0  }
0x8d: {  	[sflag:s11] =	ssyncadd.s32 $0xFFFFF060  }
0x8e: {  	_ =	swait.ge [sflag:s28], $0xFA0  }
0x8f: {  	[sflag:s28] =	ssyncset.done $0x0  }
0x90: {  	s3 =	sadd.s32 $0x2B00, s5;
	[sflag:s28] =	ssyncadd.s32 $0xFFFFF060  }
0x91: {  	[spmem:s2] =	stream.indirect.scatter.add.f32 [tilespmem:s18], [sflag:$0xA], $0x10, s3, s14, $0xb8;
	[tilespmem:$0xF500] =	vst v63  }
0x92: {  	_ =	swait.ge [sflag:s11], $0xFA0  }
0x93: {  	[sflag:s11] =	ssyncset.done $0x0  }
0x94: {  	[sflag:s11] =	ssyncadd.s32 $0xFFFFF060  }
0x95: {  	_ =	swait.ge [sflag:s29], $0xFA0  }
0x96: {  	[sflag:s29] =	ssyncset.done $0x0  }
0x97: {  	s3 =	sadd.s32 $0x2C00, s5;
	[sflag:s29] =	ssyncadd.s32 $0xFFFFF060  }
0x98: {  	[spmem:s2] =	stream.indirect.scatter.add.f32 [tilespmem:s19], [sflag:$0xA], $0x10, s3, s14, $0xb8;
	[tilespmem:$0xF500] =	vst v63  }
0x99: {  	_ =	swait.ge [sflag:s11], $0xFA0  }
0x9a: {  	[sflag:s11] =	ssyncset.done $0x0  }
0x9b: {  	[sflag:s11] =	ssyncadd.s32 $0xFFFFF060  }
0x9c: {  	_ =	swait.ge [sflag:s30], $0xFA0  }
0x9d: {  	[sflag:s30] =	ssyncset.done $0x0  }
0x9e: {  	s3 =	sadd.s32 $0x2D00, s5;
	[sflag:s30] =	ssyncadd.s32 $0xFFFFF060  }
0x9f: {  	[spmem:s2] =	stream.indirect.scatter.add.f32 [tilespmem:s20], [sflag:$0xA], $0x10, s3, s14, $0xb8;
	[tilespmem:$0xF500] =	vst v63  }
0xa0: {  	_ =	swait.ge [sflag:s11], $0xFA0  }
0xa1: {  	[sflag:s11] =	ssyncset.done $0x0  }
0xa2: {  	[sflag:s11] =	ssyncadd.s32 $0xFFFFF060  }
0xa3: {  	_ =	swait.ge [sflag:s31], $0xFA0  }
0xa4: {  	[sflag:s31] =	ssyncset.done $0x0  }
0xa5: {  	s3 =	sadd.s32 $0x2E00, s5;
	[sflag:s31] =	ssyncadd.s32 $0xFFFFF060  }
0xa6: {  	[spmem:s2] =	stream.indirect.scatter.add.f32 [tilespmem:s21], [sflag:$0xA], $0x10, s3, s14, $0xb8;
	[tilespmem:$0xF500] =	vst v63  }
0xa7: {  	_ =	swait.ge [sflag:s11], $0xFA0  }
0xa8: {  	[sflag:s11] =	ssyncset.done $0x0  }
0xa9: {  	[sflag:s11] =	ssyncadd.s32 $0xFFFFF060  }
0xaa: {  	_ =	swait.ge [sflag:s0], $0xFA0  }
.Ltmp0:
0xab: {  	[sflag:s0] =	ssyncset.done $0x0;
	(pc) =	sbr.rel @p0 .LBB2_2-.Ltmp0, $4  }
0xac: {  	s3 =	sadd.s32 $0x2F00, s5;
	[sflag:s0] =	ssyncadd.s32 $0xFFFFF060  }
0xad: {  	[spmem:s2] =	stream.indirect.scatter.add.f32 [tilespmem:s22], [sflag:$0xA], $0x10, s3, s14, $0xb8;
	[tilespmem:$0xF500] =	vst v63  }
0xae: {  	_ =	swait.ge [sflag:s11], $0xFA0  }
0xaf: {  	s3 =	smov.u32 s7;
	[sflag:s11] =	ssyncset.done $0x0  }
0xb0: {  	s3 =	sshra.s32 s13, $0x2;
	[sflag:s11] =	ssyncadd.s32 $0xFFFFF060  }
0xb1: {  	[tilespmem:s15], [sflag:$0x1] =	stream.indirect.gather [hbm4b:s4+s14], $0x10, s3, s14, $0xb8;
	[tilespmem:$0xF500] =	vst v63  }
0xb2: {  	s5 =	sadd.s32 $0x100, s3  }
0xb3: {  	[tilespmem:s16], [sflag:$0x2] =	stream.indirect.gather [hbm4b:s4+s14], $0x10, s5, s14, $0xb8;
	[tilespmem:$0xF500] =	vst v63  }
0xb4: {  	s13 =	sadd.s32 $0x200, s3  }
0xb5: {  	[tilespmem:s17], [sflag:$0x3] =	stream.indirect.gather [hbm4b:s4+s14], $0x10, s13, s14, $0xb8;
	[tilespmem:$0xF500] =	vst v63  }
0xb6: {  	s7 =	sadd.s32 $0x300, s3  }
0xb7: {  	[tilespmem:s18], [sflag:$0x4] =	stream.indirect.gather [hbm4b:s4+s14], $0x10, s7, s14, $0xb8;
	[tilespmem:$0xF500] =	vst v63  }
0xb8: {  	s13 =	sadd.s32 $0x400, s3  }
0xb9: {  	[tilespmem:s19], [sflag:$0x5] =	stream.indirect.gather [hbm4b:s4+s14], $0x10, s13, s14, $0xb8;
	[tilespmem:$0xF500] =	vst v63  }
0xba: {  	s7 =	sadd.s32 $0x500, s3  }
0xbb: {  	[tilespmem:s20], [sflag:$0x6] =	stream.indirect.gather [hbm4b:s4+s14], $0x10, s7, s14, $0xb8;
	[tilespmem:$0xF500] =	vst v63  }
0xbc: {  	s13 =	sadd.s32 $0x600, s3  }
0xbd: {  	[tilespmem:s21], [sflag:$0x7] =	stream.indirect.gather [hbm4b:s4+s14], $0x10, s13, s14, $0xb8;
	[tilespmem:$0xF500] =	vst v63  }
0xbe: {  	s7 =	sadd.s32 $0x700, s3  }
0xbf: {  	[tilespmem:s22], [sflag:$0x8] =	stream.indirect.gather [hbm4b:s4+s14], $0x10, s7, s14, $0xb8;
	[tilespmem:$0xF500] =	vst v63  }
0xc0: {  	_ =	swait.ge [sflag:s23], $0xFA0  }
0xc1: {  	[sflag:s23] =	ssyncset.done $0x0  }
0xc2: {  	s13 =	sadd.s32 $0x2800, s3;
	[sflag:s23] =	ssyncadd.s32 $0xFFFFF060  }
0xc3: {  	[spmem:s2] =	stream.indirect.scatter.add.f32 [tilespmem:s15], [sflag:$0xA], $0x10, s13, s14, $0xb8;
	[tilespmem:$0xF500] =	vst v63  }
0xc4: {  	_ =	swait.ge [sflag:s11], $0xFA0  }
0xc5: {  	[sflag:s11] =	ssyncset.done $0x0  }
0xc6: {  	[sflag:s11] =	ssyncadd.s32 $0xFFFFF060  }
0xc7: {  	_ =	swait.ge [sflag:s25], $0xFA0  }
0xc8: {  	[sflag:s25] =	ssyncset.done $0x0  }
0xc9: {  	s7 =	sadd.s32 $0x2900, s3;
	[sflag:s25] =	ssyncadd.s32 $0xFFFFF060  }
0xca: {  	[spmem:s2] =	stream.indirect.scatter.add.f32 [tilespmem:s16], [sflag:$0xA], $0x10, s7, s14, $0xb8;
	[tilespmem:$0xF500] =	vst v63  }
0xcb: {  	_ =	swait.ge [sflag:s11], $0xFA0  }
0xcc: {  	[sflag:s11] =	ssyncset.done $0x0  }
0xcd: {  	[sflag:s11] =	ssyncadd.s32 $0xFFFFF060  }
0xce: {  	_ =	swait.ge [sflag:s26], $0xFA0  }
0xcf: {  	[sflag:s26] =	ssyncset.done $0x0  }
0xd0: {  	s13 =	sadd.s32 $0x2A00, s3;
	[sflag:s26] =	ssyncadd.s32 $0xFFFFF060  }
0xd1: {  	[spmem:s2] =	stream.indirect.scatter.add.f32 [tilespmem:s17], [sflag:$0xA], $0x10, s13, s14, $0xb8;
	[tilespmem:$0xF500] =	vst v63  }
0xd2: {  	_ =	swait.ge [sflag:s11], $0xFA0  }
0xd3: {  	[sflag:s11] =	ssyncset.done $0x0  }
0xd4: {  	[sflag:s11] =	ssyncadd.s32 $0xFFFFF060  }
0xd5: {  	_ =	swait.ge [sflag:s28], $0xFA0  }
0xd6: {  	[sflag:s28] =	ssyncset.done $0x0  }
0xd7: {  	s7 =	sadd.s32 $0x2B00, s3;
	[sflag:s28] =	ssyncadd.s32 $0xFFFFF060  }
0xd8: {  	[spmem:s2] =	stream.indirect.scatter.add.f32 [tilespmem:s18], [sflag:$0xA], $0x10, s7, s14, $0xb8;
	[tilespmem:$0xF500] =	vst v63  }
0xd9: {  	_ =	swait.ge [sflag:s11], $0xFA0  }
0xda: {  	[sflag:s11] =	ssyncset.done $0x0  }
0xdb: {  	[sflag:s11] =	ssyncadd.s32 $0xFFFFF060  }
0xdc: {  	_ =	swait.ge [sflag:s29], $0xFA0  }
0xdd: {  	[sflag:s29] =	ssyncset.done $0x0  }
0xde: {  	s13 =	sadd.s32 $0x2C00, s3;
	[sflag:s29] =	ssyncadd.s32 $0xFFFFF060  }
0xdf: {  	[spmem:s2] =	stream.indirect.scatter.add.f32 [tilespmem:s19], [sflag:$0xA], $0x10, s13, s14, $0xb8;
	[tilespmem:$0xF500] =	vst v63  }
0xe0: {  	_ =	swait.ge [sflag:s11], $0xFA0  }
0xe1: {  	[sflag:s11] =	ssyncset.done $0x0  }
0xe2: {  	[sflag:s11] =	ssyncadd.s32 $0xFFFFF060  }
0xe3: {  	_ =	swait.ge [sflag:s30], $0xFA0  }
0xe4: {  	[sflag:s30] =	ssyncset.done $0x0  }
0xe5: {  	s7 =	sadd.s32 $0x2D00, s3;
	[sflag:s30] =	ssyncadd.s32 $0xFFFFF060  }
0xe6: {  	[spmem:s2] =	stream.indirect.scatter.add.f32 [tilespmem:s20], [sflag:$0xA], $0x10, s7, s14, $0xb8;
	[tilespmem:$0xF500] =	vst v63  }
0xe7: {  	_ =	swait.ge [sflag:s11], $0xFA0  }
0xe8: {  	[sflag:s11] =	ssyncset.done $0x0  }
0xe9: {  	[sflag:s11] =	ssyncadd.s32 $0xFFFFF060  }
0xea: {  	_ =	swait.ge [sflag:s31], $0xFA0  }
0xeb: {  	[sflag:s31] =	ssyncset.done $0x0  }
0xec: {  	s13 =	sadd.s32 $0x2E00, s3;
	[sflag:s31] =	ssyncadd.s32 $0xFFFFF060  }
0xed: {  	[spmem:s2] =	stream.indirect.scatter.add.f32 [tilespmem:s21], [sflag:$0xA], $0x10, s13, s14, $0xb8;
	[tilespmem:$0xF500] =	vst v63  }
0xee: {  	_ =	swait.ge [sflag:s11], $0xFA0  }
0xef: {  	[sflag:s11] =	ssyncset.done $0x0  }
0xf0: {  	[sflag:s11] =	ssyncadd.s32 $0xFFFFF060  }
0xf1: {  	_ =	swait.ge [sflag:s0], $0xFA0  }
0xf2: {  	[sflag:s0] =	ssyncset.done $0x0  }
0xf3: {  	s3 =	sadd.s32 $0x2F00, s3;
	[sflag:s0] =	ssyncadd.s32 $0xFFFFF060  }
0xf4: {  	[spmem:s2] =	stream.indirect.scatter.add.f32 [tilespmem:s22], [sflag:$0xA], $0x10, s3, s14, $0xb8;
	[tilespmem:$0xF500] =	vst v63  }
0xf5: {  	_ =	swait.ge [sflag:s11], $0xFA0  }
0xf6: {  	s1 =	sadd.s32 $0x1, s1;
	[sflag:s11] =	ssyncset.done $0x0  }
0xf7: {  	p0 =	sne.s32 s1, s9;
	[sflag:s11] =	ssyncadd.s32 $0xFFFFF060  }
.Ltmp1:
0xf8: {  	[bflag:$0x0] =	sbarrier.arrive $0xFFFF;
	(pc) =	sbr.rel @p0 .LBB2_1-.Ltmp1, $4  }
0xf9: {  	[hbm:s24], [sflag:s6] =	dma.local [spmem:s10], $0x500  }
0xfa: {  	_ =	swait.ge [sflag:s11], $0x500  }
0xfb: {  	[sflag:s11] =	ssyncset.done $0x0  }
0xfc: {  	[sflag:s11] =	ssyncadd.s32 $0xFFFFFB00  }
0xfd: {  	_ =	sfence.sel $0x180000  }
0xfe: {  	[bflag:$0x0] =	sbarrier.arrive $0xFFFF  }
0xff: {  	_ =	strace $0x9000004D  }
0x100: {  	s0 =	stileid.u32;
	[bflag:$0x2] =	sbarrier.arrive $0xFFFF  }
0x101: {  	p0 =	sne.s32 s0, $0x0;
	s0 =	rddreg [dreg:$0x3]  }
0x102: {  	s0 =	sadd.s32 @!p0 $0x100000, s0  }
0x103: {  	[sflag:s0] =	ssyncadd.tile.s32 @!p0 $0x1;
	_ =	shalt  }
.Lfunc_end2:
_tile_overlayer_lowered:
.L_overlay_start_2:
0x104: {  	(tag) =	ssettag $0x2  }
0x105: {  	s0 =	rddreg [dreg:$0x0];
	s2 =	stileid.u32  }
0x106: {  	s1 =	rddreg [dreg:$0x1];
	p0 =	sne.s32 s2, $0x0  }
0x107: {  	s3 =	rddreg [dreg:$0x2];
	[bflag:$0x3] =	sbarrier.arrive $0xFFFF;
	s2 =	simm.s32 @!p0 $0x1C0A  }
0x108: {  	[timem:s3], [sflag:s2] =	dma.local @!p0 [hbm:s0], s1  }
0x109: {  	s0 =	simm.s32 @!p0 $0xA  }
0x10a: {  	_ =	swait.ge @!p0 [sflag:s0], s1  }
0x10b: {  	s1 =	ssub.s32 @!p0 $0x0, s1;
	[sflag:s0] =	ssyncset.done @!p0 $0x0  }
0x10c: {  	[sflag:s0] =	ssyncadd.s32 @!p0 s1  }
0x10d: {  	[bflag:$0x3] =	sbarrier.arrive $0xFFFF  }
0x10e: {  	_ =	shalt  }

// kernel: kernel.19.cloned.1.call-start
scs
__scs_entry_jumppad:
0x0: {  	(pc) =	sbr.rel $0x88, $3  }
0x1: {  	(tag) =	ssettag $0x0;
	lr =	simm.s32 $0x1  }
0x2: {  	[smem:$0x3F8E] =	sst lr;
	_ =	strace $0xD0000000  }
0x3: {  	_ = 	snop  }
0x4: {  	_ = 	snop  }
0x5: {  	_ = 	snop  }
0x6: {  	_ = 	snop  }
0x7: {  	_ = 	snop  }
__scs_overlays_trampoline_lowered:
0x8: {  	[smem:$0x3F9D] =	sst s0  }
0x9: {  	[smem:$0x3F9E] =	sst s1  }
0xa: {  	[smem:$0x3F9F] =	sst s2  }
0xb: {  	[smem:$0x3FA0] =	sst s3  }
0xc: {  	[smem:$0x3FA1] =	sst s4  }
0xd: {  	[smem:$0x3FA2] =	sst s5  }
0xe: {  	[smem:$0x3FA3] =	sst s6  }
0xf: {  	[smem:$0x3FA4] =	sst s7  }
0x10: {  	[smem:$0x3FA5] =	sst s8  }
0x11: {  	[smem:$0x3FA6] =	sst s9;
	s0 =	simm.s32 @!p0 $0x0  }
0x12: {  	s1 =	sld [smem:$0x3F8C];
	s0 =	simm.s32 @p0 $0x1  }
0x13: {  	[smem:$0x3FA7] =	sst s0;
	s0 =	simm.s32 @!p1 $0x0  }
0x14: {  	s2 =	sld [smem:$0x3F8B];
	s0 =	simm.s32 @p1 $0x1  }
0x15: {  	[smem:$0x3FA8] =	sst s0;
	s0 =	simm.s32 @!p2 $0x0  }
0x16: {  	s3 =	sld [smem:$0x3FDB];
	s0 =	simm.s32 @p2 $0x1  }
0x17: {  	s4 =	simm.s32 $0x1BF5;
	[smem:$0x3FAA] =	sst s0  }
0x18: {  	s0 =	sld [smem:$0x3F8D];
	_ =	swait.ge [sflag:s4], $0x0  }
0x19: {  	s7 =	sld [smem:$0x3F8E]  }
0x1a: {  	s8 =	sadd.s32 $0xFFFFE003, lr  }
0x1b: {  	s9 =	sadd.s32 $0xFFFFFEF7, lr;
	s5 =	simm.s32 $0xFFFFFFFF;
	p2 =	slt.u32 s8, $0xFFFFF086  }
0x1c: {  	p1 =	slt.u32 s9, $0xF7A;
	s5 =	simm.s32 @!p2 $0x0  }
0x1d: {  	s5 =	simm.s32 @p1 $0x1;
	p0 =	seq.s32 s7, s2  }
0x1e: {  	s7 =	smul.u32 @!p0 $0xF7A, s2;
	p2 =	seq.s32 @!p0 s5, $0x0  }
0x1f: {  	s9 =	smul.u32 $0xF7A, s1;
	s8 =	simm.s32 @!p0 $0x1BF5;
	p2 =	por !p2, p0  }
0x20: {  	[sflag:s8] =	ssyncset.s32 @!p0 $0xFFFFF086;
	s6 =	sadd.s32 @!p0 s3, s7;
	s7 =	simm.s32 @!p0 $0x108  }
0x21: {  	s3 =	sadd.s32 s3, s9;
	s6 =	sadd.s32 @!p0 $0x88, s6;
	s7 =	simm.s32 @p2 $0x1082  }
0x22: {  	[simem:s7], [sflag:s8] =	dma.local @!p0 [hbm:s6], $0xF7A  }
0x23: {  	s9 =	sor.u32 $0xD0000000, s2;
	s6 =	simm.s32 $0x108;
	_ =	swait.ge @!p0 [sflag:s8], $0x0  }
0x24: {  	s3 =	sadd.s32 $0x88, s3;
	s6 =	simm.s32 @!p1 $0x1082;
	[sflag:s4] =	ssyncset.s32 $0xFFFFF086  }
0x25: {  	[simem:s6], [sflag:s4] =	dma.local [hbm:s3], $0xF7A  }
0x26: {  	[smem:$0x3F8E] =	sst s1;
	(tag) =	ssettag s2;
	_ =	strace s9  }
0x27: {  	s1 =	sld [smem:$0x3F9E]  }
0x28: {  	s2 =	sld [smem:$0x3F9F]  }
0x29: {  	s4 =	sld [smem:$0x3FA1]  }
0x2a: {  	p0 =	seq.s32 s5, $0x0;
	s5 =	sld [smem:$0x3FA2]  }
0x2b: {  	s6 =	sld [smem:$0x3FA3]  }
0x2c: {  	s7 =	sld [smem:$0x3FA4]  }
0x2d: {  	s3 =	simm.s32 $0x108;
	s8 =	sld [smem:$0x3FA5]  }
0x2e: {  	s3 =	simm.s32 @!p0 $0x1082;
	s9 =	sld [smem:$0x3FA6]  }
0x2f: {  	lr =	sadd.s32 s0, s3;
	s0 =	sld [smem:$0x3F9D]  }
0x30: {  	s3 =	sld [smem:$0x3FA0]  }
0x31: {  	[smem:$0x3FA9] =	sst s10  }
0x32: {  	s10 =	sld [smem:$0x3FA7];
	_ =	sdelay $0x3  }
0x33: {  	p0 =	seq.s32 s10, $0x1;
	s10 =	sld [smem:$0x3FA9];
	_ =	sdelay $0x3  }
0x34: {  	[smem:$0x3FA9] =	sst s10  }
0x35: {  	s10 =	sld [smem:$0x3FA8];
	_ =	sdelay $0x3  }
0x36: {  	p1 =	seq.s32 s10, $0x1;
	s10 =	sld [smem:$0x3FA9];
	_ =	sdelay $0x3  }
0x37: {  	[smem:$0x3FA9] =	sst s10  }
0x38: {  	s10 =	sld [smem:$0x3FAA]  }
0x39: {  	_ = 	snop;
	(pc) =	sbr.ind lr, $3  }
0x3a: {  	_ = 	snop  }
0x3b: {  	_ = 	snop  }
0x3c: {  	p2 =	seq.s32 s10, $0x1;
	s10 =	sld [smem:$0x3FA9]  }
0x3d: {  	_ =	shalt  }
0x3e: {  	_ =	shalt  }
0x3f: {  	_ =	shalt  }
0x40: {  	_ =	shalt  }
0x41: {  	_ =	shalt  }
0x42: {  	_ =	shalt  }
0x43: {  	_ =	shalt  }
0x44: {  	_ =	shalt  }
0x45: {  	_ =	shalt  }
0x46: {  	_ =	shalt  }
0x47: {  	_ =	shalt  }
0x48: {  	_ =	shalt  }
0x49: {  	_ =	shalt  }
0x4a: {  	_ =	shalt  }
0x4b: {  	_ =	shalt  }
0x4c: {  	_ =	shalt  }
0x4d: {  	_ =	shalt  }
0x4e: {  	_ =	shalt  }
0x4f: {  	_ =	shalt  }
0x50: {  	_ =	shalt  }
0x51: {  	_ =	shalt  }
0x52: {  	_ =	shalt  }
0x53: {  	_ =	shalt  }
0x54: {  	_ =	shalt  }
0x55: {  	_ =	shalt  }
0x56: {  	_ =	shalt  }
0x57: {  	_ =	shalt  }
0x58: {  	_ =	shalt  }
0x59: {  	_ =	shalt  }
0x5a: {  	_ =	shalt  }
0x5b: {  	_ =	shalt  }
0x5c: {  	_ =	shalt  }
0x5d: {  	_ =	shalt  }
0x5e: {  	_ =	shalt  }
0x5f: {  	_ =	shalt  }
0x60: {  	_ =	shalt  }
0x61: {  	_ =	shalt  }
0x62: {  	_ =	shalt  }
0x63: {  	_ =	shalt  }
0x64: {  	_ =	shalt  }
0x65: {  	_ =	shalt  }
0x66: {  	_ =	shalt  }
0x67: {  	_ =	shalt  }
0x68: {  	_ =	shalt  }
0x69: {  	_ =	shalt  }
0x6a: {  	_ =	shalt  }
0x6b: {  	_ =	shalt  }
0x6c: {  	_ =	shalt  }
0x6d: {  	_ =	shalt  }
0x6e: {  	_ =	shalt  }
0x6f: {  	_ =	shalt  }
0x70: {  	_ =	shalt  }
0x71: {  	_ =	shalt  }
0x72: {  	_ =	shalt  }
0x73: {  	_ =	shalt  }
0x74: {  	_ =	shalt  }
0x75: {  	_ =	shalt  }
0x76: {  	_ =	shalt  }
0x77: {  	_ =	shalt  }
0x78: {  	_ =	shalt  }
0x79: {  	_ =	shalt  }
0x7a: {  	_ =	shalt  }
0x7b: {  	_ =	shalt  }
0x7c: {  	_ =	shalt  }
0x7d: {  	_ =	shalt  }
0x7e: {  	_ =	shalt  }
0x7f: {  	_ =	shalt  }
0x80: {  	_ =	shalt  }
0x81: {  	_ =	shalt  }
0x82: {  	_ =	shalt  }
0x83: {  	_ =	shalt  }
0x84: {  	_ =	shalt  }
0x85: {  	_ =	shalt  }
0x86: {  	_ =	shalt  }
0x87: {  	_ =	shalt  }
.Lfunc_end0:
.L_simem_size_0:
called_computation.3_lowered:
.L_overlay_start_0:
0x88: {  	s2 =	sld [smem:$0x3FD9]  }
0x89: {  	s3 =	sld [smem:$0x3FFE];
	_ =	sdelay $0x1  }
0x8a: {  	s1 =	srdreg.scid  }
0x8b: {  	s0 =	sand.u32 $0x1, s1  }
0x8c: {  	s17 =	sshll.u32 s0, $0xA;
	s2 =	sadd.s32 s3, s2  }
0x8d: {  	s2 =	sadd.s32 s2, s17  }
0x8e: {  	[smem:$0x3FB5] =	sst s2  }
0x8f: {  	_ = 	snop  }
0x90: {  	s2 =	sld [smem:$0x3FD0];
	(tm) =	ssettm $0x1  }
0x91: {  	s18 =	sld [smem:$0x3FFB];
	_ =	sdelay $0x3  }
0x92: {  	_ =	strace s18  }
0x93: {  	s3 =	sld [smem:$0x3FFC];
	_ =	sdelay $0x3  }
0x94: {  	_ =	strace s3  }
0x95: {  	s3 =	sld [smem:$0x3FFD];
	_ =	sdelay $0x3  }
0x96: {  	_ =	strace s3  }
0x97: {  	_ =	strace $0x8FFFFFFF  }
0x98: {  	s19 =	sld [smem:$0x3FDB];
	_ =	sdelay $0x1  }
0x99: {  	s4 =	simm.s32 $_scs_section_size  }
0x9a: {  	s5 =	simm.s32 $_size__tile_overlayer_lowered;
	s6 =	simm.s32 $_tile_overlayer_lowered  }
0x9b: {  	s22 =	simm.s32 $0x1BFF;
	s21 =	sshll.u32 s6, $0x1;
	s3 =	sadd.s32 s4, s19  }
0x9c: {  	s7 =	simm.s32 $0x0;
	s20 =	sshll.u32 s5, $0x1;
	s5 =	sadd.s32 s21, s3  }
0x9d: {  	[timem:s7], [sflag:s22] =	dma.local [hbm:s5], s20  }
0x9e: {  	_ =	swait.ge [sflag:s22], s20  }
0x9f: {  	s4 =	ssub.s32 $0x0, s20;
	[sflag:s22] =	ssyncset.done $0x0  }
0xa0: {  	[sflag:s22] =	ssyncadd.s32 s4;
	_ =	sdelay $0x1  }
0xa1: {  	s23 =	simm.s32 $0x1B8B  }
0xa2: {  	_ =	swait.ge [sflag:s23], $0x1  }
0xa3: {  	[sflag:s23] =	ssyncset.done $0x0  }
0xa4: {  	s25 =	simm.s32 $0x1B8E;
	s24 =	sld [smem:$0x3FFE];
	[sflag:s23] =	ssyncadd.s32 $0xFFFFFFFF  }
0xa5: {  	s26 =	simm.s32 $execute0_lowered;
	[smem:$0x3FD2] =	sst s25  }
0xa6: {  	s5 =	sshll.u32 s26, $0x1;
	_ =	strace $0x8000004F;
	[dreg:$0x1] =	wrdreg $0xFFFFFFFF  }
0xa7: {  	s28 =	simm.s32 $_size_execute0_lowered;
	s3 =	sadd.s32 s3, s5;
	[dreg:$0x0] =	wrdreg $0x0  }
0xa8: {  	s5 =	sshll.u32 s28, $0x1;
	[dreg:$0x2] =	wrdreg s3  }
0xa9: {  	[dreg:$0x3] =	wrdreg s5  }
0xaa: {  	[dreg:$0x4] =	wrdreg $0xC0  }
0xab: {  	_ =	task [dreg:s7], $0x5FFFF  }
0xac: {  	[dreg:$0x1] =	wrdreg $0xFFFFFFFF  }
0xad: {  	[dreg:$0x0] =	wrdreg $0x60  }
0xae: {  	[dreg:$0x2] =	wrdreg s24  }
0xaf: {  	[dreg:$0x3] =	wrdreg s2  }
0xb0: {  	[dreg:$0x4] =	wrdreg $0xCD000  }
0xb1: {  	[dreg:$0x5] =	wrdreg $0x9  }
0xb2: {  	_ =	task.clear_ibuf [dreg:s7], $0x6FFFF;
	_ =	strace $0x9000004F  }
0xb3: {  	s29 =	simm.s32 $0x9;
	_ =	strace $0x80000051  }
0xb4: {  	_ =	swait.ge [sflag:s29], $0x1  }
0xb5: {  	[sflag:s29] =	ssyncadd.s32 $0xFFFFFFFF  }
0xb6: {  	_ =	strace $0x90000051  }
0xb7: {  	_ =	sfence  }
0xb8: {  	s30 =	sld [smem:$0x0];
	_ =	sdelay $0x2  }
0xb9: {  	s31 =	sshll.u32 s1, $0xD;
	s1 =	sshrl.u32 s1, $0x2  }
0xba: {  	s3 =	sand.u32 $0x4000, s31;
	s1 =	sadd.s32 s1, s30  }
0xbb: {  	s0 =	sor.u32 s3, s0;
	s1 =	sshll.u32 s1, $0x11  }
0xbc: {  	s0 =	sor.u32 s1, s0  }
0xbd: {  	s0 =	sadd.s32 $0x8F2B, s0  }
0xbe: {  	[sflag:s0] =	ssyncadd.remote.s32 $0x1  }
0xbf: {  	_ =	sfence.sel $0xFFFF  }
0xc0: {  	[dreg:$0x0] =	wrdreg $0xFFFFFFFF;
	(pc) =	sbr.abs _section_cstart, $3  }
0xc1: {  	[dreg:$0x1] =	wrdreg $0xFFFFFFFF  }
0xc2: {  	_ =	task.clear_ibuf [dreg:s7], $0x2FFFF;
	_ =	strace $0x9FFFFFFF  }
0xc3: {  	(tm) =	ssettm $0x7FFFFFFF  }
tec
execute0_lowered:
.L_overlay_start_1:
0x0: {  	(tag) =	ssettag $0x1  }
0x1: {  	s0 =	rddreg [dreg:$0x0]  }
0x2: {  	s1 =	srdreg.scid;
	s3 =	rddreg [dreg:$0x1]  }
0x3: {  	s2 =	rddreg [dreg:$0x2];
	s10 =	stileid.u32  }
0x4: {  	s5 =	simm.s32 $0x0;
	s11 =	simm.s32 $0xA;
	s12 =	simm.s32 $0x9  }
0x5: {  	s14 =	simm.s32 $0xFA;
	s15 =	simm.s32 $0x5000;
	s16 =	simm.s32 $0x5FA0  }
0x6: {  	s17 =	simm.s32 $0x6F40;
	s18 =	simm.s32 $0x7EE0;
	s19 =	simm.s32 $0x8E80  }
0x7: {  	s20 =	simm.s32 $0x9E20;
	s21 =	simm.s32 $0xADC0;
	s28 =	simm.s32 $0x4  }
0x8: {  	s29 =	simm.s32 $0x5;
	s30 =	simm.s32 $0x6;
	s31 =	simm.s32 $0x7  }
0x9: {  	s1 =	sand.u32 $0x1, s1;
	[smem:$0x7FF] =	sst s5;
	s8 =	sadd.s32 $0x3400, s0  }
0xa: {  	s9 =	smul.u32 $0x2800, s10;
	s24 =	sshll.u32 s10, $0x6;
	s4 =	sshll.u32 s1, $0x4  }
0xb: {  	_ =	strace $0x80000050;
	s6 =	smul.u32 $0x5000, s1;
	s1 =	ssub.s32 $0x2, s1  }
0xc: {  	[dreg:$0x4] =	wrdreg s8;
	s4 =	sor.u32 s10, s4;
	s23 =	sshrl.u32 s1, $0x1  }
0xd: {  	s25 =	sadd.s32 s9, s2;
	s26 =	sshrl.u32 s9, $0x3;
	s22 =	smul.u32 $0x500, s4  }
0xe: {  	s4 =	sadd.s32 $0x3A00, s0;
	s1 =	ssub.s32 s1, s23;
	s10 =	sshrl.u32 s25, $0x3  }
0xf: {  	s23 =	simm.s32 $0x1;
	s25 =	simm.s32 $0x2;
	s9 =	smax.u32 s1, $0x1  }
0x10: {  	s1 =	simm.s32 $0x0;
	s7 =	sadd.s32 s22, s0;
	s0 =	sadd.s32 s6, s0  }
0x11: {  	s6 =	sor.u32 $0x1C0A, s24;
	s8 =	sadd.s32 s3, s22;
	s7 =	sadd.s32 $0x17A00, s7  }
0x12: {  	s22 =	simm.s32 $0xBD60;
	s0 =	sadd.s32 $0x8A00, s0;
	[dreg:$0x5] =	wrdreg s7  }
0x13: {  	s24 =	sadd.s32 s26, s0;
	s26 =	simm.s32 $0x3;
	s0 =	simm.s32 $0x8  }
.LBB2_1:
0x14: {  	s3 =	rddreg [dreg:$0x4]  }
0x15: {  	[spmem:s10], [sflag:s6] =	dma.local [hbm:s3], $0x500  }
0x16: {  	_ =	swait.ge [sflag:s11], $0x500  }
0x17: {  	[sflag:s11] =	ssyncset.done $0x0  }
0x18: {  	s13 =	simm.s32 $0x0;
	s5 =	rddreg [dreg:$0x5];
	[sflag:s11] =	ssyncadd.s32 $0xFFFFFB00  }
0x19: {  	[tilespmem:s13], [sflag:$0x9] =	stream.linear.gather [hbm4b:s5+s13], $0x2800, $0x38;
	[tilespmem:$0xF500] =	vst v63  }
0x1a: {  	_ =	swait.ge [sflag:s12], $0x2800  }
0x1b: {  	[sflag:s12] =	ssyncset.done $0x0  }
0x1c: {  	s7 =	simm.s32 $0x2800;
	[sflag:s12] =	ssyncadd.s32 $0xFFFFD800  }
0x1d: {  	[tilespmem:s7], [sflag:$0x9] =	stream.linear.gather [hbm4b:s8+s13], $0x2800, $0x38;
	[tilespmem:$0xF500] =	vst v63  }
0x1e: {  	_ =	swait.ge [sflag:s12], $0x2800  }
0x1f: {  	[sflag:s12] =	ssyncset.done $0x0  }
0x20: {  	[sflag:s12] =	ssyncadd.s32 $0xFFFFD800  }
0x21: {  	s13 =	simm.s32 $0x0;
	[bflag:$0x0] =	sbarrier.arrive $0xFFFF  }
0x22: {  	[tilespmem:s15], [sflag:$0x1] =	stream.indirect.gather [hbm4b:s4+s14], $0x10, s13, s14, $0xb8;
	[tilespmem:$0xF500] =	vst v63  }
0x23: {  	s5 =	simm.s32 $0x100  }
0x24: {  	[tilespmem:s16], [sflag:$0x2] =	stream.indirect.gather [hbm4b:s4+s14], $0x10, s5, s14, $0xb8;
	[tilespmem:$0xF500] =	vst v63  }
0x25: {  	s7 =	simm.s32 $0x200  }
0x26: {  	[tilespmem:s17], [sflag:$0x3] =	stream.indirect.gather [hbm4b:s4+s14], $0x10, s7, s14, $0xb8;
	[tilespmem:$0xF500] =	vst v63  }
0x27: {  	s13 =	simm.s32 $0x300  }
0x28: {  	[tilespmem:s18], [sflag:$0x4] =	stream.indirect.gather [hbm4b:s4+s14], $0x10, s13, s14, $0xb8;
	[tilespmem:$0xF500] =	vst v63  }
0x29: {  	s5 =	simm.s32 $0x400  }
0x2a: {  	[tilespmem:s19], [sflag:$0x5] =	stream.indirect.gather [hbm4b:s4+s14], $0x10, s5, s14, $0xb8;
	[tilespmem:$0xF500] =	vst v63  }
0x2b: {  	s7 =	simm.s32 $0x500  }
0x2c: {  	[tilespmem:s20], [sflag:$0x6] =	stream.indirect.gather [hbm4b:s4+s14], $0x10, s7, s14, $0xb8;
	[tilespmem:$0xF500] =	vst v63  }
0x2d: {  	s13 =	simm.s32 $0x600  }
0x2e: {  	[tilespmem:s21], [sflag:$0x7] =	stream.indirect.gather [hbm4b:s4+s14], $0x10, s13, s14, $0xb8;
	[tilespmem:$0xF500] =	vst v63  }
0x2f: {  	s5 =	simm.s32 $0x700  }
0x30: {  	[tilespmem:s22], [sflag:$0x8] =	stream.indirect.gather [hbm4b:s4+s14], $0x10, s5, s14, $0xb8;
	[tilespmem:$0xF500] =	vst v63  }
0x31: {  	_ =	swait.ge [sflag:s23], $0xFA0  }
0x32: {  	[sflag:s23] =	ssyncset.done $0x0  }
0x33: {  	s7 =	simm.s32 $0x2800;
	[sflag:s23] =	ssyncadd.s32 $0xFFFFF060  }
0x34: {  	[spmem:s2] =	stream.indirect.scatter.add.f32 [tilespmem:s15], [sflag:$0xA], $0x10, s7, s14, $0xb8;
	[tilespmem:$0xF500] =	vst v63  }
0x35: {  	_ =	swait.ge [sflag:s11], $0xFA0  }
0x36: {  	[sflag:s11] =	ssyncset.done $0x0  }
0x37: {  	[sflag:s11] =	ssyncadd.s32 $0xFFFFF060  }
0x38: {  	_ =	swait.ge [sflag:s25], $0xFA0  }
0x39: {  	[sflag:s25] =	ssyncset.done $0x0  }
0x3a: {  	s13 =	simm.s32 $0x2900;
	[sflag:s25] =	ssyncadd.s32 $0xFFFFF060  }
0x3b: {  	[spmem:s2] =	stream.indirect.scatter.add.f32 [tilespmem:s16], [sflag:$0xA], $0x10, s13, s14, $0xb8;
	[tilespmem:$0xF500] =	vst v63  }
0x3c: {  	_ =	swait.ge [sflag:s11], $0xFA0  }
0x3d: {  	[sflag:s11] =	ssyncset.done $0x0  }
0x3e: {  	[sflag:s11] =	ssyncadd.s32 $0xFFFFF060  }
0x3f: {  	_ =	swait.ge [sflag:s26], $0xFA0  }
0x40: {  	[sflag:s26] =	ssyncset.done $0x0  }
0x41: {  	s5 =	simm.s32 $0x2A00;
	[sflag:s26] =	ssyncadd.s32 $0xFFFFF060  }
0x42: {  	[spmem:s2] =	stream.indirect.scatter.add.f32 [tilespmem:s17], [sflag:$0xA], $0x10, s5, s14, $0xb8;
	[tilespmem:$0xF500] =	vst v63  }
0x43: {  	_ =	swait.ge [sflag:s11], $0xFA0  }
0x44: {  	[sflag:s11] =	ssyncset.done $0x0  }
0x45: {  	[sflag:s11] =	ssyncadd.s32 $0xFFFFF060  }
0x46: {  	_ =	swait.ge [sflag:s28], $0xFA0  }
0x47: {  	[sflag:s28] =	ssyncset.done $0x0  }
0x48: {  	s7 =	simm.s32 $0x2B00;
	[sflag:s28] =	ssyncadd.s32 $0xFFFFF060  }
0x49: {  	[spmem:s2] =	stream.indirect.scatter.add.f32 [tilespmem:s18], [sflag:$0xA], $0x10, s7, s14, $0xb8;
	[tilespmem:$0xF500] =	vst v63  }
0x4a: {  	_ =	swait.ge [sflag:s11], $0xFA0  }
0x4b: {  	[sflag:s11] =	ssyncset.done $0x0  }
0x4c: {  	[sflag:s11] =	ssyncadd.s32 $0xFFFFF060  }
0x4d: {  	_ =	swait.ge [sflag:s29], $0xFA0  }
0x4e: {  	[sflag:s29] =	ssyncset.done $0x0  }
0x4f: {  	s13 =	simm.s32 $0x2C00;
	[sflag:s29] =	ssyncadd.s32 $0xFFFFF060  }
0x50: {  	[spmem:s2] =	stream.indirect.scatter.add.f32 [tilespmem:s19], [sflag:$0xA], $0x10, s13, s14, $0xb8;
	[tilespmem:$0xF500] =	vst v63  }
0x51: {  	_ =	swait.ge [sflag:s11], $0xFA0  }
0x52: {  	[sflag:s11] =	ssyncset.done $0x0  }
0x53: {  	[sflag:s11] =	ssyncadd.s32 $0xFFFFF060  }
0x54: {  	_ =	swait.ge [sflag:s30], $0xFA0  }
0x55: {  	[sflag:s30] =	ssyncset.done $0x0  }
0x56: {  	s5 =	simm.s32 $0x2D00;
	[sflag:s30] =	ssyncadd.s32 $0xFFFFF060  }
0x57: {  	[spmem:s2] =	stream.indirect.scatter.add.f32 [tilespmem:s20], [sflag:$0xA], $0x10, s5, s14, $0xb8;
	[tilespmem:$0xF500] =	vst v63  }
0x58: {  	_ =	swait.ge [sflag:s11], $0xFA0  }
0x59: {  	[sflag:s11] =	ssyncset.done $0x0  }
0x5a: {  	[sflag:s11] =	ssyncadd.s32 $0xFFFFF060  }
0x5b: {  	_ =	swait.ge [sflag:s31], $0xFA0  }
0x5c: {  	[sflag:s31] =	ssyncset.done $0x0  }
0x5d: {  	s7 =	simm.s32 $0x2E00;
	[sflag:s31] =	ssyncadd.s32 $0xFFFFF060  }
0x5e: {  	[spmem:s2] =	stream.indirect.scatter.add.f32 [tilespmem:s21], [sflag:$0xA], $0x10, s7, s14, $0xb8;
	[tilespmem:$0xF500] =	vst v63  }
0x5f: {  	_ =	swait.ge [sflag:s11], $0xFA0  }
0x60: {  	[sflag:s11] =	ssyncset.done $0x0  }
0x61: {  	[sflag:s11] =	ssyncadd.s32 $0xFFFFF060  }
0x62: {  	_ =	swait.ge [sflag:s0], $0xFA0  }
0x63: {  	[sflag:s0] =	ssyncset.done $0x0  }
0x64: {  	s13 =	simm.s32 $0x2F00;
	[sflag:s0] =	ssyncadd.s32 $0xFFFFF060  }
0x65: {  	[spmem:s2] =	stream.indirect.scatter.add.f32 [tilespmem:s22], [sflag:$0xA], $0x10, s13, s14, $0xb8;
	[tilespmem:$0xF500] =	vst v63  }
0x66: {  	_ =	swait.ge [sflag:s11], $0xFA0  }
0x67: {  	s3 =	simm.s32 $0x4000;
	s13 =	simm.s32 $0x2000;
	[sflag:s11] =	ssyncset.done $0x0  }
.LBB2_2:
0x68: {  	s5 =	sshra.s32 s13, $0x2  }
0x69: {  	[sflag:s11] =	ssyncadd.s32 $0xFFFFF060;
	s13 =	smov.u32 s3;
	s7 =	sadd.s32 $0x2000, s3  }
0x6a: {  	[tilespmem:s15], [sflag:$0x1] =	stream.indirect.gather [hbm4b:s4+s14], $0x10, s5, s14, $0xb8;
	[tilespmem:$0xF500] =	vst v63  }
0x6b: {  	p0 =	sne.s32 s3, $0x8000;
	s3 =	sadd.s32 $0x100, s5  }
0x6c: {  	[tilespmem:s16], [sflag:$0x2] =	stream.indirect.gather [hbm4b:s4+s14], $0x10, s3, s14, $0xb8;
	[tilespmem:$0xF500] =	vst v63  }
0x6d: {  	s3 =	sadd.s32 $0x200, s5  }
0x6e: {  	[tilespmem:s17], [sflag:$0x3] =	stream.indirect.gather [hbm4b:s4+s14], $0x10, s3, s14, $0xb8;
	[tilespmem:$0xF500] =	vst v63  }
0x6f: {  	s3 =	sadd.s32 $0x300, s5  }
0x70: {  	[tilespmem:s18], [sflag:$0x4] =	stream.indirect.gather [hbm4b:s4+s14], $0x10, s3, s14, $0xb8;
	[tilespmem:$0xF500] =	vst v63  }
0x71: {  	s3 =	sadd.s32 $0x400, s5  }
0x72: {  	[tilespmem:s19], [sflag:$0x5] =	stream.indirect.gather [hbm4b:s4+s14], $0x10, s3, s14, $0xb8;
	[tilespmem:$0xF500] =	vst v63  }
0x73: {  	s3 =	sadd.s32 $0x500, s5  }
0x74: {  	[tilespmem:s20], [sflag:$0x6] =	stream.indirect.gather [hbm4b:s4+s14], $0x10, s3, s14, $0xb8;
	[tilespmem:$0xF500] =	vst v63  }
0x75: {  	s3 =	sadd.s32 $0x600, s5  }
0x76: {  	[tilespmem:s21], [sflag:$0x7] =	stream.indirect.gather [hbm4b:s4+s14], $0x10, s3, s14, $0xb8;
	[tilespmem:$0xF500] =	vst v63  }
0x77: {  	s3 =	sadd.s32 $0x700, s5  }
0x78: {  	[tilespmem:s22], [sflag:$0x8] =	stream.indirect.gather [hbm4b:s4+s14], $0x10, s3, s14, $0xb8;
	[tilespmem:$0xF500] =	vst v63  }
0x79: {  	_ =	swait.ge [sflag:s23], $0xFA0  }
0x7a: {  	[sflag:s23] =	ssyncset.done $0x0  }
0x7b: {  	s3 =	sadd.s32 $0x2800, s5;
	[sflag:s23] =	ssyncadd.s32 $0xFFFFF060  }
0x7c: {  	[spmem:s2] =	stream.indirect.scatter.add.f32 [tilespmem:s15], [sflag:$0xA], $0x10, s3, s14, $0xb8;
	[tilespmem:$0xF500] =	vst v63  }
0x7d: {  	_ =	swait.ge [sflag:s11], $0xFA0  }
0x7e: {  	[sflag:s11] =	ssyncset.done $0x0  }
0x7f: {  	[sflag:s11] =	ssyncadd.s32 $0xFFFFF060  }
0x80: {  	_ =	swait.ge [sflag:s25], $0xFA0  }
0x81: {  	[sflag:s25] =	ssyncset.done $0x0  }
0x82: {  	s3 =	sadd.s32 $0x2900, s5;
	[sflag:s25] =	ssyncadd.s32 $0xFFFFF060  }
0x83: {  	[spmem:s2] =	stream.indirect.scatter.add.f32 [tilespmem:s16], [sflag:$0xA], $0x10, s3, s14, $0xb8;
	[tilespmem:$0xF500] =	vst v63  }
0x84: {  	_ =	swait.ge [sflag:s11], $0xFA0  }
0x85: {  	[sflag:s11] =	ssyncset.done $0x0  }
0x86: {  	[sflag:s11] =	ssyncadd.s32 $0xFFFFF060  }
0x87: {  	_ =	swait.ge [sflag:s26], $0xFA0  }
0x88: {  	[sflag:s26] =	ssyncset.done $0x0  }
0x89: {  	s3 =	sadd.s32 $0x2A00, s5;
	[sflag:s26] =	ssyncadd.s32 $0xFFFFF060  }
0x8a: {  	[spmem:s2] =	stream.indirect.scatter.add.f32 [tilespmem:s17], [sflag:$0xA], $0x10, s3, s14, $0xb8;
	[tilespmem:$0xF500] =	vst v63  }
0x8b: {  	_ =	swait.ge [sflag:s11], $0xFA0  }
0x8c: {  	[sflag:s11] =	ssyncset.done $0x0  }
0x8d: {  	[sflag:s11] =	ssyncadd.s32 $0xFFFFF060  }
0x8e: {  	_ =	swait.ge [sflag:s28], $0xFA0  }
0x8f: {  	[sflag:s28] =	ssyncset.done $0x0  }
0x90: {  	s3 =	sadd.s32 $0x2B00, s5;
	[sflag:s28] =	ssyncadd.s32 $0xFFFFF060  }
0x91: {  	[spmem:s2] =	stream.indirect.scatter.add.f32 [tilespmem:s18], [sflag:$0xA], $0x10, s3, s14, $0xb8;
	[tilespmem:$0xF500] =	vst v63  }
0x92: {  	_ =	swait.ge [sflag:s11], $0xFA0  }
0x93: {  	[sflag:s11] =	ssyncset.done $0x0  }
0x94: {  	[sflag:s11] =	ssyncadd.s32 $0xFFFFF060  }
0x95: {  	_ =	swait.ge [sflag:s29], $0xFA0  }
0x96: {  	[sflag:s29] =	ssyncset.done $0x0  }
0x97: {  	s3 =	sadd.s32 $0x2C00, s5;
	[sflag:s29] =	ssyncadd.s32 $0xFFFFF060  }
0x98: {  	[spmem:s2] =	stream.indirect.scatter.add.f32 [tilespmem:s19], [sflag:$0xA], $0x10, s3, s14, $0xb8;
	[tilespmem:$0xF500] =	vst v63  }
0x99: {  	_ =	swait.ge [sflag:s11], $0xFA0  }
0x9a: {  	[sflag:s11] =	ssyncset.done $0x0  }
0x9b: {  	[sflag:s11] =	ssyncadd.s32 $0xFFFFF060  }
0x9c: {  	_ =	swait.ge [sflag:s30], $0xFA0  }
0x9d: {  	[sflag:s30] =	ssyncset.done $0x0  }
0x9e: {  	s3 =	sadd.s32 $0x2D00, s5;
	[sflag:s30] =	ssyncadd.s32 $0xFFFFF060  }
0x9f: {  	[spmem:s2] =	stream.indirect.scatter.add.f32 [tilespmem:s20], [sflag:$0xA], $0x10, s3, s14, $0xb8;
	[tilespmem:$0xF500] =	vst v63  }
0xa0: {  	_ =	swait.ge [sflag:s11], $0xFA0  }
0xa1: {  	[sflag:s11] =	ssyncset.done $0x0  }
0xa2: {  	[sflag:s11] =	ssyncadd.s32 $0xFFFFF060  }
0xa3: {  	_ =	swait.ge [sflag:s31], $0xFA0  }
0xa4: {  	[sflag:s31] =	ssyncset.done $0x0  }
0xa5: {  	s3 =	sadd.s32 $0x2E00, s5;
	[sflag:s31] =	ssyncadd.s32 $0xFFFFF060  }
0xa6: {  	[spmem:s2] =	stream.indirect.scatter.add.f32 [tilespmem:s21], [sflag:$0xA], $0x10, s3, s14, $0xb8;
	[tilespmem:$0xF500] =	vst v63  }
0xa7: {  	_ =	swait.ge [sflag:s11], $0xFA0  }
0xa8: {  	[sflag:s11] =	ssyncset.done $0x0  }
0xa9: {  	[sflag:s11] =	ssyncadd.s32 $0xFFFFF060  }
0xaa: {  	_ =	swait.ge [sflag:s0], $0xFA0  }
.Ltmp0:
0xab: {  	[sflag:s0] =	ssyncset.done $0x0;
	(pc) =	sbr.rel @p0 .LBB2_2-.Ltmp0, $4  }
0xac: {  	s3 =	sadd.s32 $0x2F00, s5;
	[sflag:s0] =	ssyncadd.s32 $0xFFFFF060  }
0xad: {  	[spmem:s2] =	stream.indirect.scatter.add.f32 [tilespmem:s22], [sflag:$0xA], $0x10, s3, s14, $0xb8;
	[tilespmem:$0xF500] =	vst v63  }
0xae: {  	_ =	swait.ge [sflag:s11], $0xFA0  }
0xaf: {  	s3 =	smov.u32 s7;
	[sflag:s11] =	ssyncset.done $0x0  }
0xb0: {  	s3 =	sshra.s32 s13, $0x2;
	[sflag:s11] =	ssyncadd.s32 $0xFFFFF060  }
0xb1: {  	[tilespmem:s15], [sflag:$0x1] =	stream.indirect.gather [hbm4b:s4+s14], $0x10, s3, s14, $0xb8;
	[tilespmem:$0xF500] =	vst v63  }
0xb2: {  	s5 =	sadd.s32 $0x100, s3  }
0xb3: {  	[tilespmem:s16], [sflag:$0x2] =	stream.indirect.gather [hbm4b:s4+s14], $0x10, s5, s14, $0xb8;
	[tilespmem:$0xF500] =	vst v63  }
0xb4: {  	s13 =	sadd.s32 $0x200, s3  }
0xb5: {  	[tilespmem:s17], [sflag:$0x3] =	stream.indirect.gather [hbm4b:s4+s14], $0x10, s13, s14, $0xb8;
	[tilespmem:$0xF500] =	vst v63  }
0xb6: {  	s7 =	sadd.s32 $0x300, s3  }
0xb7: {  	[tilespmem:s18], [sflag:$0x4] =	stream.indirect.gather [hbm4b:s4+s14], $0x10, s7, s14, $0xb8;
	[tilespmem:$0xF500] =	vst v63  }
0xb8: {  	s13 =	sadd.s32 $0x400, s3  }
0xb9: {  	[tilespmem:s19], [sflag:$0x5] =	stream.indirect.gather [hbm4b:s4+s14], $0x10, s13, s14, $0xb8;
	[tilespmem:$0xF500] =	vst v63  }
0xba: {  	s7 =	sadd.s32 $0x500, s3  }
0xbb: {  	[tilespmem:s20], [sflag:$0x6] =	stream.indirect.gather [hbm4b:s4+s14], $0x10, s7, s14, $0xb8;
	[tilespmem:$0xF500] =	vst v63  }
0xbc: {  	s13 =	sadd.s32 $0x600, s3  }
0xbd: {  	[tilespmem:s21], [sflag:$0x7] =	stream.indirect.gather [hbm4b:s4+s14], $0x10, s13, s14, $0xb8;
	[tilespmem:$0xF500] =	vst v63  }
0xbe: {  	s7 =	sadd.s32 $0x700, s3  }
0xbf: {  	[tilespmem:s22], [sflag:$0x8] =	stream.indirect.gather [hbm4b:s4+s14], $0x10, s7, s14, $0xb8;
	[tilespmem:$0xF500] =	vst v63  }
0xc0: {  	_ =	swait.ge [sflag:s23], $0xFA0  }
0xc1: {  	[sflag:s23] =	ssyncset.done $0x0  }
0xc2: {  	s13 =	sadd.s32 $0x2800, s3;
	[sflag:s23] =	ssyncadd.s32 $0xFFFFF060  }
0xc3: {  	[spmem:s2] =	stream.indirect.scatter.add.f32 [tilespmem:s15], [sflag:$0xA], $0x10, s13, s14, $0xb8;
	[tilespmem:$0xF500] =	vst v63  }
0xc4: {  	_ =	swait.ge [sflag:s11], $0xFA0  }
0xc5: {  	[sflag:s11] =	ssyncset.done $0x0  }
0xc6: {  	[sflag:s11] =	ssyncadd.s32 $0xFFFFF060  }
0xc7: {  	_ =	swait.ge [sflag:s25], $0xFA0  }
0xc8: {  	[sflag:s25] =	ssyncset.done $0x0  }
0xc9: {  	s7 =	sadd.s32 $0x2900, s3;
	[sflag:s25] =	ssyncadd.s32 $0xFFFFF060  }
0xca: {  	[spmem:s2] =	stream.indirect.scatter.add.f32 [tilespmem:s16], [sflag:$0xA], $0x10, s7, s14, $0xb8;
	[tilespmem:$0xF500] =	vst v63  }
0xcb: {  	_ =	swait.ge [sflag:s11], $0xFA0  }
0xcc: {  	[sflag:s11] =	ssyncset.done $0x0  }
0xcd: {  	[sflag:s11] =	ssyncadd.s32 $0xFFFFF060  }
0xce: {  	_ =	swait.ge [sflag:s26], $0xFA0  }
0xcf: {  	[sflag:s26] =	ssyncset.done $0x0  }
0xd0: {  	s13 =	sadd.s32 $0x2A00, s3;
	[sflag:s26] =	ssyncadd.s32 $0xFFFFF060  }
0xd1: {  	[spmem:s2] =	stream.indirect.scatter.add.f32 [tilespmem:s17], [sflag:$0xA], $0x10, s13, s14, $0xb8;
	[tilespmem:$0xF500] =	vst v63  }
0xd2: {  	_ =	swait.ge [sflag:s11], $0xFA0  }
0xd3: {  	[sflag:s11] =	ssyncset.done $0x0  }
0xd4: {  	[sflag:s11] =	ssyncadd.s32 $0xFFFFF060  }
0xd5: {  	_ =	swait.ge [sflag:s28], $0xFA0  }
0xd6: {  	[sflag:s28] =	ssyncset.done $0x0  }
0xd7: {  	s7 =	sadd.s32 $0x2B00, s3;
	[sflag:s28] =	ssyncadd.s32 $0xFFFFF060  }
0xd8: {  	[spmem:s2] =	stream.indirect.scatter.add.f32 [tilespmem:s18], [sflag:$0xA], $0x10, s7, s14, $0xb8;
	[tilespmem:$0xF500] =	vst v63  }
0xd9: {  	_ =	swait.ge [sflag:s11], $0xFA0  }
0xda: {  	[sflag:s11] =	ssyncset.done $0x0  }
0xdb: {  	[sflag:s11] =	ssyncadd.s32 $0xFFFFF060  }
0xdc: {  	_ =	swait.ge [sflag:s29], $0xFA0  }
0xdd: {  	[sflag:s29] =	ssyncset.done $0x0  }
0xde: {  	s13 =	sadd.s32 $0x2C00, s3;
	[sflag:s29] =	ssyncadd.s32 $0xFFFFF060  }
0xdf: {  	[spmem:s2] =	stream.indirect.scatter.add.f32 [tilespmem:s19], [sflag:$0xA], $0x10, s13, s14, $0xb8;
	[tilespmem:$0xF500] =	vst v63  }
0xe0: {  	_ =	swait.ge [sflag:s11], $0xFA0  }
0xe1: {  	[sflag:s11] =	ssyncset.done $0x0  }
0xe2: {  	[sflag:s11] =	ssyncadd.s32 $0xFFFFF060  }
0xe3: {  	_ =	swait.ge [sflag:s30], $0xFA0  }
0xe4: {  	[sflag:s30] =	ssyncset.done $0x0  }
0xe5: {  	s7 =	sadd.s32 $0x2D00, s3;
	[sflag:s30] =	ssyncadd.s32 $0xFFFFF060  }
0xe6: {  	[spmem:s2] =	stream.indirect.scatter.add.f32 [tilespmem:s20], [sflag:$0xA], $0x10, s7, s14, $0xb8;
	[tilespmem:$0xF500] =	vst v63  }
0xe7: {  	_ =	swait.ge [sflag:s11], $0xFA0  }
0xe8: {  	[sflag:s11] =	ssyncset.done $0x0  }
0xe9: {  	[sflag:s11] =	ssyncadd.s32 $0xFFFFF060  }
0xea: {  	_ =	swait.ge [sflag:s31], $0xFA0  }
0xeb: {  	[sflag:s31] =	ssyncset.done $0x0  }
0xec: {  	s13 =	sadd.s32 $0x2E00, s3;
	[sflag:s31] =	ssyncadd.s32 $0xFFFFF060  }
0xed: {  	[spmem:s2] =	stream.indirect.scatter.add.f32 [tilespmem:s21], [sflag:$0xA], $0x10, s13, s14, $0xb8;
	[tilespmem:$0xF500] =	vst v63  }
0xee: {  	_ =	swait.ge [sflag:s11], $0xFA0  }
0xef: {  	[sflag:s11] =	ssyncset.done $0x0  }
0xf0: {  	[sflag:s11] =	ssyncadd.s32 $0xFFFFF060  }
0xf1: {  	_ =	swait.ge [sflag:s0], $0xFA0  }
0xf2: {  	[sflag:s0] =	ssyncset.done $0x0  }
0xf3: {  	s3 =	sadd.s32 $0x2F00, s3;
	[sflag:s0] =	ssyncadd.s32 $0xFFFFF060  }
0xf4: {  	[spmem:s2] =	stream.indirect.scatter.add.f32 [tilespmem:s22], [sflag:$0xA], $0x10, s3, s14, $0xb8;
	[tilespmem:$0xF500] =	vst v63  }
0xf5: {  	_ =	swait.ge [sflag:s11], $0xFA0  }
0xf6: {  	s1 =	sadd.s32 $0x1, s1;
	[sflag:s11] =	ssyncset.done $0x0  }
0xf7: {  	p0 =	sne.s32 s1, s9;
	[sflag:s11] =	ssyncadd.s32 $0xFFFFF060  }
.Ltmp1:
0xf8: {  	[bflag:$0x0] =	sbarrier.arrive $0xFFFF;
	(pc) =	sbr.rel @p0 .LBB2_1-.Ltmp1, $4  }
0xf9: {  	[hbm:s24], [sflag:s6] =	dma.local [spmem:s10], $0x500  }
0xfa: {  	_ =	swait.ge [sflag:s11], $0x500  }
0xfb: {  	[sflag:s11] =	ssyncset.done $0x0  }
0xfc: {  	[sflag:s11] =	ssyncadd.s32 $0xFFFFFB00  }
0xfd: {  	_ =	sfence.sel $0x180000  }
0xfe: {  	[bflag:$0x0] =	sbarrier.arrive $0xFFFF  }
0xff: {  	_ =	strace $0x90000050  }
0x100: {  	s0 =	stileid.u32;
	[bflag:$0x2] =	sbarrier.arrive $0xFFFF  }
0x101: {  	p0 =	sne.s32 s0, $0x0;
	s0 =	rddreg [dreg:$0x3]  }
0x102: {  	s0 =	sadd.s32 @!p0 $0x100000, s0  }
0x103: {  	[sflag:s0] =	ssyncadd.tile.s32 @!p0 $0x1;
	_ =	shalt  }
.Lfunc_end2:
_tile_overlayer_lowered:
.L_overlay_start_2:
0x104: {  	(tag) =	ssettag $0x2  }
0x105: {  	s0 =	rddreg [dreg:$0x0];
	s2 =	stileid.u32  }
0x106: {  	s1 =	rddreg [dreg:$0x1];
	p0 =	sne.s32 s2, $0x0  }
0x107: {  	s3 =	rddreg [dreg:$0x2];
	[bflag:$0x3] =	sbarrier.arrive $0xFFFF;
	s2 =	simm.s32 @!p0 $0x1C0A  }
0x108: {  	[timem:s3], [sflag:s2] =	dma.local @!p0 [hbm:s0], s1  }
0x109: {  	s0 =	simm.s32 @!p0 $0xA  }
0x10a: {  	_ =	swait.ge @!p0 [sflag:s0], s1  }
0x10b: {  	s1 =	ssub.s32 @!p0 $0x0, s1;
	[sflag:s0] =	ssyncset.done @!p0 $0x0  }
0x10c: {  	[sflag:s0] =	ssyncadd.s32 @!p0 s1  }
0x10d: {  	[bflag:$0x3] =	sbarrier.arrive $0xFFFF  }
0x10e: {  	_ =	shalt  }

</sc_bundles>
